<compile_context>
chip_gen: v7x
topology: tpu7x:2x2x1
jax: 0.10.2.dev20260603
libtpu: 0.0.44.dev20260713+nightly
codegen_flags: <defaults>
</compile_context>

<pallas_src>
import functools

import jax
import jax.numpy as jnp
from jax import lax
from jax.experimental import pallas as pl
from jax.experimental.pallas import tpu as pltpu
from jax.experimental.pallas import tpu_sc as plsc

N = 10000
E = 320000
D = 128

NC = 2
NS = 16
EPT = E // NS
CH = 128
NCHUNK = EPT // CH
TAIL = EPT - NCHUNK * CH
NPAD = 10112
RPT = NPAD // NS
RLAST = N - (NS - 1) * RPT
UNROLL = 6


@functools.cache
def _dual_spmv_build():
    mesh = plsc.VectorSubcoreMesh(
        core_axis_name="c", subcore_axis_name="s",
        num_cores=NC, num_subcores=NS)
    return pl.kernel(
        _dual_spmv_sc,
        out_type=[jax.ShapeDtypeStruct((N, D), jnp.float32),
                  jax.ShapeDtypeStruct((N, D), jnp.float32)],
        mesh=mesh,
        scratch_types=[
            [pltpu.VMEM((CH,), jnp.int32) for _ in range(3)],
            [pltpu.VMEM((CH,), jnp.int32) for _ in range(3)],
            [pltpu.VMEM((CH, D), jnp.float32) for _ in range(2)],
            pltpu.VMEM_SHARED((NPAD, D), jnp.float32),
            [pltpu.SemaphoreType.DMA for _ in range(3)],
            [pltpu.SemaphoreType.DMA for _ in range(3)],
            [pltpu.SemaphoreType.DMA for _ in range(2)],
        ],
    )


def _dual_spmv_sc(ha_hbm, adja_hbm, hb_hbm, adjb_hbm, zero_hbm,
                  outa_hbm, outb_hbm,
                  sidx, didx, rows, acc_sh, ssem, dsem, gsem):
    cid = lax.axis_index("c")
    sid = lax.axis_index("s")

    def run_branch(h_hbm, adj_hbm, out_hbm):
        ebase = sid * EPT

        def fetch(i, ib):
            off = ebase + i * CH
            pltpu.async_copy(adj_hbm.at[pl.ds(E + off, CH)],
                             sidx[ib], ssem[ib])
            pltpu.async_copy(adj_hbm.at[pl.ds(off, CH)], didx[ib], dsem[ib])

        def fetch_wait(i, ib):
            off = ebase + i * CH
            pltpu.make_async_copy(adj_hbm.at[pl.ds(E + off, CH)],
                                  sidx[ib], ssem[ib]).wait()
            pltpu.make_async_copy(adj_hbm.at[pl.ds(off, CH)],
                                  didx[ib], dsem[ib]).wait()

        def gstart(ib, rb):
            pltpu.async_copy(h_hbm.at[sidx[ib]], rows[rb], gsem[rb])

        def gwait(ib, rb):
            pltpu.make_async_copy(h_hbm.at[sidx[ib]],
                                  rows[rb], gsem[rb]).wait()

        def scat(ib, rb):
            pltpu.sync_copy(rows[rb], acc_sh.at[didx[ib]], add=True)

        fetch(0, 0)
        fetch(1, 1)
        @pl.when(sid < NS - 1)
        def _():
            pltpu.sync_copy(zero_hbm.at[pl.ds(0, RPT)],
                            acc_sh.at[pl.ds(sid * RPT, RPT)])

        @pl.when(sid == NS - 1)
        def _():
            pltpu.sync_copy(zero_hbm.at[pl.ds(0, RLAST)],
                            acc_sh.at[pl.ds((NS - 1) * RPT, RLAST)])

        fetch_wait(0, 0)
        gstart(0, 0)
        plsc.subcore_barrier()

        def body(k, _):
            for u in range(UNROLL):
                i = UNROLL * k + u
                fetch(i + 2, (u + 2) % 3)
                fetch_wait(i + 1, (u + 1) % 3)
                gstart((u + 1) % 3, (u + 1) % 2)
                gwait(u % 3, u % 2)
                scat(u % 3, u % 2)
            return ()

        nk = (NCHUNK - UNROLL) // UNROLL
        lax.fori_loop(0, nk, body, ())
        for i in range(NCHUNK - UNROLL, NCHUNK):
            u = i % UNROLL
            if i + 2 < NCHUNK:
                fetch(i + 2, (u + 2) % 3)
            if i + 1 < NCHUNK:
                fetch_wait(i + 1, (u + 1) % 3)
                gstart((u + 1) % 3, (u + 1) % 2)
            gwait(u % 3, u % 2)
            scat(u % 3, u % 2)

        toff = ebase + NCHUNK * CH
        pltpu.async_copy(adj_hbm.at[pl.ds(E + toff, TAIL)],
                         sidx[0].at[pl.ds(0, TAIL)], ssem[0])
        pltpu.async_copy(adj_hbm.at[pl.ds(toff, TAIL)],
                         didx[0].at[pl.ds(0, TAIL)], dsem[0])
        pltpu.make_async_copy(adj_hbm.at[pl.ds(E + toff, TAIL)],
                              sidx[0].at[pl.ds(0, TAIL)], ssem[0]).wait()
        pltpu.make_async_copy(adj_hbm.at[pl.ds(toff, TAIL)],
                              didx[0].at[pl.ds(0, TAIL)], dsem[0]).wait()
        pltpu.async_copy(h_hbm.at[sidx[0].at[pl.ds(0, TAIL)]],
                         rows[0].at[pl.ds(0, TAIL)], gsem[0])
        pltpu.make_async_copy(h_hbm.at[sidx[0].at[pl.ds(0, TAIL)]],
                              rows[0].at[pl.ds(0, TAIL)], gsem[0]).wait()
        pltpu.sync_copy(rows[0].at[pl.ds(0, TAIL)],
                        acc_sh.at[didx[0].at[pl.ds(0, TAIL)]], add=True)

        plsc.subcore_barrier()
        @pl.when(sid < NS - 1)
        def _():
            pltpu.sync_copy(acc_sh.at[pl.ds(sid * RPT, RPT)],
                            out_hbm.at[pl.ds(sid * RPT, RPT)])

        @pl.when(sid == NS - 1)
        def _():
            pltpu.sync_copy(acc_sh.at[pl.ds((NS - 1) * RPT, RLAST)],
                            out_hbm.at[pl.ds((NS - 1) * RPT, RLAST)])

    @pl.when(cid == 0)
    def _():
        run_branch(ha_hbm, adja_hbm, outa_hbm)

    @pl.when(cid == 1)
    def _():
        run_branch(hb_hbm, adjb_hbm, outb_hbm)


def _dual_spmv(ha, adja, hb, adjb, zeros):
    return _dual_spmv_build()(ha, adja, hb, adjb, zeros)


_RBLK = 2000


def _pair_body(xa_ref, wa_ref, ba_ref, xb_ref, wb_ref, bb_ref,
               oa_ref, ob_ref):
    oa_ref[...] = jnp.maximum(
        jnp.dot(xa_ref[...], wa_ref[...],
                preferred_element_type=jnp.float32) + ba_ref[...], 0.0)
    ob_ref[...] = jnp.maximum(
        jnp.dot(xb_ref[...], wb_ref[...],
                preferred_element_type=jnp.float32) + bb_ref[...], 0.0)


def _pair1_body(x_ref, wa_ref, ba_ref, wb_ref, bb_ref, oa_ref, ob_ref):
    x = x_ref[...]
    oa_ref[...] = jnp.maximum(
        jnp.dot(x, wa_ref[...],
                preferred_element_type=jnp.float32) + ba_ref[...], 0.0)
    ob_ref[...] = jnp.maximum(
        jnp.dot(x, wb_ref[...],
                preferred_element_type=jnp.float32) + bb_ref[...], 0.0)


_xspec = pl.BlockSpec((_RBLK, D), lambda i: (i, 0))
_wspec = pl.BlockSpec((D, D), lambda i: (0, 0))
_bspec = pl.BlockSpec((1, D), lambda i: (0, 0))
_oshape = jax.ShapeDtypeStruct((N, D), jnp.float32)


def _dense_pair(xa, Wa, ba, xb, Wb, bb):
    return pl.pallas_call(
        _pair_body,
        grid=(N // _RBLK,),
        in_specs=[_xspec, _wspec, _bspec, _xspec, _wspec, _bspec],
        out_specs=[_xspec, _xspec],
        out_shape=[_oshape, _oshape],
    )(xa, Wa, ba[None, :], xb, Wb, bb[None, :])


def _dense_pair1(x, Wa, ba, Wb, bb):
    return pl.pallas_call(
        _pair1_body,
        grid=(N // _RBLK,),
        in_specs=[_xspec, _wspec, _bspec, _wspec, _bspec],
        out_specs=[_xspec, _xspec],
        out_shape=[_oshape, _oshape],
    )(x, Wa, ba[None, :], Wb, bb[None, :])


def _final_body(xa_ref, h0_ref, h1_ref, qb_ref, wm0_ref, wm1_ref, wm2_ref,
                bm_ref, woa_ref, wob_ref, bo_ref, o_ref):
    xb = jnp.maximum(
        jnp.dot(h0_ref[...], wm0_ref[...], preferred_element_type=jnp.float32)
        + jnp.dot(h1_ref[...], wm1_ref[...],
                  preferred_element_type=jnp.float32)
        + jnp.dot(qb_ref[...], wm2_ref[...],
                  preferred_element_type=jnp.float32)
        + bm_ref[...], 0.0)
    o_ref[...] = (
        jnp.dot(xa_ref[...], woa_ref[...], preferred_element_type=jnp.float32)
        + jnp.dot(xb, wob_ref[...], preferred_element_type=jnp.float32)
        + bo_ref[...])


def _final(xa, h0, h1, qb, Wm0, Wm1, Wm2, bm, Woa, Wob, bo):
    xspec = pl.BlockSpec((_RBLK, D), lambda i: (i, 0))
    wspec = pl.BlockSpec((D, D), lambda i: (0, 0))
    bspec = pl.BlockSpec((1, D), lambda i: (0, 0))
    return pl.pallas_call(
        _final_body,
        grid=(N // _RBLK,),
        in_specs=[xspec, xspec, xspec, xspec, wspec, wspec, wspec, bspec,
                  wspec, wspec, bspec],
        out_specs=pl.BlockSpec((_RBLK, D), lambda i: (i, 0)),
        out_shape=jax.ShapeDtypeStruct((N, D), jnp.float32),
    )(xa, h0, h1, qb, Wm0, Wm1, Wm2, bm[None, :], Woa, Wob, bo[None, :])


def kernel(x, adj_a, adj_b, Wa0, ba0, Wa1, ba1, Wb0, bb0, Wb1, bb1,
           Wm, bm, Wo, bo):
    zeros = jnp.zeros((RPT, D), jnp.float32)
    adja = adj_a.reshape(2 * E)
    adjb = adj_b.reshape(2 * E)
    Wm0, Wm1, Wm2 = Wm[:D], Wm[D:2 * D], Wm[2 * D:]
    Wo_a, Wo_b = Wo[:D], Wo[D:]

    ha0, hb0 = _dense_pair1(x, Wa0, ba0, Wb0, bb0)
    pa, pb = _dual_spmv(ha0, adja, hb0, adjb, zeros)
    ha1, hb1 = _dense_pair(pa, Wa1, ba1, pb, Wb1, bb1)
    xa, qb = _dual_spmv(ha1, adja, hb1, adjb, zeros)
    return _final(xa, hb0, hb1, qb, Wm0, Wm1, Wm2, bm, Wo_a, Wo_b, bo)

# --- scband reference (transcript-rebuilt; emitter-appended) ---
"""Pipeline reference for scband-dual-gcn-49143015801442 (READ-ONLY COPY).

The authoritative reference and input builder live on the scoring server;
editing this copy changes nothing except your own understanding.
"""

import jax, jax.numpy as jnp
import numpy as np

N = 10000
E = 320000
D = 128
H = 128
OUT = 128


def spmv(edge_index, x):
    # adj @ x where adj[i, j] = 1 iff edge (row=i, col=j) exists:
    # gather source features then scatter-add into destination rows.
    return jax.ops.segment_sum(x[edge_index[1]], edge_index[0], num_segments=N)


def linear(x, W, b):
    return x @ W + b


def setup_inputs(seed: int = 0) -> dict:
    key = jax.random.key(seed)
    ks = jax.random.split(key, 16)
    x = jax.random.normal(ks[0], (N, D), dtype=jnp.float32)
    adj_a = jax.random.randint(ks[1], (2, E), 0, N, dtype=jnp.int32)
    adj_b = jax.random.randint(ks[2], (2, E), 0, N, dtype=jnp.int32)
    s = 0.05
    inp = {
        'x': x,
        'adj_a': adj_a,
        'adj_b': adj_b,
        'Wa0': jax.random.normal(ks[3], (D, H), dtype=jnp.float32) * s,
        'ba0': jnp.full((H,), 0.01, dtype=jnp.float32),
        'Wa1': jax.random.normal(ks[4], (H, H), dtype=jnp.float32) * s,
        'ba1': jnp.full((H,), 0.01, dtype=jnp.float32),
        'Wb0': jax.random.normal(ks[5], (D, H), dtype=jnp.float32) * s,
        'bb0': jnp.full((H,), 0.01, dtype=jnp.float32),
        'Wb1': jax.random.normal(ks[6], (H, H), dtype=jnp.float32) * s,
        'bb1': jnp.full((H,), 0.01, dtype=jnp.float32),
        'Wm': jax.random.normal(ks[7], (3 * H, H), dtype=jnp.float32) * s,
        'bm': jnp.zeros((H,), dtype=jnp.float32),
        'Wo': jax.random.normal(ks[8], (2 * H, OUT), dtype=jnp.float32) * s,
        'bo': jnp.zeros((OUT,), dtype=jnp.float32),
    }
    return inp


def reference(x, adj_a, adj_b, Wa0, ba0, Wa1, ba1, Wb0, bb0, Wb1, bb1, Wm, bm, Wo, bo):
    # dropout p=0.0 -> identity; batch_norm=False; residual=False; num_layers=3
    # --- homophilous branch (adj_a, linear_layers_a) ---
    h = x
    # i = 0: next_x = adj @ x is computed but discarded (not residual, i == 0)
    h = jax.nn.relu(linear(h, Wa0, ba0))
    # i = 1
    h = spmv(adj_a, h)
    h = jax.nn.relu(linear(h, Wa1, ba1))
    # final propagation
    x_a = spmv(adj_a, h)
    # --- heterophilous branch (adj_b, linear_layers_b, merge) ---
    h = x
    all_x = []
    # i = 0: next_x discarded
    h = jax.nn.relu(linear(h, Wb0, bb0))
    all_x.append(h)
    # i = 1
    h = spmv(adj_b, h)
    h = jax.nn.relu(linear(h, Wb1, bb1))
    all_x.append(h)
    # final propagation
    h = spmv(adj_b, h)
    all_x.append(h)
    x_b = jax.nn.relu(linear(jnp.concatenate(all_x, axis=1), Wm, bm))
    # --- merge and output ---
    out = linear(jnp.concatenate([x_a, x_b], axis=1), Wo, bo)
    return out

if __name__ == "__main__":
    import jax
    _d = setup_inputs()
    print(jax.jit(kernel)(*tuple(_d.values())))

</pallas_src>

<mosaic_0001>
#map = affine_map<(d0, d1) -> (0, 0)>
#map1 = affine_map<(d0, d1) -> (0)>
module attributes {stable_mosaic.version = 14 : i64} {
  func.func @_dual_spmv_sc(%arg0: i32, %arg1: i32, %arg2: memref<10000x128xf32, #tpu.memory_space<hbm>>, %arg3: memref<640000xi32, #tpu.memory_space<hbm>>, %arg4: memref<10000x128xf32, #tpu.memory_space<hbm>>, %arg5: memref<640000xi32, #tpu.memory_space<hbm>>, %arg6: memref<632x128xf32, #tpu.memory_space<hbm>>, %arg7: memref<10000x128xf32, #tpu.memory_space<hbm>>, %arg8: memref<10000x128xf32, #tpu.memory_space<hbm>>, %arg9: memref<128xi32, #tpu.memory_space<vmem>>, %arg10: memref<128xi32, #tpu.memory_space<vmem>>, %arg11: memref<128xi32, #tpu.memory_space<vmem>>, %arg12: memref<128xi32, #tpu.memory_space<vmem>>, %arg13: memref<128xi32, #tpu.memory_space<vmem>>, %arg14: memref<128xi32, #tpu.memory_space<vmem>>, %arg15: memref<128x128xf32, #tpu.memory_space<vmem>>, %arg16: memref<128x128xf32, #tpu.memory_space<vmem>>, %arg17: memref<10112x128xf32, #tpu.memory_space<vmem_shared>>, %arg18: memref<!tpu.dma_semaphore, #tpu.memory_space<semaphore_mem>>, %arg19: memref<!tpu.dma_semaphore, #tpu.memory_space<semaphore_mem>>, %arg20: memref<!tpu.dma_semaphore, #tpu.memory_space<semaphore_mem>>, %arg21: memref<!tpu.dma_semaphore, #tpu.memory_space<semaphore_mem>>, %arg22: memref<!tpu.dma_semaphore, #tpu.memory_space<semaphore_mem>>, %arg23: memref<!tpu.dma_semaphore, #tpu.memory_space<semaphore_mem>>, %arg24: memref<!tpu.dma_semaphore, #tpu.memory_space<semaphore_mem>>, %arg25: memref<!tpu.dma_semaphore, #tpu.memory_space<semaphore_mem>>) attributes {dimension_semantics = [#tpu.dimension_semantics<core_parallel>, #tpu.dimension_semantics<subcore_parallel>], iteration_bounds = array<i64: 2, 16>, scalar_prefetch = 0 : i64, scratch_operands = 17 : i64, tpu.core_type = #tpu.core_type<sc_vector_subcore>, window_params = [{transform_indices = #map}, {transform_indices = #map1}, {transform_indices = #map}, {transform_indices = #map1}, {transform_indices = #map}, {transform_indices = #map}, {transform_indices = #map}]} {
    %eq3A = arith.constant 0 : i32
    %eq3A_0 = arith.cmpi eq, %arg0, %eq3A : i32
    %convert_element_type3A = arith.extui %eq3A_0 : i1 to i32
    %cond3A = arith.constant 0 : i32
    %cond3A_1 = arith.cmpi ne, %convert_element_type3A, %cond3A : i32
    scf.if %cond3A_1 {
      %mul3A = arith.constant 20000 : i32
      %mul3A_7 = arith.muli %arg1, %mul3A : i32
      %add3A = arith.constant 0 : i32
      %add3A_8 = arith.addi %mul3A_7, %add3A : i32
      %add3A_9 = arith.constant 320000 : i32
      %add3A_10 = arith.addi %add3A_9, %add3A_8 : i32
      %dma_start3A = tpu.memref_slice %arg3[%add3A_10] : memref<640000xi32, #tpu.memory_space<hbm>> -> memref<128xi32, #tpu.memory_space<hbm>>
      %dma_start3A_11 = tpu.memref_slice %arg3[%add3A_10] : memref<640000xi32, #tpu.memory_space<hbm>> -> memref<128xi32, #tpu.memory_space<hbm>>
      tpu.enqueue_dma source(%dma_start3A_11 : memref<128xi32, #tpu.memory_space<hbm>>) target(%arg9 : memref<128xi32, #tpu.memory_space<vmem>>) target_semaphore(%arg18 : memref<!tpu.dma_semaphore, #tpu.memory_space<semaphore_mem>>)
      %dma_start3A_12 = tpu.memref_slice %arg3[%add3A_8] : memref<640000xi32, #tpu.memory_space<hbm>> -> memref<128xi32, #tpu.memory_space<hbm>>
      %dma_start3A_13 = tpu.memref_slice %arg3[%add3A_8] : memref<640000xi32, #tpu.memory_space<hbm>> -> memref<128xi32, #tpu.memory_space<hbm>>
      tpu.enqueue_dma source(%dma_start3A_13 : memref<128xi32, #tpu.memory_space<hbm>>) target(%arg12 : memref<128xi32, #tpu.memory_space<vmem>>) target_semaphore(%arg21 : memref<!tpu.dma_semaphore, #tpu.memory_space<semaphore_mem>>)
      %add3A_14 = arith.constant 128 : i32
      %add3A_15 = arith.addi %mul3A_7, %add3A_14 : i32
      %add3A_16 = arith.constant 320000 : i32
      %add3A_17 = arith.addi %add3A_16, %add3A_15 : i32
      %dma_start3A_18 = tpu.memref_slice %arg3[%add3A_17] : memref<640000xi32, #tpu.memory_space<hbm>> -> memref<128xi32, #tpu.memory_space<hbm>>
      %dma_start3A_19 = tpu.memref_slice %arg3[%add3A_17] : memref<640000xi32, #tpu.memory_space<hbm>> -> memref<128xi32, #tpu.memory_space<hbm>>
      tpu.enqueue_dma source(%dma_start3A_19 : memref<128xi32, #tpu.memory_space<hbm>>) target(%arg10 : memref<128xi32, #tpu.memory_space<vmem>>) target_semaphore(%arg19 : memref<!tpu.dma_semaphore, #tpu.memory_space<semaphore_mem>>)
      %dma_start3A_20 = tpu.memref_slice %arg3[%add3A_15] : memref<640000xi32, #tpu.memory_space<hbm>> -> memref<128xi32, #tpu.memory_space<hbm>>
      %dma_start3A_21 = tpu.memref_slice %arg3[%add3A_15] : memref<640000xi32, #tpu.memory_space<hbm>> -> memref<128xi32, #tpu.memory_space<hbm>>
      tpu.enqueue_dma source(%dma_start3A_21 : memref<128xi32, #tpu.memory_space<hbm>>) target(%arg13 : memref<128xi32, #tpu.memory_space<vmem>>) target_semaphore(%arg22 : memref<!tpu.dma_semaphore, #tpu.memory_space<semaphore_mem>>)
      %lt3A = arith.constant 15 : i32
      %lt3A_22 = arith.cmpi slt, %arg1, %lt3A : i32
      %convert_element_type3A_23 = arith.extui %lt3A_22 : i1 to i32
      %cond3A_24 = arith.constant 0 : i32
      %cond3A_25 = arith.cmpi ne, %convert_element_type3A_23, %cond3A_24 : i32
      scf.if %cond3A_25 {
        %mul3A_207 = arith.constant 632 : i32
        %mul3A_208 = arith.muli %arg1, %mul3A_207 : i32
        "tpu.region"() ({
          %run_scoped3A = tpu.sem_alloc : memref<!tpu.dma_semaphore, #tpu.memory_space<semaphore_mem>>
          %dma_start3A_209 = arith.constant 0 : i32
          %dma_start3A_210 = tpu.memref_slice %arg17[%mul3A_208, %dma_start3A_209] : memref<10112x128xf32, #tpu.memory_space<vmem_shared>> -> memref<632x128xf32, #tpu.memory_space<vmem_shared>>
          %dma_start3A_211 = arith.constant 0 : i32
          %dma_start3A_212 = arith.constant 0 : i32
          %dma_start3A_213 = tpu.memref_slice %arg6[%dma_start3A_211, %dma_start3A_212] : memref<632x128xf32, #tpu.memory_space<hbm>> -> memref<632x128xf32, #tpu.memory_space<hbm>>
          tpu.enqueue_dma source(%dma_start3A_213 : memref<632x128xf32, #tpu.memory_space<hbm>>) target(%dma_start3A_210 : memref<632x128xf32, #tpu.memory_space<vmem_shared>>) target_semaphore(%run_scoped3A : memref<!tpu.dma_semaphore, #tpu.memory_space<semaphore_mem>>)
          %dma_wait3A_214 = arith.constant 0 : i32
          %dma_wait3A_215 = tpu.memref_slice %arg17[%mul3A_208, %dma_wait3A_214] : memref<10112x128xf32, #tpu.memory_space<vmem_shared>> -> memref<632x128xf32, #tpu.memory_space<vmem_shared>>
          %dma_wait3A_216 = arith.constant 0 : i32
          %dma_wait3A_217 = arith.constant 0 : i32
          %dma_wait3A_218 = tpu.memref_slice %arg6[%dma_wait3A_216, %dma_wait3A_217] : memref<632x128xf32, #tpu.memory_space<hbm>> -> memref<632x128xf32, #tpu.memory_space<hbm>>
          tpu.wait_dma2 semaphore(%run_scoped3A : memref<!tpu.dma_semaphore, #tpu.memory_space<semaphore_mem>>) src(%dma_wait3A_218 : memref<632x128xf32, #tpu.memory_space<hbm>>) dst(%dma_wait3A_215 : memref<632x128xf32, #tpu.memory_space<vmem_shared>>)
          tpu.yield
        }) : () -> ()
      } else {
      }
      %eq3A_26 = arith.constant 15 : i32
      %eq3A_27 = arith.cmpi eq, %arg1, %eq3A_26 : i32
      %convert_element_type3A_28 = arith.extui %eq3A_27 : i1 to i32
      %cond3A_29 = arith.constant 0 : i32
      %cond3A_30 = arith.cmpi ne, %convert_element_type3A_28, %cond3A_29 : i32
      scf.if %cond3A_30 {
        "tpu.region"() ({
          %run_scoped3A = tpu.sem_alloc : memref<!tpu.dma_semaphore, #tpu.memory_space<semaphore_mem>>
          %dma_start3A_207 = arith.constant 9480 : i32
          %dma_start3A_208 = arith.constant 0 : i32
          %dma_start3A_209 = tpu.memref_slice %arg17[%dma_start3A_207, %dma_start3A_208] : memref<10112x128xf32, #tpu.memory_space<vmem_shared>> -> memref<520x128xf32, #tpu.memory_space<vmem_shared>>
          %dma_start3A_210 = arith.constant 0 : i32
          %dma_start3A_211 = arith.constant 0 : i32
          %dma_start3A_212 = tpu.memref_slice %arg6[%dma_start3A_210, %dma_start3A_211] : memref<632x128xf32, #tpu.memory_space<hbm>> -> memref<520x128xf32, #tpu.memory_space<hbm>>
          tpu.enqueue_dma source(%dma_start3A_212 : memref<520x128xf32, #tpu.memory_space<hbm>>) target(%dma_start3A_209 : memref<520x128xf32, #tpu.memory_space<vmem_shared>>) target_semaphore(%run_scoped3A : memref<!tpu.dma_semaphore, #tpu.memory_space<semaphore_mem>>)
          %dma_wait3A_213 = arith.constant 9480 : i32
          %dma_wait3A_214 = arith.constant 0 : i32
          %dma_wait3A_215 = tpu.memref_slice %arg17[%dma_wait3A_213, %dma_wait3A_214] : memref<10112x128xf32, #tpu.memory_space<vmem_shared>> -> memref<520x128xf32, #tpu.memory_space<vmem_shared>>
          %dma_wait3A_216 = arith.constant 0 : i32
          %dma_wait3A_217 = arith.constant 0 : i32
          %dma_wait3A_218 = tpu.memref_slice %arg6[%dma_wait3A_216, %dma_wait3A_217] : memref<632x128xf32, #tpu.memory_space<hbm>> -> memref<520x128xf32, #tpu.memory_space<hbm>>
          tpu.wait_dma2 semaphore(%run_scoped3A : memref<!tpu.dma_semaphore, #tpu.memory_space<semaphore_mem>>) src(%dma_wait3A_218 : memref<520x128xf32, #tpu.memory_space<hbm>>) dst(%dma_wait3A_215 : memref<520x128xf32, #tpu.memory_space<vmem_shared>>)
          tpu.yield
        }) : () -> ()
      } else {
      }
      %add3A_31 = arith.constant 0 : i32
      %add3A_32 = arith.addi %mul3A_7, %add3A_31 : i32
      %add3A_33 = arith.constant 320000 : i32
      %add3A_34 = arith.addi %add3A_33, %add3A_32 : i32
      %dma_wait3A = tpu.memref_slice %arg3[%add3A_34] : memref<640000xi32, #tpu.memory_space<hbm>> -> memref<128xi32, #tpu.memory_space<hbm>>
      %dma_wait3A_35 = tpu.memref_slice %arg3[%add3A_34] : memref<640000xi32, #tpu.memory_space<hbm>> -> memref<128xi32, #tpu.memory_space<hbm>>
      tpu.wait_dma2 semaphore(%arg18 : memref<!tpu.dma_semaphore, #tpu.memory_space<semaphore_mem>>) src(%dma_wait3A_35 : memref<128xi32, #tpu.memory_space<hbm>>) dst(%arg9 : memref<128xi32, #tpu.memory_space<vmem>>)
      %dma_wait3A_36 = tpu.memref_slice %arg3[%add3A_32] : memref<640000xi32, #tpu.memory_space<hbm>> -> memref<128xi32, #tpu.memory_space<hbm>>
      %dma_wait3A_37 = tpu.memref_slice %arg3[%add3A_32] : memref<640000xi32, #tpu.memory_space<hbm>> -> memref<128xi32, #tpu.memory_space<hbm>>
      tpu.wait_dma2 semaphore(%arg21 : memref<!tpu.dma_semaphore, #tpu.memory_space<semaphore_mem>>) src(%dma_wait3A_37 : memref<128xi32, #tpu.memory_space<hbm>>) dst(%arg12 : memref<128xi32, #tpu.memory_space<vmem>>)
      %dma_start3A_38 = arith.constant 0 : i32
      %dma_start3A_39 = arith.constant 0 : i32
      %dma_start3A_40 = tpu.memref_slice %arg2[%dma_start3A_38, %dma_start3A_39] : memref<10000x128xf32, #tpu.memory_space<hbm>> -> memref<10000x128xf32, #tpu.memory_space<hbm>>
      tpu.enqueue_indirect_dma source(%dma_start3A_40 : memref<10000x128xf32, #tpu.memory_space<hbm>>) target(%arg15 : memref<128x128xf32, #tpu.memory_space<vmem>>) offsets(%arg9 : memref<128xi32, #tpu.memory_space<vmem>>) semaphore(%arg24 : memref<!tpu.dma_semaphore, #tpu.memory_space<semaphore_mem>>)
      %barrier3A = arith.constant 0 : index
      tpu.barrier barrier_id(%barrier3A)
      %scan3A = arith.constant 0 : i32
      %scan3A_41 = arith.constant 25 : i32
      %scan3A_42 = arith.addi %scan3A, %scan3A_41 : i32
      %scan3A_43 = arith.constant 1 : i32
      scf.for %scan3A_207 = %scan3A to %scan3A_42 step %scan3A_43  : i32 {
        %mul3A_208 = arith.constant 6 : i32
        %mul3A_209 = arith.muli %mul3A_208, %scan3A_207 : i32
        %add3A_210 = arith.constant 0 : i32
        %add3A_211 = arith.addi %mul3A_209, %add3A_210 : i32
        %add3A_212 = arith.constant 2 : i32
        %add3A_213 = arith.addi %add3A_211, %add3A_212 : i32
        %mul3A_214 = arith.constant 128 : i32
        %mul3A_215 = arith.muli %add3A_213, %mul3A_214 : i32
        %add3A_216 = arith.addi %mul3A_7, %mul3A_215 : i32
        %add3A_217 = arith.constant 320000 : i32
        %add3A_218 = arith.addi %add3A_217, %add3A_216 : i32
        %dma_start3A_219 = tpu.memref_slice %arg3[%add3A_218] : memref<640000xi32, #tpu.memory_space<hbm>> -> memref<128xi32, #tpu.memory_space<hbm>>
        %dma_start3A_220 = tpu.memref_slice %arg3[%add3A_218] : memref<640000xi32, #tpu.memory_space<hbm>> -> memref<128xi32, #tpu.memory_space<hbm>>
        tpu.enqueue_dma source(%dma_start3A_220 : memref<128xi32, #tpu.memory_space<hbm>>) target(%arg11 : memref<128xi32, #tpu.memory_space<vmem>>) target_semaphore(%arg20 : memref<!tpu.dma_semaphore, #tpu.memory_space<semaphore_mem>>)
        %dma_start3A_221 = tpu.memref_slice %arg3[%add3A_216] : memref<640000xi32, #tpu.memory_space<hbm>> -> memref<128xi32, #tpu.memory_space<hbm>>
        %dma_start3A_222 = tpu.memref_slice %arg3[%add3A_216] : memref<640000xi32, #tpu.memory_space<hbm>> -> memref<128xi32, #tpu.memory_space<hbm>>
        tpu.enqueue_dma source(%dma_start3A_222 : memref<128xi32, #tpu.memory_space<hbm>>) target(%arg14 : memref<128xi32, #tpu.memory_space<vmem>>) target_semaphore(%arg23 : memref<!tpu.dma_semaphore, #tpu.memory_space<semaphore_mem>>)
        %add3A_223 = arith.constant 1 : i32
        %add3A_224 = arith.addi %add3A_211, %add3A_223 : i32
        %mul3A_225 = arith.constant 128 : i32
        %mul3A_226 = arith.muli %add3A_224, %mul3A_225 : i32
        %add3A_227 = arith.addi %mul3A_7, %mul3A_226 : i32
        %add3A_228 = arith.constant 320000 : i32
        %add3A_229 = arith.addi %add3A_228, %add3A_227 : i32
        %dma_wait3A_230 = tpu.memref_slice %arg3[%add3A_229] : memref<640000xi32, #tpu.memory_space<hbm>> -> memref<128xi32, #tpu.memory_space<hbm>>
        %dma_wait3A_231 = tpu.memref_slice %arg3[%add3A_229] : memref<640000xi32, #tpu.memory_space<hbm>> -> memref<128xi32, #tpu.memory_space<hbm>>
        tpu.wait_dma2 semaphore(%arg19 : memref<!tpu.dma_semaphore, #tpu.memory_space<semaphore_mem>>) src(%dma_wait3A_231 : memref<128xi32, #tpu.memory_space<hbm>>) dst(%arg10 : memref<128xi32, #tpu.memory_space<vmem>>)
        %dma_wait3A_232 = tpu.memref_slice %arg3[%add3A_227] : memref<640000xi32, #tpu.memory_space<hbm>> -> memref<128xi32, #tpu.memory_space<hbm>>
        %dma_wait3A_233 = tpu.memref_slice %arg3[%add3A_227] : memref<640000xi32, #tpu.memory_space<hbm>> -> memref<128xi32, #tpu.memory_space<hbm>>
        tpu.wait_dma2 semaphore(%arg22 : memref<!tpu.dma_semaphore, #tpu.memory_space<semaphore_mem>>) src(%dma_wait3A_233 : memref<128xi32, #tpu.memory_space<hbm>>) dst(%arg13 : memref<128xi32, #tpu.memory_space<vmem>>)
        %dma_start3A_234 = arith.constant 0 : i32
        %dma_start3A_235 = arith.constant 0 : i32
        %dma_start3A_236 = tpu.memref_slice %arg2[%dma_start3A_234, %dma_start3A_235] : memref<10000x128xf32, #tpu.memory_space<hbm>> -> memref<10000x128xf32, #tpu.memory_space<hbm>>
        tpu.enqueue_indirect_dma source(%dma_start3A_236 : memref<10000x128xf32, #tpu.memory_space<hbm>>) target(%arg16 : memref<128x128xf32, #tpu.memory_space<vmem>>) offsets(%arg10 : memref<128xi32, #tpu.memory_space<vmem>>) semaphore(%arg25 : memref<!tpu.dma_semaphore, #tpu.memory_space<semaphore_mem>>)
        %dma_wait3A_237 = arith.constant 0 : i32
        %dma_wait3A_238 = arith.constant 0 : i32
        %dma_wait3A_239 = tpu.memref_slice %arg2[%dma_wait3A_237, %dma_wait3A_238] : memref<10000x128xf32, #tpu.memory_space<hbm>> -> memref<10000x128xf32, #tpu.memory_space<hbm>>
        tpu.wait_indirect_dma semaphore(%arg24 : memref<!tpu.dma_semaphore, #tpu.memory_space<semaphore_mem>>) src(%dma_wait3A_239 : memref<10000x128xf32, #tpu.memory_space<hbm>>) dst(%arg15 : memref<128x128xf32, #tpu.memory_space<vmem>>)
        "tpu.region"() ({
          %run_scoped3A = tpu.sem_alloc : memref<!tpu.dma_semaphore, #tpu.memory_space<semaphore_mem>>
          %dma_start3A_400 = arith.constant 0 : i32
          %dma_start3A_401 = arith.constant 0 : i32
          %dma_start3A_402 = tpu.memref_slice %arg17[%dma_start3A_400, %dma_start3A_401] : memref<10112x128xf32, #tpu.memory_space<vmem_shared>> -> memref<10112x128xf32, #tpu.memory_space<vmem_shared>>
          tpu.enqueue_indirect_dma source(%arg15 : memref<128x128xf32, #tpu.memory_space<vmem>>) target(%dma_start3A_402 : memref<10112x128xf32, #tpu.memory_space<vmem_shared>>) offsets(%arg12 : memref<128xi32, #tpu.memory_space<vmem>>) semaphore(%run_scoped3A : memref<!tpu.dma_semaphore, #tpu.memory_space<semaphore_mem>>) {add = true}
          %dma_wait3A_403 = arith.constant 0 : i32
          %dma_wait3A_404 = arith.constant 0 : i32
          %dma_wait3A_405 = tpu.memref_slice %arg17[%dma_wait3A_403, %dma_wait3A_404] : memref<10112x128xf32, #tpu.memory_space<vmem_shared>> -> memref<10112x128xf32, #tpu.memory_space<vmem_shared>>
          tpu.wait_indirect_dma semaphore(%run_scoped3A : memref<!tpu.dma_semaphore, #tpu.memory_space<semaphore_mem>>) src(%arg15 : memref<128x128xf32, #tpu.memory_space<vmem>>) dst(%dma_wait3A_405 : memref<10112x128xf32, #tpu.memory_space<vmem_shared>>)
          tpu.yield
        }) : () -> ()
        %mul3A_240 = arith.constant 6 : i32
        %mul3A_241 = arith.muli %mul3A_240, %scan3A_207 : i32
        %add3A_242 = arith.constant 1 : i32
        %add3A_243 = arith.addi %mul3A_241, %add3A_242 : i32
        %add3A_244 = arith.constant 2 : i32
        %add3A_245 = arith.addi %add3A_243, %add3A_244 : i32
        %mul3A_246 = arith.constant 128 : i32
        %mul3A_247 = arith.muli %add3A_245, %mul3A_246 : i32
        %add3A_248 = arith.addi %mul3A_7, %mul3A_247 : i32
        %add3A_249 = arith.constant 320000 : i32
        %add3A_250 = arith.addi %add3A_249, %add3A_248 : i32
        %dma_start3A_251 = tpu.memref_slice %arg3[%add3A_250] : memref<640000xi32, #tpu.memory_space<hbm>> -> memref<128xi32, #tpu.memory_space<hbm>>
        %dma_start3A_252 = tpu.memref_slice %arg3[%add3A_250] : memref<640000xi32, #tpu.memory_space<hbm>> -> memref<128xi32, #tpu.memory_space<hbm>>
        tpu.enqueue_dma source(%dma_start3A_252 : memref<128xi32, #tpu.memory_space<hbm>>) target(%arg9 : memref<128xi32, #tpu.memory_space<vmem>>) target_semaphore(%arg18 : memref<!tpu.dma_semaphore, #tpu.memory_space<semaphore_mem>>)
        %dma_start3A_253 = tpu.memref_slice %arg3[%add3A_248] : memref<640000xi32, #tpu.memory_space<hbm>> -> memref<128xi32, #tpu.memory_space<hbm>>
        %dma_start3A_254 = tpu.memref_slice %arg3[%add3A_248] : memref<640000xi32, #tpu.memory_space<hbm>> -> memref<128xi32, #tpu.memory_space<hbm>>
        tpu.enqueue_dma source(%dma_start3A_254 : memref<128xi32, #tpu.memory_space<hbm>>) target(%arg12 : memref<128xi32, #tpu.memory_space<vmem>>) target_semaphore(%arg21 : memref<!tpu.dma_semaphore, #tpu.memory_space<semaphore_mem>>)
        %add3A_255 = arith.constant 1 : i32
        %add3A_256 = arith.addi %add3A_243, %add3A_255 : i32
        %mul3A_257 = arith.constant 128 : i32
        %mul3A_258 = arith.muli %add3A_256, %mul3A_257 : i32
        %add3A_259 = arith.addi %mul3A_7, %mul3A_258 : i32
        %add3A_260 = arith.constant 320000 : i32
        %add3A_261 = arith.addi %add3A_260, %add3A_259 : i32
        %dma_wait3A_262 = tpu.memref_slice %arg3[%add3A_261] : memref<640000xi32, #tpu.memory_space<hbm>> -> memref<128xi32, #tpu.memory_space<hbm>>
        %dma_wait3A_263 = tpu.memref_slice %arg3[%add3A_261] : memref<640000xi32, #tpu.memory_space<hbm>> -> memref<128xi32, #tpu.memory_space<hbm>>
        tpu.wait_dma2 semaphore(%arg20 : memref<!tpu.dma_semaphore, #tpu.memory_space<semaphore_mem>>) src(%dma_wait3A_263 : memref<128xi32, #tpu.memory_space<hbm>>) dst(%arg11 : memref<128xi32, #tpu.memory_space<vmem>>)
        %dma_wait3A_264 = tpu.memref_slice %arg3[%add3A_259] : memref<640000xi32, #tpu.memory_space<hbm>> -> memref<128xi32, #tpu.memory_space<hbm>>
        %dma_wait3A_265 = tpu.memref_slice %arg3[%add3A_259] : memref<640000xi32, #tpu.memory_space<hbm>> -> memref<128xi32, #tpu.memory_space<hbm>>
        tpu.wait_dma2 semaphore(%arg23 : memref<!tpu.dma_semaphore, #tpu.memory_space<semaphore_mem>>) src(%dma_wait3A_265 : memref<128xi32, #tpu.memory_space<hbm>>) dst(%arg14 : memref<128xi32, #tpu.memory_space<vmem>>)
        %dma_start3A_266 = arith.constant 0 : i32
        %dma_start3A_267 = arith.constant 0 : i32
        %dma_start3A_268 = tpu.memref_slice %arg2[%dma_start3A_266, %dma_start3A_267] : memref<10000x128xf32, #tpu.memory_space<hbm>> -> memref<10000x128xf32, #tpu.memory_space<hbm>>
        tpu.enqueue_indirect_dma source(%dma_start3A_268 : memref<10000x128xf32, #tpu.memory_space<hbm>>) target(%arg15 : memref<128x128xf32, #tpu.memory_space<vmem>>) offsets(%arg11 : memref<128xi32, #tpu.memory_space<vmem>>) semaphore(%arg24 : memref<!tpu.dma_semaphore, #tpu.memory_space<semaphore_mem>>)
        %dma_wait3A_269 = arith.constant 0 : i32
        %dma_wait3A_270 = arith.constant 0 : i32
        %dma_wait3A_271 = tpu.memref_slice %arg2[%dma_wait3A_269, %dma_wait3A_270] : memref<10000x128xf32, #tpu.memory_space<hbm>> -> memref<10000x128xf32, #tpu.memory_space<hbm>>
        tpu.wait_indirect_dma semaphore(%arg25 : memref<!tpu.dma_semaphore, #tpu.memory_space<semaphore_mem>>) src(%dma_wait3A_271 : memref<10000x128xf32, #tpu.memory_space<hbm>>) dst(%arg16 : memref<128x128xf32, #tpu.memory_space<vmem>>)
        "tpu.region"() ({
          %run_scoped3A = tpu.sem_alloc : memref<!tpu.dma_semaphore, #tpu.memory_space<semaphore_mem>>
          %dma_start3A_400 = arith.constant 0 : i32
          %dma_start3A_401 = arith.constant 0 : i32
          %dma_start3A_402 = tpu.memref_slice %arg17[%dma_start3A_400, %dma_start3A_401] : memref<10112x128xf32, #tpu.memory_space<vmem_shared>> -> memref<10112x128xf32, #tpu.memory_space<vmem_shared>>
          tpu.enqueue_indirect_dma source(%arg16 : memref<128x128xf32, #tpu.memory_space<vmem>>) target(%dma_start3A_402 : memref<10112x128xf32, #tpu.memory_space<vmem_shared>>) offsets(%arg13 : memref<128xi32, #tpu.memory_space<vmem>>) semaphore(%run_scoped3A : memref<!tpu.dma_semaphore, #tpu.memory_space<semaphore_mem>>) {add = true}
          %dma_wait3A_403 = arith.constant 0 : i32
          %dma_wait3A_404 = arith.constant 0 : i32
          %dma_wait3A_405 = tpu.memref_slice %arg17[%dma_wait3A_403, %dma_wait3A_404] : memref<10112x128xf32, #tpu.memory_space<vmem_shared>> -> memref<10112x128xf32, #tpu.memory_space<vmem_shared>>
          tpu.wait_indirect_dma semaphore(%run_scoped3A : memref<!tpu.dma_semaphore, #tpu.memory_space<semaphore_mem>>) src(%arg16 : memref<128x128xf32, #tpu.memory_space<vmem>>) dst(%dma_wait3A_405 : memref<10112x128xf32, #tpu.memory_space<vmem_shared>>)
          tpu.yield
        }) : () -> ()
        %mul3A_272 = arith.constant 6 : i32
        %mul3A_273 = arith.muli %mul3A_272, %scan3A_207 : i32
        %add3A_274 = arith.constant 2 : i32
        %add3A_275 = arith.addi %mul3A_273, %add3A_274 : i32
        %add3A_276 = arith.constant 2 : i32
        %add3A_277 = arith.addi %add3A_275, %add3A_276 : i32
        %mul3A_278 = arith.constant 128 : i32
        %mul3A_279 = arith.muli %add3A_277, %mul3A_278 : i32
        %add3A_280 = arith.addi %mul3A_7, %mul3A_279 : i32
        %add3A_281 = arith.constant 320000 : i32
        %add3A_282 = arith.addi %add3A_281, %add3A_280 : i32
        %dma_start3A_283 = tpu.memref_slice %arg3[%add3A_282] : memref<640000xi32, #tpu.memory_space<hbm>> -> memref<128xi32, #tpu.memory_space<hbm>>
        %dma_start3A_284 = tpu.memref_slice %arg3[%add3A_282] : memref<640000xi32, #tpu.memory_space<hbm>> -> memref<128xi32, #tpu.memory_space<hbm>>
        tpu.enqueue_dma source(%dma_start3A_284 : memref<128xi32, #tpu.memory_space<hbm>>) target(%arg10 : memref<128xi32, #tpu.memory_space<vmem>>) target_semaphore(%arg19 : memref<!tpu.dma_semaphore, #tpu.memory_space<semaphore_mem>>)
        %dma_start3A_285 = tpu.memref_slice %arg3[%add3A_280] : memref<640000xi32, #tpu.memory_space<hbm>> -> memref<128xi32, #tpu.memory_space<hbm>>
        %dma_start3A_286 = tpu.memref_slice %arg3[%add3A_280] : memref<640000xi32, #tpu.memory_space<hbm>> -> memref<128xi32, #tpu.memory_space<hbm>>
        tpu.enqueue_dma source(%dma_start3A_286 : memref<128xi32, #tpu.memory_space<hbm>>) target(%arg13 : memref<128xi32, #tpu.memory_space<vmem>>) target_semaphore(%arg22 : memref<!tpu.dma_semaphore, #tpu.memory_space<semaphore_mem>>)
        %add3A_287 = arith.constant 1 : i32
        %add3A_288 = arith.addi %add3A_275, %add3A_287 : i32
        %mul3A_289 = arith.constant 128 : i32
        %mul3A_290 = arith.muli %add3A_288, %mul3A_289 : i32
        %add3A_291 = arith.addi %mul3A_7, %mul3A_290 : i32
        %add3A_292 = arith.constant 320000 : i32
        %add3A_293 = arith.addi %add3A_292, %add3A_291 : i32
        %dma_wait3A_294 = tpu.memref_slice %arg3[%add3A_293] : memref<640000xi32, #tpu.memory_space<hbm>> -> memref<128xi32, #tpu.memory_space<hbm>>
        %dma_wait3A_295 = tpu.memref_slice %arg3[%add3A_293] : memref<640000xi32, #tpu.memory_space<hbm>> -> memref<128xi32, #tpu.memory_space<hbm>>
        tpu.wait_dma2 semaphore(%arg18 : memref<!tpu.dma_semaphore, #tpu.memory_space<semaphore_mem>>) src(%dma_wait3A_295 : memref<128xi32, #tpu.memory_space<hbm>>) dst(%arg9 : memref<128xi32, #tpu.memory_space<vmem>>)
        %dma_wait3A_296 = tpu.memref_slice %arg3[%add3A_291] : memref<640000xi32, #tpu.memory_space<hbm>> -> memref<128xi32, #tpu.memory_space<hbm>>
        %dma_wait3A_297 = tpu.memref_slice %arg3[%add3A_291] : memref<640000xi32, #tpu.memory_space<hbm>> -> memref<128xi32, #tpu.memory_space<hbm>>
        tpu.wait_dma2 semaphore(%arg21 : memref<!tpu.dma_semaphore, #tpu.memory_space<semaphore_mem>>) src(%dma_wait3A_297 : memref<128xi32, #tpu.memory_space<hbm>>) dst(%arg12 : memref<128xi32, #tpu.memory_space<vmem>>)
        %dma_start3A_298 = arith.constant 0 : i32
        %dma_start3A_299 = arith.constant 0 : i32
        %dma_start3A_300 = tpu.memref_slice %arg2[%dma_start3A_298, %dma_start3A_299] : memref<10000x128xf32, #tpu.memory_space<hbm>> -> memref<10000x128xf32, #tpu.memory_space<hbm>>
        tpu.enqueue_indirect_dma source(%dma_start3A_300 : memref<10000x128xf32, #tpu.memory_space<hbm>>) target(%arg16 : memref<128x128xf32, #tpu.memory_space<vmem>>) offsets(%arg9 : memref<128xi32, #tpu.memory_space<vmem>>) semaphore(%arg25 : memref<!tpu.dma_semaphore, #tpu.memory_space<semaphore_mem>>)
        %dma_wait3A_301 = arith.constant 0 : i32
        %dma_wait3A_302 = arith.constant 0 : i32
        %dma_wait3A_303 = tpu.memref_slice %arg2[%dma_wait3A_301, %dma_wait3A_302] : memref<10000x128xf32, #tpu.memory_space<hbm>> -> memref<10000x128xf32, #tpu.memory_space<hbm>>
        tpu.wait_indirect_dma semaphore(%arg24 : memref<!tpu.dma_semaphore, #tpu.memory_space<semaphore_mem>>) src(%dma_wait3A_303 : memref<10000x128xf32, #tpu.memory_space<hbm>>) dst(%arg15 : memref<128x128xf32, #tpu.memory_space<vmem>>)
        "tpu.region"() ({
          %run_scoped3A = tpu.sem_alloc : memref<!tpu.dma_semaphore, #tpu.memory_space<semaphore_mem>>
          %dma_start3A_400 = arith.constant 0 : i32
          %dma_start3A_401 = arith.constant 0 : i32
          %dma_start3A_402 = tpu.memref_slice %arg17[%dma_start3A_400, %dma_start3A_401] : memref<10112x128xf32, #tpu.memory_space<vmem_shared>> -> memref<10112x128xf32, #tpu.memory_space<vmem_shared>>
          tpu.enqueue_indirect_dma source(%arg15 : memref<128x128xf32, #tpu.memory_space<vmem>>) target(%dma_start3A_402 : memref<10112x128xf32, #tpu.memory_space<vmem_shared>>) offsets(%arg14 : memref<128xi32, #tpu.memory_space<vmem>>) semaphore(%run_scoped3A : memref<!tpu.dma_semaphore, #tpu.memory_space<semaphore_mem>>) {add = true}
          %dma_wait3A_403 = arith.constant 0 : i32
          %dma_wait3A_404 = arith.constant 0 : i32
          %dma_wait3A_405 = tpu.memref_slice %arg17[%dma_wait3A_403, %dma_wait3A_404] : memref<10112x128xf32, #tpu.memory_space<vmem_shared>> -> memref<10112x128xf32, #tpu.memory_space<vmem_shared>>
          tpu.wait_indirect_dma semaphore(%run_scoped3A : memref<!tpu.dma_semaphore, #tpu.memory_space<semaphore_mem>>) src(%arg15 : memref<128x128xf32, #tpu.memory_space<vmem>>) dst(%dma_wait3A_405 : memref<10112x128xf32, #tpu.memory_space<vmem_shared>>)
          tpu.yield
        }) : () -> ()
        %mul3A_304 = arith.constant 6 : i32
        %mul3A_305 = arith.muli %mul3A_304, %scan3A_207 : i32
        %add3A_306 = arith.constant 3 : i32
        %add3A_307 = arith.addi %mul3A_305, %add3A_306 : i32
        %add3A_308 = arith.constant 2 : i32
        %add3A_309 = arith.addi %add3A_307, %add3A_308 : i32
        %mul3A_310 = arith.constant 128 : i32
        %mul3A_311 = arith.muli %add3A_309, %mul3A_310 : i32
        %add3A_312 = arith.addi %mul3A_7, %mul3A_311 : i32
        %add3A_313 = arith.constant 320000 : i32
        %add3A_314 = arith.addi %add3A_313, %add3A_312 : i32
        %dma_start3A_315 = tpu.memref_slice %arg3[%add3A_314] : memref<640000xi32, #tpu.memory_space<hbm>> -> memref<128xi32, #tpu.memory_space<hbm>>
        %dma_start3A_316 = tpu.memref_slice %arg3[%add3A_314] : memref<640000xi32, #tpu.memory_space<hbm>> -> memref<128xi32, #tpu.memory_space<hbm>>
        tpu.enqueue_dma source(%dma_start3A_316 : memref<128xi32, #tpu.memory_space<hbm>>) target(%arg11 : memref<128xi32, #tpu.memory_space<vmem>>) target_semaphore(%arg20 : memref<!tpu.dma_semaphore, #tpu.memory_space<semaphore_mem>>)
        %dma_start3A_317 = tpu.memref_slice %arg3[%add3A_312] : memref<640000xi32, #tpu.memory_space<hbm>> -> memref<128xi32, #tpu.memory_space<hbm>>
        %dma_start3A_318 = tpu.memref_slice %arg3[%add3A_312] : memref<640000xi32, #tpu.memory_space<hbm>> -> memref<128xi32, #tpu.memory_space<hbm>>
        tpu.enqueue_dma source(%dma_start3A_318 : memref<128xi32, #tpu.memory_space<hbm>>) target(%arg14 : memref<128xi32, #tpu.memory_space<vmem>>) target_semaphore(%arg23 : memref<!tpu.dma_semaphore, #tpu.memory_space<semaphore_mem>>)
        %add3A_319 = arith.constant 1 : i32
        %add3A_320 = arith.addi %add3A_307, %add3A_319 : i32
        %mul3A_321 = arith.constant 128 : i32
        %mul3A_322 = arith.muli %add3A_320, %mul3A_321 : i32
        %add3A_323 = arith.addi %mul3A_7, %mul3A_322 : i32
        %add3A_324 = arith.constant 320000 : i32
        %add3A_325 = arith.addi %add3A_324, %add3A_323 : i32
        %dma_wait3A_326 = tpu.memref_slice %arg3[%add3A_325] : memref<640000xi32, #tpu.memory_space<hbm>> -> memref<128xi32, #tpu.memory_space<hbm>>
        %dma_wait3A_327 = tpu.memref_slice %arg3[%add3A_325] : memref<640000xi32, #tpu.memory_space<hbm>> -> memref<128xi32, #tpu.memory_space<hbm>>
        tpu.wait_dma2 semaphore(%arg19 : memref<!tpu.dma_semaphore, #tpu.memory_space<semaphore_mem>>) src(%dma_wait3A_327 : memref<128xi32, #tpu.memory_space<hbm>>) dst(%arg10 : memref<128xi32, #tpu.memory_space<vmem>>)
        %dma_wait3A_328 = tpu.memref_slice %arg3[%add3A_323] : memref<640000xi32, #tpu.memory_space<hbm>> -> memref<128xi32, #tpu.memory_space<hbm>>
        %dma_wait3A_329 = tpu.memref_slice %arg3[%add3A_323] : memref<640000xi32, #tpu.memory_space<hbm>> -> memref<128xi32, #tpu.memory_space<hbm>>
        tpu.wait_dma2 semaphore(%arg22 : memref<!tpu.dma_semaphore, #tpu.memory_space<semaphore_mem>>) src(%dma_wait3A_329 : memref<128xi32, #tpu.memory_space<hbm>>) dst(%arg13 : memref<128xi32, #tpu.memory_space<vmem>>)
        %dma_start3A_330 = arith.constant 0 : i32
        %dma_start3A_331 = arith.constant 0 : i32
        %dma_start3A_332 = tpu.memref_slice %arg2[%dma_start3A_330, %dma_start3A_331] : memref<10000x128xf32, #tpu.memory_space<hbm>> -> memref<10000x128xf32, #tpu.memory_space<hbm>>
        tpu.enqueue_indirect_dma source(%dma_start3A_332 : memref<10000x128xf32, #tpu.memory_space<hbm>>) target(%arg15 : memref<128x128xf32, #tpu.memory_space<vmem>>) offsets(%arg10 : memref<128xi32, #tpu.memory_space<vmem>>) semaphore(%arg24 : memref<!tpu.dma_semaphore, #tpu.memory_space<semaphore_mem>>)
        %dma_wait3A_333 = arith.constant 0 : i32
        %dma_wait3A_334 = arith.constant 0 : i32
        %dma_wait3A_335 = tpu.memref_slice %arg2[%dma_wait3A_333, %dma_wait3A_334] : memref<10000x128xf32, #tpu.memory_space<hbm>> -> memref<10000x128xf32, #tpu.memory_space<hbm>>
        tpu.wait_indirect_dma semaphore(%arg25 : memref<!tpu.dma_semaphore, #tpu.memory_space<semaphore_mem>>) src(%dma_wait3A_335 : memref<10000x128xf32, #tpu.memory_space<hbm>>) dst(%arg16 : memref<128x128xf32, #tpu.memory_space<vmem>>)
        "tpu.region"() ({
          %run_scoped3A = tpu.sem_alloc : memref<!tpu.dma_semaphore, #tpu.memory_space<semaphore_mem>>
          %dma_start3A_400 = arith.constant 0 : i32
          %dma_start3A_401 = arith.constant 0 : i32
          %dma_start3A_402 = tpu.memref_slice %arg17[%dma_start3A_400, %dma_start3A_401] : memref<10112x128xf32, #tpu.memory_space<vmem_shared>> -> memref<10112x128xf32, #tpu.memory_space<vmem_shared>>
          tpu.enqueue_indirect_dma source(%arg16 : memref<128x128xf32, #tpu.memory_space<vmem>>) target(%dma_start3A_402 : memref<10112x128xf32, #tpu.memory_space<vmem_shared>>) offsets(%arg12 : memref<128xi32, #tpu.memory_space<vmem>>) semaphore(%run_scoped3A : memref<!tpu.dma_semaphore, #tpu.memory_space<semaphore_mem>>) {add = true}
          %dma_wait3A_403 = arith.constant 0 : i32
          %dma_wait3A_404 = arith.constant 0 : i32
          %dma_wait3A_405 = tpu.memref_slice %arg17[%dma_wait3A_403, %dma_wait3A_404] : memref<10112x128xf32, #tpu.memory_space<vmem_shared>> -> memref<10112x128xf32, #tpu.memory_space<vmem_shared>>
          tpu.wait_indirect_dma semaphore(%run_scoped3A : memref<!tpu.dma_semaphore, #tpu.memory_space<semaphore_mem>>) src(%arg16 : memref<128x128xf32, #tpu.memory_space<vmem>>) dst(%dma_wait3A_405 : memref<10112x128xf32, #tpu.memory_space<vmem_shared>>)
          tpu.yield
        }) : () -> ()
        %mul3A_336 = arith.constant 6 : i32
        %mul3A_337 = arith.muli %mul3A_336, %scan3A_207 : i32
        %add3A_338 = arith.constant 4 : i32
        %add3A_339 = arith.addi %mul3A_337, %add3A_338 : i32
        %add3A_340 = arith.constant 2 : i32
        %add3A_341 = arith.addi %add3A_339, %add3A_340 : i32
        %mul3A_342 = arith.constant 128 : i32
        %mul3A_343 = arith.muli %add3A_341, %mul3A_342 : i32
        %add3A_344 = arith.addi %mul3A_7, %mul3A_343 : i32
        %add3A_345 = arith.constant 320000 : i32
        %add3A_346 = arith.addi %add3A_345, %add3A_344 : i32
        %dma_start3A_347 = tpu.memref_slice %arg3[%add3A_346] : memref<640000xi32, #tpu.memory_space<hbm>> -> memref<128xi32, #tpu.memory_space<hbm>>
        %dma_start3A_348 = tpu.memref_slice %arg3[%add3A_346] : memref<640000xi32, #tpu.memory_space<hbm>> -> memref<128xi32, #tpu.memory_space<hbm>>
        tpu.enqueue_dma source(%dma_start3A_348 : memref<128xi32, #tpu.memory_space<hbm>>) target(%arg9 : memref<128xi32, #tpu.memory_space<vmem>>) target_semaphore(%arg18 : memref<!tpu.dma_semaphore, #tpu.memory_space<semaphore_mem>>)
        %dma_start3A_349 = tpu.memref_slice %arg3[%add3A_344] : memref<640000xi32, #tpu.memory_space<hbm>> -> memref<128xi32, #tpu.memory_space<hbm>>
        %dma_start3A_350 = tpu.memref_slice %arg3[%add3A_344] : memref<640000xi32, #tpu.memory_space<hbm>> -> memref<128xi32, #tpu.memory_space<hbm>>
        tpu.enqueue_dma source(%dma_start3A_350 : memref<128xi32, #tpu.memory_space<hbm>>) target(%arg12 : memref<128xi32, #tpu.memory_space<vmem>>) target_semaphore(%arg21 : memref<!tpu.dma_semaphore, #tpu.memory_space<semaphore_mem>>)
        %add3A_351 = arith.constant 1 : i32
        %add3A_352 = arith.addi %add3A_339, %add3A_351 : i32
        %mul3A_353 = arith.constant 128 : i32
        %mul3A_354 = arith.muli %add3A_352, %mul3A_353 : i32
        %add3A_355 = arith.addi %mul3A_7, %mul3A_354 : i32
        %add3A_356 = arith.constant 320000 : i32
        %add3A_357 = arith.addi %add3A_356, %add3A_355 : i32
        %dma_wait3A_358 = tpu.memref_slice %arg3[%add3A_357] : memref<640000xi32, #tpu.memory_space<hbm>> -> memref<128xi32, #tpu.memory_space<hbm>>
        %dma_wait3A_359 = tpu.memref_slice %arg3[%add3A_357] : memref<640000xi32, #tpu.memory_space<hbm>> -> memref<128xi32, #tpu.memory_space<hbm>>
        tpu.wait_dma2 semaphore(%arg20 : memref<!tpu.dma_semaphore, #tpu.memory_space<semaphore_mem>>) src(%dma_wait3A_359 : memref<128xi32, #tpu.memory_space<hbm>>) dst(%arg11 : memref<128xi32, #tpu.memory_space<vmem>>)
        %dma_wait3A_360 = tpu.memref_slice %arg3[%add3A_355] : memref<640000xi32, #tpu.memory_space<hbm>> -> memref<128xi32, #tpu.memory_space<hbm>>
        %dma_wait3A_361 = tpu.memref_slice %arg3[%add3A_355] : memref<640000xi32, #tpu.memory_space<hbm>> -> memref<128xi32, #tpu.memory_space<hbm>>
        tpu.wait_dma2 semaphore(%arg23 : memref<!tpu.dma_semaphore, #tpu.memory_space<semaphore_mem>>) src(%dma_wait3A_361 : memref<128xi32, #tpu.memory_space<hbm>>) dst(%arg14 : memref<128xi32, #tpu.memory_space<vmem>>)
        %dma_start3A_362 = arith.constant 0 : i32
        %dma_start3A_363 = arith.constant 0 : i32
        %dma_start3A_364 = tpu.memref_slice %arg2[%dma_start3A_362, %dma_start3A_363] : memref<10000x128xf32, #tpu.memory_space<hbm>> -> memref<10000x128xf32, #tpu.memory_space<hbm>>
        tpu.enqueue_indirect_dma source(%dma_start3A_364 : memref<10000x128xf32, #tpu.memory_space<hbm>>) target(%arg16 : memref<128x128xf32, #tpu.memory_space<vmem>>) offsets(%arg11 : memref<128xi32, #tpu.memory_space<vmem>>) semaphore(%arg25 : memref<!tpu.dma_semaphore, #tpu.memory_space<semaphore_mem>>)
        %dma_wait3A_365 = arith.constant 0 : i32
        %dma_wait3A_366 = arith.constant 0 : i32
        %dma_wait3A_367 = tpu.memref_slice %arg2[%dma_wait3A_365, %dma_wait3A_366] : memref<10000x128xf32, #tpu.memory_space<hbm>> -> memref<10000x128xf32, #tpu.memory_space<hbm>>
        tpu.wait_indirect_dma semaphore(%arg24 : memref<!tpu.dma_semaphore, #tpu.memory_space<semaphore_mem>>) src(%dma_wait3A_367 : memref<10000x128xf32, #tpu.memory_space<hbm>>) dst(%arg15 : memref<128x128xf32, #tpu.memory_space<vmem>>)
        "tpu.region"() ({
          %run_scoped3A = tpu.sem_alloc : memref<!tpu.dma_semaphore, #tpu.memory_space<semaphore_mem>>
          %dma_start3A_400 = arith.constant 0 : i32
          %dma_start3A_401 = arith.constant 0 : i32
          %dma_start3A_402 = tpu.memref_slice %arg17[%dma_start3A_400, %dma_start3A_401] : memref<10112x128xf32, #tpu.memory_space<vmem_shared>> -> memref<10112x128xf32, #tpu.memory_space<vmem_shared>>
          tpu.enqueue_indirect_dma source(%arg15 : memref<128x128xf32, #tpu.memory_space<vmem>>) target(%dma_start3A_402 : memref<10112x128xf32, #tpu.memory_space<vmem_shared>>) offsets(%arg13 : memref<128xi32, #tpu.memory_space<vmem>>) semaphore(%run_scoped3A : memref<!tpu.dma_semaphore, #tpu.memory_space<semaphore_mem>>) {add = true}
          %dma_wait3A_403 = arith.constant 0 : i32
          %dma_wait3A_404 = arith.constant 0 : i32
          %dma_wait3A_405 = tpu.memref_slice %arg17[%dma_wait3A_403, %dma_wait3A_404] : memref<10112x128xf32, #tpu.memory_space<vmem_shared>> -> memref<10112x128xf32, #tpu.memory_space<vmem_shared>>
          tpu.wait_indirect_dma semaphore(%run_scoped3A : memref<!tpu.dma_semaphore, #tpu.memory_space<semaphore_mem>>) src(%arg15 : memref<128x128xf32, #tpu.memory_space<vmem>>) dst(%dma_wait3A_405 : memref<10112x128xf32, #tpu.memory_space<vmem_shared>>)
          tpu.yield
        }) : () -> ()
        %mul3A_368 = arith.constant 6 : i32
        %mul3A_369 = arith.muli %mul3A_368, %scan3A_207 : i32
        %add3A_370 = arith.constant 5 : i32
        %add3A_371 = arith.addi %mul3A_369, %add3A_370 : i32
        %add3A_372 = arith.constant 2 : i32
        %add3A_373 = arith.addi %add3A_371, %add3A_372 : i32
        %mul3A_374 = arith.constant 128 : i32
        %mul3A_375 = arith.muli %add3A_373, %mul3A_374 : i32
        %add3A_376 = arith.addi %mul3A_7, %mul3A_375 : i32
        %add3A_377 = arith.constant 320000 : i32
        %add3A_378 = arith.addi %add3A_377, %add3A_376 : i32
        %dma_start3A_379 = tpu.memref_slice %arg3[%add3A_378] : memref<640000xi32, #tpu.memory_space<hbm>> -> memref<128xi32, #tpu.memory_space<hbm>>
        %dma_start3A_380 = tpu.memref_slice %arg3[%add3A_378] : memref<640000xi32, #tpu.memory_space<hbm>> -> memref<128xi32, #tpu.memory_space<hbm>>
        tpu.enqueue_dma source(%dma_start3A_380 : memref<128xi32, #tpu.memory_space<hbm>>) target(%arg10 : memref<128xi32, #tpu.memory_space<vmem>>) target_semaphore(%arg19 : memref<!tpu.dma_semaphore, #tpu.memory_space<semaphore_mem>>)
        %dma_start3A_381 = tpu.memref_slice %arg3[%add3A_376] : memref<640000xi32, #tpu.memory_space<hbm>> -> memref<128xi32, #tpu.memory_space<hbm>>
        %dma_start3A_382 = tpu.memref_slice %arg3[%add3A_376] : memref<640000xi32, #tpu.memory_space<hbm>> -> memref<128xi32, #tpu.memory_space<hbm>>
        tpu.enqueue_dma source(%dma_start3A_382 : memref<128xi32, #tpu.memory_space<hbm>>) target(%arg13 : memref<128xi32, #tpu.memory_space<vmem>>) target_semaphore(%arg22 : memref<!tpu.dma_semaphore, #tpu.memory_space<semaphore_mem>>)
        %add3A_383 = arith.constant 1 : i32
        %add3A_384 = arith.addi %add3A_371, %add3A_383 : i32
        %mul3A_385 = arith.constant 128 : i32
        %mul3A_386 = arith.muli %add3A_384, %mul3A_385 : i32
        %add3A_387 = arith.addi %mul3A_7, %mul3A_386 : i32
        %add3A_388 = arith.constant 320000 : i32
        %add3A_389 = arith.addi %add3A_388, %add3A_387 : i32
        %dma_wait3A_390 = tpu.memref_slice %arg3[%add3A_389] : memref<640000xi32, #tpu.memory_space<hbm>> -> memref<128xi32, #tpu.memory_space<hbm>>
        %dma_wait3A_391 = tpu.memref_slice %arg3[%add3A_389] : memref<640000xi32, #tpu.memory_space<hbm>> -> memref<128xi32, #tpu.memory_space<hbm>>
        tpu.wait_dma2 semaphore(%arg18 : memref<!tpu.dma_semaphore, #tpu.memory_space<semaphore_mem>>) src(%dma_wait3A_391 : memref<128xi32, #tpu.memory_space<hbm>>) dst(%arg9 : memref<128xi32, #tpu.memory_space<vmem>>)
        %dma_wait3A_392 = tpu.memref_slice %arg3[%add3A_387] : memref<640000xi32, #tpu.memory_space<hbm>> -> memref<128xi32, #tpu.memory_space<hbm>>
        %dma_wait3A_393 = tpu.memref_slice %arg3[%add3A_387] : memref<640000xi32, #tpu.memory_space<hbm>> -> memref<128xi32, #tpu.memory_space<hbm>>
        tpu.wait_dma2 semaphore(%arg21 : memref<!tpu.dma_semaphore, #tpu.memory_space<semaphore_mem>>) src(%dma_wait3A_393 : memref<128xi32, #tpu.memory_space<hbm>>) dst(%arg12 : memref<128xi32, #tpu.memory_space<vmem>>)
        %dma_start3A_394 = arith.constant 0 : i32
        %dma_start3A_395 = arith.constant 0 : i32
        %dma_start3A_396 = tpu.memref_slice %arg2[%dma_start3A_394, %dma_start3A_395] : memref<10000x128xf32, #tpu.memory_space<hbm>> -> memref<10000x128xf32, #tpu.memory_space<hbm>>
        tpu.enqueue_indirect_dma source(%dma_start3A_396 : memref<10000x128xf32, #tpu.memory_space<hbm>>) target(%arg15 : memref<128x128xf32, #tpu.memory_space<vmem>>) offsets(%arg9 : memref<128xi32, #tpu.memory_space<vmem>>) semaphore(%arg24 : memref<!tpu.dma_semaphore, #tpu.memory_space<semaphore_mem>>)
        %dma_wait3A_397 = arith.constant 0 : i32
        %dma_wait3A_398 = arith.constant 0 : i32
        %dma_wait3A_399 = tpu.memref_slice %arg2[%dma_wait3A_397, %dma_wait3A_398] : memref<10000x128xf32, #tpu.memory_space<hbm>> -> memref<10000x128xf32, #tpu.memory_space<hbm>>
        tpu.wait_indirect_dma semaphore(%arg25 : memref<!tpu.dma_semaphore, #tpu.memory_space<semaphore_mem>>) src(%dma_wait3A_399 : memref<10000x128xf32, #tpu.memory_space<hbm>>) dst(%arg16 : memref<128x128xf32, #tpu.memory_space<vmem>>)
        "tpu.region"() ({
          %run_scoped3A = tpu.sem_alloc : memref<!tpu.dma_semaphore, #tpu.memory_space<semaphore_mem>>
          %dma_start3A_400 = arith.constant 0 : i32
          %dma_start3A_401 = arith.constant 0 : i32
          %dma_start3A_402 = tpu.memref_slice %arg17[%dma_start3A_400, %dma_start3A_401] : memref<10112x128xf32, #tpu.memory_space<vmem_shared>> -> memref<10112x128xf32, #tpu.memory_space<vmem_shared>>
          tpu.enqueue_indirect_dma source(%arg16 : memref<128x128xf32, #tpu.memory_space<vmem>>) target(%dma_start3A_402 : memref<10112x128xf32, #tpu.memory_space<vmem_shared>>) offsets(%arg14 : memref<128xi32, #tpu.memory_space<vmem>>) semaphore(%run_scoped3A : memref<!tpu.dma_semaphore, #tpu.memory_space<semaphore_mem>>) {add = true}
          %dma_wait3A_403 = arith.constant 0 : i32
          %dma_wait3A_404 = arith.constant 0 : i32
          %dma_wait3A_405 = tpu.memref_slice %arg17[%dma_wait3A_403, %dma_wait3A_404] : memref<10112x128xf32, #tpu.memory_space<vmem_shared>> -> memref<10112x128xf32, #tpu.memory_space<vmem_shared>>
          tpu.wait_indirect_dma semaphore(%run_scoped3A : memref<!tpu.dma_semaphore, #tpu.memory_space<semaphore_mem>>) src(%arg16 : memref<128x128xf32, #tpu.memory_space<vmem>>) dst(%dma_wait3A_405 : memref<10112x128xf32, #tpu.memory_space<vmem_shared>>)
          tpu.yield
        }) : () -> ()
      }
      %scan3A_44 = arith.constant 25 : i32
      %add3A_45 = arith.constant 19456 : i32
      %add3A_46 = arith.addi %mul3A_7, %add3A_45 : i32
      %add3A_47 = arith.constant 320000 : i32
      %add3A_48 = arith.addi %add3A_47, %add3A_46 : i32
      %dma_start3A_49 = tpu.memref_slice %arg3[%add3A_48] : memref<640000xi32, #tpu.memory_space<hbm>> -> memref<128xi32, #tpu.memory_space<hbm>>
      %dma_start3A_50 = tpu.memref_slice %arg3[%add3A_48] : memref<640000xi32, #tpu.memory_space<hbm>> -> memref<128xi32, #tpu.memory_space<hbm>>
      tpu.enqueue_dma source(%dma_start3A_50 : memref<128xi32, #tpu.memory_space<hbm>>) target(%arg11 : memref<128xi32, #tpu.memory_space<vmem>>) target_semaphore(%arg20 : memref<!tpu.dma_semaphore, #tpu.memory_space<semaphore_mem>>)
      %dma_start3A_51 = tpu.memref_slice %arg3[%add3A_46] : memref<640000xi32, #tpu.memory_space<hbm>> -> memref<128xi32, #tpu.memory_space<hbm>>
      %dma_start3A_52 = tpu.memref_slice %arg3[%add3A_46] : memref<640000xi32, #tpu.memory_space<hbm>> -> memref<128xi32, #tpu.memory_space<hbm>>
      tpu.enqueue_dma source(%dma_start3A_52 : memref<128xi32, #tpu.memory_space<hbm>>) target(%arg14 : memref<128xi32, #tpu.memory_space<vmem>>) target_semaphore(%arg23 : memref<!tpu.dma_semaphore, #tpu.memory_space<semaphore_mem>>)
      %add3A_53 = arith.constant 19328 : i32
      %add3A_54 = arith.addi %mul3A_7, %add3A_53 : i32
      %add3A_55 = arith.constant 320000 : i32
      %add3A_56 = arith.addi %add3A_55, %add3A_54 : i32
      %dma_wait3A_57 = tpu.memref_slice %arg3[%add3A_56] : memref<640000xi32, #tpu.memory_space<hbm>> -> memref<128xi32, #tpu.memory_space<hbm>>
      %dma_wait3A_58 = tpu.memref_slice %arg3[%add3A_56] : memref<640000xi32, #tpu.memory_space<hbm>> -> memref<128xi32, #tpu.memory_space<hbm>>
      tpu.wait_dma2 semaphore(%arg19 : memref<!tpu.dma_semaphore, #tpu.memory_space<semaphore_mem>>) src(%dma_wait3A_58 : memref<128xi32, #tpu.memory_space<hbm>>) dst(%arg10 : memref<128xi32, #tpu.memory_space<vmem>>)
      %dma_wait3A_59 = tpu.memref_slice %arg3[%add3A_54] : memref<640000xi32, #tpu.memory_space<hbm>> -> memref<128xi32, #tpu.memory_space<hbm>>
      %dma_wait3A_60 = tpu.memref_slice %arg3[%add3A_54] : memref<640000xi32, #tpu.memory_space<hbm>> -> memref<128xi32, #tpu.memory_space<hbm>>
      tpu.wait_dma2 semaphore(%arg22 : memref<!tpu.dma_semaphore, #tpu.memory_space<semaphore_mem>>) src(%dma_wait3A_60 : memref<128xi32, #tpu.memory_space<hbm>>) dst(%arg13 : memref<128xi32, #tpu.memory_space<vmem>>)
      %dma_start3A_61 = arith.constant 0 : i32
      %dma_start3A_62 = arith.constant 0 : i32
      %dma_start3A_63 = tpu.memref_slice %arg2[%dma_start3A_61, %dma_start3A_62] : memref<10000x128xf32, #tpu.memory_space<hbm>> -> memref<10000x128xf32, #tpu.memory_space<hbm>>
      tpu.enqueue_indirect_dma source(%dma_start3A_63 : memref<10000x128xf32, #tpu.memory_space<hbm>>) target(%arg16 : memref<128x128xf32, #tpu.memory_space<vmem>>) offsets(%arg10 : memref<128xi32, #tpu.memory_space<vmem>>) semaphore(%arg25 : memref<!tpu.dma_semaphore, #tpu.memory_space<semaphore_mem>>)
      %dma_wait3A_64 = arith.constant 0 : i32
      %dma_wait3A_65 = arith.constant 0 : i32
      %dma_wait3A_66 = tpu.memref_slice %arg2[%dma_wait3A_64, %dma_wait3A_65] : memref<10000x128xf32, #tpu.memory_space<hbm>> -> memref<10000x128xf32, #tpu.memory_space<hbm>>
      tpu.wait_indirect_dma semaphore(%arg24 : memref<!tpu.dma_semaphore, #tpu.memory_space<semaphore_mem>>) src(%dma_wait3A_66 : memref<10000x128xf32, #tpu.memory_space<hbm>>) dst(%arg15 : memref<128x128xf32, #tpu.memory_space<vmem>>)
      "tpu.region"() ({
        %run_scoped3A = tpu.sem_alloc : memref<!tpu.dma_semaphore, #tpu.memory_space<semaphore_mem>>
        %dma_start3A_207 = arith.constant 0 : i32
        %dma_start3A_208 = arith.constant 0 : i32
        %dma_start3A_209 = tpu.memref_slice %arg17[%dma_start3A_207, %dma_start3A_208] : memref<10112x128xf32, #tpu.memory_space<vmem_shared>> -> memref<10112x128xf32, #tpu.memory_space<vmem_shared>>
        tpu.enqueue_indirect_dma source(%arg15 : memref<128x128xf32, #tpu.memory_space<vmem>>) target(%dma_start3A_209 : memref<10112x128xf32, #tpu.memory_space<vmem_shared>>) offsets(%arg12 : memref<128xi32, #tpu.memory_space<vmem>>) semaphore(%run_scoped3A : memref<!tpu.dma_semaphore, #tpu.memory_space<semaphore_mem>>) {add = true}
        %dma_wait3A_210 = arith.constant 0 : i32
        %dma_wait3A_211 = arith.constant 0 : i32
        %dma_wait3A_212 = tpu.memref_slice %arg17[%dma_wait3A_210, %dma_wait3A_211] : memref<10112x128xf32, #tpu.memory_space<vmem_shared>> -> memref<10112x128xf32, #tpu.memory_space<vmem_shared>>
        tpu.wait_indirect_dma semaphore(%run_scoped3A : memref<!tpu.dma_semaphore, #tpu.memory_space<semaphore_mem>>) src(%arg15 : memref<128x128xf32, #tpu.memory_space<vmem>>) dst(%dma_wait3A_212 : memref<10112x128xf32, #tpu.memory_space<vmem_shared>>)
        tpu.yield
      }) : () -> ()
      %add3A_67 = arith.constant 19584 : i32
      %add3A_68 = arith.addi %mul3A_7, %add3A_67 : i32
      %add3A_69 = arith.constant 320000 : i32
      %add3A_70 = arith.addi %add3A_69, %add3A_68 : i32
      %dma_start3A_71 = tpu.memref_slice %arg3[%add3A_70] : memref<640000xi32, #tpu.memory_space<hbm>> -> memref<128xi32, #tpu.memory_space<hbm>>
      %dma_start3A_72 = tpu.memref_slice %arg3[%add3A_70] : memref<640000xi32, #tpu.memory_space<hbm>> -> memref<128xi32, #tpu.memory_space<hbm>>
      tpu.enqueue_dma source(%dma_start3A_72 : memref<128xi32, #tpu.memory_space<hbm>>) target(%arg9 : memref<128xi32, #tpu.memory_space<vmem>>) target_semaphore(%arg18 : memref<!tpu.dma_semaphore, #tpu.memory_space<semaphore_mem>>)
      %dma_start3A_73 = tpu.memref_slice %arg3[%add3A_68] : memref<640000xi32, #tpu.memory_space<hbm>> -> memref<128xi32, #tpu.memory_space<hbm>>
      %dma_start3A_74 = tpu.memref_slice %arg3[%add3A_68] : memref<640000xi32, #tpu.memory_space<hbm>> -> memref<128xi32, #tpu.memory_space<hbm>>
      tpu.enqueue_dma source(%dma_start3A_74 : memref<128xi32, #tpu.memory_space<hbm>>) target(%arg12 : memref<128xi32, #tpu.memory_space<vmem>>) target_semaphore(%arg21 : memref<!tpu.dma_semaphore, #tpu.memory_space<semaphore_mem>>)
      %add3A_75 = arith.constant 19456 : i32
      %add3A_76 = arith.addi %mul3A_7, %add3A_75 : i32
      %add3A_77 = arith.constant 320000 : i32
      %add3A_78 = arith.addi %add3A_77, %add3A_76 : i32
      %dma_wait3A_79 = tpu.memref_slice %arg3[%add3A_78] : memref<640000xi32, #tpu.memory_space<hbm>> -> memref<128xi32, #tpu.memory_space<hbm>>
      %dma_wait3A_80 = tpu.memref_slice %arg3[%add3A_78] : memref<640000xi32, #tpu.memory_space<hbm>> -> memref<128xi32, #tpu.memory_space<hbm>>
      tpu.wait_dma2 semaphore(%arg20 : memref<!tpu.dma_semaphore, #tpu.memory_space<semaphore_mem>>) src(%dma_wait3A_80 : memref<128xi32, #tpu.memory_space<hbm>>) dst(%arg11 : memref<128xi32, #tpu.memory_space<vmem>>)
      %dma_wait3A_81 = tpu.memref_slice %arg3[%add3A_76] : memref<640000xi32, #tpu.memory_space<hbm>> -> memref<128xi32, #tpu.memory_space<hbm>>
      %dma_wait3A_82 = tpu.memref_slice %arg3[%add3A_76] : memref<640000xi32, #tpu.memory_space<hbm>> -> memref<128xi32, #tpu.memory_space<hbm>>
      tpu.wait_dma2 semaphore(%arg23 : memref<!tpu.dma_semaphore, #tpu.memory_space<semaphore_mem>>) src(%dma_wait3A_82 : memref<128xi32, #tpu.memory_space<hbm>>) dst(%arg14 : memref<128xi32, #tpu.memory_space<vmem>>)
      %dma_start3A_83 = arith.constant 0 : i32
      %dma_start3A_84 = arith.constant 0 : i32
      %dma_start3A_85 = tpu.memref_slice %arg2[%dma_start3A_83, %dma_start3A_84] : memref<10000x128xf32, #tpu.memory_space<hbm>> -> memref<10000x128xf32, #tpu.memory_space<hbm>>
      tpu.enqueue_indirect_dma source(%dma_start3A_85 : memref<10000x128xf32, #tpu.memory_space<hbm>>) target(%arg15 : memref<128x128xf32, #tpu.memory_space<vmem>>) offsets(%arg11 : memref<128xi32, #tpu.memory_space<vmem>>) semaphore(%arg24 : memref<!tpu.dma_semaphore, #tpu.memory_space<semaphore_mem>>)
      %dma_wait3A_86 = arith.constant 0 : i32
      %dma_wait3A_87 = arith.constant 0 : i32
      %dma_wait3A_88 = tpu.memref_slice %arg2[%dma_wait3A_86, %dma_wait3A_87] : memref<10000x128xf32, #tpu.memory_space<hbm>> -> memref<10000x128xf32, #tpu.memory_space<hbm>>
      tpu.wait_indirect_dma semaphore(%arg25 : memref<!tpu.dma_semaphore, #tpu.memory_space<semaphore_mem>>) src(%dma_wait3A_88 : memref<10000x128xf32, #tpu.memory_space<hbm>>) dst(%arg16 : memref<128x128xf32, #tpu.memory_space<vmem>>)
      "tpu.region"() ({
        %run_scoped3A = tpu.sem_alloc : memref<!tpu.dma_semaphore, #tpu.memory_space<semaphore_mem>>
        %dma_start3A_207 = arith.constant 0 : i32
        %dma_start3A_208 = arith.constant 0 : i32
        %dma_start3A_209 = tpu.memref_slice %arg17[%dma_start3A_207, %dma_start3A_208] : memref<10112x128xf32, #tpu.memory_space<vmem_shared>> -> memref<10112x128xf32, #tpu.memory_space<vmem_shared>>
        tpu.enqueue_indirect_dma source(%arg16 : memref<128x128xf32, #tpu.memory_space<vmem>>) target(%dma_start3A_209 : memref<10112x128xf32, #tpu.memory_space<vmem_shared>>) offsets(%arg13 : memref<128xi32, #tpu.memory_space<vmem>>) semaphore(%run_scoped3A : memref<!tpu.dma_semaphore, #tpu.memory_space<semaphore_mem>>) {add = true}
        %dma_wait3A_210 = arith.constant 0 : i32
        %dma_wait3A_211 = arith.constant 0 : i32
        %dma_wait3A_212 = tpu.memref_slice %arg17[%dma_wait3A_210, %dma_wait3A_211] : memref<10112x128xf32, #tpu.memory_space<vmem_shared>> -> memref<10112x128xf32, #tpu.memory_space<vmem_shared>>
        tpu.wait_indirect_dma semaphore(%run_scoped3A : memref<!tpu.dma_semaphore, #tpu.memory_space<semaphore_mem>>) src(%arg16 : memref<128x128xf32, #tpu.memory_space<vmem>>) dst(%dma_wait3A_212 : memref<10112x128xf32, #tpu.memory_space<vmem_shared>>)
        tpu.yield
      }) : () -> ()
      %add3A_89 = arith.constant 19712 : i32
      %add3A_90 = arith.addi %mul3A_7, %add3A_89 : i32
      %add3A_91 = arith.constant 320000 : i32
      %add3A_92 = arith.addi %add3A_91, %add3A_90 : i32
      %dma_start3A_93 = tpu.memref_slice %arg3[%add3A_92] : memref<640000xi32, #tpu.memory_space<hbm>> -> memref<128xi32, #tpu.memory_space<hbm>>
      %dma_start3A_94 = tpu.memref_slice %arg3[%add3A_92] : memref<640000xi32, #tpu.memory_space<hbm>> -> memref<128xi32, #tpu.memory_space<hbm>>
      tpu.enqueue_dma source(%dma_start3A_94 : memref<128xi32, #tpu.memory_space<hbm>>) target(%arg10 : memref<128xi32, #tpu.memory_space<vmem>>) target_semaphore(%arg19 : memref<!tpu.dma_semaphore, #tpu.memory_space<semaphore_mem>>)
      %dma_start3A_95 = tpu.memref_slice %arg3[%add3A_90] : memref<640000xi32, #tpu.memory_space<hbm>> -> memref<128xi32, #tpu.memory_space<hbm>>
      %dma_start3A_96 = tpu.memref_slice %arg3[%add3A_90] : memref<640000xi32, #tpu.memory_space<hbm>> -> memref<128xi32, #tpu.memory_space<hbm>>
      tpu.enqueue_dma source(%dma_start3A_96 : memref<128xi32, #tpu.memory_space<hbm>>) target(%arg13 : memref<128xi32, #tpu.memory_space<vmem>>) target_semaphore(%arg22 : memref<!tpu.dma_semaphore, #tpu.memory_space<semaphore_mem>>)
      %add3A_97 = arith.constant 19584 : i32
      %add3A_98 = arith.addi %mul3A_7, %add3A_97 : i32
      %add3A_99 = arith.constant 320000 : i32
      %add3A_100 = arith.addi %add3A_99, %add3A_98 : i32
      %dma_wait3A_101 = tpu.memref_slice %arg3[%add3A_100] : memref<640000xi32, #tpu.memory_space<hbm>> -> memref<128xi32, #tpu.memory_space<hbm>>
      %dma_wait3A_102 = tpu.memref_slice %arg3[%add3A_100] : memref<640000xi32, #tpu.memory_space<hbm>> -> memref<128xi32, #tpu.memory_space<hbm>>
      tpu.wait_dma2 semaphore(%arg18 : memref<!tpu.dma_semaphore, #tpu.memory_space<semaphore_mem>>) src(%dma_wait3A_102 : memref<128xi32, #tpu.memory_space<hbm>>) dst(%arg9 : memref<128xi32, #tpu.memory_space<vmem>>)
      %dma_wait3A_103 = tpu.memref_slice %arg3[%add3A_98] : memref<640000xi32, #tpu.memory_space<hbm>> -> memref<128xi32, #tpu.memory_space<hbm>>
      %dma_wait3A_104 = tpu.memref_slice %arg3[%add3A_98] : memref<640000xi32, #tpu.memory_space<hbm>> -> memref<128xi32, #tpu.memory_space<hbm>>
      tpu.wait_dma2 semaphore(%arg21 : memref<!tpu.dma_semaphore, #tpu.memory_space<semaphore_mem>>) src(%dma_wait3A_104 : memref<128xi32, #tpu.memory_space<hbm>>) dst(%arg12 : memref<128xi32, #tpu.memory_space<vmem>>)
      %dma_start3A_105 = arith.constant 0 : i32
      %dma_start3A_106 = arith.constant 0 : i32
      %dma_start3A_107 = tpu.memref_slice %arg2[%dma_start3A_105, %dma_start3A_106] : memref<10000x128xf32, #tpu.memory_space<hbm>> -> memref<10000x128xf32, #tpu.memory_space<hbm>>
      tpu.enqueue_indirect_dma source(%dma_start3A_107 : memref<10000x128xf32, #tpu.memory_space<hbm>>) target(%arg16 : memref<128x128xf32, #tpu.memory_space<vmem>>) offsets(%arg9 : memref<128xi32, #tpu.memory_space<vmem>>) semaphore(%arg25 : memref<!tpu.dma_semaphore, #tpu.memory_space<semaphore_mem>>)
      %dma_wait3A_108 = arith.constant 0 : i32
      %dma_wait3A_109 = arith.constant 0 : i32
      %dma_wait3A_110 = tpu.memref_slice %arg2[%dma_wait3A_108, %dma_wait3A_109] : memref<10000x128xf32, #tpu.memory_space<hbm>> -> memref<10000x128xf32, #tpu.memory_space<hbm>>
      tpu.wait_indirect_dma semaphore(%arg24 : memref<!tpu.dma_semaphore, #tpu.memory_space<semaphore_mem>>) src(%dma_wait3A_110 : memref<10000x128xf32, #tpu.memory_space<hbm>>) dst(%arg15 : memref<128x128xf32, #tpu.memory_space<vmem>>)
      "tpu.region"() ({
        %run_scoped3A = tpu.sem_alloc : memref<!tpu.dma_semaphore, #tpu.memory_space<semaphore_mem>>
        %dma_start3A_207 = arith.constant 0 : i32
        %dma_start3A_208 = arith.constant 0 : i32
        %dma_start3A_209 = tpu.memref_slice %arg17[%dma_start3A_207, %dma_start3A_208] : memref<10112x128xf32, #tpu.memory_space<vmem_shared>> -> memref<10112x128xf32, #tpu.memory_space<vmem_shared>>
        tpu.enqueue_indirect_dma source(%arg15 : memref<128x128xf32, #tpu.memory_space<vmem>>) target(%dma_start3A_209 : memref<10112x128xf32, #tpu.memory_space<vmem_shared>>) offsets(%arg14 : memref<128xi32, #tpu.memory_space<vmem>>) semaphore(%run_scoped3A : memref<!tpu.dma_semaphore, #tpu.memory_space<semaphore_mem>>) {add = true}
        %dma_wait3A_210 = arith.constant 0 : i32
        %dma_wait3A_211 = arith.constant 0 : i32
        %dma_wait3A_212 = tpu.memref_slice %arg17[%dma_wait3A_210, %dma_wait3A_211] : memref<10112x128xf32, #tpu.memory_space<vmem_shared>> -> memref<10112x128xf32, #tpu.memory_space<vmem_shared>>
        tpu.wait_indirect_dma semaphore(%run_scoped3A : memref<!tpu.dma_semaphore, #tpu.memory_space<semaphore_mem>>) src(%arg15 : memref<128x128xf32, #tpu.memory_space<vmem>>) dst(%dma_wait3A_212 : memref<10112x128xf32, #tpu.memory_space<vmem_shared>>)
        tpu.yield
      }) : () -> ()
      %add3A_111 = arith.constant 19840 : i32
      %add3A_112 = arith.addi %mul3A_7, %add3A_111 : i32
      %add3A_113 = arith.constant 320000 : i32
      %add3A_114 = arith.addi %add3A_113, %add3A_112 : i32
      %dma_start3A_115 = tpu.memref_slice %arg3[%add3A_114] : memref<640000xi32, #tpu.memory_space<hbm>> -> memref<128xi32, #tpu.memory_space<hbm>>
      %dma_start3A_116 = tpu.memref_slice %arg3[%add3A_114] : memref<640000xi32, #tpu.memory_space<hbm>> -> memref<128xi32, #tpu.memory_space<hbm>>
      tpu.enqueue_dma source(%dma_start3A_116 : memref<128xi32, #tpu.memory_space<hbm>>) target(%arg11 : memref<128xi32, #tpu.memory_space<vmem>>) target_semaphore(%arg20 : memref<!tpu.dma_semaphore, #tpu.memory_space<semaphore_mem>>)
      %dma_start3A_117 = tpu.memref_slice %arg3[%add3A_112] : memref<640000xi32, #tpu.memory_space<hbm>> -> memref<128xi32, #tpu.memory_space<hbm>>
      %dma_start3A_118 = tpu.memref_slice %arg3[%add3A_112] : memref<640000xi32, #tpu.memory_space<hbm>> -> memref<128xi32, #tpu.memory_space<hbm>>
      tpu.enqueue_dma source(%dma_start3A_118 : memref<128xi32, #tpu.memory_space<hbm>>) target(%arg14 : memref<128xi32, #tpu.memory_space<vmem>>) target_semaphore(%arg23 : memref<!tpu.dma_semaphore, #tpu.memory_space<semaphore_mem>>)
      %add3A_119 = arith.constant 19712 : i32
      %add3A_120 = arith.addi %mul3A_7, %add3A_119 : i32
      %add3A_121 = arith.constant 320000 : i32
      %add3A_122 = arith.addi %add3A_121, %add3A_120 : i32
      %dma_wait3A_123 = tpu.memref_slice %arg3[%add3A_122] : memref<640000xi32, #tpu.memory_space<hbm>> -> memref<128xi32, #tpu.memory_space<hbm>>
      %dma_wait3A_124 = tpu.memref_slice %arg3[%add3A_122] : memref<640000xi32, #tpu.memory_space<hbm>> -> memref<128xi32, #tpu.memory_space<hbm>>
      tpu.wait_dma2 semaphore(%arg19 : memref<!tpu.dma_semaphore, #tpu.memory_space<semaphore_mem>>) src(%dma_wait3A_124 : memref<128xi32, #tpu.memory_space<hbm>>) dst(%arg10 : memref<128xi32, #tpu.memory_space<vmem>>)
      %dma_wait3A_125 = tpu.memref_slice %arg3[%add3A_120] : memref<640000xi32, #tpu.memory_space<hbm>> -> memref<128xi32, #tpu.memory_space<hbm>>
      %dma_wait3A_126 = tpu.memref_slice %arg3[%add3A_120] : memref<640000xi32, #tpu.memory_space<hbm>> -> memref<128xi32, #tpu.memory_space<hbm>>
      tpu.wait_dma2 semaphore(%arg22 : memref<!tpu.dma_semaphore, #tpu.memory_space<semaphore_mem>>) src(%dma_wait3A_126 : memref<128xi32, #tpu.memory_space<hbm>>) dst(%arg13 : memref<128xi32, #tpu.memory_space<vmem>>)
      %dma_start3A_127 = arith.constant 0 : i32
      %dma_start3A_128 = arith.constant 0 : i32
      %dma_start3A_129 = tpu.memref_slice %arg2[%dma_start3A_127, %dma_start3A_128] : memref<10000x128xf32, #tpu.memory_space<hbm>> -> memref<10000x128xf32, #tpu.memory_space<hbm>>
      tpu.enqueue_indirect_dma source(%dma_start3A_129 : memref<10000x128xf32, #tpu.memory_space<hbm>>) target(%arg15 : memref<128x128xf32, #tpu.memory_space<vmem>>) offsets(%arg10 : memref<128xi32, #tpu.memory_space<vmem>>) semaphore(%arg24 : memref<!tpu.dma_semaphore, #tpu.memory_space<semaphore_mem>>)
      %dma_wait3A_130 = arith.constant 0 : i32
      %dma_wait3A_131 = arith.constant 0 : i32
      %dma_wait3A_132 = tpu.memref_slice %arg2[%dma_wait3A_130, %dma_wait3A_131] : memref<10000x128xf32, #tpu.memory_space<hbm>> -> memref<10000x128xf32, #tpu.memory_space<hbm>>
      tpu.wait_indirect_dma semaphore(%arg25 : memref<!tpu.dma_semaphore, #tpu.memory_space<semaphore_mem>>) src(%dma_wait3A_132 : memref<10000x128xf32, #tpu.memory_space<hbm>>) dst(%arg16 : memref<128x128xf32, #tpu.memory_space<vmem>>)
      "tpu.region"() ({
        %run_scoped3A = tpu.sem_alloc : memref<!tpu.dma_semaphore, #tpu.memory_space<semaphore_mem>>
        %dma_start3A_207 = arith.constant 0 : i32
        %dma_start3A_208 = arith.constant 0 : i32
        %dma_start3A_209 = tpu.memref_slice %arg17[%dma_start3A_207, %dma_start3A_208] : memref<10112x128xf32, #tpu.memory_space<vmem_shared>> -> memref<10112x128xf32, #tpu.memory_space<vmem_shared>>
        tpu.enqueue_indirect_dma source(%arg16 : memref<128x128xf32, #tpu.memory_space<vmem>>) target(%dma_start3A_209 : memref<10112x128xf32, #tpu.memory_space<vmem_shared>>) offsets(%arg12 : memref<128xi32, #tpu.memory_space<vmem>>) semaphore(%run_scoped3A : memref<!tpu.dma_semaphore, #tpu.memory_space<semaphore_mem>>) {add = true}
        %dma_wait3A_210 = arith.constant 0 : i32
        %dma_wait3A_211 = arith.constant 0 : i32
        %dma_wait3A_212 = tpu.memref_slice %arg17[%dma_wait3A_210, %dma_wait3A_211] : memref<10112x128xf32, #tpu.memory_space<vmem_shared>> -> memref<10112x128xf32, #tpu.memory_space<vmem_shared>>
        tpu.wait_indirect_dma semaphore(%run_scoped3A : memref<!tpu.dma_semaphore, #tpu.memory_space<semaphore_mem>>) src(%arg16 : memref<128x128xf32, #tpu.memory_space<vmem>>) dst(%dma_wait3A_212 : memref<10112x128xf32, #tpu.memory_space<vmem_shared>>)
        tpu.yield
      }) : () -> ()
      %add3A_133 = arith.constant 19840 : i32
      %add3A_134 = arith.addi %mul3A_7, %add3A_133 : i32
      %add3A_135 = arith.constant 320000 : i32
      %add3A_136 = arith.addi %add3A_135, %add3A_134 : i32
      %dma_wait3A_137 = tpu.memref_slice %arg3[%add3A_136] : memref<640000xi32, #tpu.memory_space<hbm>> -> memref<128xi32, #tpu.memory_space<hbm>>
      %dma_wait3A_138 = tpu.memref_slice %arg3[%add3A_136] : memref<640000xi32, #tpu.memory_space<hbm>> -> memref<128xi32, #tpu.memory_space<hbm>>
      tpu.wait_dma2 semaphore(%arg20 : memref<!tpu.dma_semaphore, #tpu.memory_space<semaphore_mem>>) src(%dma_wait3A_138 : memref<128xi32, #tpu.memory_space<hbm>>) dst(%arg11 : memref<128xi32, #tpu.memory_space<vmem>>)
      %dma_wait3A_139 = tpu.memref_slice %arg3[%add3A_134] : memref<640000xi32, #tpu.memory_space<hbm>> -> memref<128xi32, #tpu.memory_space<hbm>>
      %dma_wait3A_140 = tpu.memref_slice %arg3[%add3A_134] : memref<640000xi32, #tpu.memory_space<hbm>> -> memref<128xi32, #tpu.memory_space<hbm>>
      tpu.wait_dma2 semaphore(%arg23 : memref<!tpu.dma_semaphore, #tpu.memory_space<semaphore_mem>>) src(%dma_wait3A_140 : memref<128xi32, #tpu.memory_space<hbm>>) dst(%arg14 : memref<128xi32, #tpu.memory_space<vmem>>)
      %dma_start3A_141 = arith.constant 0 : i32
      %dma_start3A_142 = arith.constant 0 : i32
      %dma_start3A_143 = tpu.memref_slice %arg2[%dma_start3A_141, %dma_start3A_142] : memref<10000x128xf32, #tpu.memory_space<hbm>> -> memref<10000x128xf32, #tpu.memory_space<hbm>>
      tpu.enqueue_indirect_dma source(%dma_start3A_143 : memref<10000x128xf32, #tpu.memory_space<hbm>>) target(%arg16 : memref<128x128xf32, #tpu.memory_space<vmem>>) offsets(%arg11 : memref<128xi32, #tpu.memory_space<vmem>>) semaphore(%arg25 : memref<!tpu.dma_semaphore, #tpu.memory_space<semaphore_mem>>)
      %dma_wait3A_144 = arith.constant 0 : i32
      %dma_wait3A_145 = arith.constant 0 : i32
      %dma_wait3A_146 = tpu.memref_slice %arg2[%dma_wait3A_144, %dma_wait3A_145] : memref<10000x128xf32, #tpu.memory_space<hbm>> -> memref<10000x128xf32, #tpu.memory_space<hbm>>
      tpu.wait_indirect_dma semaphore(%arg24 : memref<!tpu.dma_semaphore, #tpu.memory_space<semaphore_mem>>) src(%dma_wait3A_146 : memref<10000x128xf32, #tpu.memory_space<hbm>>) dst(%arg15 : memref<128x128xf32, #tpu.memory_space<vmem>>)
      "tpu.region"() ({
        %run_scoped3A = tpu.sem_alloc : memref<!tpu.dma_semaphore, #tpu.memory_space<semaphore_mem>>
        %dma_start3A_207 = arith.constant 0 : i32
        %dma_start3A_208 = arith.constant 0 : i32
        %dma_start3A_209 = tpu.memref_slice %arg17[%dma_start3A_207, %dma_start3A_208] : memref<10112x128xf32, #tpu.memory_space<vmem_shared>> -> memref<10112x128xf32, #tpu.memory_space<vmem_shared>>
        tpu.enqueue_indirect_dma source(%arg15 : memref<128x128xf32, #tpu.memory_space<vmem>>) target(%dma_start3A_209 : memref<10112x128xf32, #tpu.memory_space<vmem_shared>>) offsets(%arg13 : memref<128xi32, #tpu.memory_space<vmem>>) semaphore(%run_scoped3A : memref<!tpu.dma_semaphore, #tpu.memory_space<semaphore_mem>>) {add = true}
        %dma_wait3A_210 = arith.constant 0 : i32
        %dma_wait3A_211 = arith.constant 0 : i32
        %dma_wait3A_212 = tpu.memref_slice %arg17[%dma_wait3A_210, %dma_wait3A_211] : memref<10112x128xf32, #tpu.memory_space<vmem_shared>> -> memref<10112x128xf32, #tpu.memory_space<vmem_shared>>
        tpu.wait_indirect_dma semaphore(%run_scoped3A : memref<!tpu.dma_semaphore, #tpu.memory_space<semaphore_mem>>) src(%arg15 : memref<128x128xf32, #tpu.memory_space<vmem>>) dst(%dma_wait3A_212 : memref<10112x128xf32, #tpu.memory_space<vmem_shared>>)
        tpu.yield
      }) : () -> ()
      %dma_wait3A_147 = arith.constant 0 : i32
      %dma_wait3A_148 = arith.constant 0 : i32
      %dma_wait3A_149 = tpu.memref_slice %arg2[%dma_wait3A_147, %dma_wait3A_148] : memref<10000x128xf32, #tpu.memory_space<hbm>> -> memref<10000x128xf32, #tpu.memory_space<hbm>>
      tpu.wait_indirect_dma semaphore(%arg25 : memref<!tpu.dma_semaphore, #tpu.memory_space<semaphore_mem>>) src(%dma_wait3A_149 : memref<10000x128xf32, #tpu.memory_space<hbm>>) dst(%arg16 : memref<128x128xf32, #tpu.memory_space<vmem>>)
      "tpu.region"() ({
        %run_scoped3A = tpu.sem_alloc : memref<!tpu.dma_semaphore, #tpu.memory_space<semaphore_mem>>
        %dma_start3A_207 = arith.constant 0 : i32
        %dma_start3A_208 = arith.constant 0 : i32
        %dma_start3A_209 = tpu.memref_slice %arg17[%dma_start3A_207, %dma_start3A_208] : memref<10112x128xf32, #tpu.memory_space<vmem_shared>> -> memref<10112x128xf32, #tpu.memory_space<vmem_shared>>
        tpu.enqueue_indirect_dma source(%arg16 : memref<128x128xf32, #tpu.memory_space<vmem>>) target(%dma_start3A_209 : memref<10112x128xf32, #tpu.memory_space<vmem_shared>>) offsets(%arg14 : memref<128xi32, #tpu.memory_space<vmem>>) semaphore(%run_scoped3A : memref<!tpu.dma_semaphore, #tpu.memory_space<semaphore_mem>>) {add = true}
        %dma_wait3A_210 = arith.constant 0 : i32
        %dma_wait3A_211 = arith.constant 0 : i32
        %dma_wait3A_212 = tpu.memref_slice %arg17[%dma_wait3A_210, %dma_wait3A_211] : memref<10112x128xf32, #tpu.memory_space<vmem_shared>> -> memref<10112x128xf32, #tpu.memory_space<vmem_shared>>
        tpu.wait_indirect_dma semaphore(%run_scoped3A : memref<!tpu.dma_semaphore, #tpu.memory_space<semaphore_mem>>) src(%arg16 : memref<128x128xf32, #tpu.memory_space<vmem>>) dst(%dma_wait3A_212 : memref<10112x128xf32, #tpu.memory_space<vmem_shared>>)
        tpu.yield
      }) : () -> ()
      %add3A_150 = arith.constant 19968 : i32
      %add3A_151 = arith.addi %mul3A_7, %add3A_150 : i32
      %add3A_152 = arith.constant 320000 : i32
      %add3A_153 = arith.addi %add3A_152, %add3A_151 : i32
      %dma_start3A_154 = arith.constant 0 : i32
      %dma_start3A_155 = tpu.memref_slice %arg9[%dma_start3A_154] : memref<128xi32, #tpu.memory_space<vmem>> -> memref<32xi32, #tpu.memory_space<vmem>>
      %dma_start3A_156 = tpu.memref_slice %arg3[%add3A_153] : memref<640000xi32, #tpu.memory_space<hbm>> -> memref<32xi32, #tpu.memory_space<hbm>>
      %dma_start3A_157 = arith.constant 0 : i32
      %dma_start3A_158 = tpu.memref_slice %arg9[%dma_start3A_157] : memref<128xi32, #tpu.memory_space<vmem>> -> memref<32xi32, #tpu.memory_space<vmem>>
      %dma_start3A_159 = tpu.memref_slice %arg3[%add3A_153] : memref<640000xi32, #tpu.memory_space<hbm>> -> memref<32xi32, #tpu.memory_space<hbm>>
      tpu.enqueue_dma source(%dma_start3A_159 : memref<32xi32, #tpu.memory_space<hbm>>) target(%dma_start3A_158 : memref<32xi32, #tpu.memory_space<vmem>>) target_semaphore(%arg18 : memref<!tpu.dma_semaphore, #tpu.memory_space<semaphore_mem>>)
      %dma_start3A_160 = arith.constant 0 : i32
      %dma_start3A_161 = tpu.memref_slice %arg12[%dma_start3A_160] : memref<128xi32, #tpu.memory_space<vmem>> -> memref<32xi32, #tpu.memory_space<vmem>>
      %dma_start3A_162 = tpu.memref_slice %arg3[%add3A_151] : memref<640000xi32, #tpu.memory_space<hbm>> -> memref<32xi32, #tpu.memory_space<hbm>>
      %dma_start3A_163 = arith.constant 0 : i32
      %dma_start3A_164 = tpu.memref_slice %arg12[%dma_start3A_163] : memref<128xi32, #tpu.memory_space<vmem>> -> memref<32xi32, #tpu.memory_space<vmem>>
      %dma_start3A_165 = tpu.memref_slice %arg3[%add3A_151] : memref<640000xi32, #tpu.memory_space<hbm>> -> memref<32xi32, #tpu.memory_space<hbm>>
      tpu.enqueue_dma source(%dma_start3A_165 : memref<32xi32, #tpu.memory_space<hbm>>) target(%dma_start3A_164 : memref<32xi32, #tpu.memory_space<vmem>>) target_semaphore(%arg21 : memref<!tpu.dma_semaphore, #tpu.memory_space<semaphore_mem>>)
      %add3A_166 = arith.constant 320000 : i32
      %add3A_167 = arith.addi %add3A_166, %add3A_151 : i32
      %dma_wait3A_168 = arith.constant 0 : i32
      %dma_wait3A_169 = tpu.memref_slice %arg9[%dma_wait3A_168] : memref<128xi32, #tpu.memory_space<vmem>> -> memref<32xi32, #tpu.memory_space<vmem>>
      %dma_wait3A_170 = tpu.memref_slice %arg3[%add3A_167] : memref<640000xi32, #tpu.memory_space<hbm>> -> memref<32xi32, #tpu.memory_space<hbm>>
      %dma_wait3A_171 = arith.constant 0 : i32
      %dma_wait3A_172 = tpu.memref_slice %arg9[%dma_wait3A_171] : memref<128xi32, #tpu.memory_space<vmem>> -> memref<32xi32, #tpu.memory_space<vmem>>
      %dma_wait3A_173 = tpu.memref_slice %arg3[%add3A_167] : memref<640000xi32, #tpu.memory_space<hbm>> -> memref<32xi32, #tpu.memory_space<hbm>>
      tpu.wait_dma2 semaphore(%arg18 : memref<!tpu.dma_semaphore, #tpu.memory_space<semaphore_mem>>) src(%dma_wait3A_173 : memref<32xi32, #tpu.memory_space<hbm>>) dst(%dma_wait3A_172 : memref<32xi32, #tpu.memory_space<vmem>>)
      %dma_wait3A_174 = arith.constant 0 : i32
      %dma_wait3A_175 = tpu.memref_slice %arg12[%dma_wait3A_174] : memref<128xi32, #tpu.memory_space<vmem>> -> memref<32xi32, #tpu.memory_space<vmem>>
      %dma_wait3A_176 = tpu.memref_slice %arg3[%add3A_151] : memref<640000xi32, #tpu.memory_space<hbm>> -> memref<32xi32, #tpu.memory_space<hbm>>
      %dma_wait3A_177 = arith.constant 0 : i32
      %dma_wait3A_178 = tpu.memref_slice %arg12[%dma_wait3A_177] : memref<128xi32, #tpu.memory_space<vmem>> -> memref<32xi32, #tpu.memory_space<vmem>>
      %dma_wait3A_179 = tpu.memref_slice %arg3[%add3A_151] : memref<640000xi32, #tpu.memory_space<hbm>> -> memref<32xi32, #tpu.memory_space<hbm>>
      tpu.wait_dma2 semaphore(%arg21 : memref<!tpu.dma_semaphore, #tpu.memory_space<semaphore_mem>>) src(%dma_wait3A_179 : memref<32xi32, #tpu.memory_space<hbm>>) dst(%dma_wait3A_178 : memref<32xi32, #tpu.memory_space<vmem>>)
      %dma_start3A_180 = arith.constant 0 : i32
      %dma_start3A_181 = arith.constant 0 : i32
      %dma_start3A_182 = tpu.memref_slice %arg15[%dma_start3A_180, %dma_start3A_181] : memref<128x128xf32, #tpu.memory_space<vmem>> -> memref<32x128xf32, #tpu.memory_space<vmem>>
      %dma_start3A_183 = arith.constant 0 : i32
      %dma_start3A_184 = tpu.memref_slice %arg9[%dma_start3A_183] : memref<128xi32, #tpu.memory_space<vmem>> -> memref<32xi32, #tpu.memory_space<vmem>>
      %dma_start3A_185 = arith.constant 0 : i32
      %dma_start3A_186 = arith.constant 0 : i32
      %dma_start3A_187 = tpu.memref_slice %arg2[%dma_start3A_185, %dma_start3A_186] : memref<10000x128xf32, #tpu.memory_space<hbm>> -> memref<10000x128xf32, #tpu.memory_space<hbm>>
      tpu.enqueue_indirect_dma source(%dma_start3A_187 : memref<10000x128xf32, #tpu.memory_space<hbm>>) target(%dma_start3A_182 : memref<32x128xf32, #tpu.memory_space<vmem>>) offsets(%dma_start3A_184 : memref<32xi32, #tpu.memory_space<vmem>>) semaphore(%arg24 : memref<!tpu.dma_semaphore, #tpu.memory_space<semaphore_mem>>)
      %dma_wait3A_188 = arith.constant 0 : i32
      %dma_wait3A_189 = arith.constant 0 : i32
      %dma_wait3A_190 = tpu.memref_slice %arg15[%dma_wait3A_188, %dma_wait3A_189] : memref<128x128xf32, #tpu.memory_space<vmem>> -> memref<32x128xf32, #tpu.memory_space<vmem>>
      %dma_wait3A_191 = arith.constant 0 : i32
      %dma_wait3A_192 = tpu.memref_slice %arg9[%dma_wait3A_191] : memref<128xi32, #tpu.memory_space<vmem>> -> memref<32xi32, #tpu.memory_space<vmem>>
      %dma_wait3A_193 = arith.constant 0 : i32
      %dma_wait3A_194 = arith.constant 0 : i32
      %dma_wait3A_195 = tpu.memref_slice %arg2[%dma_wait3A_193, %dma_wait3A_194] : memref<10000x128xf32, #tpu.memory_space<hbm>> -> memref<10000x128xf32, #tpu.memory_space<hbm>>
      tpu.wait_indirect_dma semaphore(%arg24 : memref<!tpu.dma_semaphore, #tpu.memory_space<semaphore_mem>>) src(%dma_wait3A_195 : memref<10000x128xf32, #tpu.memory_space<hbm>>) dst(%dma_wait3A_190 : memref<32x128xf32, #tpu.memory_space<vmem>>)
      "tpu.region"() ({
        %run_scoped3A = tpu.sem_alloc : memref<!tpu.dma_semaphore, #tpu.memory_space<semaphore_mem>>
        %dma_start3A_207 = arith.constant 0 : i32
        %dma_start3A_208 = arith.constant 0 : i32
        %dma_start3A_209 = tpu.memref_slice %arg15[%dma_start3A_207, %dma_start3A_208] : memref<128x128xf32, #tpu.memory_space<vmem>> -> memref<32x128xf32, #tpu.memory_space<vmem>>
        %dma_start3A_210 = arith.constant 0 : i32
        %dma_start3A_211 = tpu.memref_slice %arg12[%dma_start3A_210] : memref<128xi32, #tpu.memory_space<vmem>> -> memref<32xi32, #tpu.memory_space<vmem>>
        %dma_start3A_212 = arith.constant 0 : i32
        %dma_start3A_213 = arith.constant 0 : i32
        %dma_start3A_214 = tpu.memref_slice %arg17[%dma_start3A_212, %dma_start3A_213] : memref<10112x128xf32, #tpu.memory_space<vmem_shared>> -> memref<10112x128xf32, #tpu.memory_space<vmem_shared>>
        tpu.enqueue_indirect_dma source(%dma_start3A_209 : memref<32x128xf32, #tpu.memory_space<vmem>>) target(%dma_start3A_214 : memref<10112x128xf32, #tpu.memory_space<vmem_shared>>) offsets(%dma_start3A_211 : memref<32xi32, #tpu.memory_space<vmem>>) semaphore(%run_scoped3A : memref<!tpu.dma_semaphore, #tpu.memory_space<semaphore_mem>>) {add = true}
        %dma_wait3A_215 = arith.constant 0 : i32
        %dma_wait3A_216 = arith.constant 0 : i32
        %dma_wait3A_217 = tpu.memref_slice %arg15[%dma_wait3A_215, %dma_wait3A_216] : memref<128x128xf32, #tpu.memory_space<vmem>> -> memref<32x128xf32, #tpu.memory_space<vmem>>
        %dma_wait3A_218 = arith.constant 0 : i32
        %dma_wait3A_219 = tpu.memref_slice %arg12[%dma_wait3A_218] : memref<128xi32, #tpu.memory_space<vmem>> -> memref<32xi32, #tpu.memory_space<vmem>>
        %dma_wait3A_220 = arith.constant 0 : i32
        %dma_wait3A_221 = arith.constant 0 : i32
        %dma_wait3A_222 = tpu.memref_slice %arg17[%dma_wait3A_220, %dma_wait3A_221] : memref<10112x128xf32, #tpu.memory_space<vmem_shared>> -> memref<10112x128xf32, #tpu.memory_space<vmem_shared>>
        tpu.wait_indirect_dma semaphore(%run_scoped3A : memref<!tpu.dma_semaphore, #tpu.memory_space<semaphore_mem>>) src(%dma_wait3A_217 : memref<32x128xf32, #tpu.memory_space<vmem>>) dst(%dma_wait3A_222 : memref<10112x128xf32, #tpu.memory_space<vmem_shared>>)
        tpu.yield
      }) : () -> ()
      %barrier3A_196 = arith.constant 0 : index
      tpu.barrier barrier_id(%barrier3A_196)
      %lt3A_197 = arith.constant 15 : i32
      %lt3A_198 = arith.cmpi slt, %arg1, %lt3A_197 : i32
      %convert_element_type3A_199 = arith.extui %lt3A_198 : i1 to i32
      %cond3A_200 = arith.constant 0 : i32
      %cond3A_201 = arith.cmpi ne, %convert_element_type3A_199, %cond3A_200 : i32
      scf.if %cond3A_201 {
        %mul3A_207 = arith.constant 632 : i32
        %mul3A_208 = arith.muli %arg1, %mul3A_207 : i32
        %mul3A_209 = arith.constant 632 : i32
        %mul3A_210 = arith.muli %arg1, %mul3A_209 : i32
        "tpu.region"() ({
          %run_scoped3A = tpu.sem_alloc : memref<!tpu.dma_semaphore, #tpu.memory_space<semaphore_mem>>
          %dma_start3A_211 = arith.constant 0 : i32
          %dma_start3A_212 = tpu.memref_slice %arg7[%mul3A_210, %dma_start3A_211] : memref<10000x128xf32, #tpu.memory_space<hbm>> -> memref<632x128xf32, #tpu.memory_space<hbm>>
          %dma_start3A_213 = arith.constant 0 : i32
          %dma_start3A_214 = tpu.memref_slice %arg17[%mul3A_208, %dma_start3A_213] : memref<10112x128xf32, #tpu.memory_space<vmem_shared>> -> memref<632x128xf32, #tpu.memory_space<vmem_shared>>
          tpu.enqueue_dma source(%dma_start3A_214 : memref<632x128xf32, #tpu.memory_space<vmem_shared>>) target(%dma_start3A_212 : memref<632x128xf32, #tpu.memory_space<hbm>>) target_semaphore(%run_scoped3A : memref<!tpu.dma_semaphore, #tpu.memory_space<semaphore_mem>>)
          %dma_wait3A_215 = arith.constant 0 : i32
          %dma_wait3A_216 = tpu.memref_slice %arg7[%mul3A_210, %dma_wait3A_215] : memref<10000x128xf32, #tpu.memory_space<hbm>> -> memref<632x128xf32, #tpu.memory_space<hbm>>
          %dma_wait3A_217 = arith.constant 0 : i32
          %dma_wait3A_218 = tpu.memref_slice %arg17[%mul3A_208, %dma_wait3A_217] : memref<10112x128xf32, #tpu.memory_space<vmem_shared>> -> memref<632x128xf32, #tpu.memory_space<vmem_shared>>
          tpu.wait_dma2 semaphore(%run_scoped3A : memref<!tpu.dma_semaphore, #tpu.memory_space<semaphore_mem>>) src(%dma_wait3A_218 : memref<632x128xf32, #tpu.memory_space<vmem_shared>>) dst(%dma_wait3A_216 : memref<632x128xf32, #tpu.memory_space<hbm>>)
          tpu.yield
        }) : () -> ()
      } else {
      }
      %eq3A_202 = arith.constant 15 : i32
      %eq3A_203 = arith.cmpi eq, %arg1, %eq3A_202 : i32
      %convert_element_type3A_204 = arith.extui %eq3A_203 : i1 to i32
      %cond3A_205 = arith.constant 0 : i32
      %cond3A_206 = arith.cmpi ne, %convert_element_type3A_204, %cond3A_205 : i32
      scf.if %cond3A_206 {
        "tpu.region"() ({
          %run_scoped3A = tpu.sem_alloc : memref<!tpu.dma_semaphore, #tpu.memory_space<semaphore_mem>>
          %dma_start3A_207 = arith.constant 9480 : i32
          %dma_start3A_208 = arith.constant 0 : i32
          %dma_start3A_209 = tpu.memref_slice %arg7[%dma_start3A_207, %dma_start3A_208] : memref<10000x128xf32, #tpu.memory_space<hbm>> -> memref<520x128xf32, #tpu.memory_space<hbm>>
          %dma_start3A_210 = arith.constant 9480 : i32
          %dma_start3A_211 = arith.constant 0 : i32
          %dma_start3A_212 = tpu.memref_slice %arg17[%dma_start3A_210, %dma_start3A_211] : memref<10112x128xf32, #tpu.memory_space<vmem_shared>> -> memref<520x128xf32, #tpu.memory_space<vmem_shared>>
          tpu.enqueue_dma source(%dma_start3A_212 : memref<520x128xf32, #tpu.memory_space<vmem_shared>>) target(%dma_start3A_209 : memref<520x128xf32, #tpu.memory_space<hbm>>) target_semaphore(%run_scoped3A : memref<!tpu.dma_semaphore, #tpu.memory_space<semaphore_mem>>)
          %dma_wait3A_213 = arith.constant 9480 : i32
          %dma_wait3A_214 = arith.constant 0 : i32
          %dma_wait3A_215 = tpu.memref_slice %arg7[%dma_wait3A_213, %dma_wait3A_214] : memref<10000x128xf32, #tpu.memory_space<hbm>> -> memref<520x128xf32, #tpu.memory_space<hbm>>
          %dma_wait3A_216 = arith.constant 9480 : i32
          %dma_wait3A_217 = arith.constant 0 : i32
          %dma_wait3A_218 = tpu.memref_slice %arg17[%dma_wait3A_216, %dma_wait3A_217] : memref<10112x128xf32, #tpu.memory_space<vmem_shared>> -> memref<520x128xf32, #tpu.memory_space<vmem_shared>>
          tpu.wait_dma2 semaphore(%run_scoped3A : memref<!tpu.dma_semaphore, #tpu.memory_space<semaphore_mem>>) src(%dma_wait3A_218 : memref<520x128xf32, #tpu.memory_space<vmem_shared>>) dst(%dma_wait3A_215 : memref<520x128xf32, #tpu.memory_space<hbm>>)
          tpu.yield
        }) : () -> ()
      } else {
      }
    } else {
    }
    %eq3A_2 = arith.constant 1 : i32
    %eq3A_3 = arith.cmpi eq, %arg0, %eq3A_2 : i32
    %convert_element_type3A_4 = arith.extui %eq3A_3 : i1 to i32
    %cond3A_5 = arith.constant 0 : i32
    %cond3A_6 = arith.cmpi ne, %convert_element_type3A_4, %cond3A_5 : i32
    scf.if %cond3A_6 {
      %mul3A = arith.constant 20000 : i32
      %mul3A_7 = arith.muli %arg1, %mul3A : i32
      %add3A = arith.constant 0 : i32
      %add3A_8 = arith.addi %mul3A_7, %add3A : i32
      %add3A_9 = arith.constant 320000 : i32
      %add3A_10 = arith.addi %add3A_9, %add3A_8 : i32
      %dma_start3A = tpu.memref_slice %arg5[%add3A_10] : memref<640000xi32, #tpu.memory_space<hbm>> -> memref<128xi32, #tpu.memory_space<hbm>>
      %dma_start3A_11 = tpu.memref_slice %arg5[%add3A_10] : memref<640000xi32, #tpu.memory_space<hbm>> -> memref<128xi32, #tpu.memory_space<hbm>>
      tpu.enqueue_dma source(%dma_start3A_11 : memref<128xi32, #tpu.memory_space<hbm>>) target(%arg9 : memref<128xi32, #tpu.memory_space<vmem>>) target_semaphore(%arg18 : memref<!tpu.dma_semaphore, #tpu.memory_space<semaphore_mem>>)
      %dma_start3A_12 = tpu.memref_slice %arg5[%add3A_8] : memref<640000xi32, #tpu.memory_space<hbm>> -> memref<128xi32, #tpu.memory_space<hbm>>
      %dma_start3A_13 = tpu.memref_slice %arg5[%add3A_8] : memref<640000xi32, #tpu.memory_space<hbm>> -> memref<128xi32, #tpu.memory_space<hbm>>
      tpu.enqueue_dma source(%dma_start3A_13 : memref<128xi32, #tpu.memory_space<hbm>>) target(%arg12 : memref<128xi32, #tpu.memory_space<vmem>>) target_semaphore(%arg21 : memref<!tpu.dma_semaphore, #tpu.memory_space<semaphore_mem>>)
      %add3A_14 = arith.constant 128 : i32
      %add3A_15 = arith.addi %mul3A_7, %add3A_14 : i32
      %add3A_16 = arith.constant 320000 : i32
      %add3A_17 = arith.addi %add3A_16, %add3A_15 : i32
      %dma_start3A_18 = tpu.memref_slice %arg5[%add3A_17] : memref<640000xi32, #tpu.memory_space<hbm>> -> memref<128xi32, #tpu.memory_space<hbm>>
      %dma_start3A_19 = tpu.memref_slice %arg5[%add3A_17] : memref<640000xi32, #tpu.memory_space<hbm>> -> memref<128xi32, #tpu.memory_space<hbm>>
      tpu.enqueue_dma source(%dma_start3A_19 : memref<128xi32, #tpu.memory_space<hbm>>) target(%arg10 : memref<128xi32, #tpu.memory_space<vmem>>) target_semaphore(%arg19 : memref<!tpu.dma_semaphore, #tpu.memory_space<semaphore_mem>>)
      %dma_start3A_20 = tpu.memref_slice %arg5[%add3A_15] : memref<640000xi32, #tpu.memory_space<hbm>> -> memref<128xi32, #tpu.memory_space<hbm>>
      %dma_start3A_21 = tpu.memref_slice %arg5[%add3A_15] : memref<640000xi32, #tpu.memory_space<hbm>> -> memref<128xi32, #tpu.memory_space<hbm>>
      tpu.enqueue_dma source(%dma_start3A_21 : memref<128xi32, #tpu.memory_space<hbm>>) target(%arg13 : memref<128xi32, #tpu.memory_space<vmem>>) target_semaphore(%arg22 : memref<!tpu.dma_semaphore, #tpu.memory_space<semaphore_mem>>)
      %lt3A = arith.constant 15 : i32
      %lt3A_22 = arith.cmpi slt, %arg1, %lt3A : i32
      %convert_element_type3A_23 = arith.extui %lt3A_22 : i1 to i32
      %cond3A_24 = arith.constant 0 : i32
      %cond3A_25 = arith.cmpi ne, %convert_element_type3A_23, %cond3A_24 : i32
      scf.if %cond3A_25 {
        %mul3A_207 = arith.constant 632 : i32
        %mul3A_208 = arith.muli %arg1, %mul3A_207 : i32
        "tpu.region"() ({
          %run_scoped3A = tpu.sem_alloc : memref<!tpu.dma_semaphore, #tpu.memory_space<semaphore_mem>>
          %dma_start3A_209 = arith.constant 0 : i32
          %dma_start3A_210 = tpu.memref_slice %arg17[%mul3A_208, %dma_start3A_209] : memref<10112x128xf32, #tpu.memory_space<vmem_shared>> -> memref<632x128xf32, #tpu.memory_space<vmem_shared>>
          %dma_start3A_211 = arith.constant 0 : i32
          %dma_start3A_212 = arith.constant 0 : i32
          %dma_start3A_213 = tpu.memref_slice %arg6[%dma_start3A_211, %dma_start3A_212] : memref<632x128xf32, #tpu.memory_space<hbm>> -> memref<632x128xf32, #tpu.memory_space<hbm>>
          tpu.enqueue_dma source(%dma_start3A_213 : memref<632x128xf32, #tpu.memory_space<hbm>>) target(%dma_start3A_210 : memref<632x128xf32, #tpu.memory_space<vmem_shared>>) target_semaphore(%run_scoped3A : memref<!tpu.dma_semaphore, #tpu.memory_space<semaphore_mem>>)
          %dma_wait3A_214 = arith.constant 0 : i32
          %dma_wait3A_215 = tpu.memref_slice %arg17[%mul3A_208, %dma_wait3A_214] : memref<10112x128xf32, #tpu.memory_space<vmem_shared>> -> memref<632x128xf32, #tpu.memory_space<vmem_shared>>
          %dma_wait3A_216 = arith.constant 0 : i32
          %dma_wait3A_217 = arith.constant 0 : i32
          %dma_wait3A_218 = tpu.memref_slice %arg6[%dma_wait3A_216, %dma_wait3A_217] : memref<632x128xf32, #tpu.memory_space<hbm>> -> memref<632x128xf32, #tpu.memory_space<hbm>>
          tpu.wait_dma2 semaphore(%run_scoped3A : memref<!tpu.dma_semaphore, #tpu.memory_space<semaphore_mem>>) src(%dma_wait3A_218 : memref<632x128xf32, #tpu.memory_space<hbm>>) dst(%dma_wait3A_215 : memref<632x128xf32, #tpu.memory_space<vmem_shared>>)
          tpu.yield
        }) : () -> ()
      } else {
      }
      %eq3A_26 = arith.constant 15 : i32
      %eq3A_27 = arith.cmpi eq, %arg1, %eq3A_26 : i32
      %convert_element_type3A_28 = arith.extui %eq3A_27 : i1 to i32
      %cond3A_29 = arith.constant 0 : i32
      %cond3A_30 = arith.cmpi ne, %convert_element_type3A_28, %cond3A_29 : i32
      scf.if %cond3A_30 {
        "tpu.region"() ({
          %run_scoped3A = tpu.sem_alloc : memref<!tpu.dma_semaphore, #tpu.memory_space<semaphore_mem>>
          %dma_start3A_207 = arith.constant 9480 : i32
          %dma_start3A_208 = arith.constant 0 : i32
          %dma_start3A_209 = tpu.memref_slice %arg17[%dma_start3A_207, %dma_start3A_208] : memref<10112x128xf32, #tpu.memory_space<vmem_shared>> -> memref<520x128xf32, #tpu.memory_space<vmem_shared>>
          %dma_start3A_210 = arith.constant 0 : i32
          %dma_start3A_211 = arith.constant 0 : i32
          %dma_start3A_212 = tpu.memref_slice %arg6[%dma_start3A_210, %dma_start3A_211] : memref<632x128xf32, #tpu.memory_space<hbm>> -> memref<520x128xf32, #tpu.memory_space<hbm>>
          tpu.enqueue_dma source(%dma_start3A_212 : memref<520x128xf32, #tpu.memory_space<hbm>>) target(%dma_start3A_209 : memref<520x128xf32, #tpu.memory_space<vmem_shared>>) target_semaphore(%run_scoped3A : memref<!tpu.dma_semaphore, #tpu.memory_space<semaphore_mem>>)
          %dma_wait3A_213 = arith.constant 9480 : i32
          %dma_wait3A_214 = arith.constant 0 : i32
          %dma_wait3A_215 = tpu.memref_slice %arg17[%dma_wait3A_213, %dma_wait3A_214] : memref<10112x128xf32, #tpu.memory_space<vmem_shared>> -> memref<520x128xf32, #tpu.memory_space<vmem_shared>>
          %dma_wait3A_216 = arith.constant 0 : i32
          %dma_wait3A_217 = arith.constant 0 : i32
          %dma_wait3A_218 = tpu.memref_slice %arg6[%dma_wait3A_216, %dma_wait3A_217] : memref<632x128xf32, #tpu.memory_space<hbm>> -> memref<520x128xf32, #tpu.memory_space<hbm>>
          tpu.wait_dma2 semaphore(%run_scoped3A : memref<!tpu.dma_semaphore, #tpu.memory_space<semaphore_mem>>) src(%dma_wait3A_218 : memref<520x128xf32, #tpu.memory_space<hbm>>) dst(%dma_wait3A_215 : memref<520x128xf32, #tpu.memory_space<vmem_shared>>)
          tpu.yield
        }) : () -> ()
      } else {
      }
      %add3A_31 = arith.constant 0 : i32
      %add3A_32 = arith.addi %mul3A_7, %add3A_31 : i32
      %add3A_33 = arith.constant 320000 : i32
      %add3A_34 = arith.addi %add3A_33, %add3A_32 : i32
      %dma_wait3A = tpu.memref_slice %arg5[%add3A_34] : memref<640000xi32, #tpu.memory_space<hbm>> -> memref<128xi32, #tpu.memory_space<hbm>>
      %dma_wait3A_35 = tpu.memref_slice %arg5[%add3A_34] : memref<640000xi32, #tpu.memory_space<hbm>> -> memref<128xi32, #tpu.memory_space<hbm>>
      tpu.wait_dma2 semaphore(%arg18 : memref<!tpu.dma_semaphore, #tpu.memory_space<semaphore_mem>>) src(%dma_wait3A_35 : memref<128xi32, #tpu.memory_space<hbm>>) dst(%arg9 : memref<128xi32, #tpu.memory_space<vmem>>)
      %dma_wait3A_36 = tpu.memref_slice %arg5[%add3A_32] : memref<640000xi32, #tpu.memory_space<hbm>> -> memref<128xi32, #tpu.memory_space<hbm>>
      %dma_wait3A_37 = tpu.memref_slice %arg5[%add3A_32] : memref<640000xi32, #tpu.memory_space<hbm>> -> memref<128xi32, #tpu.memory_space<hbm>>
      tpu.wait_dma2 semaphore(%arg21 : memref<!tpu.dma_semaphore, #tpu.memory_space<semaphore_mem>>) src(%dma_wait3A_37 : memref<128xi32, #tpu.memory_space<hbm>>) dst(%arg12 : memref<128xi32, #tpu.memory_space<vmem>>)
      %dma_start3A_38 = arith.constant 0 : i32
      %dma_start3A_39 = arith.constant 0 : i32
      %dma_start3A_40 = tpu.memref_slice %arg4[%dma_start3A_38, %dma_start3A_39] : memref<10000x128xf32, #tpu.memory_space<hbm>> -> memref<10000x128xf32, #tpu.memory_space<hbm>>
      tpu.enqueue_indirect_dma source(%dma_start3A_40 : memref<10000x128xf32, #tpu.memory_space<hbm>>) target(%arg15 : memref<128x128xf32, #tpu.memory_space<vmem>>) offsets(%arg9 : memref<128xi32, #tpu.memory_space<vmem>>) semaphore(%arg24 : memref<!tpu.dma_semaphore, #tpu.memory_space<semaphore_mem>>)
      %barrier3A = arith.constant 0 : index
      tpu.barrier barrier_id(%barrier3A)
      %scan3A = arith.constant 0 : i32
      %scan3A_41 = arith.constant 25 : i32
      %scan3A_42 = arith.addi %scan3A, %scan3A_41 : i32
      %scan3A_43 = arith.constant 1 : i32
      scf.for %scan3A_207 = %scan3A to %scan3A_42 step %scan3A_43  : i32 {
        %mul3A_208 = arith.constant 6 : i32
        %mul3A_209 = arith.muli %mul3A_208, %scan3A_207 : i32
        %add3A_210 = arith.constant 0 : i32
        %add3A_211 = arith.addi %mul3A_209, %add3A_210 : i32
        %add3A_212 = arith.constant 2 : i32
        %add3A_213 = arith.addi %add3A_211, %add3A_212 : i32
        %mul3A_214 = arith.constant 128 : i32
        %mul3A_215 = arith.muli %add3A_213, %mul3A_214 : i32
        %add3A_216 = arith.addi %mul3A_7, %mul3A_215 : i32
        %add3A_217 = arith.constant 320000 : i32
        %add3A_218 = arith.addi %add3A_217, %add3A_216 : i32
        %dma_start3A_219 = tpu.memref_slice %arg5[%add3A_218] : memref<640000xi32, #tpu.memory_space<hbm>> -> memref<128xi32, #tpu.memory_space<hbm>>
        %dma_start3A_220 = tpu.memref_slice %arg5[%add3A_218] : memref<640000xi32, #tpu.memory_space<hbm>> -> memref<128xi32, #tpu.memory_space<hbm>>
        tpu.enqueue_dma source(%dma_start3A_220 : memref<128xi32, #tpu.memory_space<hbm>>) target(%arg11 : memref<128xi32, #tpu.memory_space<vmem>>) target_semaphore(%arg20 : memref<!tpu.dma_semaphore, #tpu.memory_space<semaphore_mem>>)
        %dma_start3A_221 = tpu.memref_slice %arg5[%add3A_216] : memref<640000xi32, #tpu.memory_space<hbm>> -> memref<128xi32, #tpu.memory_space<hbm>>
        %dma_start3A_222 = tpu.memref_slice %arg5[%add3A_216] : memref<640000xi32, #tpu.memory_space<hbm>> -> memref<128xi32, #tpu.memory_space<hbm>>
        tpu.enqueue_dma source(%dma_start3A_222 : memref<128xi32, #tpu.memory_space<hbm>>) target(%arg14 : memref<128xi32, #tpu.memory_space<vmem>>) target_semaphore(%arg23 : memref<!tpu.dma_semaphore, #tpu.memory_space<semaphore_mem>>)
        %add3A_223 = arith.constant 1 : i32
        %add3A_224 = arith.addi %add3A_211, %add3A_223 : i32
        %mul3A_225 = arith.constant 128 : i32
        %mul3A_226 = arith.muli %add3A_224, %mul3A_225 : i32
        %add3A_227 = arith.addi %mul3A_7, %mul3A_226 : i32
        %add3A_228 = arith.constant 320000 : i32
        %add3A_229 = arith.addi %add3A_228, %add3A_227 : i32
        %dma_wait3A_230 = tpu.memref_slice %arg5[%add3A_229] : memref<640000xi32, #tpu.memory_space<hbm>> -> memref<128xi32, #tpu.memory_space<hbm>>
        %dma_wait3A_231 = tpu.memref_slice %arg5[%add3A_229] : memref<640000xi32, #tpu.memory_space<hbm>> -> memref<128xi32, #tpu.memory_space<hbm>>
        tpu.wait_dma2 semaphore(%arg19 : memref<!tpu.dma_semaphore, #tpu.memory_space<semaphore_mem>>) src(%dma_wait3A_231 : memref<128xi32, #tpu.memory_space<hbm>>) dst(%arg10 : memref<128xi32, #tpu.memory_space<vmem>>)
        %dma_wait3A_232 = tpu.memref_slice %arg5[%add3A_227] : memref<640000xi32, #tpu.memory_space<hbm>> -> memref<128xi32, #tpu.memory_space<hbm>>
        %dma_wait3A_233 = tpu.memref_slice %arg5[%add3A_227] : memref<640000xi32, #tpu.memory_space<hbm>> -> memref<128xi32, #tpu.memory_space<hbm>>
        tpu.wait_dma2 semaphore(%arg22 : memref<!tpu.dma_semaphore, #tpu.memory_space<semaphore_mem>>) src(%dma_wait3A_233 : memref<128xi32, #tpu.memory_space<hbm>>) dst(%arg13 : memref<128xi32, #tpu.memory_space<vmem>>)
        %dma_start3A_234 = arith.constant 0 : i32
        %dma_start3A_235 = arith.constant 0 : i32
        %dma_start3A_236 = tpu.memref_slice %arg4[%dma_start3A_234, %dma_start3A_235] : memref<10000x128xf32, #tpu.memory_space<hbm>> -> memref<10000x128xf32, #tpu.memory_space<hbm>>
        tpu.enqueue_indirect_dma source(%dma_start3A_236 : memref<10000x128xf32, #tpu.memory_space<hbm>>) target(%arg16 : memref<128x128xf32, #tpu.memory_space<vmem>>) offsets(%arg10 : memref<128xi32, #tpu.memory_space<vmem>>) semaphore(%arg25 : memref<!tpu.dma_semaphore, #tpu.memory_space<semaphore_mem>>)
        %dma_wait3A_237 = arith.constant 0 : i32
        %dma_wait3A_238 = arith.constant 0 : i32
        %dma_wait3A_239 = tpu.memref_slice %arg4[%dma_wait3A_237, %dma_wait3A_238] : memref<10000x128xf32, #tpu.memory_space<hbm>> -> memref<10000x128xf32, #tpu.memory_space<hbm>>
        tpu.wait_indirect_dma semaphore(%arg24 : memref<!tpu.dma_semaphore, #tpu.memory_space<semaphore_mem>>) src(%dma_wait3A_239 : memref<10000x128xf32, #tpu.memory_space<hbm>>) dst(%arg15 : memref<128x128xf32, #tpu.memory_space<vmem>>)
        "tpu.region"() ({
          %run_scoped3A = tpu.sem_alloc : memref<!tpu.dma_semaphore, #tpu.memory_space<semaphore_mem>>
          %dma_start3A_400 = arith.constant 0 : i32
          %dma_start3A_401 = arith.constant 0 : i32
          %dma_start3A_402 = tpu.memref_slice %arg17[%dma_start3A_400, %dma_start3A_401] : memref<10112x128xf32, #tpu.memory_space<vmem_shared>> -> memref<10112x128xf32, #tpu.memory_space<vmem_shared>>
          tpu.enqueue_indirect_dma source(%arg15 : memref<128x128xf32, #tpu.memory_space<vmem>>) target(%dma_start3A_402 : memref<10112x128xf32, #tpu.memory_space<vmem_shared>>) offsets(%arg12 : memref<128xi32, #tpu.memory_space<vmem>>) semaphore(%run_scoped3A : memref<!tpu.dma_semaphore, #tpu.memory_space<semaphore_mem>>) {add = true}
          %dma_wait3A_403 = arith.constant 0 : i32
          %dma_wait3A_404 = arith.constant 0 : i32
          %dma_wait3A_405 = tpu.memref_slice %arg17[%dma_wait3A_403, %dma_wait3A_404] : memref<10112x128xf32, #tpu.memory_space<vmem_shared>> -> memref<10112x128xf32, #tpu.memory_space<vmem_shared>>
          tpu.wait_indirect_dma semaphore(%run_scoped3A : memref<!tpu.dma_semaphore, #tpu.memory_space<semaphore_mem>>) src(%arg15 : memref<128x128xf32, #tpu.memory_space<vmem>>) dst(%dma_wait3A_405 : memref<10112x128xf32, #tpu.memory_space<vmem_shared>>)
          tpu.yield
        }) : () -> ()
        %mul3A_240 = arith.constant 6 : i32
        %mul3A_241 = arith.muli %mul3A_240, %scan3A_207 : i32
        %add3A_242 = arith.constant 1 : i32
        %add3A_243 = arith.addi %mul3A_241, %add3A_242 : i32
        %add3A_244 = arith.constant 2 : i32
        %add3A_245 = arith.addi %add3A_243, %add3A_244 : i32
        %mul3A_246 = arith.constant 128 : i32
        %mul3A_247 = arith.muli %add3A_245, %mul3A_246 : i32
        %add3A_248 = arith.addi %mul3A_7, %mul3A_247 : i32
        %add3A_249 = arith.constant 320000 : i32
        %add3A_250 = arith.addi %add3A_249, %add3A_248 : i32
        %dma_start3A_251 = tpu.memref_slice %arg5[%add3A_250] : memref<640000xi32, #tpu.memory_space<hbm>> -> memref<128xi32, #tpu.memory_space<hbm>>
        %dma_start3A_252 = tpu.memref_slice %arg5[%add3A_250] : memref<640000xi32, #tpu.memory_space<hbm>> -> memref<128xi32, #tpu.memory_space<hbm>>
        tpu.enqueue_dma source(%dma_start3A_252 : memref<128xi32, #tpu.memory_space<hbm>>) target(%arg9 : memref<128xi32, #tpu.memory_space<vmem>>) target_semaphore(%arg18 : memref<!tpu.dma_semaphore, #tpu.memory_space<semaphore_mem>>)
        %dma_start3A_253 = tpu.memref_slice %arg5[%add3A_248] : memref<640000xi32, #tpu.memory_space<hbm>> -> memref<128xi32, #tpu.memory_space<hbm>>
        %dma_start3A_254 = tpu.memref_slice %arg5[%add3A_248] : memref<640000xi32, #tpu.memory_space<hbm>> -> memref<128xi32, #tpu.memory_space<hbm>>
        tpu.enqueue_dma source(%dma_start3A_254 : memref<128xi32, #tpu.memory_space<hbm>>) target(%arg12 : memref<128xi32, #tpu.memory_space<vmem>>) target_semaphore(%arg21 : memref<!tpu.dma_semaphore, #tpu.memory_space<semaphore_mem>>)
        %add3A_255 = arith.constant 1 : i32
        %add3A_256 = arith.addi %add3A_243, %add3A_255 : i32
        %mul3A_257 = arith.constant 128 : i32
        %mul3A_258 = arith.muli %add3A_256, %mul3A_257 : i32
        %add3A_259 = arith.addi %mul3A_7, %mul3A_258 : i32
        %add3A_260 = arith.constant 320000 : i32
        %add3A_261 = arith.addi %add3A_260, %add3A_259 : i32
        %dma_wait3A_262 = tpu.memref_slice %arg5[%add3A_261] : memref<640000xi32, #tpu.memory_space<hbm>> -> memref<128xi32, #tpu.memory_space<hbm>>
        %dma_wait3A_263 = tpu.memref_slice %arg5[%add3A_261] : memref<640000xi32, #tpu.memory_space<hbm>> -> memref<128xi32, #tpu.memory_space<hbm>>
        tpu.wait_dma2 semaphore(%arg20 : memref<!tpu.dma_semaphore, #tpu.memory_space<semaphore_mem>>) src(%dma_wait3A_263 : memref<128xi32, #tpu.memory_space<hbm>>) dst(%arg11 : memref<128xi32, #tpu.memory_space<vmem>>)
        %dma_wait3A_264 = tpu.memref_slice %arg5[%add3A_259] : memref<640000xi32, #tpu.memory_space<hbm>> -> memref<128xi32, #tpu.memory_space<hbm>>
        %dma_wait3A_265 = tpu.memref_slice %arg5[%add3A_259] : memref<640000xi32, #tpu.memory_space<hbm>> -> memref<128xi32, #tpu.memory_space<hbm>>
        tpu.wait_dma2 semaphore(%arg23 : memref<!tpu.dma_semaphore, #tpu.memory_space<semaphore_mem>>) src(%dma_wait3A_265 : memref<128xi32, #tpu.memory_space<hbm>>) dst(%arg14 : memref<128xi32, #tpu.memory_space<vmem>>)
        %dma_start3A_266 = arith.constant 0 : i32
        %dma_start3A_267 = arith.constant 0 : i32
        %dma_start3A_268 = tpu.memref_slice %arg4[%dma_start3A_266, %dma_start3A_267] : memref<10000x128xf32, #tpu.memory_space<hbm>> -> memref<10000x128xf32, #tpu.memory_space<hbm>>
        tpu.enqueue_indirect_dma source(%dma_start3A_268 : memref<10000x128xf32, #tpu.memory_space<hbm>>) target(%arg15 : memref<128x128xf32, #tpu.memory_space<vmem>>) offsets(%arg11 : memref<128xi32, #tpu.memory_space<vmem>>) semaphore(%arg24 : memref<!tpu.dma_semaphore, #tpu.memory_space<semaphore_mem>>)
        %dma_wait3A_269 = arith.constant 0 : i32
        %dma_wait3A_270 = arith.constant 0 : i32
        %dma_wait3A_271 = tpu.memref_slice %arg4[%dma_wait3A_269, %dma_wait3A_270] : memref<10000x128xf32, #tpu.memory_space<hbm>> -> memref<10000x128xf32, #tpu.memory_space<hbm>>
        tpu.wait_indirect_dma semaphore(%arg25 : memref<!tpu.dma_semaphore, #tpu.memory_space<semaphore_mem>>) src(%dma_wait3A_271 : memref<10000x128xf32, #tpu.memory_space<hbm>>) dst(%arg16 : memref<128x128xf32, #tpu.memory_space<vmem>>)
        "tpu.region"() ({
          %run_scoped3A = tpu.sem_alloc : memref<!tpu.dma_semaphore, #tpu.memory_space<semaphore_mem>>
          %dma_start3A_400 = arith.constant 0 : i32
          %dma_start3A_401 = arith.constant 0 : i32
          %dma_start3A_402 = tpu.memref_slice %arg17[%dma_start3A_400, %dma_start3A_401] : memref<10112x128xf32, #tpu.memory_space<vmem_shared>> -> memref<10112x128xf32, #tpu.memory_space<vmem_shared>>
          tpu.enqueue_indirect_dma source(%arg16 : memref<128x128xf32, #tpu.memory_space<vmem>>) target(%dma_start3A_402 : memref<10112x128xf32, #tpu.memory_space<vmem_shared>>) offsets(%arg13 : memref<128xi32, #tpu.memory_space<vmem>>) semaphore(%run_scoped3A : memref<!tpu.dma_semaphore, #tpu.memory_space<semaphore_mem>>) {add = true}
          %dma_wait3A_403 = arith.constant 0 : i32
          %dma_wait3A_404 = arith.constant 0 : i32
          %dma_wait3A_405 = tpu.memref_slice %arg17[%dma_wait3A_403, %dma_wait3A_404] : memref<10112x128xf32, #tpu.memory_space<vmem_shared>> -> memref<10112x128xf32, #tpu.memory_space<vmem_shared>>
          tpu.wait_indirect_dma semaphore(%run_scoped3A : memref<!tpu.dma_semaphore, #tpu.memory_space<semaphore_mem>>) src(%arg16 : memref<128x128xf32, #tpu.memory_space<vmem>>) dst(%dma_wait3A_405 : memref<10112x128xf32, #tpu.memory_space<vmem_shared>>)
          tpu.yield
        }) : () -> ()
        %mul3A_272 = arith.constant 6 : i32
        %mul3A_273 = arith.muli %mul3A_272, %scan3A_207 : i32
        %add3A_274 = arith.constant 2 : i32
        %add3A_275 = arith.addi %mul3A_273, %add3A_274 : i32
        %add3A_276 = arith.constant 2 : i32
        %add3A_277 = arith.addi %add3A_275, %add3A_276 : i32
        %mul3A_278 = arith.constant 128 : i32
        %mul3A_279 = arith.muli %add3A_277, %mul3A_278 : i32
        %add3A_280 = arith.addi %mul3A_7, %mul3A_279 : i32
        %add3A_281 = arith.constant 320000 : i32
        %add3A_282 = arith.addi %add3A_281, %add3A_280 : i32
        %dma_start3A_283 = tpu.memref_slice %arg5[%add3A_282] : memref<640000xi32, #tpu.memory_space<hbm>> -> memref<128xi32, #tpu.memory_space<hbm>>
        %dma_start3A_284 = tpu.memref_slice %arg5[%add3A_282] : memref<640000xi32, #tpu.memory_space<hbm>> -> memref<128xi32, #tpu.memory_space<hbm>>
        tpu.enqueue_dma source(%dma_start3A_284 : memref<128xi32, #tpu.memory_space<hbm>>) target(%arg10 : memref<128xi32, #tpu.memory_space<vmem>>) target_semaphore(%arg19 : memref<!tpu.dma_semaphore, #tpu.memory_space<semaphore_mem>>)
        %dma_start3A_285 = tpu.memref_slice %arg5[%add3A_280] : memref<640000xi32, #tpu.memory_space<hbm>> -> memref<128xi32, #tpu.memory_space<hbm>>
        %dma_start3A_286 = tpu.memref_slice %arg5[%add3A_280] : memref<640000xi32, #tpu.memory_space<hbm>> -> memref<128xi32, #tpu.memory_space<hbm>>
        tpu.enqueue_dma source(%dma_start3A_286 : memref<128xi32, #tpu.memory_space<hbm>>) target(%arg13 : memref<128xi32, #tpu.memory_space<vmem>>) target_semaphore(%arg22 : memref<!tpu.dma_semaphore, #tpu.memory_space<semaphore_mem>>)
        %add3A_287 = arith.constant 1 : i32
        %add3A_288 = arith.addi %add3A_275, %add3A_287 : i32
        %mul3A_289 = arith.constant 128 : i32
        %mul3A_290 = arith.muli %add3A_288, %mul3A_289 : i32
        %add3A_291 = arith.addi %mul3A_7, %mul3A_290 : i32
        %add3A_292 = arith.constant 320000 : i32
        %add3A_293 = arith.addi %add3A_292, %add3A_291 : i32
        %dma_wait3A_294 = tpu.memref_slice %arg5[%add3A_293] : memref<640000xi32, #tpu.memory_space<hbm>> -> memref<128xi32, #tpu.memory_space<hbm>>
        %dma_wait3A_295 = tpu.memref_slice %arg5[%add3A_293] : memref<640000xi32, #tpu.memory_space<hbm>> -> memref<128xi32, #tpu.memory_space<hbm>>
        tpu.wait_dma2 semaphore(%arg18 : memref<!tpu.dma_semaphore, #tpu.memory_space<semaphore_mem>>) src(%dma_wait3A_295 : memref<128xi32, #tpu.memory_space<hbm>>) dst(%arg9 : memref<128xi32, #tpu.memory_space<vmem>>)
        %dma_wait3A_296 = tpu.memref_slice %arg5[%add3A_291] : memref<640000xi32, #tpu.memory_space<hbm>> -> memref<128xi32, #tpu.memory_space<hbm>>
        %dma_wait3A_297 = tpu.memref_slice %arg5[%add3A_291] : memref<640000xi32, #tpu.memory_space<hbm>> -> memref<128xi32, #tpu.memory_space<hbm>>
        tpu.wait_dma2 semaphore(%arg21 : memref<!tpu.dma_semaphore, #tpu.memory_space<semaphore_mem>>) src(%dma_wait3A_297 : memref<128xi32, #tpu.memory_space<hbm>>) dst(%arg12 : memref<128xi32, #tpu.memory_space<vmem>>)
        %dma_start3A_298 = arith.constant 0 : i32
        %dma_start3A_299 = arith.constant 0 : i32
        %dma_start3A_300 = tpu.memref_slice %arg4[%dma_start3A_298, %dma_start3A_299] : memref<10000x128xf32, #tpu.memory_space<hbm>> -> memref<10000x128xf32, #tpu.memory_space<hbm>>
        tpu.enqueue_indirect_dma source(%dma_start3A_300 : memref<10000x128xf32, #tpu.memory_space<hbm>>) target(%arg16 : memref<128x128xf32, #tpu.memory_space<vmem>>) offsets(%arg9 : memref<128xi32, #tpu.memory_space<vmem>>) semaphore(%arg25 : memref<!tpu.dma_semaphore, #tpu.memory_space<semaphore_mem>>)
        %dma_wait3A_301 = arith.constant 0 : i32
        %dma_wait3A_302 = arith.constant 0 : i32
        %dma_wait3A_303 = tpu.memref_slice %arg4[%dma_wait3A_301, %dma_wait3A_302] : memref<10000x128xf32, #tpu.memory_space<hbm>> -> memref<10000x128xf32, #tpu.memory_space<hbm>>
        tpu.wait_indirect_dma semaphore(%arg24 : memref<!tpu.dma_semaphore, #tpu.memory_space<semaphore_mem>>) src(%dma_wait3A_303 : memref<10000x128xf32, #tpu.memory_space<hbm>>) dst(%arg15 : memref<128x128xf32, #tpu.memory_space<vmem>>)
        "tpu.region"() ({
          %run_scoped3A = tpu.sem_alloc : memref<!tpu.dma_semaphore, #tpu.memory_space<semaphore_mem>>
          %dma_start3A_400 = arith.constant 0 : i32
          %dma_start3A_401 = arith.constant 0 : i32
          %dma_start3A_402 = tpu.memref_slice %arg17[%dma_start3A_400, %dma_start3A_401] : memref<10112x128xf32, #tpu.memory_space<vmem_shared>> -> memref<10112x128xf32, #tpu.memory_space<vmem_shared>>
          tpu.enqueue_indirect_dma source(%arg15 : memref<128x128xf32, #tpu.memory_space<vmem>>) target(%dma_start3A_402 : memref<10112x128xf32, #tpu.memory_space<vmem_shared>>) offsets(%arg14 : memref<128xi32, #tpu.memory_space<vmem>>) semaphore(%run_scoped3A : memref<!tpu.dma_semaphore, #tpu.memory_space<semaphore_mem>>) {add = true}
          %dma_wait3A_403 = arith.constant 0 : i32
          %dma_wait3A_404 = arith.constant 0 : i32
          %dma_wait3A_405 = tpu.memref_slice %arg17[%dma_wait3A_403, %dma_wait3A_404] : memref<10112x128xf32, #tpu.memory_space<vmem_shared>> -> memref<10112x128xf32, #tpu.memory_space<vmem_shared>>
          tpu.wait_indirect_dma semaphore(%run_scoped3A : memref<!tpu.dma_semaphore, #tpu.memory_space<semaphore_mem>>) src(%arg15 : memref<128x128xf32, #tpu.memory_space<vmem>>) dst(%dma_wait3A_405 : memref<10112x128xf32, #tpu.memory_space<vmem_shared>>)
          tpu.yield
        }) : () -> ()
        %mul3A_304 = arith.constant 6 : i32
        %mul3A_305 = arith.muli %mul3A_304, %scan3A_207 : i32
        %add3A_306 = arith.constant 3 : i32
        %add3A_307 = arith.addi %mul3A_305, %add3A_306 : i32
        %add3A_308 = arith.constant 2 : i32
        %add3A_309 = arith.addi %add3A_307, %add3A_308 : i32
        %mul3A_310 = arith.constant 128 : i32
        %mul3A_311 = arith.muli %add3A_309, %mul3A_310 : i32
        %add3A_312 = arith.addi %mul3A_7, %mul3A_311 : i32
        %add3A_313 = arith.constant 320000 : i32
        %add3A_314 = arith.addi %add3A_313, %add3A_312 : i32
        %dma_start3A_315 = tpu.memref_slice %arg5[%add3A_314] : memref<640000xi32, #tpu.memory_space<hbm>> -> memref<128xi32, #tpu.memory_space<hbm>>
        %dma_start3A_316 = tpu.memref_slice %arg5[%add3A_314] : memref<640000xi32, #tpu.memory_space<hbm>> -> memref<128xi32, #tpu.memory_space<hbm>>
        tpu.enqueue_dma source(%dma_start3A_316 : memref<128xi32, #tpu.memory_space<hbm>>) target(%arg11 : memref<128xi32, #tpu.memory_space<vmem>>) target_semaphore(%arg20 : memref<!tpu.dma_semaphore, #tpu.memory_space<semaphore_mem>>)
        %dma_start3A_317 = tpu.memref_slice %arg5[%add3A_312] : memref<640000xi32, #tpu.memory_space<hbm>> -> memref<128xi32, #tpu.memory_space<hbm>>
        %dma_start3A_318 = tpu.memref_slice %arg5[%add3A_312] : memref<640000xi32, #tpu.memory_space<hbm>> -> memref<128xi32, #tpu.memory_space<hbm>>
        tpu.enqueue_dma source(%dma_start3A_318 : memref<128xi32, #tpu.memory_space<hbm>>) target(%arg14 : memref<128xi32, #tpu.memory_space<vmem>>) target_semaphore(%arg23 : memref<!tpu.dma_semaphore, #tpu.memory_space<semaphore_mem>>)
        %add3A_319 = arith.constant 1 : i32
        %add3A_320 = arith.addi %add3A_307, %add3A_319 : i32
        %mul3A_321 = arith.constant 128 : i32
        %mul3A_322 = arith.muli %add3A_320, %mul3A_321 : i32
        %add3A_323 = arith.addi %mul3A_7, %mul3A_322 : i32
        %add3A_324 = arith.constant 320000 : i32
        %add3A_325 = arith.addi %add3A_324, %add3A_323 : i32
        %dma_wait3A_326 = tpu.memref_slice %arg5[%add3A_325] : memref<640000xi32, #tpu.memory_space<hbm>> -> memref<128xi32, #tpu.memory_space<hbm>>
        %dma_wait3A_327 = tpu.memref_slice %arg5[%add3A_325] : memref<640000xi32, #tpu.memory_space<hbm>> -> memref<128xi32, #tpu.memory_space<hbm>>
        tpu.wait_dma2 semaphore(%arg19 : memref<!tpu.dma_semaphore, #tpu.memory_space<semaphore_mem>>) src(%dma_wait3A_327 : memref<128xi32, #tpu.memory_space<hbm>>) dst(%arg10 : memref<128xi32, #tpu.memory_space<vmem>>)
        %dma_wait3A_328 = tpu.memref_slice %arg5[%add3A_323] : memref<640000xi32, #tpu.memory_space<hbm>> -> memref<128xi32, #tpu.memory_space<hbm>>
        %dma_wait3A_329 = tpu.memref_slice %arg5[%add3A_323] : memref<640000xi32, #tpu.memory_space<hbm>> -> memref<128xi32, #tpu.memory_space<hbm>>
        tpu.wait_dma2 semaphore(%arg22 : memref<!tpu.dma_semaphore, #tpu.memory_space<semaphore_mem>>) src(%dma_wait3A_329 : memref<128xi32, #tpu.memory_space<hbm>>) dst(%arg13 : memref<128xi32, #tpu.memory_space<vmem>>)
        %dma_start3A_330 = arith.constant 0 : i32
        %dma_start3A_331 = arith.constant 0 : i32
        %dma_start3A_332 = tpu.memref_slice %arg4[%dma_start3A_330, %dma_start3A_331] : memref<10000x128xf32, #tpu.memory_space<hbm>> -> memref<10000x128xf32, #tpu.memory_space<hbm>>
        tpu.enqueue_indirect_dma source(%dma_start3A_332 : memref<10000x128xf32, #tpu.memory_space<hbm>>) target(%arg15 : memref<128x128xf32, #tpu.memory_space<vmem>>) offsets(%arg10 : memref<128xi32, #tpu.memory_space<vmem>>) semaphore(%arg24 : memref<!tpu.dma_semaphore, #tpu.memory_space<semaphore_mem>>)
        %dma_wait3A_333 = arith.constant 0 : i32
        %dma_wait3A_334 = arith.constant 0 : i32
        %dma_wait3A_335 = tpu.memref_slice %arg4[%dma_wait3A_333, %dma_wait3A_334] : memref<10000x128xf32, #tpu.memory_space<hbm>> -> memref<10000x128xf32, #tpu.memory_space<hbm>>
        tpu.wait_indirect_dma semaphore(%arg25 : memref<!tpu.dma_semaphore, #tpu.memory_space<semaphore_mem>>) src(%dma_wait3A_335 : memref<10000x128xf32, #tpu.memory_space<hbm>>) dst(%arg16 : memref<128x128xf32, #tpu.memory_space<vmem>>)
        "tpu.region"() ({
          %run_scoped3A = tpu.sem_alloc : memref<!tpu.dma_semaphore, #tpu.memory_space<semaphore_mem>>
          %dma_start3A_400 = arith.constant 0 : i32
          %dma_start3A_401 = arith.constant 0 : i32
          %dma_start3A_402 = tpu.memref_slice %arg17[%dma_start3A_400, %dma_start3A_401] : memref<10112x128xf32, #tpu.memory_space<vmem_shared>> -> memref<10112x128xf32, #tpu.memory_space<vmem_shared>>
          tpu.enqueue_indirect_dma source(%arg16 : memref<128x128xf32, #tpu.memory_space<vmem>>) target(%dma_start3A_402 : memref<10112x128xf32, #tpu.memory_space<vmem_shared>>) offsets(%arg12 : memref<128xi32, #tpu.memory_space<vmem>>) semaphore(%run_scoped3A : memref<!tpu.dma_semaphore, #tpu.memory_space<semaphore_mem>>) {add = true}
          %dma_wait3A_403 = arith.constant 0 : i32
          %dma_wait3A_404 = arith.constant 0 : i32
          %dma_wait3A_405 = tpu.memref_slice %arg17[%dma_wait3A_403, %dma_wait3A_404] : memref<10112x128xf32, #tpu.memory_space<vmem_shared>> -> memref<10112x128xf32, #tpu.memory_space<vmem_shared>>
          tpu.wait_indirect_dma semaphore(%run_scoped3A : memref<!tpu.dma_semaphore, #tpu.memory_space<semaphore_mem>>) src(%arg16 : memref<128x128xf32, #tpu.memory_space<vmem>>) dst(%dma_wait3A_405 : memref<10112x128xf32, #tpu.memory_space<vmem_shared>>)
          tpu.yield
        }) : () -> ()
        %mul3A_336 = arith.constant 6 : i32
        %mul3A_337 = arith.muli %mul3A_336, %scan3A_207 : i32
        %add3A_338 = arith.constant 4 : i32
        %add3A_339 = arith.addi %mul3A_337, %add3A_338 : i32
        %add3A_340 = arith.constant 2 : i32
        %add3A_341 = arith.addi %add3A_339, %add3A_340 : i32
        %mul3A_342 = arith.constant 128 : i32
        %mul3A_343 = arith.muli %add3A_341, %mul3A_342 : i32
        %add3A_344 = arith.addi %mul3A_7, %mul3A_343 : i32
        %add3A_345 = arith.constant 320000 : i32
        %add3A_346 = arith.addi %add3A_345, %add3A_344 : i32
        %dma_start3A_347 = tpu.memref_slice %arg5[%add3A_346] : memref<640000xi32, #tpu.memory_space<hbm>> -> memref<128xi32, #tpu.memory_space<hbm>>
        %dma_start3A_348 = tpu.memref_slice %arg5[%add3A_346] : memref<640000xi32, #tpu.memory_space<hbm>> -> memref<128xi32, #tpu.memory_space<hbm>>
        tpu.enqueue_dma source(%dma_start3A_348 : memref<128xi32, #tpu.memory_space<hbm>>) target(%arg9 : memref<128xi32, #tpu.memory_space<vmem>>) target_semaphore(%arg18 : memref<!tpu.dma_semaphore, #tpu.memory_space<semaphore_mem>>)
        %dma_start3A_349 = tpu.memref_slice %arg5[%add3A_344] : memref<640000xi32, #tpu.memory_space<hbm>> -> memref<128xi32, #tpu.memory_space<hbm>>
        %dma_start3A_350 = tpu.memref_slice %arg5[%add3A_344] : memref<640000xi32, #tpu.memory_space<hbm>> -> memref<128xi32, #tpu.memory_space<hbm>>
        tpu.enqueue_dma source(%dma_start3A_350 : memref<128xi32, #tpu.memory_space<hbm>>) target(%arg12 : memref<128xi32, #tpu.memory_space<vmem>>) target_semaphore(%arg21 : memref<!tpu.dma_semaphore, #tpu.memory_space<semaphore_mem>>)
        %add3A_351 = arith.constant 1 : i32
        %add3A_352 = arith.addi %add3A_339, %add3A_351 : i32
        %mul3A_353 = arith.constant 128 : i32
        %mul3A_354 = arith.muli %add3A_352, %mul3A_353 : i32
        %add3A_355 = arith.addi %mul3A_7, %mul3A_354 : i32
        %add3A_356 = arith.constant 320000 : i32
        %add3A_357 = arith.addi %add3A_356, %add3A_355 : i32
        %dma_wait3A_358 = tpu.memref_slice %arg5[%add3A_357] : memref<640000xi32, #tpu.memory_space<hbm>> -> memref<128xi32, #tpu.memory_space<hbm>>
        %dma_wait3A_359 = tpu.memref_slice %arg5[%add3A_357] : memref<640000xi32, #tpu.memory_space<hbm>> -> memref<128xi32, #tpu.memory_space<hbm>>
        tpu.wait_dma2 semaphore(%arg20 : memref<!tpu.dma_semaphore, #tpu.memory_space<semaphore_mem>>) src(%dma_wait3A_359 : memref<128xi32, #tpu.memory_space<hbm>>) dst(%arg11 : memref<128xi32, #tpu.memory_space<vmem>>)
        %dma_wait3A_360 = tpu.memref_slice %arg5[%add3A_355] : memref<640000xi32, #tpu.memory_space<hbm>> -> memref<128xi32, #tpu.memory_space<hbm>>
        %dma_wait3A_361 = tpu.memref_slice %arg5[%add3A_355] : memref<640000xi32, #tpu.memory_space<hbm>> -> memref<128xi32, #tpu.memory_space<hbm>>
        tpu.wait_dma2 semaphore(%arg23 : memref<!tpu.dma_semaphore, #tpu.memory_space<semaphore_mem>>) src(%dma_wait3A_361 : memref<128xi32, #tpu.memory_space<hbm>>) dst(%arg14 : memref<128xi32, #tpu.memory_space<vmem>>)
        %dma_start3A_362 = arith.constant 0 : i32
        %dma_start3A_363 = arith.constant 0 : i32
        %dma_start3A_364 = tpu.memref_slice %arg4[%dma_start3A_362, %dma_start3A_363] : memref<10000x128xf32, #tpu.memory_space<hbm>> -> memref<10000x128xf32, #tpu.memory_space<hbm>>
        tpu.enqueue_indirect_dma source(%dma_start3A_364 : memref<10000x128xf32, #tpu.memory_space<hbm>>) target(%arg16 : memref<128x128xf32, #tpu.memory_space<vmem>>) offsets(%arg11 : memref<128xi32, #tpu.memory_space<vmem>>) semaphore(%arg25 : memref<!tpu.dma_semaphore, #tpu.memory_space<semaphore_mem>>)
        %dma_wait3A_365 = arith.constant 0 : i32
        %dma_wait3A_366 = arith.constant 0 : i32
        %dma_wait3A_367 = tpu.memref_slice %arg4[%dma_wait3A_365, %dma_wait3A_366] : memref<10000x128xf32, #tpu.memory_space<hbm>> -> memref<10000x128xf32, #tpu.memory_space<hbm>>
        tpu.wait_indirect_dma semaphore(%arg24 : memref<!tpu.dma_semaphore, #tpu.memory_space<semaphore_mem>>) src(%dma_wait3A_367 : memref<10000x128xf32, #tpu.memory_space<hbm>>) dst(%arg15 : memref<128x128xf32, #tpu.memory_space<vmem>>)
        "tpu.region"() ({
          %run_scoped3A = tpu.sem_alloc : memref<!tpu.dma_semaphore, #tpu.memory_space<semaphore_mem>>
          %dma_start3A_400 = arith.constant 0 : i32
          %dma_start3A_401 = arith.constant 0 : i32
          %dma_start3A_402 = tpu.memref_slice %arg17[%dma_start3A_400, %dma_start3A_401] : memref<10112x128xf32, #tpu.memory_space<vmem_shared>> -> memref<10112x128xf32, #tpu.memory_space<vmem_shared>>
          tpu.enqueue_indirect_dma source(%arg15 : memref<128x128xf32, #tpu.memory_space<vmem>>) target(%dma_start3A_402 : memref<10112x128xf32, #tpu.memory_space<vmem_shared>>) offsets(%arg13 : memref<128xi32, #tpu.memory_space<vmem>>) semaphore(%run_scoped3A : memref<!tpu.dma_semaphore, #tpu.memory_space<semaphore_mem>>) {add = true}
          %dma_wait3A_403 = arith.constant 0 : i32
          %dma_wait3A_404 = arith.constant 0 : i32
          %dma_wait3A_405 = tpu.memref_slice %arg17[%dma_wait3A_403, %dma_wait3A_404] : memref<10112x128xf32, #tpu.memory_space<vmem_shared>> -> memref<10112x128xf32, #tpu.memory_space<vmem_shared>>
          tpu.wait_indirect_dma semaphore(%run_scoped3A : memref<!tpu.dma_semaphore, #tpu.memory_space<semaphore_mem>>) src(%arg15 : memref<128x128xf32, #tpu.memory_space<vmem>>) dst(%dma_wait3A_405 : memref<10112x128xf32, #tpu.memory_space<vmem_shared>>)
          tpu.yield
        }) : () -> ()
        %mul3A_368 = arith.constant 6 : i32
        %mul3A_369 = arith.muli %mul3A_368, %scan3A_207 : i32
        %add3A_370 = arith.constant 5 : i32
        %add3A_371 = arith.addi %mul3A_369, %add3A_370 : i32
        %add3A_372 = arith.constant 2 : i32
        %add3A_373 = arith.addi %add3A_371, %add3A_372 : i32
        %mul3A_374 = arith.constant 128 : i32
        %mul3A_375 = arith.muli %add3A_373, %mul3A_374 : i32
        %add3A_376 = arith.addi %mul3A_7, %mul3A_375 : i32
        %add3A_377 = arith.constant 320000 : i32
        %add3A_378 = arith.addi %add3A_377, %add3A_376 : i32
        %dma_start3A_379 = tpu.memref_slice %arg5[%add3A_378] : memref<640000xi32, #tpu.memory_space<hbm>> -> memref<128xi32, #tpu.memory_space<hbm>>
        %dma_start3A_380 = tpu.memref_slice %arg5[%add3A_378] : memref<640000xi32, #tpu.memory_space<hbm>> -> memref<128xi32, #tpu.memory_space<hbm>>
        tpu.enqueue_dma source(%dma_start3A_380 : memref<128xi32, #tpu.memory_space<hbm>>) target(%arg10 : memref<128xi32, #tpu.memory_space<vmem>>) target_semaphore(%arg19 : memref<!tpu.dma_semaphore, #tpu.memory_space<semaphore_mem>>)
        %dma_start3A_381 = tpu.memref_slice %arg5[%add3A_376] : memref<640000xi32, #tpu.memory_space<hbm>> -> memref<128xi32, #tpu.memory_space<hbm>>
        %dma_start3A_382 = tpu.memref_slice %arg5[%add3A_376] : memref<640000xi32, #tpu.memory_space<hbm>> -> memref<128xi32, #tpu.memory_space<hbm>>
        tpu.enqueue_dma source(%dma_start3A_382 : memref<128xi32, #tpu.memory_space<hbm>>) target(%arg13 : memref<128xi32, #tpu.memory_space<vmem>>) target_semaphore(%arg22 : memref<!tpu.dma_semaphore, #tpu.memory_space<semaphore_mem>>)
        %add3A_383 = arith.constant 1 : i32
        %add3A_384 = arith.addi %add3A_371, %add3A_383 : i32
        %mul3A_385 = arith.constant 128 : i32
        %mul3A_386 = arith.muli %add3A_384, %mul3A_385 : i32
        %add3A_387 = arith.addi %mul3A_7, %mul3A_386 : i32
        %add3A_388 = arith.constant 320000 : i32
        %add3A_389 = arith.addi %add3A_388, %add3A_387 : i32
        %dma_wait3A_390 = tpu.memref_slice %arg5[%add3A_389] : memref<640000xi32, #tpu.memory_space<hbm>> -> memref<128xi32, #tpu.memory_space<hbm>>
        %dma_wait3A_391 = tpu.memref_slice %arg5[%add3A_389] : memref<640000xi32, #tpu.memory_space<hbm>> -> memref<128xi32, #tpu.memory_space<hbm>>
        tpu.wait_dma2 semaphore(%arg18 : memref<!tpu.dma_semaphore, #tpu.memory_space<semaphore_mem>>) src(%dma_wait3A_391 : memref<128xi32, #tpu.memory_space<hbm>>) dst(%arg9 : memref<128xi32, #tpu.memory_space<vmem>>)
        %dma_wait3A_392 = tpu.memref_slice %arg5[%add3A_387] : memref<640000xi32, #tpu.memory_space<hbm>> -> memref<128xi32, #tpu.memory_space<hbm>>
        %dma_wait3A_393 = tpu.memref_slice %arg5[%add3A_387] : memref<640000xi32, #tpu.memory_space<hbm>> -> memref<128xi32, #tpu.memory_space<hbm>>
        tpu.wait_dma2 semaphore(%arg21 : memref<!tpu.dma_semaphore, #tpu.memory_space<semaphore_mem>>) src(%dma_wait3A_393 : memref<128xi32, #tpu.memory_space<hbm>>) dst(%arg12 : memref<128xi32, #tpu.memory_space<vmem>>)
        %dma_start3A_394 = arith.constant 0 : i32
        %dma_start3A_395 = arith.constant 0 : i32
        %dma_start3A_396 = tpu.memref_slice %arg4[%dma_start3A_394, %dma_start3A_395] : memref<10000x128xf32, #tpu.memory_space<hbm>> -> memref<10000x128xf32, #tpu.memory_space<hbm>>
        tpu.enqueue_indirect_dma source(%dma_start3A_396 : memref<10000x128xf32, #tpu.memory_space<hbm>>) target(%arg15 : memref<128x128xf32, #tpu.memory_space<vmem>>) offsets(%arg9 : memref<128xi32, #tpu.memory_space<vmem>>) semaphore(%arg24 : memref<!tpu.dma_semaphore, #tpu.memory_space<semaphore_mem>>)
        %dma_wait3A_397 = arith.constant 0 : i32
        %dma_wait3A_398 = arith.constant 0 : i32
        %dma_wait3A_399 = tpu.memref_slice %arg4[%dma_wait3A_397, %dma_wait3A_398] : memref<10000x128xf32, #tpu.memory_space<hbm>> -> memref<10000x128xf32, #tpu.memory_space<hbm>>
        tpu.wait_indirect_dma semaphore(%arg25 : memref<!tpu.dma_semaphore, #tpu.memory_space<semaphore_mem>>) src(%dma_wait3A_399 : memref<10000x128xf32, #tpu.memory_space<hbm>>) dst(%arg16 : memref<128x128xf32, #tpu.memory_space<vmem>>)
        "tpu.region"() ({
          %run_scoped3A = tpu.sem_alloc : memref<!tpu.dma_semaphore, #tpu.memory_space<semaphore_mem>>
          %dma_start3A_400 = arith.constant 0 : i32
          %dma_start3A_401 = arith.constant 0 : i32
          %dma_start3A_402 = tpu.memref_slice %arg17[%dma_start3A_400, %dma_start3A_401] : memref<10112x128xf32, #tpu.memory_space<vmem_shared>> -> memref<10112x128xf32, #tpu.memory_space<vmem_shared>>
          tpu.enqueue_indirect_dma source(%arg16 : memref<128x128xf32, #tpu.memory_space<vmem>>) target(%dma_start3A_402 : memref<10112x128xf32, #tpu.memory_space<vmem_shared>>) offsets(%arg14 : memref<128xi32, #tpu.memory_space<vmem>>) semaphore(%run_scoped3A : memref<!tpu.dma_semaphore, #tpu.memory_space<semaphore_mem>>) {add = true}
          %dma_wait3A_403 = arith.constant 0 : i32
          %dma_wait3A_404 = arith.constant 0 : i32
          %dma_wait3A_405 = tpu.memref_slice %arg17[%dma_wait3A_403, %dma_wait3A_404] : memref<10112x128xf32, #tpu.memory_space<vmem_shared>> -> memref<10112x128xf32, #tpu.memory_space<vmem_shared>>
          tpu.wait_indirect_dma semaphore(%run_scoped3A : memref<!tpu.dma_semaphore, #tpu.memory_space<semaphore_mem>>) src(%arg16 : memref<128x128xf32, #tpu.memory_space<vmem>>) dst(%dma_wait3A_405 : memref<10112x128xf32, #tpu.memory_space<vmem_shared>>)
          tpu.yield
        }) : () -> ()
      }
      %scan3A_44 = arith.constant 25 : i32
      %add3A_45 = arith.constant 19456 : i32
      %add3A_46 = arith.addi %mul3A_7, %add3A_45 : i32
      %add3A_47 = arith.constant 320000 : i32
      %add3A_48 = arith.addi %add3A_47, %add3A_46 : i32
      %dma_start3A_49 = tpu.memref_slice %arg5[%add3A_48] : memref<640000xi32, #tpu.memory_space<hbm>> -> memref<128xi32, #tpu.memory_space<hbm>>
      %dma_start3A_50 = tpu.memref_slice %arg5[%add3A_48] : memref<640000xi32, #tpu.memory_space<hbm>> -> memref<128xi32, #tpu.memory_space<hbm>>
      tpu.enqueue_dma source(%dma_start3A_50 : memref<128xi32, #tpu.memory_space<hbm>>) target(%arg11 : memref<128xi32, #tpu.memory_space<vmem>>) target_semaphore(%arg20 : memref<!tpu.dma_semaphore, #tpu.memory_space<semaphore_mem>>)
      %dma_start3A_51 = tpu.memref_slice %arg5[%add3A_46] : memref<640000xi32, #tpu.memory_space<hbm>> -> memref<128xi32, #tpu.memory_space<hbm>>
      %dma_start3A_52 = tpu.memref_slice %arg5[%add3A_46] : memref<640000xi32, #tpu.memory_space<hbm>> -> memref<128xi32, #tpu.memory_space<hbm>>
      tpu.enqueue_dma source(%dma_start3A_52 : memref<128xi32, #tpu.memory_space<hbm>>) target(%arg14 : memref<128xi32, #tpu.memory_space<vmem>>) target_semaphore(%arg23 : memref<!tpu.dma_semaphore, #tpu.memory_space<semaphore_mem>>)
      %add3A_53 = arith.constant 19328 : i32
      %add3A_54 = arith.addi %mul3A_7, %add3A_53 : i32
      %add3A_55 = arith.constant 320000 : i32
      %add3A_56 = arith.addi %add3A_55, %add3A_54 : i32
      %dma_wait3A_57 = tpu.memref_slice %arg5[%add3A_56] : memref<640000xi32, #tpu.memory_space<hbm>> -> memref<128xi32, #tpu.memory_space<hbm>>
      %dma_wait3A_58 = tpu.memref_slice %arg5[%add3A_56] : memref<640000xi32, #tpu.memory_space<hbm>> -> memref<128xi32, #tpu.memory_space<hbm>>
      tpu.wait_dma2 semaphore(%arg19 : memref<!tpu.dma_semaphore, #tpu.memory_space<semaphore_mem>>) src(%dma_wait3A_58 : memref<128xi32, #tpu.memory_space<hbm>>) dst(%arg10 : memref<128xi32, #tpu.memory_space<vmem>>)
      %dma_wait3A_59 = tpu.memref_slice %arg5[%add3A_54] : memref<640000xi32, #tpu.memory_space<hbm>> -> memref<128xi32, #tpu.memory_space<hbm>>
      %dma_wait3A_60 = tpu.memref_slice %arg5[%add3A_54] : memref<640000xi32, #tpu.memory_space<hbm>> -> memref<128xi32, #tpu.memory_space<hbm>>
      tpu.wait_dma2 semaphore(%arg22 : memref<!tpu.dma_semaphore, #tpu.memory_space<semaphore_mem>>) src(%dma_wait3A_60 : memref<128xi32, #tpu.memory_space<hbm>>) dst(%arg13 : memref<128xi32, #tpu.memory_space<vmem>>)
      %dma_start3A_61 = arith.constant 0 : i32
      %dma_start3A_62 = arith.constant 0 : i32
      %dma_start3A_63 = tpu.memref_slice %arg4[%dma_start3A_61, %dma_start3A_62] : memref<10000x128xf32, #tpu.memory_space<hbm>> -> memref<10000x128xf32, #tpu.memory_space<hbm>>
      tpu.enqueue_indirect_dma source(%dma_start3A_63 : memref<10000x128xf32, #tpu.memory_space<hbm>>) target(%arg16 : memref<128x128xf32, #tpu.memory_space<vmem>>) offsets(%arg10 : memref<128xi32, #tpu.memory_space<vmem>>) semaphore(%arg25 : memref<!tpu.dma_semaphore, #tpu.memory_space<semaphore_mem>>)
      %dma_wait3A_64 = arith.constant 0 : i32
      %dma_wait3A_65 = arith.constant 0 : i32
      %dma_wait3A_66 = tpu.memref_slice %arg4[%dma_wait3A_64, %dma_wait3A_65] : memref<10000x128xf32, #tpu.memory_space<hbm>> -> memref<10000x128xf32, #tpu.memory_space<hbm>>
      tpu.wait_indirect_dma semaphore(%arg24 : memref<!tpu.dma_semaphore, #tpu.memory_space<semaphore_mem>>) src(%dma_wait3A_66 : memref<10000x128xf32, #tpu.memory_space<hbm>>) dst(%arg15 : memref<128x128xf32, #tpu.memory_space<vmem>>)
      "tpu.region"() ({
        %run_scoped3A = tpu.sem_alloc : memref<!tpu.dma_semaphore, #tpu.memory_space<semaphore_mem>>
        %dma_start3A_207 = arith.constant 0 : i32
        %dma_start3A_208 = arith.constant 0 : i32
        %dma_start3A_209 = tpu.memref_slice %arg17[%dma_start3A_207, %dma_start3A_208] : memref<10112x128xf32, #tpu.memory_space<vmem_shared>> -> memref<10112x128xf32, #tpu.memory_space<vmem_shared>>
        tpu.enqueue_indirect_dma source(%arg15 : memref<128x128xf32, #tpu.memory_space<vmem>>) target(%dma_start3A_209 : memref<10112x128xf32, #tpu.memory_space<vmem_shared>>) offsets(%arg12 : memref<128xi32, #tpu.memory_space<vmem>>) semaphore(%run_scoped3A : memref<!tpu.dma_semaphore, #tpu.memory_space<semaphore_mem>>) {add = true}
        %dma_wait3A_210 = arith.constant 0 : i32
        %dma_wait3A_211 = arith.constant 0 : i32
        %dma_wait3A_212 = tpu.memref_slice %arg17[%dma_wait3A_210, %dma_wait3A_211] : memref<10112x128xf32, #tpu.memory_space<vmem_shared>> -> memref<10112x128xf32, #tpu.memory_space<vmem_shared>>
        tpu.wait_indirect_dma semaphore(%run_scoped3A : memref<!tpu.dma_semaphore, #tpu.memory_space<semaphore_mem>>) src(%arg15 : memref<128x128xf32, #tpu.memory_space<vmem>>) dst(%dma_wait3A_212 : memref<10112x128xf32, #tpu.memory_space<vmem_shared>>)
        tpu.yield
      }) : () -> ()
      %add3A_67 = arith.constant 19584 : i32
      %add3A_68 = arith.addi %mul3A_7, %add3A_67 : i32
      %add3A_69 = arith.constant 320000 : i32
      %add3A_70 = arith.addi %add3A_69, %add3A_68 : i32
      %dma_start3A_71 = tpu.memref_slice %arg5[%add3A_70] : memref<640000xi32, #tpu.memory_space<hbm>> -> memref<128xi32, #tpu.memory_space<hbm>>
      %dma_start3A_72 = tpu.memref_slice %arg5[%add3A_70] : memref<640000xi32, #tpu.memory_space<hbm>> -> memref<128xi32, #tpu.memory_space<hbm>>
      tpu.enqueue_dma source(%dma_start3A_72 : memref<128xi32, #tpu.memory_space<hbm>>) target(%arg9 : memref<128xi32, #tpu.memory_space<vmem>>) target_semaphore(%arg18 : memref<!tpu.dma_semaphore, #tpu.memory_space<semaphore_mem>>)
      %dma_start3A_73 = tpu.memref_slice %arg5[%add3A_68] : memref<640000xi32, #tpu.memory_space<hbm>> -> memref<128xi32, #tpu.memory_space<hbm>>
      %dma_start3A_74 = tpu.memref_slice %arg5[%add3A_68] : memref<640000xi32, #tpu.memory_space<hbm>> -> memref<128xi32, #tpu.memory_space<hbm>>
      tpu.enqueue_dma source(%dma_start3A_74 : memref<128xi32, #tpu.memory_space<hbm>>) target(%arg12 : memref<128xi32, #tpu.memory_space<vmem>>) target_semaphore(%arg21 : memref<!tpu.dma_semaphore, #tpu.memory_space<semaphore_mem>>)
      %add3A_75 = arith.constant 19456 : i32
      %add3A_76 = arith.addi %mul3A_7, %add3A_75 : i32
      %add3A_77 = arith.constant 320000 : i32
      %add3A_78 = arith.addi %add3A_77, %add3A_76 : i32
      %dma_wait3A_79 = tpu.memref_slice %arg5[%add3A_78] : memref<640000xi32, #tpu.memory_space<hbm>> -> memref<128xi32, #tpu.memory_space<hbm>>
      %dma_wait3A_80 = tpu.memref_slice %arg5[%add3A_78] : memref<640000xi32, #tpu.memory_space<hbm>> -> memref<128xi32, #tpu.memory_space<hbm>>
      tpu.wait_dma2 semaphore(%arg20 : memref<!tpu.dma_semaphore, #tpu.memory_space<semaphore_mem>>) src(%dma_wait3A_80 : memref<128xi32, #tpu.memory_space<hbm>>) dst(%arg11 : memref<128xi32, #tpu.memory_space<vmem>>)
      %dma_wait3A_81 = tpu.memref_slice %arg5[%add3A_76] : memref<640000xi32, #tpu.memory_space<hbm>> -> memref<128xi32, #tpu.memory_space<hbm>>
      %dma_wait3A_82 = tpu.memref_slice %arg5[%add3A_76] : memref<640000xi32, #tpu.memory_space<hbm>> -> memref<128xi32, #tpu.memory_space<hbm>>
      tpu.wait_dma2 semaphore(%arg23 : memref<!tpu.dma_semaphore, #tpu.memory_space<semaphore_mem>>) src(%dma_wait3A_82 : memref<128xi32, #tpu.memory_space<hbm>>) dst(%arg14 : memref<128xi32, #tpu.memory_space<vmem>>)
      %dma_start3A_83 = arith.constant 0 : i32
      %dma_start3A_84 = arith.constant 0 : i32
      %dma_start3A_85 = tpu.memref_slice %arg4[%dma_start3A_83, %dma_start3A_84] : memref<10000x128xf32, #tpu.memory_space<hbm>> -> memref<10000x128xf32, #tpu.memory_space<hbm>>
      tpu.enqueue_indirect_dma source(%dma_start3A_85 : memref<10000x128xf32, #tpu.memory_space<hbm>>) target(%arg15 : memref<128x128xf32, #tpu.memory_space<vmem>>) offsets(%arg11 : memref<128xi32, #tpu.memory_space<vmem>>) semaphore(%arg24 : memref<!tpu.dma_semaphore, #tpu.memory_space<semaphore_mem>>)
      %dma_wait3A_86 = arith.constant 0 : i32
      %dma_wait3A_87 = arith.constant 0 : i32
      %dma_wait3A_88 = tpu.memref_slice %arg4[%dma_wait3A_86, %dma_wait3A_87] : memref<10000x128xf32, #tpu.memory_space<hbm>> -> memref<10000x128xf32, #tpu.memory_space<hbm>>
      tpu.wait_indirect_dma semaphore(%arg25 : memref<!tpu.dma_semaphore, #tpu.memory_space<semaphore_mem>>) src(%dma_wait3A_88 : memref<10000x128xf32, #tpu.memory_space<hbm>>) dst(%arg16 : memref<128x128xf32, #tpu.memory_space<vmem>>)
      "tpu.region"() ({
        %run_scoped3A = tpu.sem_alloc : memref<!tpu.dma_semaphore, #tpu.memory_space<semaphore_mem>>
        %dma_start3A_207 = arith.constant 0 : i32
        %dma_start3A_208 = arith.constant 0 : i32
        %dma_start3A_209 = tpu.memref_slice %arg17[%dma_start3A_207, %dma_start3A_208] : memref<10112x128xf32, #tpu.memory_space<vmem_shared>> -> memref<10112x128xf32, #tpu.memory_space<vmem_shared>>
        tpu.enqueue_indirect_dma source(%arg16 : memref<128x128xf32, #tpu.memory_space<vmem>>) target(%dma_start3A_209 : memref<10112x128xf32, #tpu.memory_space<vmem_shared>>) offsets(%arg13 : memref<128xi32, #tpu.memory_space<vmem>>) semaphore(%run_scoped3A : memref<!tpu.dma_semaphore, #tpu.memory_space<semaphore_mem>>) {add = true}
        %dma_wait3A_210 = arith.constant 0 : i32
        %dma_wait3A_211 = arith.constant 0 : i32
        %dma_wait3A_212 = tpu.memref_slice %arg17[%dma_wait3A_210, %dma_wait3A_211] : memref<10112x128xf32, #tpu.memory_space<vmem_shared>> -> memref<10112x128xf32, #tpu.memory_space<vmem_shared>>
        tpu.wait_indirect_dma semaphore(%run_scoped3A : memref<!tpu.dma_semaphore, #tpu.memory_space<semaphore_mem>>) src(%arg16 : memref<128x128xf32, #tpu.memory_space<vmem>>) dst(%dma_wait3A_212 : memref<10112x128xf32, #tpu.memory_space<vmem_shared>>)
        tpu.yield
      }) : () -> ()
      %add3A_89 = arith.constant 19712 : i32
      %add3A_90 = arith.addi %mul3A_7, %add3A_89 : i32
      %add3A_91 = arith.constant 320000 : i32
      %add3A_92 = arith.addi %add3A_91, %add3A_90 : i32
      %dma_start3A_93 = tpu.memref_slice %arg5[%add3A_92] : memref<640000xi32, #tpu.memory_space<hbm>> -> memref<128xi32, #tpu.memory_space<hbm>>
      %dma_start3A_94 = tpu.memref_slice %arg5[%add3A_92] : memref<640000xi32, #tpu.memory_space<hbm>> -> memref<128xi32, #tpu.memory_space<hbm>>
      tpu.enqueue_dma source(%dma_start3A_94 : memref<128xi32, #tpu.memory_space<hbm>>) target(%arg10 : memref<128xi32, #tpu.memory_space<vmem>>) target_semaphore(%arg19 : memref<!tpu.dma_semaphore, #tpu.memory_space<semaphore_mem>>)
      %dma_start3A_95 = tpu.memref_slice %arg5[%add3A_90] : memref<640000xi32, #tpu.memory_space<hbm>> -> memref<128xi32, #tpu.memory_space<hbm>>
      %dma_start3A_96 = tpu.memref_slice %arg5[%add3A_90] : memref<640000xi32, #tpu.memory_space<hbm>> -> memref<128xi32, #tpu.memory_space<hbm>>
      tpu.enqueue_dma source(%dma_start3A_96 : memref<128xi32, #tpu.memory_space<hbm>>) target(%arg13 : memref<128xi32, #tpu.memory_space<vmem>>) target_semaphore(%arg22 : memref<!tpu.dma_semaphore, #tpu.memory_space<semaphore_mem>>)
      %add3A_97 = arith.constant 19584 : i32
      %add3A_98 = arith.addi %mul3A_7, %add3A_97 : i32
      %add3A_99 = arith.constant 320000 : i32
      %add3A_100 = arith.addi %add3A_99, %add3A_98 : i32
      %dma_wait3A_101 = tpu.memref_slice %arg5[%add3A_100] : memref<640000xi32, #tpu.memory_space<hbm>> -> memref<128xi32, #tpu.memory_space<hbm>>
      %dma_wait3A_102 = tpu.memref_slice %arg5[%add3A_100] : memref<640000xi32, #tpu.memory_space<hbm>> -> memref<128xi32, #tpu.memory_space<hbm>>
      tpu.wait_dma2 semaphore(%arg18 : memref<!tpu.dma_semaphore, #tpu.memory_space<semaphore_mem>>) src(%dma_wait3A_102 : memref<128xi32, #tpu.memory_space<hbm>>) dst(%arg9 : memref<128xi32, #tpu.memory_space<vmem>>)
      %dma_wait3A_103 = tpu.memref_slice %arg5[%add3A_98] : memref<640000xi32, #tpu.memory_space<hbm>> -> memref<128xi32, #tpu.memory_space<hbm>>
      %dma_wait3A_104 = tpu.memref_slice %arg5[%add3A_98] : memref<640000xi32, #tpu.memory_space<hbm>> -> memref<128xi32, #tpu.memory_space<hbm>>
      tpu.wait_dma2 semaphore(%arg21 : memref<!tpu.dma_semaphore, #tpu.memory_space<semaphore_mem>>) src(%dma_wait3A_104 : memref<128xi32, #tpu.memory_space<hbm>>) dst(%arg12 : memref<128xi32, #tpu.memory_space<vmem>>)
      %dma_start3A_105 = arith.constant 0 : i32
      %dma_start3A_106 = arith.constant 0 : i32
      %dma_start3A_107 = tpu.memref_slice %arg4[%dma_start3A_105, %dma_start3A_106] : memref<10000x128xf32, #tpu.memory_space<hbm>> -> memref<10000x128xf32, #tpu.memory_space<hbm>>
      tpu.enqueue_indirect_dma source(%dma_start3A_107 : memref<10000x128xf32, #tpu.memory_space<hbm>>) target(%arg16 : memref<128x128xf32, #tpu.memory_space<vmem>>) offsets(%arg9 : memref<128xi32, #tpu.memory_space<vmem>>) semaphore(%arg25 : memref<!tpu.dma_semaphore, #tpu.memory_space<semaphore_mem>>)
      %dma_wait3A_108 = arith.constant 0 : i32
      %dma_wait3A_109 = arith.constant 0 : i32
      %dma_wait3A_110 = tpu.memref_slice %arg4[%dma_wait3A_108, %dma_wait3A_109] : memref<10000x128xf32, #tpu.memory_space<hbm>> -> memref<10000x128xf32, #tpu.memory_space<hbm>>
      tpu.wait_indirect_dma semaphore(%arg24 : memref<!tpu.dma_semaphore, #tpu.memory_space<semaphore_mem>>) src(%dma_wait3A_110 : memref<10000x128xf32, #tpu.memory_space<hbm>>) dst(%arg15 : memref<128x128xf32, #tpu.memory_space<vmem>>)
      "tpu.region"() ({
        %run_scoped3A = tpu.sem_alloc : memref<!tpu.dma_semaphore, #tpu.memory_space<semaphore_mem>>
        %dma_start3A_207 = arith.constant 0 : i32
        %dma_start3A_208 = arith.constant 0 : i32
        %dma_start3A_209 = tpu.memref_slice %arg17[%dma_start3A_207, %dma_start3A_208] : memref<10112x128xf32, #tpu.memory_space<vmem_shared>> -> memref<10112x128xf32, #tpu.memory_space<vmem_shared>>
        tpu.enqueue_indirect_dma source(%arg15 : memref<128x128xf32, #tpu.memory_space<vmem>>) target(%dma_start3A_209 : memref<10112x128xf32, #tpu.memory_space<vmem_shared>>) offsets(%arg14 : memref<128xi32, #tpu.memory_space<vmem>>) semaphore(%run_scoped3A : memref<!tpu.dma_semaphore, #tpu.memory_space<semaphore_mem>>) {add = true}
        %dma_wait3A_210 = arith.constant 0 : i32
        %dma_wait3A_211 = arith.constant 0 : i32
        %dma_wait3A_212 = tpu.memref_slice %arg17[%dma_wait3A_210, %dma_wait3A_211] : memref<10112x128xf32, #tpu.memory_space<vmem_shared>> -> memref<10112x128xf32, #tpu.memory_space<vmem_shared>>
        tpu.wait_indirect_dma semaphore(%run_scoped3A : memref<!tpu.dma_semaphore, #tpu.memory_space<semaphore_mem>>) src(%arg15 : memref<128x128xf32, #tpu.memory_space<vmem>>) dst(%dma_wait3A_212 : memref<10112x128xf32, #tpu.memory_space<vmem_shared>>)
        tpu.yield
      }) : () -> ()
      %add3A_111 = arith.constant 19840 : i32
      %add3A_112 = arith.addi %mul3A_7, %add3A_111 : i32
      %add3A_113 = arith.constant 320000 : i32
      %add3A_114 = arith.addi %add3A_113, %add3A_112 : i32
      %dma_start3A_115 = tpu.memref_slice %arg5[%add3A_114] : memref<640000xi32, #tpu.memory_space<hbm>> -> memref<128xi32, #tpu.memory_space<hbm>>
      %dma_start3A_116 = tpu.memref_slice %arg5[%add3A_114] : memref<640000xi32, #tpu.memory_space<hbm>> -> memref<128xi32, #tpu.memory_space<hbm>>
      tpu.enqueue_dma source(%dma_start3A_116 : memref<128xi32, #tpu.memory_space<hbm>>) target(%arg11 : memref<128xi32, #tpu.memory_space<vmem>>) target_semaphore(%arg20 : memref<!tpu.dma_semaphore, #tpu.memory_space<semaphore_mem>>)
      %dma_start3A_117 = tpu.memref_slice %arg5[%add3A_112] : memref<640000xi32, #tpu.memory_space<hbm>> -> memref<128xi32, #tpu.memory_space<hbm>>
      %dma_start3A_118 = tpu.memref_slice %arg5[%add3A_112] : memref<640000xi32, #tpu.memory_space<hbm>> -> memref<128xi32, #tpu.memory_space<hbm>>
      tpu.enqueue_dma source(%dma_start3A_118 : memref<128xi32, #tpu.memory_space<hbm>>) target(%arg14 : memref<128xi32, #tpu.memory_space<vmem>>) target_semaphore(%arg23 : memref<!tpu.dma_semaphore, #tpu.memory_space<semaphore_mem>>)
      %add3A_119 = arith.constant 19712 : i32
      %add3A_120 = arith.addi %mul3A_7, %add3A_119 : i32
      %add3A_121 = arith.constant 320000 : i32
      %add3A_122 = arith.addi %add3A_121, %add3A_120 : i32
      %dma_wait3A_123 = tpu.memref_slice %arg5[%add3A_122] : memref<640000xi32, #tpu.memory_space<hbm>> -> memref<128xi32, #tpu.memory_space<hbm>>
      %dma_wait3A_124 = tpu.memref_slice %arg5[%add3A_122] : memref<640000xi32, #tpu.memory_space<hbm>> -> memref<128xi32, #tpu.memory_space<hbm>>
      tpu.wait_dma2 semaphore(%arg19 : memref<!tpu.dma_semaphore, #tpu.memory_space<semaphore_mem>>) src(%dma_wait3A_124 : memref<128xi32, #tpu.memory_space<hbm>>) dst(%arg10 : memref<128xi32, #tpu.memory_space<vmem>>)
      %dma_wait3A_125 = tpu.memref_slice %arg5[%add3A_120] : memref<640000xi32, #tpu.memory_space<hbm>> -> memref<128xi32, #tpu.memory_space<hbm>>
      %dma_wait3A_126 = tpu.memref_slice %arg5[%add3A_120] : memref<640000xi32, #tpu.memory_space<hbm>> -> memref<128xi32, #tpu.memory_space<hbm>>
      tpu.wait_dma2 semaphore(%arg22 : memref<!tpu.dma_semaphore, #tpu.memory_space<semaphore_mem>>) src(%dma_wait3A_126 : memref<128xi32, #tpu.memory_space<hbm>>) dst(%arg13 : memref<128xi32, #tpu.memory_space<vmem>>)
      %dma_start3A_127 = arith.constant 0 : i32
      %dma_start3A_128 = arith.constant 0 : i32
      %dma_start3A_129 = tpu.memref_slice %arg4[%dma_start3A_127, %dma_start3A_128] : memref<10000x128xf32, #tpu.memory_space<hbm>> -> memref<10000x128xf32, #tpu.memory_space<hbm>>
      tpu.enqueue_indirect_dma source(%dma_start3A_129 : memref<10000x128xf32, #tpu.memory_space<hbm>>) target(%arg15 : memref<128x128xf32, #tpu.memory_space<vmem>>) offsets(%arg10 : memref<128xi32, #tpu.memory_space<vmem>>) semaphore(%arg24 : memref<!tpu.dma_semaphore, #tpu.memory_space<semaphore_mem>>)
      %dma_wait3A_130 = arith.constant 0 : i32
      %dma_wait3A_131 = arith.constant 0 : i32
      %dma_wait3A_132 = tpu.memref_slice %arg4[%dma_wait3A_130, %dma_wait3A_131] : memref<10000x128xf32, #tpu.memory_space<hbm>> -> memref<10000x128xf32, #tpu.memory_space<hbm>>
      tpu.wait_indirect_dma semaphore(%arg25 : memref<!tpu.dma_semaphore, #tpu.memory_space<semaphore_mem>>) src(%dma_wait3A_132 : memref<10000x128xf32, #tpu.memory_space<hbm>>) dst(%arg16 : memref<128x128xf32, #tpu.memory_space<vmem>>)
      "tpu.region"() ({
        %run_scoped3A = tpu.sem_alloc : memref<!tpu.dma_semaphore, #tpu.memory_space<semaphore_mem>>
        %dma_start3A_207 = arith.constant 0 : i32
        %dma_start3A_208 = arith.constant 0 : i32
        %dma_start3A_209 = tpu.memref_slice %arg17[%dma_start3A_207, %dma_start3A_208] : memref<10112x128xf32, #tpu.memory_space<vmem_shared>> -> memref<10112x128xf32, #tpu.memory_space<vmem_shared>>
        tpu.enqueue_indirect_dma source(%arg16 : memref<128x128xf32, #tpu.memory_space<vmem>>) target(%dma_start3A_209 : memref<10112x128xf32, #tpu.memory_space<vmem_shared>>) offsets(%arg12 : memref<128xi32, #tpu.memory_space<vmem>>) semaphore(%run_scoped3A : memref<!tpu.dma_semaphore, #tpu.memory_space<semaphore_mem>>) {add = true}
        %dma_wait3A_210 = arith.constant 0 : i32
        %dma_wait3A_211 = arith.constant 0 : i32
        %dma_wait3A_212 = tpu.memref_slice %arg17[%dma_wait3A_210, %dma_wait3A_211] : memref<10112x128xf32, #tpu.memory_space<vmem_shared>> -> memref<10112x128xf32, #tpu.memory_space<vmem_shared>>
        tpu.wait_indirect_dma semaphore(%run_scoped3A : memref<!tpu.dma_semaphore, #tpu.memory_space<semaphore_mem>>) src(%arg16 : memref<128x128xf32, #tpu.memory_space<vmem>>) dst(%dma_wait3A_212 : memref<10112x128xf32, #tpu.memory_space<vmem_shared>>)
        tpu.yield
      }) : () -> ()
      %add3A_133 = arith.constant 19840 : i32
      %add3A_134 = arith.addi %mul3A_7, %add3A_133 : i32
      %add3A_135 = arith.constant 320000 : i32
      %add3A_136 = arith.addi %add3A_135, %add3A_134 : i32
      %dma_wait3A_137 = tpu.memref_slice %arg5[%add3A_136] : memref<640000xi32, #tpu.memory_space<hbm>> -> memref<128xi32, #tpu.memory_space<hbm>>
      %dma_wait3A_138 = tpu.memref_slice %arg5[%add3A_136] : memref<640000xi32, #tpu.memory_space<hbm>> -> memref<128xi32, #tpu.memory_space<hbm>>
      tpu.wait_dma2 semaphore(%arg20 : memref<!tpu.dma_semaphore, #tpu.memory_space<semaphore_mem>>) src(%dma_wait3A_138 : memref<128xi32, #tpu.memory_space<hbm>>) dst(%arg11 : memref<128xi32, #tpu.memory_space<vmem>>)
      %dma_wait3A_139 = tpu.memref_slice %arg5[%add3A_134] : memref<640000xi32, #tpu.memory_space<hbm>> -> memref<128xi32, #tpu.memory_space<hbm>>
      %dma_wait3A_140 = tpu.memref_slice %arg5[%add3A_134] : memref<640000xi32, #tpu.memory_space<hbm>> -> memref<128xi32, #tpu.memory_space<hbm>>
      tpu.wait_dma2 semaphore(%arg23 : memref<!tpu.dma_semaphore, #tpu.memory_space<semaphore_mem>>) src(%dma_wait3A_140 : memref<128xi32, #tpu.memory_space<hbm>>) dst(%arg14 : memref<128xi32, #tpu.memory_space<vmem>>)
      %dma_start3A_141 = arith.constant 0 : i32
      %dma_start3A_142 = arith.constant 0 : i32
      %dma_start3A_143 = tpu.memref_slice %arg4[%dma_start3A_141, %dma_start3A_142] : memref<10000x128xf32, #tpu.memory_space<hbm>> -> memref<10000x128xf32, #tpu.memory_space<hbm>>
      tpu.enqueue_indirect_dma source(%dma_start3A_143 : memref<10000x128xf32, #tpu.memory_space<hbm>>) target(%arg16 : memref<128x128xf32, #tpu.memory_space<vmem>>) offsets(%arg11 : memref<128xi32, #tpu.memory_space<vmem>>) semaphore(%arg25 : memref<!tpu.dma_semaphore, #tpu.memory_space<semaphore_mem>>)
      %dma_wait3A_144 = arith.constant 0 : i32
      %dma_wait3A_145 = arith.constant 0 : i32
      %dma_wait3A_146 = tpu.memref_slice %arg4[%dma_wait3A_144, %dma_wait3A_145] : memref<10000x128xf32, #tpu.memory_space<hbm>> -> memref<10000x128xf32, #tpu.memory_space<hbm>>
      tpu.wait_indirect_dma semaphore(%arg24 : memref<!tpu.dma_semaphore, #tpu.memory_space<semaphore_mem>>) src(%dma_wait3A_146 : memref<10000x128xf32, #tpu.memory_space<hbm>>) dst(%arg15 : memref<128x128xf32, #tpu.memory_space<vmem>>)
      "tpu.region"() ({
        %run_scoped3A = tpu.sem_alloc : memref<!tpu.dma_semaphore, #tpu.memory_space<semaphore_mem>>
        %dma_start3A_207 = arith.constant 0 : i32
        %dma_start3A_208 = arith.constant 0 : i32
        %dma_start3A_209 = tpu.memref_slice %arg17[%dma_start3A_207, %dma_start3A_208] : memref<10112x128xf32, #tpu.memory_space<vmem_shared>> -> memref<10112x128xf32, #tpu.memory_space<vmem_shared>>
        tpu.enqueue_indirect_dma source(%arg15 : memref<128x128xf32, #tpu.memory_space<vmem>>) target(%dma_start3A_209 : memref<10112x128xf32, #tpu.memory_space<vmem_shared>>) offsets(%arg13 : memref<128xi32, #tpu.memory_space<vmem>>) semaphore(%run_scoped3A : memref<!tpu.dma_semaphore, #tpu.memory_space<semaphore_mem>>) {add = true}
        %dma_wait3A_210 = arith.constant 0 : i32
        %dma_wait3A_211 = arith.constant 0 : i32
        %dma_wait3A_212 = tpu.memref_slice %arg17[%dma_wait3A_210, %dma_wait3A_211] : memref<10112x128xf32, #tpu.memory_space<vmem_shared>> -> memref<10112x128xf32, #tpu.memory_space<vmem_shared>>
        tpu.wait_indirect_dma semaphore(%run_scoped3A : memref<!tpu.dma_semaphore, #tpu.memory_space<semaphore_mem>>) src(%arg15 : memref<128x128xf32, #tpu.memory_space<vmem>>) dst(%dma_wait3A_212 : memref<10112x128xf32, #tpu.memory_space<vmem_shared>>)
        tpu.yield
      }) : () -> ()
      %dma_wait3A_147 = arith.constant 0 : i32
      %dma_wait3A_148 = arith.constant 0 : i32
      %dma_wait3A_149 = tpu.memref_slice %arg4[%dma_wait3A_147, %dma_wait3A_148] : memref<10000x128xf32, #tpu.memory_space<hbm>> -> memref<10000x128xf32, #tpu.memory_space<hbm>>
      tpu.wait_indirect_dma semaphore(%arg25 : memref<!tpu.dma_semaphore, #tpu.memory_space<semaphore_mem>>) src(%dma_wait3A_149 : memref<10000x128xf32, #tpu.memory_space<hbm>>) dst(%arg16 : memref<128x128xf32, #tpu.memory_space<vmem>>)
      "tpu.region"() ({
        %run_scoped3A = tpu.sem_alloc : memref<!tpu.dma_semaphore, #tpu.memory_space<semaphore_mem>>
        %dma_start3A_207 = arith.constant 0 : i32
        %dma_start3A_208 = arith.constant 0 : i32
        %dma_start3A_209 = tpu.memref_slice %arg17[%dma_start3A_207, %dma_start3A_208] : memref<10112x128xf32, #tpu.memory_space<vmem_shared>> -> memref<10112x128xf32, #tpu.memory_space<vmem_shared>>
        tpu.enqueue_indirect_dma source(%arg16 : memref<128x128xf32, #tpu.memory_space<vmem>>) target(%dma_start3A_209 : memref<10112x128xf32, #tpu.memory_space<vmem_shared>>) offsets(%arg14 : memref<128xi32, #tpu.memory_space<vmem>>) semaphore(%run_scoped3A : memref<!tpu.dma_semaphore, #tpu.memory_space<semaphore_mem>>) {add = true}
        %dma_wait3A_210 = arith.constant 0 : i32
        %dma_wait3A_211 = arith.constant 0 : i32
        %dma_wait3A_212 = tpu.memref_slice %arg17[%dma_wait3A_210, %dma_wait3A_211] : memref<10112x128xf32, #tpu.memory_space<vmem_shared>> -> memref<10112x128xf32, #tpu.memory_space<vmem_shared>>
        tpu.wait_indirect_dma semaphore(%run_scoped3A : memref<!tpu.dma_semaphore, #tpu.memory_space<semaphore_mem>>) src(%arg16 : memref<128x128xf32, #tpu.memory_space<vmem>>) dst(%dma_wait3A_212 : memref<10112x128xf32, #tpu.memory_space<vmem_shared>>)
        tpu.yield
      }) : () -> ()
      %add3A_150 = arith.constant 19968 : i32
      %add3A_151 = arith.addi %mul3A_7, %add3A_150 : i32
      %add3A_152 = arith.constant 320000 : i32
      %add3A_153 = arith.addi %add3A_152, %add3A_151 : i32
      %dma_start3A_154 = arith.constant 0 : i32
      %dma_start3A_155 = tpu.memref_slice %arg9[%dma_start3A_154] : memref<128xi32, #tpu.memory_space<vmem>> -> memref<32xi32, #tpu.memory_space<vmem>>
      %dma_start3A_156 = tpu.memref_slice %arg5[%add3A_153] : memref<640000xi32, #tpu.memory_space<hbm>> -> memref<32xi32, #tpu.memory_space<hbm>>
      %dma_start3A_157 = arith.constant 0 : i32
      %dma_start3A_158 = tpu.memref_slice %arg9[%dma_start3A_157] : memref<128xi32, #tpu.memory_space<vmem>> -> memref<32xi32, #tpu.memory_space<vmem>>
      %dma_start3A_159 = tpu.memref_slice %arg5[%add3A_153] : memref<640000xi32, #tpu.memory_space<hbm>> -> memref<32xi32, #tpu.memory_space<hbm>>
      tpu.enqueue_dma source(%dma_start3A_159 : memref<32xi32, #tpu.memory_space<hbm>>) target(%dma_start3A_158 : memref<32xi32, #tpu.memory_space<vmem>>) target_semaphore(%arg18 : memref<!tpu.dma_semaphore, #tpu.memory_space<semaphore_mem>>)
      %dma_start3A_160 = arith.constant 0 : i32
      %dma_start3A_161 = tpu.memref_slice %arg12[%dma_start3A_160] : memref<128xi32, #tpu.memory_space<vmem>> -> memref<32xi32, #tpu.memory_space<vmem>>
      %dma_start3A_162 = tpu.memref_slice %arg5[%add3A_151] : memref<640000xi32, #tpu.memory_space<hbm>> -> memref<32xi32, #tpu.memory_space<hbm>>
      %dma_start3A_163 = arith.constant 0 : i32
      %dma_start3A_164 = tpu.memref_slice %arg12[%dma_start3A_163] : memref<128xi32, #tpu.memory_space<vmem>> -> memref<32xi32, #tpu.memory_space<vmem>>
      %dma_start3A_165 = tpu.memref_slice %arg5[%add3A_151] : memref<640000xi32, #tpu.memory_space<hbm>> -> memref<32xi32, #tpu.memory_space<hbm>>
      tpu.enqueue_dma source(%dma_start3A_165 : memref<32xi32, #tpu.memory_space<hbm>>) target(%dma_start3A_164 : memref<32xi32, #tpu.memory_space<vmem>>) target_semaphore(%arg21 : memref<!tpu.dma_semaphore, #tpu.memory_space<semaphore_mem>>)
      %add3A_166 = arith.constant 320000 : i32
      %add3A_167 = arith.addi %add3A_166, %add3A_151 : i32
      %dma_wait3A_168 = arith.constant 0 : i32
      %dma_wait3A_169 = tpu.memref_slice %arg9[%dma_wait3A_168] : memref<128xi32, #tpu.memory_space<vmem>> -> memref<32xi32, #tpu.memory_space<vmem>>
      %dma_wait3A_170 = tpu.memref_slice %arg5[%add3A_167] : memref<640000xi32, #tpu.memory_space<hbm>> -> memref<32xi32, #tpu.memory_space<hbm>>
      %dma_wait3A_171 = arith.constant 0 : i32
      %dma_wait3A_172 = tpu.memref_slice %arg9[%dma_wait3A_171] : memref<128xi32, #tpu.memory_space<vmem>> -> memref<32xi32, #tpu.memory_space<vmem>>
      %dma_wait3A_173 = tpu.memref_slice %arg5[%add3A_167] : memref<640000xi32, #tpu.memory_space<hbm>> -> memref<32xi32, #tpu.memory_space<hbm>>
      tpu.wait_dma2 semaphore(%arg18 : memref<!tpu.dma_semaphore, #tpu.memory_space<semaphore_mem>>) src(%dma_wait3A_173 : memref<32xi32, #tpu.memory_space<hbm>>) dst(%dma_wait3A_172 : memref<32xi32, #tpu.memory_space<vmem>>)
      %dma_wait3A_174 = arith.constant 0 : i32
      %dma_wait3A_175 = tpu.memref_slice %arg12[%dma_wait3A_174] : memref<128xi32, #tpu.memory_space<vmem>> -> memref<32xi32, #tpu.memory_space<vmem>>
      %dma_wait3A_176 = tpu.memref_slice %arg5[%add3A_151] : memref<640000xi32, #tpu.memory_space<hbm>> -> memref<32xi32, #tpu.memory_space<hbm>>
      %dma_wait3A_177 = arith.constant 0 : i32
      %dma_wait3A_178 = tpu.memref_slice %arg12[%dma_wait3A_177] : memref<128xi32, #tpu.memory_space<vmem>> -> memref<32xi32, #tpu.memory_space<vmem>>
      %dma_wait3A_179 = tpu.memref_slice %arg5[%add3A_151] : memref<640000xi32, #tpu.memory_space<hbm>> -> memref<32xi32, #tpu.memory_space<hbm>>
      tpu.wait_dma2 semaphore(%arg21 : memref<!tpu.dma_semaphore, #tpu.memory_space<semaphore_mem>>) src(%dma_wait3A_179 : memref<32xi32, #tpu.memory_space<hbm>>) dst(%dma_wait3A_178 : memref<32xi32, #tpu.memory_space<vmem>>)
      %dma_start3A_180 = arith.constant 0 : i32
      %dma_start3A_181 = arith.constant 0 : i32
      %dma_start3A_182 = tpu.memref_slice %arg15[%dma_start3A_180, %dma_start3A_181] : memref<128x128xf32, #tpu.memory_space<vmem>> -> memref<32x128xf32, #tpu.memory_space<vmem>>
      %dma_start3A_183 = arith.constant 0 : i32
      %dma_start3A_184 = tpu.memref_slice %arg9[%dma_start3A_183] : memref<128xi32, #tpu.memory_space<vmem>> -> memref<32xi32, #tpu.memory_space<vmem>>
      %dma_start3A_185 = arith.constant 0 : i32
      %dma_start3A_186 = arith.constant 0 : i32
      %dma_start3A_187 = tpu.memref_slice %arg4[%dma_start3A_185, %dma_start3A_186] : memref<10000x128xf32, #tpu.memory_space<hbm>> -> memref<10000x128xf32, #tpu.memory_space<hbm>>
      tpu.enqueue_indirect_dma source(%dma_start3A_187 : memref<10000x128xf32, #tpu.memory_space<hbm>>) target(%dma_start3A_182 : memref<32x128xf32, #tpu.memory_space<vmem>>) offsets(%dma_start3A_184 : memref<32xi32, #tpu.memory_space<vmem>>) semaphore(%arg24 : memref<!tpu.dma_semaphore, #tpu.memory_space<semaphore_mem>>)
      %dma_wait3A_188 = arith.constant 0 : i32
      %dma_wait3A_189 = arith.constant 0 : i32
      %dma_wait3A_190 = tpu.memref_slice %arg15[%dma_wait3A_188, %dma_wait3A_189] : memref<128x128xf32, #tpu.memory_space<vmem>> -> memref<32x128xf32, #tpu.memory_space<vmem>>
      %dma_wait3A_191 = arith.constant 0 : i32
      %dma_wait3A_192 = tpu.memref_slice %arg9[%dma_wait3A_191] : memref<128xi32, #tpu.memory_space<vmem>> -> memref<32xi32, #tpu.memory_space<vmem>>
      %dma_wait3A_193 = arith.constant 0 : i32
      %dma_wait3A_194 = arith.constant 0 : i32
      %dma_wait3A_195 = tpu.memref_slice %arg4[%dma_wait3A_193, %dma_wait3A_194] : memref<10000x128xf32, #tpu.memory_space<hbm>> -> memref<10000x128xf32, #tpu.memory_space<hbm>>
      tpu.wait_indirect_dma semaphore(%arg24 : memref<!tpu.dma_semaphore, #tpu.memory_space<semaphore_mem>>) src(%dma_wait3A_195 : memref<10000x128xf32, #tpu.memory_space<hbm>>) dst(%dma_wait3A_190 : memref<32x128xf32, #tpu.memory_space<vmem>>)
      "tpu.region"() ({
        %run_scoped3A = tpu.sem_alloc : memref<!tpu.dma_semaphore, #tpu.memory_space<semaphore_mem>>
        %dma_start3A_207 = arith.constant 0 : i32
        %dma_start3A_208 = arith.constant 0 : i32
        %dma_start3A_209 = tpu.memref_slice %arg15[%dma_start3A_207, %dma_start3A_208] : memref<128x128xf32, #tpu.memory_space<vmem>> -> memref<32x128xf32, #tpu.memory_space<vmem>>
        %dma_start3A_210 = arith.constant 0 : i32
        %dma_start3A_211 = tpu.memref_slice %arg12[%dma_start3A_210] : memref<128xi32, #tpu.memory_space<vmem>> -> memref<32xi32, #tpu.memory_space<vmem>>
        %dma_start3A_212 = arith.constant 0 : i32
        %dma_start3A_213 = arith.constant 0 : i32
        %dma_start3A_214 = tpu.memref_slice %arg17[%dma_start3A_212, %dma_start3A_213] : memref<10112x128xf32, #tpu.memory_space<vmem_shared>> -> memref<10112x128xf32, #tpu.memory_space<vmem_shared>>
        tpu.enqueue_indirect_dma source(%dma_start3A_209 : memref<32x128xf32, #tpu.memory_space<vmem>>) target(%dma_start3A_214 : memref<10112x128xf32, #tpu.memory_space<vmem_shared>>) offsets(%dma_start3A_211 : memref<32xi32, #tpu.memory_space<vmem>>) semaphore(%run_scoped3A : memref<!tpu.dma_semaphore, #tpu.memory_space<semaphore_mem>>) {add = true}
        %dma_wait3A_215 = arith.constant 0 : i32
        %dma_wait3A_216 = arith.constant 0 : i32
        %dma_wait3A_217 = tpu.memref_slice %arg15[%dma_wait3A_215, %dma_wait3A_216] : memref<128x128xf32, #tpu.memory_space<vmem>> -> memref<32x128xf32, #tpu.memory_space<vmem>>
        %dma_wait3A_218 = arith.constant 0 : i32
        %dma_wait3A_219 = tpu.memref_slice %arg12[%dma_wait3A_218] : memref<128xi32, #tpu.memory_space<vmem>> -> memref<32xi32, #tpu.memory_space<vmem>>
        %dma_wait3A_220 = arith.constant 0 : i32
        %dma_wait3A_221 = arith.constant 0 : i32
        %dma_wait3A_222 = tpu.memref_slice %arg17[%dma_wait3A_220, %dma_wait3A_221] : memref<10112x128xf32, #tpu.memory_space<vmem_shared>> -> memref<10112x128xf32, #tpu.memory_space<vmem_shared>>
        tpu.wait_indirect_dma semaphore(%run_scoped3A : memref<!tpu.dma_semaphore, #tpu.memory_space<semaphore_mem>>) src(%dma_wait3A_217 : memref<32x128xf32, #tpu.memory_space<vmem>>) dst(%dma_wait3A_222 : memref<10112x128xf32, #tpu.memory_space<vmem_shared>>)
        tpu.yield
      }) : () -> ()
      %barrier3A_196 = arith.constant 0 : index
      tpu.barrier barrier_id(%barrier3A_196)
      %lt3A_197 = arith.constant 15 : i32
      %lt3A_198 = arith.cmpi slt, %arg1, %lt3A_197 : i32
      %convert_element_type3A_199 = arith.extui %lt3A_198 : i1 to i32
      %cond3A_200 = arith.constant 0 : i32
      %cond3A_201 = arith.cmpi ne, %convert_element_type3A_199, %cond3A_200 : i32
      scf.if %cond3A_201 {
        %mul3A_207 = arith.constant 632 : i32
        %mul3A_208 = arith.muli %arg1, %mul3A_207 : i32
        %mul3A_209 = arith.constant 632 : i32
        %mul3A_210 = arith.muli %arg1, %mul3A_209 : i32
        "tpu.region"() ({
          %run_scoped3A = tpu.sem_alloc : memref<!tpu.dma_semaphore, #tpu.memory_space<semaphore_mem>>
          %dma_start3A_211 = arith.constant 0 : i32
          %dma_start3A_212 = tpu.memref_slice %arg8[%mul3A_210, %dma_start3A_211] : memref<10000x128xf32, #tpu.memory_space<hbm>> -> memref<632x128xf32, #tpu.memory_space<hbm>>
          %dma_start3A_213 = arith.constant 0 : i32
          %dma_start3A_214 = tpu.memref_slice %arg17[%mul3A_208, %dma_start3A_213] : memref<10112x128xf32, #tpu.memory_space<vmem_shared>> -> memref<632x128xf32, #tpu.memory_space<vmem_shared>>
          tpu.enqueue_dma source(%dma_start3A_214 : memref<632x128xf32, #tpu.memory_space<vmem_shared>>) target(%dma_start3A_212 : memref<632x128xf32, #tpu.memory_space<hbm>>) target_semaphore(%run_scoped3A : memref<!tpu.dma_semaphore, #tpu.memory_space<semaphore_mem>>)
          %dma_wait3A_215 = arith.constant 0 : i32
          %dma_wait3A_216 = tpu.memref_slice %arg8[%mul3A_210, %dma_wait3A_215] : memref<10000x128xf32, #tpu.memory_space<hbm>> -> memref<632x128xf32, #tpu.memory_space<hbm>>
          %dma_wait3A_217 = arith.constant 0 : i32
          %dma_wait3A_218 = tpu.memref_slice %arg17[%mul3A_208, %dma_wait3A_217] : memref<10112x128xf32, #tpu.memory_space<vmem_shared>> -> memref<632x128xf32, #tpu.memory_space<vmem_shared>>
          tpu.wait_dma2 semaphore(%run_scoped3A : memref<!tpu.dma_semaphore, #tpu.memory_space<semaphore_mem>>) src(%dma_wait3A_218 : memref<632x128xf32, #tpu.memory_space<vmem_shared>>) dst(%dma_wait3A_216 : memref<632x128xf32, #tpu.memory_space<hbm>>)
          tpu.yield
        }) : () -> ()
      } else {
      }
      %eq3A_202 = arith.constant 15 : i32
      %eq3A_203 = arith.cmpi eq, %arg1, %eq3A_202 : i32
      %convert_element_type3A_204 = arith.extui %eq3A_203 : i1 to i32
      %cond3A_205 = arith.constant 0 : i32
      %cond3A_206 = arith.cmpi ne, %convert_element_type3A_204, %cond3A_205 : i32
      scf.if %cond3A_206 {
        "tpu.region"() ({
          %run_scoped3A = tpu.sem_alloc : memref<!tpu.dma_semaphore, #tpu.memory_space<semaphore_mem>>
          %dma_start3A_207 = arith.constant 9480 : i32
          %dma_start3A_208 = arith.constant 0 : i32
          %dma_start3A_209 = tpu.memref_slice %arg8[%dma_start3A_207, %dma_start3A_208] : memref<10000x128xf32, #tpu.memory_space<hbm>> -> memref<520x128xf32, #tpu.memory_space<hbm>>
          %dma_start3A_210 = arith.constant 9480 : i32
          %dma_start3A_211 = arith.constant 0 : i32
          %dma_start3A_212 = tpu.memref_slice %arg17[%dma_start3A_210, %dma_start3A_211] : memref<10112x128xf32, #tpu.memory_space<vmem_shared>> -> memref<520x128xf32, #tpu.memory_space<vmem_shared>>
          tpu.enqueue_dma source(%dma_start3A_212 : memref<520x128xf32, #tpu.memory_space<vmem_shared>>) target(%dma_start3A_209 : memref<520x128xf32, #tpu.memory_space<hbm>>) target_semaphore(%run_scoped3A : memref<!tpu.dma_semaphore, #tpu.memory_space<semaphore_mem>>)
          %dma_wait3A_213 = arith.constant 9480 : i32
          %dma_wait3A_214 = arith.constant 0 : i32
          %dma_wait3A_215 = tpu.memref_slice %arg8[%dma_wait3A_213, %dma_wait3A_214] : memref<10000x128xf32, #tpu.memory_space<hbm>> -> memref<520x128xf32, #tpu.memory_space<hbm>>
          %dma_wait3A_216 = arith.constant 9480 : i32
          %dma_wait3A_217 = arith.constant 0 : i32
          %dma_wait3A_218 = tpu.memref_slice %arg17[%dma_wait3A_216, %dma_wait3A_217] : memref<10112x128xf32, #tpu.memory_space<vmem_shared>> -> memref<520x128xf32, #tpu.memory_space<vmem_shared>>
          tpu.wait_dma2 semaphore(%run_scoped3A : memref<!tpu.dma_semaphore, #tpu.memory_space<semaphore_mem>>) src(%dma_wait3A_218 : memref<520x128xf32, #tpu.memory_space<vmem_shared>>) dst(%dma_wait3A_215 : memref<520x128xf32, #tpu.memory_space<hbm>>)
          tpu.yield
        }) : () -> ()
      } else {
      }
    } else {
    }
    return
  }
}

#map = affine_map<(d0, d1) -> (0, 0)>
#map1 = affine_map<(d0, d1) -> (0)>
module attributes {stable_mosaic.version = 14 : i64} {
  func.func @_dual_spmv_sc(%arg0: i32, %arg1: i32, %arg2: memref<10000x128xf32, #tpu.memory_space<hbm>>, %arg3: memref<640000xi32, #tpu.memory_space<hbm>>, %arg4: memref<10000x128xf32, #tpu.memory_space<hbm>>, %arg5: memref<640000xi32, #tpu.memory_space<hbm>>, %arg6: memref<632x128xf32, #tpu.memory_space<hbm>>, %arg7: memref<10000x128xf32, #tpu.memory_space<hbm>>, %arg8: memref<10000x128xf32, #tpu.memory_space<hbm>>, %arg9: memref<128xi32, #tpu.memory_space<vmem>>, %arg10: memref<128xi32, #tpu.memory_space<vmem>>, %arg11: memref<128xi32, #tpu.memory_space<vmem>>, %arg12: memref<128xi32, #tpu.memory_space<vmem>>, %arg13: memref<128xi32, #tpu.memory_space<vmem>>, %arg14: memref<128xi32, #tpu.memory_space<vmem>>, %arg15: memref<128x128xf32, #tpu.memory_space<vmem>>, %arg16: memref<128x128xf32, #tpu.memory_space<vmem>>, %arg17: memref<10112x128xf32, #tpu.memory_space<vmem_shared>>, %arg18: memref<!tpu.dma_semaphore, #tpu.memory_space<semaphore_mem>>, %arg19: memref<!tpu.dma_semaphore, #tpu.memory_space<semaphore_mem>>, %arg20: memref<!tpu.dma_semaphore, #tpu.memory_space<semaphore_mem>>, %arg21: memref<!tpu.dma_semaphore, #tpu.memory_space<semaphore_mem>>, %arg22: memref<!tpu.dma_semaphore, #tpu.memory_space<semaphore_mem>>, %arg23: memref<!tpu.dma_semaphore, #tpu.memory_space<semaphore_mem>>, %arg24: memref<!tpu.dma_semaphore, #tpu.memory_space<semaphore_mem>>, %arg25: memref<!tpu.dma_semaphore, #tpu.memory_space<semaphore_mem>>) attributes {dimension_semantics = [#tpu.dimension_semantics<core_parallel>, #tpu.dimension_semantics<subcore_parallel>], iteration_bounds = array<i64: 2, 16>, scalar_prefetch = 0 : i64, scratch_operands = 17 : i64, tpu.core_type = #tpu.core_type<sc_vector_subcore>, window_params = [{transform_indices = #map}, {transform_indices = #map1}, {transform_indices = #map}, {transform_indices = #map1}, {transform_indices = #map}, {transform_indices = #map}, {transform_indices = #map}]} {
    %eq3A = arith.constant 0 : i32
    %eq3A_0 = arith.cmpi eq, %arg0, %eq3A : i32
    %convert_element_type3A = arith.extui %eq3A_0 : i1 to i32
    %cond3A = arith.constant 0 : i32
    %cond3A_1 = arith.cmpi ne, %convert_element_type3A, %cond3A : i32
    scf.if %cond3A_1 {
      %mul3A = arith.constant 20000 : i32
      %mul3A_7 = arith.muli %arg1, %mul3A : i32
      %add3A = arith.constant 0 : i32
      %add3A_8 = arith.addi %mul3A_7, %add3A : i32
      %add3A_9 = arith.constant 320000 : i32
      %add3A_10 = arith.addi %add3A_9, %add3A_8 : i32
      %dma_start3A = tpu.memref_slice %arg3[%add3A_10] : memref<640000xi32, #tpu.memory_space<hbm>> -> memref<128xi32, #tpu.memory_space<hbm>>
      %dma_start3A_11 = tpu.memref_slice %arg3[%add3A_10] : memref<640000xi32, #tpu.memory_space<hbm>> -> memref<128xi32, #tpu.memory_space<hbm>>
      tpu.enqueue_dma source(%dma_start3A_11 : memref<128xi32, #tpu.memory_space<hbm>>) target(%arg9 : memref<128xi32, #tpu.memory_space<vmem>>) target_semaphore(%arg18 : memref<!tpu.dma_semaphore, #tpu.memory_space<semaphore_mem>>)
      %dma_start3A_12 = tpu.memref_slice %arg3[%add3A_8] : memref<640000xi32, #tpu.memory_space<hbm>> -> memref<128xi32, #tpu.memory_space<hbm>>
      %dma_start3A_13 = tpu.memref_slice %arg3[%add3A_8] : memref<640000xi32, #tpu.memory_space<hbm>> -> memref<128xi32, #tpu.memory_space<hbm>>
      tpu.enqueue_dma source(%dma_start3A_13 : memref<128xi32, #tpu.memory_space<hbm>>) target(%arg12 : memref<128xi32, #tpu.memory_space<vmem>>) target_semaphore(%arg21 : memref<!tpu.dma_semaphore, #tpu.memory_space<semaphore_mem>>)
      %add3A_14 = arith.constant 128 : i32
      %add3A_15 = arith.addi %mul3A_7, %add3A_14 : i32
      %add3A_16 = arith.constant 320000 : i32
      %add3A_17 = arith.addi %add3A_16, %add3A_15 : i32
      %dma_start3A_18 = tpu.memref_slice %arg3[%add3A_17] : memref<640000xi32, #tpu.memory_space<hbm>> -> memref<128xi32, #tpu.memory_space<hbm>>
      %dma_start3A_19 = tpu.memref_slice %arg3[%add3A_17] : memref<640000xi32, #tpu.memory_space<hbm>> -> memref<128xi32, #tpu.memory_space<hbm>>
      tpu.enqueue_dma source(%dma_start3A_19 : memref<128xi32, #tpu.memory_space<hbm>>) target(%arg10 : memref<128xi32, #tpu.memory_space<vmem>>) target_semaphore(%arg19 : memref<!tpu.dma_semaphore, #tpu.memory_space<semaphore_mem>>)
      %dma_start3A_20 = tpu.memref_slice %arg3[%add3A_15] : memref<640000xi32, #tpu.memory_space<hbm>> -> memref<128xi32, #tpu.memory_space<hbm>>
      %dma_start3A_21 = tpu.memref_slice %arg3[%add3A_15] : memref<640000xi32, #tpu.memory_space<hbm>> -> memref<128xi32, #tpu.memory_space<hbm>>
      tpu.enqueue_dma source(%dma_start3A_21 : memref<128xi32, #tpu.memory_space<hbm>>) target(%arg13 : memref<128xi32, #tpu.memory_space<vmem>>) target_semaphore(%arg22 : memref<!tpu.dma_semaphore, #tpu.memory_space<semaphore_mem>>)
      %lt3A = arith.constant 15 : i32
      %lt3A_22 = arith.cmpi slt, %arg1, %lt3A : i32
      %convert_element_type3A_23 = arith.extui %lt3A_22 : i1 to i32
      %cond3A_24 = arith.constant 0 : i32
      %cond3A_25 = arith.cmpi ne, %convert_element_type3A_23, %cond3A_24 : i32
      scf.if %cond3A_25 {
        %mul3A_207 = arith.constant 632 : i32
        %mul3A_208 = arith.muli %arg1, %mul3A_207 : i32
        "tpu.region"() ({
          %run_scoped3A = tpu.sem_alloc : memref<!tpu.dma_semaphore, #tpu.memory_space<semaphore_mem>>
          %dma_start3A_209 = arith.constant 0 : i32
          %dma_start3A_210 = tpu.memref_slice %arg17[%mul3A_208, %dma_start3A_209] : memref<10112x128xf32, #tpu.memory_space<vmem_shared>> -> memref<632x128xf32, #tpu.memory_space<vmem_shared>>
          %dma_start3A_211 = arith.constant 0 : i32
          %dma_start3A_212 = arith.constant 0 : i32
          %dma_start3A_213 = tpu.memref_slice %arg6[%dma_start3A_211, %dma_start3A_212] : memref<632x128xf32, #tpu.memory_space<hbm>> -> memref<632x128xf32, #tpu.memory_space<hbm>>
          tpu.enqueue_dma source(%dma_start3A_213 : memref<632x128xf32, #tpu.memory_space<hbm>>) target(%dma_start3A_210 : memref<632x128xf32, #tpu.memory_space<vmem_shared>>) target_semaphore(%run_scoped3A : memref<!tpu.dma_semaphore, #tpu.memory_space<semaphore_mem>>)
          %dma_wait3A_214 = arith.constant 0 : i32
          %dma_wait3A_215 = tpu.memref_slice %arg17[%mul3A_208, %dma_wait3A_214] : memref<10112x128xf32, #tpu.memory_space<vmem_shared>> -> memref<632x128xf32, #tpu.memory_space<vmem_shared>>
          %dma_wait3A_216 = arith.constant 0 : i32
          %dma_wait3A_217 = arith.constant 0 : i32
          %dma_wait3A_218 = tpu.memref_slice %arg6[%dma_wait3A_216, %dma_wait3A_217] : memref<632x128xf32, #tpu.memory_space<hbm>> -> memref<632x128xf32, #tpu.memory_space<hbm>>
          tpu.wait_dma2 semaphore(%run_scoped3A : memref<!tpu.dma_semaphore, #tpu.memory_space<semaphore_mem>>) src(%dma_wait3A_218 : memref<632x128xf32, #tpu.memory_space<hbm>>) dst(%dma_wait3A_215 : memref<632x128xf32, #tpu.memory_space<vmem_shared>>)
          tpu.yield
        }) : () -> ()
      } else {
      }
      %eq3A_26 = arith.constant 15 : i32
      %eq3A_27 = arith.cmpi eq, %arg1, %eq3A_26 : i32
      %convert_element_type3A_28 = arith.extui %eq3A_27 : i1 to i32
      %cond3A_29 = arith.constant 0 : i32
      %cond3A_30 = arith.cmpi ne, %convert_element_type3A_28, %cond3A_29 : i32
      scf.if %cond3A_30 {
        "tpu.region"() ({
          %run_scoped3A = tpu.sem_alloc : memref<!tpu.dma_semaphore, #tpu.memory_space<semaphore_mem>>
          %dma_start3A_207 = arith.constant 9480 : i32
          %dma_start3A_208 = arith.constant 0 : i32
          %dma_start3A_209 = tpu.memref_slice %arg17[%dma_start3A_207, %dma_start3A_208] : memref<10112x128xf32, #tpu.memory_space<vmem_shared>> -> memref<520x128xf32, #tpu.memory_space<vmem_shared>>
          %dma_start3A_210 = arith.constant 0 : i32
          %dma_start3A_211 = arith.constant 0 : i32
          %dma_start3A_212 = tpu.memref_slice %arg6[%dma_start3A_210, %dma_start3A_211] : memref<632x128xf32, #tpu.memory_space<hbm>> -> memref<520x128xf32, #tpu.memory_space<hbm>>
          tpu.enqueue_dma source(%dma_start3A_212 : memref<520x128xf32, #tpu.memory_space<hbm>>) target(%dma_start3A_209 : memref<520x128xf32, #tpu.memory_space<vmem_shared>>) target_semaphore(%run_scoped3A : memref<!tpu.dma_semaphore, #tpu.memory_space<semaphore_mem>>)
          %dma_wait3A_213 = arith.constant 9480 : i32
          %dma_wait3A_214 = arith.constant 0 : i32
          %dma_wait3A_215 = tpu.memref_slice %arg17[%dma_wait3A_213, %dma_wait3A_214] : memref<10112x128xf32, #tpu.memory_space<vmem_shared>> -> memref<520x128xf32, #tpu.memory_space<vmem_shared>>
          %dma_wait3A_216 = arith.constant 0 : i32
          %dma_wait3A_217 = arith.constant 0 : i32
          %dma_wait3A_218 = tpu.memref_slice %arg6[%dma_wait3A_216, %dma_wait3A_217] : memref<632x128xf32, #tpu.memory_space<hbm>> -> memref<520x128xf32, #tpu.memory_space<hbm>>
          tpu.wait_dma2 semaphore(%run_scoped3A : memref<!tpu.dma_semaphore, #tpu.memory_space<semaphore_mem>>) src(%dma_wait3A_218 : memref<520x128xf32, #tpu.memory_space<hbm>>) dst(%dma_wait3A_215 : memref<520x128xf32, #tpu.memory_space<vmem_shared>>)
          tpu.yield
        }) : () -> ()
      } else {
      }
      %add3A_31 = arith.constant 0 : i32
      %add3A_32 = arith.addi %mul3A_7, %add3A_31 : i32
      %add3A_33 = arith.constant 320000 : i32
      %add3A_34 = arith.addi %add3A_33, %add3A_32 : i32
      %dma_wait3A = tpu.memref_slice %arg3[%add3A_34] : memref<640000xi32, #tpu.memory_space<hbm>> -> memref<128xi32, #tpu.memory_space<hbm>>
      %dma_wait3A_35 = tpu.memref_slice %arg3[%add3A_34] : memref<640000xi32, #tpu.memory_space<hbm>> -> memref<128xi32, #tpu.memory_space<hbm>>
      tpu.wait_dma2 semaphore(%arg18 : memref<!tpu.dma_semaphore, #tpu.memory_space<semaphore_mem>>) src(%dma_wait3A_35 : memref<128xi32, #tpu.memory_space<hbm>>) dst(%arg9 : memref<128xi32, #tpu.memory_space<vmem>>)
      %dma_wait3A_36 = tpu.memref_slice %arg3[%add3A_32] : memref<640000xi32, #tpu.memory_space<hbm>> -> memref<128xi32, #tpu.memory_space<hbm>>
      %dma_wait3A_37 = tpu.memref_slice %arg3[%add3A_32] : memref<640000xi32, #tpu.memory_space<hbm>> -> memref<128xi32, #tpu.memory_space<hbm>>
      tpu.wait_dma2 semaphore(%arg21 : memref<!tpu.dma_semaphore, #tpu.memory_space<semaphore_mem>>) src(%dma_wait3A_37 : memref<128xi32, #tpu.memory_space<hbm>>) dst(%arg12 : memref<128xi32, #tpu.memory_space<vmem>>)
      %dma_start3A_38 = arith.constant 0 : i32
      %dma_start3A_39 = arith.constant 0 : i32
      %dma_start3A_40 = tpu.memref_slice %arg2[%dma_start3A_38, %dma_start3A_39] : memref<10000x128xf32, #tpu.memory_space<hbm>> -> memref<10000x128xf32, #tpu.memory_space<hbm>>
      tpu.enqueue_indirect_dma source(%dma_start3A_40 : memref<10000x128xf32, #tpu.memory_space<hbm>>) target(%arg15 : memref<128x128xf32, #tpu.memory_space<vmem>>) offsets(%arg9 : memref<128xi32, #tpu.memory_space<vmem>>) semaphore(%arg24 : memref<!tpu.dma_semaphore, #tpu.memory_space<semaphore_mem>>)
      %barrier3A = arith.constant 0 : index
      tpu.barrier barrier_id(%barrier3A)
      %scan3A = arith.constant 0 : i32
      %scan3A_41 = arith.constant 25 : i32
      %scan3A_42 = arith.addi %scan3A, %scan3A_41 : i32
      %scan3A_43 = arith.constant 1 : i32
      scf.for %scan3A_207 = %scan3A to %scan3A_42 step %scan3A_43  : i32 {
        %mul3A_208 = arith.constant 6 : i32
        %mul3A_209 = arith.muli %mul3A_208, %scan3A_207 : i32
        %add3A_210 = arith.constant 0 : i32
        %add3A_211 = arith.addi %mul3A_209, %add3A_210 : i32
        %add3A_212 = arith.constant 2 : i32
        %add3A_213 = arith.addi %add3A_211, %add3A_212 : i32
        %mul3A_214 = arith.constant 128 : i32
        %mul3A_215 = arith.muli %add3A_213, %mul3A_214 : i32
        %add3A_216 = arith.addi %mul3A_7, %mul3A_215 : i32
        %add3A_217 = arith.constant 320000 : i32
        %add3A_218 = arith.addi %add3A_217, %add3A_216 : i32
        %dma_start3A_219 = tpu.memref_slice %arg3[%add3A_218] : memref<640000xi32, #tpu.memory_space<hbm>> -> memref<128xi32, #tpu.memory_space<hbm>>
        %dma_start3A_220 = tpu.memref_slice %arg3[%add3A_218] : memref<640000xi32, #tpu.memory_space<hbm>> -> memref<128xi32, #tpu.memory_space<hbm>>
        tpu.enqueue_dma source(%dma_start3A_220 : memref<128xi32, #tpu.memory_space<hbm>>) target(%arg11 : memref<128xi32, #tpu.memory_space<vmem>>) target_semaphore(%arg20 : memref<!tpu.dma_semaphore, #tpu.memory_space<semaphore_mem>>)
        %dma_start3A_221 = tpu.memref_slice %arg3[%add3A_216] : memref<640000xi32, #tpu.memory_space<hbm>> -> memref<128xi32, #tpu.memory_space<hbm>>
        %dma_start3A_222 = tpu.memref_slice %arg3[%add3A_216] : memref<640000xi32, #tpu.memory_space<hbm>> -> memref<128xi32, #tpu.memory_space<hbm>>
        tpu.enqueue_dma source(%dma_start3A_222 : memref<128xi32, #tpu.memory_space<hbm>>) target(%arg14 : memref<128xi32, #tpu.memory_space<vmem>>) target_semaphore(%arg23 : memref<!tpu.dma_semaphore, #tpu.memory_space<semaphore_mem>>)
        %add3A_223 = arith.constant 1 : i32
        %add3A_224 = arith.addi %add3A_211, %add3A_223 : i32
        %mul3A_225 = arith.constant 128 : i32
        %mul3A_226 = arith.muli %add3A_224, %mul3A_225 : i32
        %add3A_227 = arith.addi %mul3A_7, %mul3A_226 : i32
        %add3A_228 = arith.constant 320000 : i32
        %add3A_229 = arith.addi %add3A_228, %add3A_227 : i32
        %dma_wait3A_230 = tpu.memref_slice %arg3[%add3A_229] : memref<640000xi32, #tpu.memory_space<hbm>> -> memref<128xi32, #tpu.memory_space<hbm>>
        %dma_wait3A_231 = tpu.memref_slice %arg3[%add3A_229] : memref<640000xi32, #tpu.memory_space<hbm>> -> memref<128xi32, #tpu.memory_space<hbm>>
        tpu.wait_dma2 semaphore(%arg19 : memref<!tpu.dma_semaphore, #tpu.memory_space<semaphore_mem>>) src(%dma_wait3A_231 : memref<128xi32, #tpu.memory_space<hbm>>) dst(%arg10 : memref<128xi32, #tpu.memory_space<vmem>>)
        %dma_wait3A_232 = tpu.memref_slice %arg3[%add3A_227] : memref<640000xi32, #tpu.memory_space<hbm>> -> memref<128xi32, #tpu.memory_space<hbm>>
        %dma_wait3A_233 = tpu.memref_slice %arg3[%add3A_227] : memref<640000xi32, #tpu.memory_space<hbm>> -> memref<128xi32, #tpu.memory_space<hbm>>
        tpu.wait_dma2 semaphore(%arg22 : memref<!tpu.dma_semaphore, #tpu.memory_space<semaphore_mem>>) src(%dma_wait3A_233 : memref<128xi32, #tpu.memory_space<hbm>>) dst(%arg13 : memref<128xi32, #tpu.memory_space<vmem>>)
        %dma_start3A_234 = arith.constant 0 : i32
        %dma_start3A_235 = arith.constant 0 : i32
        %dma_start3A_236 = tpu.memref_slice %arg2[%dma_start3A_234, %dma_start3A_235] : memref<10000x128xf32, #tpu.memory_space<hbm>> -> memref<10000x128xf32, #tpu.memory_space<hbm>>
        tpu.enqueue_indirect_dma source(%dma_start3A_236 : memref<10000x128xf32, #tpu.memory_space<hbm>>) target(%arg16 : memref<128x128xf32, #tpu.memory_space<vmem>>) offsets(%arg10 : memref<128xi32, #tpu.memory_space<vmem>>) semaphore(%arg25 : memref<!tpu.dma_semaphore, #tpu.memory_space<semaphore_mem>>)
        %dma_wait3A_237 = arith.constant 0 : i32
        %dma_wait3A_238 = arith.constant 0 : i32
        %dma_wait3A_239 = tpu.memref_slice %arg2[%dma_wait3A_237, %dma_wait3A_238] : memref<10000x128xf32, #tpu.memory_space<hbm>> -> memref<10000x128xf32, #tpu.memory_space<hbm>>
        tpu.wait_indirect_dma semaphore(%arg24 : memref<!tpu.dma_semaphore, #tpu.memory_space<semaphore_mem>>) src(%dma_wait3A_239 : memref<10000x128xf32, #tpu.memory_space<hbm>>) dst(%arg15 : memref<128x128xf32, #tpu.memory_space<vmem>>)
        "tpu.region"() ({
          %run_scoped3A = tpu.sem_alloc : memref<!tpu.dma_semaphore, #tpu.memory_space<semaphore_mem>>
          %dma_start3A_400 = arith.constant 0 : i32
          %dma_start3A_401 = arith.constant 0 : i32
          %dma_start3A_402 = tpu.memref_slice %arg17[%dma_start3A_400, %dma_start3A_401] : memref<10112x128xf32, #tpu.memory_space<vmem_shared>> -> memref<10112x128xf32, #tpu.memory_space<vmem_shared>>
          tpu.enqueue_indirect_dma source(%arg15 : memref<128x128xf32, #tpu.memory_space<vmem>>) target(%dma_start3A_402 : memref<10112x128xf32, #tpu.memory_space<vmem_shared>>) offsets(%arg12 : memref<128xi32, #tpu.memory_space<vmem>>) semaphore(%run_scoped3A : memref<!tpu.dma_semaphore, #tpu.memory_space<semaphore_mem>>) {add = true}
          %dma_wait3A_403 = arith.constant 0 : i32
          %dma_wait3A_404 = arith.constant 0 : i32
          %dma_wait3A_405 = tpu.memref_slice %arg17[%dma_wait3A_403, %dma_wait3A_404] : memref<10112x128xf32, #tpu.memory_space<vmem_shared>> -> memref<10112x128xf32, #tpu.memory_space<vmem_shared>>
          tpu.wait_indirect_dma semaphore(%run_scoped3A : memref<!tpu.dma_semaphore, #tpu.memory_space<semaphore_mem>>) src(%arg15 : memref<128x128xf32, #tpu.memory_space<vmem>>) dst(%dma_wait3A_405 : memref<10112x128xf32, #tpu.memory_space<vmem_shared>>)
          tpu.yield
        }) : () -> ()
        %mul3A_240 = arith.constant 6 : i32
        %mul3A_241 = arith.muli %mul3A_240, %scan3A_207 : i32
        %add3A_242 = arith.constant 1 : i32
        %add3A_243 = arith.addi %mul3A_241, %add3A_242 : i32
        %add3A_244 = arith.constant 2 : i32
        %add3A_245 = arith.addi %add3A_243, %add3A_244 : i32
        %mul3A_246 = arith.constant 128 : i32
        %mul3A_247 = arith.muli %add3A_245, %mul3A_246 : i32
        %add3A_248 = arith.addi %mul3A_7, %mul3A_247 : i32
        %add3A_249 = arith.constant 320000 : i32
        %add3A_250 = arith.addi %add3A_249, %add3A_248 : i32
        %dma_start3A_251 = tpu.memref_slice %arg3[%add3A_250] : memref<640000xi32, #tpu.memory_space<hbm>> -> memref<128xi32, #tpu.memory_space<hbm>>
        %dma_start3A_252 = tpu.memref_slice %arg3[%add3A_250] : memref<640000xi32, #tpu.memory_space<hbm>> -> memref<128xi32, #tpu.memory_space<hbm>>
        tpu.enqueue_dma source(%dma_start3A_252 : memref<128xi32, #tpu.memory_space<hbm>>) target(%arg9 : memref<128xi32, #tpu.memory_space<vmem>>) target_semaphore(%arg18 : memref<!tpu.dma_semaphore, #tpu.memory_space<semaphore_mem>>)
        %dma_start3A_253 = tpu.memref_slice %arg3[%add3A_248] : memref<640000xi32, #tpu.memory_space<hbm>> -> memref<128xi32, #tpu.memory_space<hbm>>
        %dma_start3A_254 = tpu.memref_slice %arg3[%add3A_248] : memref<640000xi32, #tpu.memory_space<hbm>> -> memref<128xi32, #tpu.memory_space<hbm>>
        tpu.enqueue_dma source(%dma_start3A_254 : memref<128xi32, #tpu.memory_space<hbm>>) target(%arg12 : memref<128xi32, #tpu.memory_space<vmem>>) target_semaphore(%arg21 : memref<!tpu.dma_semaphore, #tpu.memory_space<semaphore_mem>>)
        %add3A_255 = arith.constant 1 : i32
        %add3A_256 = arith.addi %add3A_243, %add3A_255 : i32
        %mul3A_257 = arith.constant 128 : i32
        %mul3A_258 = arith.muli %add3A_256, %mul3A_257 : i32
        %add3A_259 = arith.addi %mul3A_7, %mul3A_258 : i32
        %add3A_260 = arith.constant 320000 : i32
        %add3A_261 = arith.addi %add3A_260, %add3A_259 : i32
        %dma_wait3A_262 = tpu.memref_slice %arg3[%add3A_261] : memref<640000xi32, #tpu.memory_space<hbm>> -> memref<128xi32, #tpu.memory_space<hbm>>
        %dma_wait3A_263 = tpu.memref_slice %arg3[%add3A_261] : memref<640000xi32, #tpu.memory_space<hbm>> -> memref<128xi32, #tpu.memory_space<hbm>>
        tpu.wait_dma2 semaphore(%arg20 : memref<!tpu.dma_semaphore, #tpu.memory_space<semaphore_mem>>) src(%dma_wait3A_263 : memref<128xi32, #tpu.memory_space<hbm>>) dst(%arg11 : memref<128xi32, #tpu.memory_space<vmem>>)
        %dma_wait3A_264 = tpu.memref_slice %arg3[%add3A_259] : memref<640000xi32, #tpu.memory_space<hbm>> -> memref<128xi32, #tpu.memory_space<hbm>>
        %dma_wait3A_265 = tpu.memref_slice %arg3[%add3A_259] : memref<640000xi32, #tpu.memory_space<hbm>> -> memref<128xi32, #tpu.memory_space<hbm>>
        tpu.wait_dma2 semaphore(%arg23 : memref<!tpu.dma_semaphore, #tpu.memory_space<semaphore_mem>>) src(%dma_wait3A_265 : memref<128xi32, #tpu.memory_space<hbm>>) dst(%arg14 : memref<128xi32, #tpu.memory_space<vmem>>)
        %dma_start3A_266 = arith.constant 0 : i32
        %dma_start3A_267 = arith.constant 0 : i32
        %dma_start3A_268 = tpu.memref_slice %arg2[%dma_start3A_266, %dma_start3A_267] : memref<10000x128xf32, #tpu.memory_space<hbm>> -> memref<10000x128xf32, #tpu.memory_space<hbm>>
        tpu.enqueue_indirect_dma source(%dma_start3A_268 : memref<10000x128xf32, #tpu.memory_space<hbm>>) target(%arg15 : memref<128x128xf32, #tpu.memory_space<vmem>>) offsets(%arg11 : memref<128xi32, #tpu.memory_space<vmem>>) semaphore(%arg24 : memref<!tpu.dma_semaphore, #tpu.memory_space<semaphore_mem>>)
        %dma_wait3A_269 = arith.constant 0 : i32
        %dma_wait3A_270 = arith.constant 0 : i32
        %dma_wait3A_271 = tpu.memref_slice %arg2[%dma_wait3A_269, %dma_wait3A_270] : memref<10000x128xf32, #tpu.memory_space<hbm>> -> memref<10000x128xf32, #tpu.memory_space<hbm>>
        tpu.wait_indirect_dma semaphore(%arg25 : memref<!tpu.dma_semaphore, #tpu.memory_space<semaphore_mem>>) src(%dma_wait3A_271 : memref<10000x128xf32, #tpu.memory_space<hbm>>) dst(%arg16 : memref<128x128xf32, #tpu.memory_space<vmem>>)
        "tpu.region"() ({
          %run_scoped3A = tpu.sem_alloc : memref<!tpu.dma_semaphore, #tpu.memory_space<semaphore_mem>>
          %dma_start3A_400 = arith.constant 0 : i32
          %dma_start3A_401 = arith.constant 0 : i32
          %dma_start3A_402 = tpu.memref_slice %arg17[%dma_start3A_400, %dma_start3A_401] : memref<10112x128xf32, #tpu.memory_space<vmem_shared>> -> memref<10112x128xf32, #tpu.memory_space<vmem_shared>>
          tpu.enqueue_indirect_dma source(%arg16 : memref<128x128xf32, #tpu.memory_space<vmem>>) target(%dma_start3A_402 : memref<10112x128xf32, #tpu.memory_space<vmem_shared>>) offsets(%arg13 : memref<128xi32, #tpu.memory_space<vmem>>) semaphore(%run_scoped3A : memref<!tpu.dma_semaphore, #tpu.memory_space<semaphore_mem>>) {add = true}
          %dma_wait3A_403 = arith.constant 0 : i32
          %dma_wait3A_404 = arith.constant 0 : i32
          %dma_wait3A_405 = tpu.memref_slice %arg17[%dma_wait3A_403, %dma_wait3A_404] : memref<10112x128xf32, #tpu.memory_space<vmem_shared>> -> memref<10112x128xf32, #tpu.memory_space<vmem_shared>>
          tpu.wait_indirect_dma semaphore(%run_scoped3A : memref<!tpu.dma_semaphore, #tpu.memory_space<semaphore_mem>>) src(%arg16 : memref<128x128xf32, #tpu.memory_space<vmem>>) dst(%dma_wait3A_405 : memref<10112x128xf32, #tpu.memory_space<vmem_shared>>)
          tpu.yield
        }) : () -> ()
        %mul3A_272 = arith.constant 6 : i32
        %mul3A_273 = arith.muli %mul3A_272, %scan3A_207 : i32
        %add3A_274 = arith.constant 2 : i32
        %add3A_275 = arith.addi %mul3A_273, %add3A_274 : i32
        %add3A_276 = arith.constant 2 : i32
        %add3A_277 = arith.addi %add3A_275, %add3A_276 : i32
        %mul3A_278 = arith.constant 128 : i32
        %mul3A_279 = arith.muli %add3A_277, %mul3A_278 : i32
        %add3A_280 = arith.addi %mul3A_7, %mul3A_279 : i32
        %add3A_281 = arith.constant 320000 : i32
        %add3A_282 = arith.addi %add3A_281, %add3A_280 : i32
        %dma_start3A_283 = tpu.memref_slice %arg3[%add3A_282] : memref<640000xi32, #tpu.memory_space<hbm>> -> memref<128xi32, #tpu.memory_space<hbm>>
        %dma_start3A_284 = tpu.memref_slice %arg3[%add3A_282] : memref<640000xi32, #tpu.memory_space<hbm>> -> memref<128xi32, #tpu.memory_space<hbm>>
        tpu.enqueue_dma source(%dma_start3A_284 : memref<128xi32, #tpu.memory_space<hbm>>) target(%arg10 : memref<128xi32, #tpu.memory_space<vmem>>) target_semaphore(%arg19 : memref<!tpu.dma_semaphore, #tpu.memory_space<semaphore_mem>>)
        %dma_start3A_285 = tpu.memref_slice %arg3[%add3A_280] : memref<640000xi32, #tpu.memory_space<hbm>> -> memref<128xi32, #tpu.memory_space<hbm>>
        %dma_start3A_286 = tpu.memref_slice %arg3[%add3A_280] : memref<640000xi32, #tpu.memory_space<hbm>> -> memref<128xi32, #tpu.memory_space<hbm>>
        tpu.enqueue_dma source(%dma_start3A_286 : memref<128xi32, #tpu.memory_space<hbm>>) target(%arg13 : memref<128xi32, #tpu.memory_space<vmem>>) target_semaphore(%arg22 : memref<!tpu.dma_semaphore, #tpu.memory_space<semaphore_mem>>)
        %add3A_287 = arith.constant 1 : i32
        %add3A_288 = arith.addi %add3A_275, %add3A_287 : i32
        %mul3A_289 = arith.constant 128 : i32
        %mul3A_290 = arith.muli %add3A_288, %mul3A_289 : i32
        %add3A_291 = arith.addi %mul3A_7, %mul3A_290 : i32
        %add3A_292 = arith.constant 320000 : i32
        %add3A_293 = arith.addi %add3A_292, %add3A_291 : i32
        %dma_wait3A_294 = tpu.memref_slice %arg3[%add3A_293] : memref<640000xi32, #tpu.memory_space<hbm>> -> memref<128xi32, #tpu.memory_space<hbm>>
        %dma_wait3A_295 = tpu.memref_slice %arg3[%add3A_293] : memref<640000xi32, #tpu.memory_space<hbm>> -> memref<128xi32, #tpu.memory_space<hbm>>
        tpu.wait_dma2 semaphore(%arg18 : memref<!tpu.dma_semaphore, #tpu.memory_space<semaphore_mem>>) src(%dma_wait3A_295 : memref<128xi32, #tpu.memory_space<hbm>>) dst(%arg9 : memref<128xi32, #tpu.memory_space<vmem>>)
        %dma_wait3A_296 = tpu.memref_slice %arg3[%add3A_291] : memref<640000xi32, #tpu.memory_space<hbm>> -> memref<128xi32, #tpu.memory_space<hbm>>
        %dma_wait3A_297 = tpu.memref_slice %arg3[%add3A_291] : memref<640000xi32, #tpu.memory_space<hbm>> -> memref<128xi32, #tpu.memory_space<hbm>>
        tpu.wait_dma2 semaphore(%arg21 : memref<!tpu.dma_semaphore, #tpu.memory_space<semaphore_mem>>) src(%dma_wait3A_297 : memref<128xi32, #tpu.memory_space<hbm>>) dst(%arg12 : memref<128xi32, #tpu.memory_space<vmem>>)
        %dma_start3A_298 = arith.constant 0 : i32
        %dma_start3A_299 = arith.constant 0 : i32
        %dma_start3A_300 = tpu.memref_slice %arg2[%dma_start3A_298, %dma_start3A_299] : memref<10000x128xf32, #tpu.memory_space<hbm>> -> memref<10000x128xf32, #tpu.memory_space<hbm>>
        tpu.enqueue_indirect_dma source(%dma_start3A_300 : memref<10000x128xf32, #tpu.memory_space<hbm>>) target(%arg16 : memref<128x128xf32, #tpu.memory_space<vmem>>) offsets(%arg9 : memref<128xi32, #tpu.memory_space<vmem>>) semaphore(%arg25 : memref<!tpu.dma_semaphore, #tpu.memory_space<semaphore_mem>>)
        %dma_wait3A_301 = arith.constant 0 : i32
        %dma_wait3A_302 = arith.constant 0 : i32
        %dma_wait3A_303 = tpu.memref_slice %arg2[%dma_wait3A_301, %dma_wait3A_302] : memref<10000x128xf32, #tpu.memory_space<hbm>> -> memref<10000x128xf32, #tpu.memory_space<hbm>>
        tpu.wait_indirect_dma semaphore(%arg24 : memref<!tpu.dma_semaphore, #tpu.memory_space<semaphore_mem>>) src(%dma_wait3A_303 : memref<10000x128xf32, #tpu.memory_space<hbm>>) dst(%arg15 : memref<128x128xf32, #tpu.memory_space<vmem>>)
        "tpu.region"() ({
          %run_scoped3A = tpu.sem_alloc : memref<!tpu.dma_semaphore, #tpu.memory_space<semaphore_mem>>
          %dma_start3A_400 = arith.constant 0 : i32
          %dma_start3A_401 = arith.constant 0 : i32
          %dma_start3A_402 = tpu.memref_slice %arg17[%dma_start3A_400, %dma_start3A_401] : memref<10112x128xf32, #tpu.memory_space<vmem_shared>> -> memref<10112x128xf32, #tpu.memory_space<vmem_shared>>
          tpu.enqueue_indirect_dma source(%arg15 : memref<128x128xf32, #tpu.memory_space<vmem>>) target(%dma_start3A_402 : memref<10112x128xf32, #tpu.memory_space<vmem_shared>>) offsets(%arg14 : memref<128xi32, #tpu.memory_space<vmem>>) semaphore(%run_scoped3A : memref<!tpu.dma_semaphore, #tpu.memory_space<semaphore_mem>>) {add = true}
          %dma_wait3A_403 = arith.constant 0 : i32
          %dma_wait3A_404 = arith.constant 0 : i32
          %dma_wait3A_405 = tpu.memref_slice %arg17[%dma_wait3A_403, %dma_wait3A_404] : memref<10112x128xf32, #tpu.memory_space<vmem_shared>> -> memref<10112x128xf32, #tpu.memory_space<vmem_shared>>
          tpu.wait_indirect_dma semaphore(%run_scoped3A : memref<!tpu.dma_semaphore, #tpu.memory_space<semaphore_mem>>) src(%arg15 : memref<128x128xf32, #tpu.memory_space<vmem>>) dst(%dma_wait3A_405 : memref<10112x128xf32, #tpu.memory_space<vmem_shared>>)
          tpu.yield
        }) : () -> ()
        %mul3A_304 = arith.constant 6 : i32
        %mul3A_305 = arith.muli %mul3A_304, %scan3A_207 : i32
        %add3A_306 = arith.constant 3 : i32
        %add3A_307 = arith.addi %mul3A_305, %add3A_306 : i32
        %add3A_308 = arith.constant 2 : i32
        %add3A_309 = arith.addi %add3A_307, %add3A_308 : i32
        %mul3A_310 = arith.constant 128 : i32
        %mul3A_311 = arith.muli %add3A_309, %mul3A_310 : i32
        %add3A_312 = arith.addi %mul3A_7, %mul3A_311 : i32
        %add3A_313 = arith.constant 320000 : i32
        %add3A_314 = arith.addi %add3A_313, %add3A_312 : i32
        %dma_start3A_315 = tpu.memref_slice %arg3[%add3A_314] : memref<640000xi32, #tpu.memory_space<hbm>> -> memref<128xi32, #tpu.memory_space<hbm>>
        %dma_start3A_316 = tpu.memref_slice %arg3[%add3A_314] : memref<640000xi32, #tpu.memory_space<hbm>> -> memref<128xi32, #tpu.memory_space<hbm>>
        tpu.enqueue_dma source(%dma_start3A_316 : memref<128xi32, #tpu.memory_space<hbm>>) target(%arg11 : memref<128xi32, #tpu.memory_space<vmem>>) target_semaphore(%arg20 : memref<!tpu.dma_semaphore, #tpu.memory_space<semaphore_mem>>)
        %dma_start3A_317 = tpu.memref_slice %arg3[%add3A_312] : memref<640000xi32, #tpu.memory_space<hbm>> -> memref<128xi32, #tpu.memory_space<hbm>>
        %dma_start3A_318 = tpu.memref_slice %arg3[%add3A_312] : memref<640000xi32, #tpu.memory_space<hbm>> -> memref<128xi32, #tpu.memory_space<hbm>>
        tpu.enqueue_dma source(%dma_start3A_318 : memref<128xi32, #tpu.memory_space<hbm>>) target(%arg14 : memref<128xi32, #tpu.memory_space<vmem>>) target_semaphore(%arg23 : memref<!tpu.dma_semaphore, #tpu.memory_space<semaphore_mem>>)
        %add3A_319 = arith.constant 1 : i32
        %add3A_320 = arith.addi %add3A_307, %add3A_319 : i32
        %mul3A_321 = arith.constant 128 : i32
        %mul3A_322 = arith.muli %add3A_320, %mul3A_321 : i32
        %add3A_323 = arith.addi %mul3A_7, %mul3A_322 : i32
        %add3A_324 = arith.constant 320000 : i32
        %add3A_325 = arith.addi %add3A_324, %add3A_323 : i32
        %dma_wait3A_326 = tpu.memref_slice %arg3[%add3A_325] : memref<640000xi32, #tpu.memory_space<hbm>> -> memref<128xi32, #tpu.memory_space<hbm>>
        %dma_wait3A_327 = tpu.memref_slice %arg3[%add3A_325] : memref<640000xi32, #tpu.memory_space<hbm>> -> memref<128xi32, #tpu.memory_space<hbm>>
        tpu.wait_dma2 semaphore(%arg19 : memref<!tpu.dma_semaphore, #tpu.memory_space<semaphore_mem>>) src(%dma_wait3A_327 : memref<128xi32, #tpu.memory_space<hbm>>) dst(%arg10 : memref<128xi32, #tpu.memory_space<vmem>>)
        %dma_wait3A_328 = tpu.memref_slice %arg3[%add3A_323] : memref<640000xi32, #tpu.memory_space<hbm>> -> memref<128xi32, #tpu.memory_space<hbm>>
        %dma_wait3A_329 = tpu.memref_slice %arg3[%add3A_323] : memref<640000xi32, #tpu.memory_space<hbm>> -> memref<128xi32, #tpu.memory_space<hbm>>
        tpu.wait_dma2 semaphore(%arg22 : memref<!tpu.dma_semaphore, #tpu.memory_space<semaphore_mem>>) src(%dma_wait3A_329 : memref<128xi32, #tpu.memory_space<hbm>>) dst(%arg13 : memref<128xi32, #tpu.memory_space<vmem>>)
        %dma_start3A_330 = arith.constant 0 : i32
        %dma_start3A_331 = arith.constant 0 : i32
        %dma_start3A_332 = tpu.memref_slice %arg2[%dma_start3A_330, %dma_start3A_331] : memref<10000x128xf32, #tpu.memory_space<hbm>> -> memref<10000x128xf32, #tpu.memory_space<hbm>>
        tpu.enqueue_indirect_dma source(%dma_start3A_332 : memref<10000x128xf32, #tpu.memory_space<hbm>>) target(%arg15 : memref<128x128xf32, #tpu.memory_space<vmem>>) offsets(%arg10 : memref<128xi32, #tpu.memory_space<vmem>>) semaphore(%arg24 : memref<!tpu.dma_semaphore, #tpu.memory_space<semaphore_mem>>)
        %dma_wait3A_333 = arith.constant 0 : i32
        %dma_wait3A_334 = arith.constant 0 : i32
        %dma_wait3A_335 = tpu.memref_slice %arg2[%dma_wait3A_333, %dma_wait3A_334] : memref<10000x128xf32, #tpu.memory_space<hbm>> -> memref<10000x128xf32, #tpu.memory_space<hbm>>
        tpu.wait_indirect_dma semaphore(%arg25 : memref<!tpu.dma_semaphore, #tpu.memory_space<semaphore_mem>>) src(%dma_wait3A_335 : memref<10000x128xf32, #tpu.memory_space<hbm>>) dst(%arg16 : memref<128x128xf32, #tpu.memory_space<vmem>>)
        "tpu.region"() ({
          %run_scoped3A = tpu.sem_alloc : memref<!tpu.dma_semaphore, #tpu.memory_space<semaphore_mem>>
          %dma_start3A_400 = arith.constant 0 : i32
          %dma_start3A_401 = arith.constant 0 : i32
          %dma_start3A_402 = tpu.memref_slice %arg17[%dma_start3A_400, %dma_start3A_401] : memref<10112x128xf32, #tpu.memory_space<vmem_shared>> -> memref<10112x128xf32, #tpu.memory_space<vmem_shared>>
          tpu.enqueue_indirect_dma source(%arg16 : memref<128x128xf32, #tpu.memory_space<vmem>>) target(%dma_start3A_402 : memref<10112x128xf32, #tpu.memory_space<vmem_shared>>) offsets(%arg12 : memref<128xi32, #tpu.memory_space<vmem>>) semaphore(%run_scoped3A : memref<!tpu.dma_semaphore, #tpu.memory_space<semaphore_mem>>) {add = true}
          %dma_wait3A_403 = arith.constant 0 : i32
          %dma_wait3A_404 = arith.constant 0 : i32
          %dma_wait3A_405 = tpu.memref_slice %arg17[%dma_wait3A_403, %dma_wait3A_404] : memref<10112x128xf32, #tpu.memory_space<vmem_shared>> -> memref<10112x128xf32, #tpu.memory_space<vmem_shared>>
          tpu.wait_indirect_dma semaphore(%run_scoped3A : memref<!tpu.dma_semaphore, #tpu.memory_space<semaphore_mem>>) src(%arg16 : memref<128x128xf32, #tpu.memory_space<vmem>>) dst(%dma_wait3A_405 : memref<10112x128xf32, #tpu.memory_space<vmem_shared>>)
          tpu.yield
        }) : () -> ()
        %mul3A_336 = arith.constant 6 : i32
        %mul3A_337 = arith.muli %mul3A_336, %scan3A_207 : i32
        %add3A_338 = arith.constant 4 : i32
        %add3A_339 = arith.addi %mul3A_337, %add3A_338 : i32
        %add3A_340 = arith.constant 2 : i32
        %add3A_341 = arith.addi %add3A_339, %add3A_340 : i32
        %mul3A_342 = arith.constant 128 : i32
        %mul3A_343 = arith.muli %add3A_341, %mul3A_342 : i32
        %add3A_344 = arith.addi %mul3A_7, %mul3A_343 : i32
        %add3A_345 = arith.constant 320000 : i32
        %add3A_346 = arith.addi %add3A_345, %add3A_344 : i32
        %dma_start3A_347 = tpu.memref_slice %arg3[%add3A_346] : memref<640000xi32, #tpu.memory_space<hbm>> -> memref<128xi32, #tpu.memory_space<hbm>>
        %dma_start3A_348 = tpu.memref_slice %arg3[%add3A_346] : memref<640000xi32, #tpu.memory_space<hbm>> -> memref<128xi32, #tpu.memory_space<hbm>>
        tpu.enqueue_dma source(%dma_start3A_348 : memref<128xi32, #tpu.memory_space<hbm>>) target(%arg9 : memref<128xi32, #tpu.memory_space<vmem>>) target_semaphore(%arg18 : memref<!tpu.dma_semaphore, #tpu.memory_space<semaphore_mem>>)
        %dma_start3A_349 = tpu.memref_slice %arg3[%add3A_344] : memref<640000xi32, #tpu.memory_space<hbm>> -> memref<128xi32, #tpu.memory_space<hbm>>
        %dma_start3A_350 = tpu.memref_slice %arg3[%add3A_344] : memref<640000xi32, #tpu.memory_space<hbm>> -> memref<128xi32, #tpu.memory_space<hbm>>
        tpu.enqueue_dma source(%dma_start3A_350 : memref<128xi32, #tpu.memory_space<hbm>>) target(%arg12 : memref<128xi32, #tpu.memory_space<vmem>>) target_semaphore(%arg21 : memref<!tpu.dma_semaphore, #tpu.memory_space<semaphore_mem>>)
        %add3A_351 = arith.constant 1 : i32
        %add3A_352 = arith.addi %add3A_339, %add3A_351 : i32
        %mul3A_353 = arith.constant 128 : i32
        %mul3A_354 = arith.muli %add3A_352, %mul3A_353 : i32
        %add3A_355 = arith.addi %mul3A_7, %mul3A_354 : i32
        %add3A_356 = arith.constant 320000 : i32
        %add3A_357 = arith.addi %add3A_356, %add3A_355 : i32
        %dma_wait3A_358 = tpu.memref_slice %arg3[%add3A_357] : memref<640000xi32, #tpu.memory_space<hbm>> -> memref<128xi32, #tpu.memory_space<hbm>>
        %dma_wait3A_359 = tpu.memref_slice %arg3[%add3A_357] : memref<640000xi32, #tpu.memory_space<hbm>> -> memref<128xi32, #tpu.memory_space<hbm>>
        tpu.wait_dma2 semaphore(%arg20 : memref<!tpu.dma_semaphore, #tpu.memory_space<semaphore_mem>>) src(%dma_wait3A_359 : memref<128xi32, #tpu.memory_space<hbm>>) dst(%arg11 : memref<128xi32, #tpu.memory_space<vmem>>)
        %dma_wait3A_360 = tpu.memref_slice %arg3[%add3A_355] : memref<640000xi32, #tpu.memory_space<hbm>> -> memref<128xi32, #tpu.memory_space<hbm>>
        %dma_wait3A_361 = tpu.memref_slice %arg3[%add3A_355] : memref<640000xi32, #tpu.memory_space<hbm>> -> memref<128xi32, #tpu.memory_space<hbm>>
        tpu.wait_dma2 semaphore(%arg23 : memref<!tpu.dma_semaphore, #tpu.memory_space<semaphore_mem>>) src(%dma_wait3A_361 : memref<128xi32, #tpu.memory_space<hbm>>) dst(%arg14 : memref<128xi32, #tpu.memory_space<vmem>>)
        %dma_start3A_362 = arith.constant 0 : i32
        %dma_start3A_363 = arith.constant 0 : i32
        %dma_start3A_364 = tpu.memref_slice %arg2[%dma_start3A_362, %dma_start3A_363] : memref<10000x128xf32, #tpu.memory_space<hbm>> -> memref<10000x128xf32, #tpu.memory_space<hbm>>
        tpu.enqueue_indirect_dma source(%dma_start3A_364 : memref<10000x128xf32, #tpu.memory_space<hbm>>) target(%arg16 : memref<128x128xf32, #tpu.memory_space<vmem>>) offsets(%arg11 : memref<128xi32, #tpu.memory_space<vmem>>) semaphore(%arg25 : memref<!tpu.dma_semaphore, #tpu.memory_space<semaphore_mem>>)
        %dma_wait3A_365 = arith.constant 0 : i32
        %dma_wait3A_366 = arith.constant 0 : i32
        %dma_wait3A_367 = tpu.memref_slice %arg2[%dma_wait3A_365, %dma_wait3A_366] : memref<10000x128xf32, #tpu.memory_space<hbm>> -> memref<10000x128xf32, #tpu.memory_space<hbm>>
        tpu.wait_indirect_dma semaphore(%arg24 : memref<!tpu.dma_semaphore, #tpu.memory_space<semaphore_mem>>) src(%dma_wait3A_367 : memref<10000x128xf32, #tpu.memory_space<hbm>>) dst(%arg15 : memref<128x128xf32, #tpu.memory_space<vmem>>)
        "tpu.region"() ({
          %run_scoped3A = tpu.sem_alloc : memref<!tpu.dma_semaphore, #tpu.memory_space<semaphore_mem>>
          %dma_start3A_400 = arith.constant 0 : i32
          %dma_start3A_401 = arith.constant 0 : i32
          %dma_start3A_402 = tpu.memref_slice %arg17[%dma_start3A_400, %dma_start3A_401] : memref<10112x128xf32, #tpu.memory_space<vmem_shared>> -> memref<10112x128xf32, #tpu.memory_space<vmem_shared>>
          tpu.enqueue_indirect_dma source(%arg15 : memref<128x128xf32, #tpu.memory_space<vmem>>) target(%dma_start3A_402 : memref<10112x128xf32, #tpu.memory_space<vmem_shared>>) offsets(%arg13 : memref<128xi32, #tpu.memory_space<vmem>>) semaphore(%run_scoped3A : memref<!tpu.dma_semaphore, #tpu.memory_space<semaphore_mem>>) {add = true}
          %dma_wait3A_403 = arith.constant 0 : i32
          %dma_wait3A_404 = arith.constant 0 : i32
          %dma_wait3A_405 = tpu.memref_slice %arg17[%dma_wait3A_403, %dma_wait3A_404] : memref<10112x128xf32, #tpu.memory_space<vmem_shared>> -> memref<10112x128xf32, #tpu.memory_space<vmem_shared>>
          tpu.wait_indirect_dma semaphore(%run_scoped3A : memref<!tpu.dma_semaphore, #tpu.memory_space<semaphore_mem>>) src(%arg15 : memref<128x128xf32, #tpu.memory_space<vmem>>) dst(%dma_wait3A_405 : memref<10112x128xf32, #tpu.memory_space<vmem_shared>>)
          tpu.yield
        }) : () -> ()
        %mul3A_368 = arith.constant 6 : i32
        %mul3A_369 = arith.muli %mul3A_368, %scan3A_207 : i32
        %add3A_370 = arith.constant 5 : i32
        %add3A_371 = arith.addi %mul3A_369, %add3A_370 : i32
        %add3A_372 = arith.constant 2 : i32
        %add3A_373 = arith.addi %add3A_371, %add3A_372 : i32
        %mul3A_374 = arith.constant 128 : i32
        %mul3A_375 = arith.muli %add3A_373, %mul3A_374 : i32
        %add3A_376 = arith.addi %mul3A_7, %mul3A_375 : i32
        %add3A_377 = arith.constant 320000 : i32
        %add3A_378 = arith.addi %add3A_377, %add3A_376 : i32
        %dma_start3A_379 = tpu.memref_slice %arg3[%add3A_378] : memref<640000xi32, #tpu.memory_space<hbm>> -> memref<128xi32, #tpu.memory_space<hbm>>
        %dma_start3A_380 = tpu.memref_slice %arg3[%add3A_378] : memref<640000xi32, #tpu.memory_space<hbm>> -> memref<128xi32, #tpu.memory_space<hbm>>
        tpu.enqueue_dma source(%dma_start3A_380 : memref<128xi32, #tpu.memory_space<hbm>>) target(%arg10 : memref<128xi32, #tpu.memory_space<vmem>>) target_semaphore(%arg19 : memref<!tpu.dma_semaphore, #tpu.memory_space<semaphore_mem>>)
        %dma_start3A_381 = tpu.memref_slice %arg3[%add3A_376] : memref<640000xi32, #tpu.memory_space<hbm>> -> memref<128xi32, #tpu.memory_space<hbm>>
        %dma_start3A_382 = tpu.memref_slice %arg3[%add3A_376] : memref<640000xi32, #tpu.memory_space<hbm>> -> memref<128xi32, #tpu.memory_space<hbm>>
        tpu.enqueue_dma source(%dma_start3A_382 : memref<128xi32, #tpu.memory_space<hbm>>) target(%arg13 : memref<128xi32, #tpu.memory_space<vmem>>) target_semaphore(%arg22 : memref<!tpu.dma_semaphore, #tpu.memory_space<semaphore_mem>>)
        %add3A_383 = arith.constant 1 : i32
        %add3A_384 = arith.addi %add3A_371, %add3A_383 : i32
        %mul3A_385 = arith.constant 128 : i32
        %mul3A_386 = arith.muli %add3A_384, %mul3A_385 : i32
        %add3A_387 = arith.addi %mul3A_7, %mul3A_386 : i32
        %add3A_388 = arith.constant 320000 : i32
        %add3A_389 = arith.addi %add3A_388, %add3A_387 : i32
        %dma_wait3A_390 = tpu.memref_slice %arg3[%add3A_389] : memref<640000xi32, #tpu.memory_space<hbm>> -> memref<128xi32, #tpu.memory_space<hbm>>
        %dma_wait3A_391 = tpu.memref_slice %arg3[%add3A_389] : memref<640000xi32, #tpu.memory_space<hbm>> -> memref<128xi32, #tpu.memory_space<hbm>>
        tpu.wait_dma2 semaphore(%arg18 : memref<!tpu.dma_semaphore, #tpu.memory_space<semaphore_mem>>) src(%dma_wait3A_391 : memref<128xi32, #tpu.memory_space<hbm>>) dst(%arg9 : memref<128xi32, #tpu.memory_space<vmem>>)
        %dma_wait3A_392 = tpu.memref_slice %arg3[%add3A_387] : memref<640000xi32, #tpu.memory_space<hbm>> -> memref<128xi32, #tpu.memory_space<hbm>>
        %dma_wait3A_393 = tpu.memref_slice %arg3[%add3A_387] : memref<640000xi32, #tpu.memory_space<hbm>> -> memref<128xi32, #tpu.memory_space<hbm>>
        tpu.wait_dma2 semaphore(%arg21 : memref<!tpu.dma_semaphore, #tpu.memory_space<semaphore_mem>>) src(%dma_wait3A_393 : memref<128xi32, #tpu.memory_space<hbm>>) dst(%arg12 : memref<128xi32, #tpu.memory_space<vmem>>)
        %dma_start3A_394 = arith.constant 0 : i32
        %dma_start3A_395 = arith.constant 0 : i32
        %dma_start3A_396 = tpu.memref_slice %arg2[%dma_start3A_394, %dma_start3A_395] : memref<10000x128xf32, #tpu.memory_space<hbm>> -> memref<10000x128xf32, #tpu.memory_space<hbm>>
        tpu.enqueue_indirect_dma source(%dma_start3A_396 : memref<10000x128xf32, #tpu.memory_space<hbm>>) target(%arg15 : memref<128x128xf32, #tpu.memory_space<vmem>>) offsets(%arg9 : memref<128xi32, #tpu.memory_space<vmem>>) semaphore(%arg24 : memref<!tpu.dma_semaphore, #tpu.memory_space<semaphore_mem>>)
        %dma_wait3A_397 = arith.constant 0 : i32
        %dma_wait3A_398 = arith.constant 0 : i32
        %dma_wait3A_399 = tpu.memref_slice %arg2[%dma_wait3A_397, %dma_wait3A_398] : memref<10000x128xf32, #tpu.memory_space<hbm>> -> memref<10000x128xf32, #tpu.memory_space<hbm>>
        tpu.wait_indirect_dma semaphore(%arg25 : memref<!tpu.dma_semaphore, #tpu.memory_space<semaphore_mem>>) src(%dma_wait3A_399 : memref<10000x128xf32, #tpu.memory_space<hbm>>) dst(%arg16 : memref<128x128xf32, #tpu.memory_space<vmem>>)
        "tpu.region"() ({
          %run_scoped3A = tpu.sem_alloc : memref<!tpu.dma_semaphore, #tpu.memory_space<semaphore_mem>>
          %dma_start3A_400 = arith.constant 0 : i32
          %dma_start3A_401 = arith.constant 0 : i32
          %dma_start3A_402 = tpu.memref_slice %arg17[%dma_start3A_400, %dma_start3A_401] : memref<10112x128xf32, #tpu.memory_space<vmem_shared>> -> memref<10112x128xf32, #tpu.memory_space<vmem_shared>>
          tpu.enqueue_indirect_dma source(%arg16 : memref<128x128xf32, #tpu.memory_space<vmem>>) target(%dma_start3A_402 : memref<10112x128xf32, #tpu.memory_space<vmem_shared>>) offsets(%arg14 : memref<128xi32, #tpu.memory_space<vmem>>) semaphore(%run_scoped3A : memref<!tpu.dma_semaphore, #tpu.memory_space<semaphore_mem>>) {add = true}
          %dma_wait3A_403 = arith.constant 0 : i32
          %dma_wait3A_404 = arith.constant 0 : i32
          %dma_wait3A_405 = tpu.memref_slice %arg17[%dma_wait3A_403, %dma_wait3A_404] : memref<10112x128xf32, #tpu.memory_space<vmem_shared>> -> memref<10112x128xf32, #tpu.memory_space<vmem_shared>>
          tpu.wait_indirect_dma semaphore(%run_scoped3A : memref<!tpu.dma_semaphore, #tpu.memory_space<semaphore_mem>>) src(%arg16 : memref<128x128xf32, #tpu.memory_space<vmem>>) dst(%dma_wait3A_405 : memref<10112x128xf32, #tpu.memory_space<vmem_shared>>)
          tpu.yield
        }) : () -> ()
      }
      %scan3A_44 = arith.constant 25 : i32
      %add3A_45 = arith.constant 19456 : i32
      %add3A_46 = arith.addi %mul3A_7, %add3A_45 : i32
      %add3A_47 = arith.constant 320000 : i32
      %add3A_48 = arith.addi %add3A_47, %add3A_46 : i32
      %dma_start3A_49 = tpu.memref_slice %arg3[%add3A_48] : memref<640000xi32, #tpu.memory_space<hbm>> -> memref<128xi32, #tpu.memory_space<hbm>>
      %dma_start3A_50 = tpu.memref_slice %arg3[%add3A_48] : memref<640000xi32, #tpu.memory_space<hbm>> -> memref<128xi32, #tpu.memory_space<hbm>>
      tpu.enqueue_dma source(%dma_start3A_50 : memref<128xi32, #tpu.memory_space<hbm>>) target(%arg11 : memref<128xi32, #tpu.memory_space<vmem>>) target_semaphore(%arg20 : memref<!tpu.dma_semaphore, #tpu.memory_space<semaphore_mem>>)
      %dma_start3A_51 = tpu.memref_slice %arg3[%add3A_46] : memref<640000xi32, #tpu.memory_space<hbm>> -> memref<128xi32, #tpu.memory_space<hbm>>
      %dma_start3A_52 = tpu.memref_slice %arg3[%add3A_46] : memref<640000xi32, #tpu.memory_space<hbm>> -> memref<128xi32, #tpu.memory_space<hbm>>
      tpu.enqueue_dma source(%dma_start3A_52 : memref<128xi32, #tpu.memory_space<hbm>>) target(%arg14 : memref<128xi32, #tpu.memory_space<vmem>>) target_semaphore(%arg23 : memref<!tpu.dma_semaphore, #tpu.memory_space<semaphore_mem>>)
      %add3A_53 = arith.constant 19328 : i32
      %add3A_54 = arith.addi %mul3A_7, %add3A_53 : i32
      %add3A_55 = arith.constant 320000 : i32
      %add3A_56 = arith.addi %add3A_55, %add3A_54 : i32
      %dma_wait3A_57 = tpu.memref_slice %arg3[%add3A_56] : memref<640000xi32, #tpu.memory_space<hbm>> -> memref<128xi32, #tpu.memory_space<hbm>>
      %dma_wait3A_58 = tpu.memref_slice %arg3[%add3A_56] : memref<640000xi32, #tpu.memory_space<hbm>> -> memref<128xi32, #tpu.memory_space<hbm>>
      tpu.wait_dma2 semaphore(%arg19 : memref<!tpu.dma_semaphore, #tpu.memory_space<semaphore_mem>>) src(%dma_wait3A_58 : memref<128xi32, #tpu.memory_space<hbm>>) dst(%arg10 : memref<128xi32, #tpu.memory_space<vmem>>)
      %dma_wait3A_59 = tpu.memref_slice %arg3[%add3A_54] : memref<640000xi32, #tpu.memory_space<hbm>> -> memref<128xi32, #tpu.memory_space<hbm>>
      %dma_wait3A_60 = tpu.memref_slice %arg3[%add3A_54] : memref<640000xi32, #tpu.memory_space<hbm>> -> memref<128xi32, #tpu.memory_space<hbm>>
      tpu.wait_dma2 semaphore(%arg22 : memref<!tpu.dma_semaphore, #tpu.memory_space<semaphore_mem>>) src(%dma_wait3A_60 : memref<128xi32, #tpu.memory_space<hbm>>) dst(%arg13 : memref<128xi32, #tpu.memory_space<vmem>>)
      %dma_start3A_61 = arith.constant 0 : i32
      %dma_start3A_62 = arith.constant 0 : i32
      %dma_start3A_63 = tpu.memref_slice %arg2[%dma_start3A_61, %dma_start3A_62] : memref<10000x128xf32, #tpu.memory_space<hbm>> -> memref<10000x128xf32, #tpu.memory_space<hbm>>
      tpu.enqueue_indirect_dma source(%dma_start3A_63 : memref<10000x128xf32, #tpu.memory_space<hbm>>) target(%arg16 : memref<128x128xf32, #tpu.memory_space<vmem>>) offsets(%arg10 : memref<128xi32, #tpu.memory_space<vmem>>) semaphore(%arg25 : memref<!tpu.dma_semaphore, #tpu.memory_space<semaphore_mem>>)
      %dma_wait3A_64 = arith.constant 0 : i32
      %dma_wait3A_65 = arith.constant 0 : i32
      %dma_wait3A_66 = tpu.memref_slice %arg2[%dma_wait3A_64, %dma_wait3A_65] : memref<10000x128xf32, #tpu.memory_space<hbm>> -> memref<10000x128xf32, #tpu.memory_space<hbm>>
      tpu.wait_indirect_dma semaphore(%arg24 : memref<!tpu.dma_semaphore, #tpu.memory_space<semaphore_mem>>) src(%dma_wait3A_66 : memref<10000x128xf32, #tpu.memory_space<hbm>>) dst(%arg15 : memref<128x128xf32, #tpu.memory_space<vmem>>)
      "tpu.region"() ({
        %run_scoped3A = tpu.sem_alloc : memref<!tpu.dma_semaphore, #tpu.memory_space<semaphore_mem>>
        %dma_start3A_207 = arith.constant 0 : i32
        %dma_start3A_208 = arith.constant 0 : i32
        %dma_start3A_209 = tpu.memref_slice %arg17[%dma_start3A_207, %dma_start3A_208] : memref<10112x128xf32, #tpu.memory_space<vmem_shared>> -> memref<10112x128xf32, #tpu.memory_space<vmem_shared>>
        tpu.enqueue_indirect_dma source(%arg15 : memref<128x128xf32, #tpu.memory_space<vmem>>) target(%dma_start3A_209 : memref<10112x128xf32, #tpu.memory_space<vmem_shared>>) offsets(%arg12 : memref<128xi32, #tpu.memory_space<vmem>>) semaphore(%run_scoped3A : memref<!tpu.dma_semaphore, #tpu.memory_space<semaphore_mem>>) {add = true}
        %dma_wait3A_210 = arith.constant 0 : i32
        %dma_wait3A_211 = arith.constant 0 : i32
        %dma_wait3A_212 = tpu.memref_slice %arg17[%dma_wait3A_210, %dma_wait3A_211] : memref<10112x128xf32, #tpu.memory_space<vmem_shared>> -> memref<10112x128xf32, #tpu.memory_space<vmem_shared>>
        tpu.wait_indirect_dma semaphore(%run_scoped3A : memref<!tpu.dma_semaphore, #tpu.memory_space<semaphore_mem>>) src(%arg15 : memref<128x128xf32, #tpu.memory_space<vmem>>) dst(%dma_wait3A_212 : memref<10112x128xf32, #tpu.memory_space<vmem_shared>>)
        tpu.yield
      }) : () -> ()
      %add3A_67 = arith.constant 19584 : i32
      %add3A_68 = arith.addi %mul3A_7, %add3A_67 : i32
      %add3A_69 = arith.constant 320000 : i32
      %add3A_70 = arith.addi %add3A_69, %add3A_68 : i32
      %dma_start3A_71 = tpu.memref_slice %arg3[%add3A_70] : memref<640000xi32, #tpu.memory_space<hbm>> -> memref<128xi32, #tpu.memory_space<hbm>>
      %dma_start3A_72 = tpu.memref_slice %arg3[%add3A_70] : memref<640000xi32, #tpu.memory_space<hbm>> -> memref<128xi32, #tpu.memory_space<hbm>>
      tpu.enqueue_dma source(%dma_start3A_72 : memref<128xi32, #tpu.memory_space<hbm>>) target(%arg9 : memref<128xi32, #tpu.memory_space<vmem>>) target_semaphore(%arg18 : memref<!tpu.dma_semaphore, #tpu.memory_space<semaphore_mem>>)
      %dma_start3A_73 = tpu.memref_slice %arg3[%add3A_68] : memref<640000xi32, #tpu.memory_space<hbm>> -> memref<128xi32, #tpu.memory_space<hbm>>
      %dma_start3A_74 = tpu.memref_slice %arg3[%add3A_68] : memref<640000xi32, #tpu.memory_space<hbm>> -> memref<128xi32, #tpu.memory_space<hbm>>
      tpu.enqueue_dma source(%dma_start3A_74 : memref<128xi32, #tpu.memory_space<hbm>>) target(%arg12 : memref<128xi32, #tpu.memory_space<vmem>>) target_semaphore(%arg21 : memref<!tpu.dma_semaphore, #tpu.memory_space<semaphore_mem>>)
      %add3A_75 = arith.constant 19456 : i32
      %add3A_76 = arith.addi %mul3A_7, %add3A_75 : i32
      %add3A_77 = arith.constant 320000 : i32
      %add3A_78 = arith.addi %add3A_77, %add3A_76 : i32
      %dma_wait3A_79 = tpu.memref_slice %arg3[%add3A_78] : memref<640000xi32, #tpu.memory_space<hbm>> -> memref<128xi32, #tpu.memory_space<hbm>>
      %dma_wait3A_80 = tpu.memref_slice %arg3[%add3A_78] : memref<640000xi32, #tpu.memory_space<hbm>> -> memref<128xi32, #tpu.memory_space<hbm>>
      tpu.wait_dma2 semaphore(%arg20 : memref<!tpu.dma_semaphore, #tpu.memory_space<semaphore_mem>>) src(%dma_wait3A_80 : memref<128xi32, #tpu.memory_space<hbm>>) dst(%arg11 : memref<128xi32, #tpu.memory_space<vmem>>)
      %dma_wait3A_81 = tpu.memref_slice %arg3[%add3A_76] : memref<640000xi32, #tpu.memory_space<hbm>> -> memref<128xi32, #tpu.memory_space<hbm>>
      %dma_wait3A_82 = tpu.memref_slice %arg3[%add3A_76] : memref<640000xi32, #tpu.memory_space<hbm>> -> memref<128xi32, #tpu.memory_space<hbm>>
      tpu.wait_dma2 semaphore(%arg23 : memref<!tpu.dma_semaphore, #tpu.memory_space<semaphore_mem>>) src(%dma_wait3A_82 : memref<128xi32, #tpu.memory_space<hbm>>) dst(%arg14 : memref<128xi32, #tpu.memory_space<vmem>>)
      %dma_start3A_83 = arith.constant 0 : i32
      %dma_start3A_84 = arith.constant 0 : i32
      %dma_start3A_85 = tpu.memref_slice %arg2[%dma_start3A_83, %dma_start3A_84] : memref<10000x128xf32, #tpu.memory_space<hbm>> -> memref<10000x128xf32, #tpu.memory_space<hbm>>
      tpu.enqueue_indirect_dma source(%dma_start3A_85 : memref<10000x128xf32, #tpu.memory_space<hbm>>) target(%arg15 : memref<128x128xf32, #tpu.memory_space<vmem>>) offsets(%arg11 : memref<128xi32, #tpu.memory_space<vmem>>) semaphore(%arg24 : memref<!tpu.dma_semaphore, #tpu.memory_space<semaphore_mem>>)
      %dma_wait3A_86 = arith.constant 0 : i32
      %dma_wait3A_87 = arith.constant 0 : i32
      %dma_wait3A_88 = tpu.memref_slice %arg2[%dma_wait3A_86, %dma_wait3A_87] : memref<10000x128xf32, #tpu.memory_space<hbm>> -> memref<10000x128xf32, #tpu.memory_space<hbm>>
      tpu.wait_indirect_dma semaphore(%arg25 : memref<!tpu.dma_semaphore, #tpu.memory_space<semaphore_mem>>) src(%dma_wait3A_88 : memref<10000x128xf32, #tpu.memory_space<hbm>>) dst(%arg16 : memref<128x128xf32, #tpu.memory_space<vmem>>)
      "tpu.region"() ({
        %run_scoped3A = tpu.sem_alloc : memref<!tpu.dma_semaphore, #tpu.memory_space<semaphore_mem>>
        %dma_start3A_207 = arith.constant 0 : i32
        %dma_start3A_208 = arith.constant 0 : i32
        %dma_start3A_209 = tpu.memref_slice %arg17[%dma_start3A_207, %dma_start3A_208] : memref<10112x128xf32, #tpu.memory_space<vmem_shared>> -> memref<10112x128xf32, #tpu.memory_space<vmem_shared>>
        tpu.enqueue_indirect_dma source(%arg16 : memref<128x128xf32, #tpu.memory_space<vmem>>) target(%dma_start3A_209 : memref<10112x128xf32, #tpu.memory_space<vmem_shared>>) offsets(%arg13 : memref<128xi32, #tpu.memory_space<vmem>>) semaphore(%run_scoped3A : memref<!tpu.dma_semaphore, #tpu.memory_space<semaphore_mem>>) {add = true}
        %dma_wait3A_210 = arith.constant 0 : i32
        %dma_wait3A_211 = arith.constant 0 : i32
        %dma_wait3A_212 = tpu.memref_slice %arg17[%dma_wait3A_210, %dma_wait3A_211] : memref<10112x128xf32, #tpu.memory_space<vmem_shared>> -> memref<10112x128xf32, #tpu.memory_space<vmem_shared>>
        tpu.wait_indirect_dma semaphore(%run_scoped3A : memref<!tpu.dma_semaphore, #tpu.memory_space<semaphore_mem>>) src(%arg16 : memref<128x128xf32, #tpu.memory_space<vmem>>) dst(%dma_wait3A_212 : memref<10112x128xf32, #tpu.memory_space<vmem_shared>>)
        tpu.yield
      }) : () -> ()
      %add3A_89 = arith.constant 19712 : i32
      %add3A_90 = arith.addi %mul3A_7, %add3A_89 : i32
      %add3A_91 = arith.constant 320000 : i32
      %add3A_92 = arith.addi %add3A_91, %add3A_90 : i32
      %dma_start3A_93 = tpu.memref_slice %arg3[%add3A_92] : memref<640000xi32, #tpu.memory_space<hbm>> -> memref<128xi32, #tpu.memory_space<hbm>>
      %dma_start3A_94 = tpu.memref_slice %arg3[%add3A_92] : memref<640000xi32, #tpu.memory_space<hbm>> -> memref<128xi32, #tpu.memory_space<hbm>>
      tpu.enqueue_dma source(%dma_start3A_94 : memref<128xi32, #tpu.memory_space<hbm>>) target(%arg10 : memref<128xi32, #tpu.memory_space<vmem>>) target_semaphore(%arg19 : memref<!tpu.dma_semaphore, #tpu.memory_space<semaphore_mem>>)
      %dma_start3A_95 = tpu.memref_slice %arg3[%add3A_90] : memref<640000xi32, #tpu.memory_space<hbm>> -> memref<128xi32, #tpu.memory_space<hbm>>
      %dma_start3A_96 = tpu.memref_slice %arg3[%add3A_90] : memref<640000xi32, #tpu.memory_space<hbm>> -> memref<128xi32, #tpu.memory_space<hbm>>
      tpu.enqueue_dma source(%dma_start3A_96 : memref<128xi32, #tpu.memory_space<hbm>>) target(%arg13 : memref<128xi32, #tpu.memory_space<vmem>>) target_semaphore(%arg22 : memref<!tpu.dma_semaphore, #tpu.memory_space<semaphore_mem>>)
      %add3A_97 = arith.constant 19584 : i32
      %add3A_98 = arith.addi %mul3A_7, %add3A_97 : i32
      %add3A_99 = arith.constant 320000 : i32
      %add3A_100 = arith.addi %add3A_99, %add3A_98 : i32
      %dma_wait3A_101 = tpu.memref_slice %arg3[%add3A_100] : memref<640000xi32, #tpu.memory_space<hbm>> -> memref<128xi32, #tpu.memory_space<hbm>>
      %dma_wait3A_102 = tpu.memref_slice %arg3[%add3A_100] : memref<640000xi32, #tpu.memory_space<hbm>> -> memref<128xi32, #tpu.memory_space<hbm>>
      tpu.wait_dma2 semaphore(%arg18 : memref<!tpu.dma_semaphore, #tpu.memory_space<semaphore_mem>>) src(%dma_wait3A_102 : memref<128xi32, #tpu.memory_space<hbm>>) dst(%arg9 : memref<128xi32, #tpu.memory_space<vmem>>)
      %dma_wait3A_103 = tpu.memref_slice %arg3[%add3A_98] : memref<640000xi32, #tpu.memory_space<hbm>> -> memref<128xi32, #tpu.memory_space<hbm>>
      %dma_wait3A_104 = tpu.memref_slice %arg3[%add3A_98] : memref<640000xi32, #tpu.memory_space<hbm>> -> memref<128xi32, #tpu.memory_space<hbm>>
      tpu.wait_dma2 semaphore(%arg21 : memref<!tpu.dma_semaphore, #tpu.memory_space<semaphore_mem>>) src(%dma_wait3A_104 : memref<128xi32, #tpu.memory_space<hbm>>) dst(%arg12 : memref<128xi32, #tpu.memory_space<vmem>>)
      %dma_start3A_105 = arith.constant 0 : i32
      %dma_start3A_106 = arith.constant 0 : i32
      %dma_start3A_107 = tpu.memref_slice %arg2[%dma_start3A_105, %dma_start3A_106] : memref<10000x128xf32, #tpu.memory_space<hbm>> -> memref<10000x128xf32, #tpu.memory_space<hbm>>
      tpu.enqueue_indirect_dma source(%dma_start3A_107 : memref<10000x128xf32, #tpu.memory_space<hbm>>) target(%arg16 : memref<128x128xf32, #tpu.memory_space<vmem>>) offsets(%arg9 : memref<128xi32, #tpu.memory_space<vmem>>) semaphore(%arg25 : memref<!tpu.dma_semaphore, #tpu.memory_space<semaphore_mem>>)
      %dma_wait3A_108 = arith.constant 0 : i32
      %dma_wait3A_109 = arith.constant 0 : i32
      %dma_wait3A_110 = tpu.memref_slice %arg2[%dma_wait3A_108, %dma_wait3A_109] : memref<10000x128xf32, #tpu.memory_space<hbm>> -> memref<10000x128xf32, #tpu.memory_space<hbm>>
      tpu.wait_indirect_dma semaphore(%arg24 : memref<!tpu.dma_semaphore, #tpu.memory_space<semaphore_mem>>) src(%dma_wait3A_110 : memref<10000x128xf32, #tpu.memory_space<hbm>>) dst(%arg15 : memref<128x128xf32, #tpu.memory_space<vmem>>)
      "tpu.region"() ({
        %run_scoped3A = tpu.sem_alloc : memref<!tpu.dma_semaphore, #tpu.memory_space<semaphore_mem>>
        %dma_start3A_207 = arith.constant 0 : i32
        %dma_start3A_208 = arith.constant 0 : i32
        %dma_start3A_209 = tpu.memref_slice %arg17[%dma_start3A_207, %dma_start3A_208] : memref<10112x128xf32, #tpu.memory_space<vmem_shared>> -> memref<10112x128xf32, #tpu.memory_space<vmem_shared>>
        tpu.enqueue_indirect_dma source(%arg15 : memref<128x128xf32, #tpu.memory_space<vmem>>) target(%dma_start3A_209 : memref<10112x128xf32, #tpu.memory_space<vmem_shared>>) offsets(%arg14 : memref<128xi32, #tpu.memory_space<vmem>>) semaphore(%run_scoped3A : memref<!tpu.dma_semaphore, #tpu.memory_space<semaphore_mem>>) {add = true}
        %dma_wait3A_210 = arith.constant 0 : i32
        %dma_wait3A_211 = arith.constant 0 : i32
        %dma_wait3A_212 = tpu.memref_slice %arg17[%dma_wait3A_210, %dma_wait3A_211] : memref<10112x128xf32, #tpu.memory_space<vmem_shared>> -> memref<10112x128xf32, #tpu.memory_space<vmem_shared>>
        tpu.wait_indirect_dma semaphore(%run_scoped3A : memref<!tpu.dma_semaphore, #tpu.memory_space<semaphore_mem>>) src(%arg15 : memref<128x128xf32, #tpu.memory_space<vmem>>) dst(%dma_wait3A_212 : memref<10112x128xf32, #tpu.memory_space<vmem_shared>>)
        tpu.yield
      }) : () -> ()
      %add3A_111 = arith.constant 19840 : i32
      %add3A_112 = arith.addi %mul3A_7, %add3A_111 : i32
      %add3A_113 = arith.constant 320000 : i32
      %add3A_114 = arith.addi %add3A_113, %add3A_112 : i32
      %dma_start3A_115 = tpu.memref_slice %arg3[%add3A_114] : memref<640000xi32, #tpu.memory_space<hbm>> -> memref<128xi32, #tpu.memory_space<hbm>>
      %dma_start3A_116 = tpu.memref_slice %arg3[%add3A_114] : memref<640000xi32, #tpu.memory_space<hbm>> -> memref<128xi32, #tpu.memory_space<hbm>>
      tpu.enqueue_dma source(%dma_start3A_116 : memref<128xi32, #tpu.memory_space<hbm>>) target(%arg11 : memref<128xi32, #tpu.memory_space<vmem>>) target_semaphore(%arg20 : memref<!tpu.dma_semaphore, #tpu.memory_space<semaphore_mem>>)
      %dma_start3A_117 = tpu.memref_slice %arg3[%add3A_112] : memref<640000xi32, #tpu.memory_space<hbm>> -> memref<128xi32, #tpu.memory_space<hbm>>
      %dma_start3A_118 = tpu.memref_slice %arg3[%add3A_112] : memref<640000xi32, #tpu.memory_space<hbm>> -> memref<128xi32, #tpu.memory_space<hbm>>
      tpu.enqueue_dma source(%dma_start3A_118 : memref<128xi32, #tpu.memory_space<hbm>>) target(%arg14 : memref<128xi32, #tpu.memory_space<vmem>>) target_semaphore(%arg23 : memref<!tpu.dma_semaphore, #tpu.memory_space<semaphore_mem>>)
      %add3A_119 = arith.constant 19712 : i32
      %add3A_120 = arith.addi %mul3A_7, %add3A_119 : i32
      %add3A_121 = arith.constant 320000 : i32
      %add3A_122 = arith.addi %add3A_121, %add3A_120 : i32
      %dma_wait3A_123 = tpu.memref_slice %arg3[%add3A_122] : memref<640000xi32, #tpu.memory_space<hbm>> -> memref<128xi32, #tpu.memory_space<hbm>>
      %dma_wait3A_124 = tpu.memref_slice %arg3[%add3A_122] : memref<640000xi32, #tpu.memory_space<hbm>> -> memref<128xi32, #tpu.memory_space<hbm>>
      tpu.wait_dma2 semaphore(%arg19 : memref<!tpu.dma_semaphore, #tpu.memory_space<semaphore_mem>>) src(%dma_wait3A_124 : memref<128xi32, #tpu.memory_space<hbm>>) dst(%arg10 : memref<128xi32, #tpu.memory_space<vmem>>)
      %dma_wait3A_125 = tpu.memref_slice %arg3[%add3A_120] : memref<640000xi32, #tpu.memory_space<hbm>> -> memref<128xi32, #tpu.memory_space<hbm>>
      %dma_wait3A_126 = tpu.memref_slice %arg3[%add3A_120] : memref<640000xi32, #tpu.memory_space<hbm>> -> memref<128xi32, #tpu.memory_space<hbm>>
      tpu.wait_dma2 semaphore(%arg22 : memref<!tpu.dma_semaphore, #tpu.memory_space<semaphore_mem>>) src(%dma_wait3A_126 : memref<128xi32, #tpu.memory_space<hbm>>) dst(%arg13 : memref<128xi32, #tpu.memory_space<vmem>>)
      %dma_start3A_127 = arith.constant 0 : i32
      %dma_start3A_128 = arith.constant 0 : i32
      %dma_start3A_129 = tpu.memref_slice %arg2[%dma_start3A_127, %dma_start3A_128] : memref<10000x128xf32, #tpu.memory_space<hbm>> -> memref<10000x128xf32, #tpu.memory_space<hbm>>
      tpu.enqueue_indirect_dma source(%dma_start3A_129 : memref<10000x128xf32, #tpu.memory_space<hbm>>) target(%arg15 : memref<128x128xf32, #tpu.memory_space<vmem>>) offsets(%arg10 : memref<128xi32, #tpu.memory_space<vmem>>) semaphore(%arg24 : memref<!tpu.dma_semaphore, #tpu.memory_space<semaphore_mem>>)
      %dma_wait3A_130 = arith.constant 0 : i32
      %dma_wait3A_131 = arith.constant 0 : i32
      %dma_wait3A_132 = tpu.memref_slice %arg2[%dma_wait3A_130, %dma_wait3A_131] : memref<10000x128xf32, #tpu.memory_space<hbm>> -> memref<10000x128xf32, #tpu.memory_space<hbm>>
      tpu.wait_indirect_dma semaphore(%arg25 : memref<!tpu.dma_semaphore, #tpu.memory_space<semaphore_mem>>) src(%dma_wait3A_132 : memref<10000x128xf32, #tpu.memory_space<hbm>>) dst(%arg16 : memref<128x128xf32, #tpu.memory_space<vmem>>)
      "tpu.region"() ({
        %run_scoped3A = tpu.sem_alloc : memref<!tpu.dma_semaphore, #tpu.memory_space<semaphore_mem>>
        %dma_start3A_207 = arith.constant 0 : i32
        %dma_start3A_208 = arith.constant 0 : i32
        %dma_start3A_209 = tpu.memref_slice %arg17[%dma_start3A_207, %dma_start3A_208] : memref<10112x128xf32, #tpu.memory_space<vmem_shared>> -> memref<10112x128xf32, #tpu.memory_space<vmem_shared>>
        tpu.enqueue_indirect_dma source(%arg16 : memref<128x128xf32, #tpu.memory_space<vmem>>) target(%dma_start3A_209 : memref<10112x128xf32, #tpu.memory_space<vmem_shared>>) offsets(%arg12 : memref<128xi32, #tpu.memory_space<vmem>>) semaphore(%run_scoped3A : memref<!tpu.dma_semaphore, #tpu.memory_space<semaphore_mem>>) {add = true}
        %dma_wait3A_210 = arith.constant 0 : i32
        %dma_wait3A_211 = arith.constant 0 : i32
        %dma_wait3A_212 = tpu.memref_slice %arg17[%dma_wait3A_210, %dma_wait3A_211] : memref<10112x128xf32, #tpu.memory_space<vmem_shared>> -> memref<10112x128xf32, #tpu.memory_space<vmem_shared>>
        tpu.wait_indirect_dma semaphore(%run_scoped3A : memref<!tpu.dma_semaphore, #tpu.memory_space<semaphore_mem>>) src(%arg16 : memref<128x128xf32, #tpu.memory_space<vmem>>) dst(%dma_wait3A_212 : memref<10112x128xf32, #tpu.memory_space<vmem_shared>>)
        tpu.yield
      }) : () -> ()
      %add3A_133 = arith.constant 19840 : i32
      %add3A_134 = arith.addi %mul3A_7, %add3A_133 : i32
      %add3A_135 = arith.constant 320000 : i32
      %add3A_136 = arith.addi %add3A_135, %add3A_134 : i32
      %dma_wait3A_137 = tpu.memref_slice %arg3[%add3A_136] : memref<640000xi32, #tpu.memory_space<hbm>> -> memref<128xi32, #tpu.memory_space<hbm>>
      %dma_wait3A_138 = tpu.memref_slice %arg3[%add3A_136] : memref<640000xi32, #tpu.memory_space<hbm>> -> memref<128xi32, #tpu.memory_space<hbm>>
      tpu.wait_dma2 semaphore(%arg20 : memref<!tpu.dma_semaphore, #tpu.memory_space<semaphore_mem>>) src(%dma_wait3A_138 : memref<128xi32, #tpu.memory_space<hbm>>) dst(%arg11 : memref<128xi32, #tpu.memory_space<vmem>>)
      %dma_wait3A_139 = tpu.memref_slice %arg3[%add3A_134] : memref<640000xi32, #tpu.memory_space<hbm>> -> memref<128xi32, #tpu.memory_space<hbm>>
      %dma_wait3A_140 = tpu.memref_slice %arg3[%add3A_134] : memref<640000xi32, #tpu.memory_space<hbm>> -> memref<128xi32, #tpu.memory_space<hbm>>
      tpu.wait_dma2 semaphore(%arg23 : memref<!tpu.dma_semaphore, #tpu.memory_space<semaphore_mem>>) src(%dma_wait3A_140 : memref<128xi32, #tpu.memory_space<hbm>>) dst(%arg14 : memref<128xi32, #tpu.memory_space<vmem>>)
      %dma_start3A_141 = arith.constant 0 : i32
      %dma_start3A_142 = arith.constant 0 : i32
      %dma_start3A_143 = tpu.memref_slice %arg2[%dma_start3A_141, %dma_start3A_142] : memref<10000x128xf32, #tpu.memory_space<hbm>> -> memref<10000x128xf32, #tpu.memory_space<hbm>>
      tpu.enqueue_indirect_dma source(%dma_start3A_143 : memref<10000x128xf32, #tpu.memory_space<hbm>>) target(%arg16 : memref<128x128xf32, #tpu.memory_space<vmem>>) offsets(%arg11 : memref<128xi32, #tpu.memory_space<vmem>>) semaphore(%arg25 : memref<!tpu.dma_semaphore, #tpu.memory_space<semaphore_mem>>)
      %dma_wait3A_144 = arith.constant 0 : i32
      %dma_wait3A_145 = arith.constant 0 : i32
      %dma_wait3A_146 = tpu.memref_slice %arg2[%dma_wait3A_144, %dma_wait3A_145] : memref<10000x128xf32, #tpu.memory_space<hbm>> -> memref<10000x128xf32, #tpu.memory_space<hbm>>
      tpu.wait_indirect_dma semaphore(%arg24 : memref<!tpu.dma_semaphore, #tpu.memory_space<semaphore_mem>>) src(%dma_wait3A_146 : memref<10000x128xf32, #tpu.memory_space<hbm>>) dst(%arg15 : memref<128x128xf32, #tpu.memory_space<vmem>>)
      "tpu.region"() ({
        %run_scoped3A = tpu.sem_alloc : memref<!tpu.dma_semaphore, #tpu.memory_space<semaphore_mem>>
        %dma_start3A_207 = arith.constant 0 : i32
        %dma_start3A_208 = arith.constant 0 : i32
        %dma_start3A_209 = tpu.memref_slice %arg17[%dma_start3A_207, %dma_start3A_208] : memref<10112x128xf32, #tpu.memory_space<vmem_shared>> -> memref<10112x128xf32, #tpu.memory_space<vmem_shared>>
        tpu.enqueue_indirect_dma source(%arg15 : memref<128x128xf32, #tpu.memory_space<vmem>>) target(%dma_start3A_209 : memref<10112x128xf32, #tpu.memory_space<vmem_shared>>) offsets(%arg13 : memref<128xi32, #tpu.memory_space<vmem>>) semaphore(%run_scoped3A : memref<!tpu.dma_semaphore, #tpu.memory_space<semaphore_mem>>) {add = true}
        %dma_wait3A_210 = arith.constant 0 : i32
        %dma_wait3A_211 = arith.constant 0 : i32
        %dma_wait3A_212 = tpu.memref_slice %arg17[%dma_wait3A_210, %dma_wait3A_211] : memref<10112x128xf32, #tpu.memory_space<vmem_shared>> -> memref<10112x128xf32, #tpu.memory_space<vmem_shared>>
        tpu.wait_indirect_dma semaphore(%run_scoped3A : memref<!tpu.dma_semaphore, #tpu.memory_space<semaphore_mem>>) src(%arg15 : memref<128x128xf32, #tpu.memory_space<vmem>>) dst(%dma_wait3A_212 : memref<10112x128xf32, #tpu.memory_space<vmem_shared>>)
        tpu.yield
      }) : () -> ()
      %dma_wait3A_147 = arith.constant 0 : i32
      %dma_wait3A_148 = arith.constant 0 : i32
      %dma_wait3A_149 = tpu.memref_slice %arg2[%dma_wait3A_147, %dma_wait3A_148] : memref<10000x128xf32, #tpu.memory_space<hbm>> -> memref<10000x128xf32, #tpu.memory_space<hbm>>
      tpu.wait_indirect_dma semaphore(%arg25 : memref<!tpu.dma_semaphore, #tpu.memory_space<semaphore_mem>>) src(%dma_wait3A_149 : memref<10000x128xf32, #tpu.memory_space<hbm>>) dst(%arg16 : memref<128x128xf32, #tpu.memory_space<vmem>>)
      "tpu.region"() ({
        %run_scoped3A = tpu.sem_alloc : memref<!tpu.dma_semaphore, #tpu.memory_space<semaphore_mem>>
        %dma_start3A_207 = arith.constant 0 : i32
        %dma_start3A_208 = arith.constant 0 : i32
        %dma_start3A_209 = tpu.memref_slice %arg17[%dma_start3A_207, %dma_start3A_208] : memref<10112x128xf32, #tpu.memory_space<vmem_shared>> -> memref<10112x128xf32, #tpu.memory_space<vmem_shared>>
        tpu.enqueue_indirect_dma source(%arg16 : memref<128x128xf32, #tpu.memory_space<vmem>>) target(%dma_start3A_209 : memref<10112x128xf32, #tpu.memory_space<vmem_shared>>) offsets(%arg14 : memref<128xi32, #tpu.memory_space<vmem>>) semaphore(%run_scoped3A : memref<!tpu.dma_semaphore, #tpu.memory_space<semaphore_mem>>) {add = true}
        %dma_wait3A_210 = arith.constant 0 : i32
        %dma_wait3A_211 = arith.constant 0 : i32
        %dma_wait3A_212 = tpu.memref_slice %arg17[%dma_wait3A_210, %dma_wait3A_211] : memref<10112x128xf32, #tpu.memory_space<vmem_shared>> -> memref<10112x128xf32, #tpu.memory_space<vmem_shared>>
        tpu.wait_indirect_dma semaphore(%run_scoped3A : memref<!tpu.dma_semaphore, #tpu.memory_space<semaphore_mem>>) src(%arg16 : memref<128x128xf32, #tpu.memory_space<vmem>>) dst(%dma_wait3A_212 : memref<10112x128xf32, #tpu.memory_space<vmem_shared>>)
        tpu.yield
      }) : () -> ()
      %add3A_150 = arith.constant 19968 : i32
      %add3A_151 = arith.addi %mul3A_7, %add3A_150 : i32
      %add3A_152 = arith.constant 320000 : i32
      %add3A_153 = arith.addi %add3A_152, %add3A_151 : i32
      %dma_start3A_154 = arith.constant 0 : i32
      %dma_start3A_155 = tpu.memref_slice %arg9[%dma_start3A_154] : memref<128xi32, #tpu.memory_space<vmem>> -> memref<32xi32, #tpu.memory_space<vmem>>
      %dma_start3A_156 = tpu.memref_slice %arg3[%add3A_153] : memref<640000xi32, #tpu.memory_space<hbm>> -> memref<32xi32, #tpu.memory_space<hbm>>
      %dma_start3A_157 = arith.constant 0 : i32
      %dma_start3A_158 = tpu.memref_slice %arg9[%dma_start3A_157] : memref<128xi32, #tpu.memory_space<vmem>> -> memref<32xi32, #tpu.memory_space<vmem>>
      %dma_start3A_159 = tpu.memref_slice %arg3[%add3A_153] : memref<640000xi32, #tpu.memory_space<hbm>> -> memref<32xi32, #tpu.memory_space<hbm>>
      tpu.enqueue_dma source(%dma_start3A_159 : memref<32xi32, #tpu.memory_space<hbm>>) target(%dma_start3A_158 : memref<32xi32, #tpu.memory_space<vmem>>) target_semaphore(%arg18 : memref<!tpu.dma_semaphore, #tpu.memory_space<semaphore_mem>>)
      %dma_start3A_160 = arith.constant 0 : i32
      %dma_start3A_161 = tpu.memref_slice %arg12[%dma_start3A_160] : memref<128xi32, #tpu.memory_space<vmem>> -> memref<32xi32, #tpu.memory_space<vmem>>
      %dma_start3A_162 = tpu.memref_slice %arg3[%add3A_151] : memref<640000xi32, #tpu.memory_space<hbm>> -> memref<32xi32, #tpu.memory_space<hbm>>
      %dma_start3A_163 = arith.constant 0 : i32
      %dma_start3A_164 = tpu.memref_slice %arg12[%dma_start3A_163] : memref<128xi32, #tpu.memory_space<vmem>> -> memref<32xi32, #tpu.memory_space<vmem>>
      %dma_start3A_165 = tpu.memref_slice %arg3[%add3A_151] : memref<640000xi32, #tpu.memory_space<hbm>> -> memref<32xi32, #tpu.memory_space<hbm>>
      tpu.enqueue_dma source(%dma_start3A_165 : memref<32xi32, #tpu.memory_space<hbm>>) target(%dma_start3A_164 : memref<32xi32, #tpu.memory_space<vmem>>) target_semaphore(%arg21 : memref<!tpu.dma_semaphore, #tpu.memory_space<semaphore_mem>>)
      %add3A_166 = arith.constant 320000 : i32
      %add3A_167 = arith.addi %add3A_166, %add3A_151 : i32
      %dma_wait3A_168 = arith.constant 0 : i32
      %dma_wait3A_169 = tpu.memref_slice %arg9[%dma_wait3A_168] : memref<128xi32, #tpu.memory_space<vmem>> -> memref<32xi32, #tpu.memory_space<vmem>>
      %dma_wait3A_170 = tpu.memref_slice %arg3[%add3A_167] : memref<640000xi32, #tpu.memory_space<hbm>> -> memref<32xi32, #tpu.memory_space<hbm>>
      %dma_wait3A_171 = arith.constant 0 : i32
      %dma_wait3A_172 = tpu.memref_slice %arg9[%dma_wait3A_171] : memref<128xi32, #tpu.memory_space<vmem>> -> memref<32xi32, #tpu.memory_space<vmem>>
      %dma_wait3A_173 = tpu.memref_slice %arg3[%add3A_167] : memref<640000xi32, #tpu.memory_space<hbm>> -> memref<32xi32, #tpu.memory_space<hbm>>
      tpu.wait_dma2 semaphore(%arg18 : memref<!tpu.dma_semaphore, #tpu.memory_space<semaphore_mem>>) src(%dma_wait3A_173 : memref<32xi32, #tpu.memory_space<hbm>>) dst(%dma_wait3A_172 : memref<32xi32, #tpu.memory_space<vmem>>)
      %dma_wait3A_174 = arith.constant 0 : i32
      %dma_wait3A_175 = tpu.memref_slice %arg12[%dma_wait3A_174] : memref<128xi32, #tpu.memory_space<vmem>> -> memref<32xi32, #tpu.memory_space<vmem>>
      %dma_wait3A_176 = tpu.memref_slice %arg3[%add3A_151] : memref<640000xi32, #tpu.memory_space<hbm>> -> memref<32xi32, #tpu.memory_space<hbm>>
      %dma_wait3A_177 = arith.constant 0 : i32
      %dma_wait3A_178 = tpu.memref_slice %arg12[%dma_wait3A_177] : memref<128xi32, #tpu.memory_space<vmem>> -> memref<32xi32, #tpu.memory_space<vmem>>
      %dma_wait3A_179 = tpu.memref_slice %arg3[%add3A_151] : memref<640000xi32, #tpu.memory_space<hbm>> -> memref<32xi32, #tpu.memory_space<hbm>>
      tpu.wait_dma2 semaphore(%arg21 : memref<!tpu.dma_semaphore, #tpu.memory_space<semaphore_mem>>) src(%dma_wait3A_179 : memref<32xi32, #tpu.memory_space<hbm>>) dst(%dma_wait3A_178 : memref<32xi32, #tpu.memory_space<vmem>>)
      %dma_start3A_180 = arith.constant 0 : i32
      %dma_start3A_181 = arith.constant 0 : i32
      %dma_start3A_182 = tpu.memref_slice %arg15[%dma_start3A_180, %dma_start3A_181] : memref<128x128xf32, #tpu.memory_space<vmem>> -> memref<32x128xf32, #tpu.memory_space<vmem>>
      %dma_start3A_183 = arith.constant 0 : i32
      %dma_start3A_184 = tpu.memref_slice %arg9[%dma_start3A_183] : memref<128xi32, #tpu.memory_space<vmem>> -> memref<32xi32, #tpu.memory_space<vmem>>
      %dma_start3A_185 = arith.constant 0 : i32
      %dma_start3A_186 = arith.constant 0 : i32
      %dma_start3A_187 = tpu.memref_slice %arg2[%dma_start3A_185, %dma_start3A_186] : memref<10000x128xf32, #tpu.memory_space<hbm>> -> memref<10000x128xf32, #tpu.memory_space<hbm>>
      tpu.enqueue_indirect_dma source(%dma_start3A_187 : memref<10000x128xf32, #tpu.memory_space<hbm>>) target(%dma_start3A_182 : memref<32x128xf32, #tpu.memory_space<vmem>>) offsets(%dma_start3A_184 : memref<32xi32, #tpu.memory_space<vmem>>) semaphore(%arg24 : memref<!tpu.dma_semaphore, #tpu.memory_space<semaphore_mem>>)
      %dma_wait3A_188 = arith.constant 0 : i32
      %dma_wait3A_189 = arith.constant 0 : i32
      %dma_wait3A_190 = tpu.memref_slice %arg15[%dma_wait3A_188, %dma_wait3A_189] : memref<128x128xf32, #tpu.memory_space<vmem>> -> memref<32x128xf32, #tpu.memory_space<vmem>>
      %dma_wait3A_191 = arith.constant 0 : i32
      %dma_wait3A_192 = tpu.memref_slice %arg9[%dma_wait3A_191] : memref<128xi32, #tpu.memory_space<vmem>> -> memref<32xi32, #tpu.memory_space<vmem>>
      %dma_wait3A_193 = arith.constant 0 : i32
      %dma_wait3A_194 = arith.constant 0 : i32
      %dma_wait3A_195 = tpu.memref_slice %arg2[%dma_wait3A_193, %dma_wait3A_194] : memref<10000x128xf32, #tpu.memory_space<hbm>> -> memref<10000x128xf32, #tpu.memory_space<hbm>>
      tpu.wait_indirect_dma semaphore(%arg24 : memref<!tpu.dma_semaphore, #tpu.memory_space<semaphore_mem>>) src(%dma_wait3A_195 : memref<10000x128xf32, #tpu.memory_space<hbm>>) dst(%dma_wait3A_190 : memref<32x128xf32, #tpu.memory_space<vmem>>)
      "tpu.region"() ({
        %run_scoped3A = tpu.sem_alloc : memref<!tpu.dma_semaphore, #tpu.memory_space<semaphore_mem>>
        %dma_start3A_207 = arith.constant 0 : i32
        %dma_start3A_208 = arith.constant 0 : i32
        %dma_start3A_209 = tpu.memref_slice %arg15[%dma_start3A_207, %dma_start3A_208] : memref<128x128xf32, #tpu.memory_space<vmem>> -> memref<32x128xf32, #tpu.memory_space<vmem>>
        %dma_start3A_210 = arith.constant 0 : i32
        %dma_start3A_211 = tpu.memref_slice %arg12[%dma_start3A_210] : memref<128xi32, #tpu.memory_space<vmem>> -> memref<32xi32, #tpu.memory_space<vmem>>
        %dma_start3A_212 = arith.constant 0 : i32
        %dma_start3A_213 = arith.constant 0 : i32
        %dma_start3A_214 = tpu.memref_slice %arg17[%dma_start3A_212, %dma_start3A_213] : memref<10112x128xf32, #tpu.memory_space<vmem_shared>> -> memref<10112x128xf32, #tpu.memory_space<vmem_shared>>
        tpu.enqueue_indirect_dma source(%dma_start3A_209 : memref<32x128xf32, #tpu.memory_space<vmem>>) target(%dma_start3A_214 : memref<10112x128xf32, #tpu.memory_space<vmem_shared>>) offsets(%dma_start3A_211 : memref<32xi32, #tpu.memory_space<vmem>>) semaphore(%run_scoped3A : memref<!tpu.dma_semaphore, #tpu.memory_space<semaphore_mem>>) {add = true}
        %dma_wait3A_215 = arith.constant 0 : i32
        %dma_wait3A_216 = arith.constant 0 : i32
        %dma_wait3A_217 = tpu.memref_slice %arg15[%dma_wait3A_215, %dma_wait3A_216] : memref<128x128xf32, #tpu.memory_space<vmem>> -> memref<32x128xf32, #tpu.memory_space<vmem>>
        %dma_wait3A_218 = arith.constant 0 : i32
        %dma_wait3A_219 = tpu.memref_slice %arg12[%dma_wait3A_218] : memref<128xi32, #tpu.memory_space<vmem>> -> memref<32xi32, #tpu.memory_space<vmem>>
        %dma_wait3A_220 = arith.constant 0 : i32
        %dma_wait3A_221 = arith.constant 0 : i32
        %dma_wait3A_222 = tpu.memref_slice %arg17[%dma_wait3A_220, %dma_wait3A_221] : memref<10112x128xf32, #tpu.memory_space<vmem_shared>> -> memref<10112x128xf32, #tpu.memory_space<vmem_shared>>
        tpu.wait_indirect_dma semaphore(%run_scoped3A : memref<!tpu.dma_semaphore, #tpu.memory_space<semaphore_mem>>) src(%dma_wait3A_217 : memref<32x128xf32, #tpu.memory_space<vmem>>) dst(%dma_wait3A_222 : memref<10112x128xf32, #tpu.memory_space<vmem_shared>>)
        tpu.yield
      }) : () -> ()
      %barrier3A_196 = arith.constant 0 : index
      tpu.barrier barrier_id(%barrier3A_196)
      %lt3A_197 = arith.constant 15 : i32
      %lt3A_198 = arith.cmpi slt, %arg1, %lt3A_197 : i32
      %convert_element_type3A_199 = arith.extui %lt3A_198 : i1 to i32
      %cond3A_200 = arith.constant 0 : i32
      %cond3A_201 = arith.cmpi ne, %convert_element_type3A_199, %cond3A_200 : i32
      scf.if %cond3A_201 {
        %mul3A_207 = arith.constant 632 : i32
        %mul3A_208 = arith.muli %arg1, %mul3A_207 : i32
        %mul3A_209 = arith.constant 632 : i32
        %mul3A_210 = arith.muli %arg1, %mul3A_209 : i32
        "tpu.region"() ({
          %run_scoped3A = tpu.sem_alloc : memref<!tpu.dma_semaphore, #tpu.memory_space<semaphore_mem>>
          %dma_start3A_211 = arith.constant 0 : i32
          %dma_start3A_212 = tpu.memref_slice %arg7[%mul3A_210, %dma_start3A_211] : memref<10000x128xf32, #tpu.memory_space<hbm>> -> memref<632x128xf32, #tpu.memory_space<hbm>>
          %dma_start3A_213 = arith.constant 0 : i32
          %dma_start3A_214 = tpu.memref_slice %arg17[%mul3A_208, %dma_start3A_213] : memref<10112x128xf32, #tpu.memory_space<vmem_shared>> -> memref<632x128xf32, #tpu.memory_space<vmem_shared>>
          tpu.enqueue_dma source(%dma_start3A_214 : memref<632x128xf32, #tpu.memory_space<vmem_shared>>) target(%dma_start3A_212 : memref<632x128xf32, #tpu.memory_space<hbm>>) target_semaphore(%run_scoped3A : memref<!tpu.dma_semaphore, #tpu.memory_space<semaphore_mem>>)
          %dma_wait3A_215 = arith.constant 0 : i32
          %dma_wait3A_216 = tpu.memref_slice %arg7[%mul3A_210, %dma_wait3A_215] : memref<10000x128xf32, #tpu.memory_space<hbm>> -> memref<632x128xf32, #tpu.memory_space<hbm>>
          %dma_wait3A_217 = arith.constant 0 : i32
          %dma_wait3A_218 = tpu.memref_slice %arg17[%mul3A_208, %dma_wait3A_217] : memref<10112x128xf32, #tpu.memory_space<vmem_shared>> -> memref<632x128xf32, #tpu.memory_space<vmem_shared>>
          tpu.wait_dma2 semaphore(%run_scoped3A : memref<!tpu.dma_semaphore, #tpu.memory_space<semaphore_mem>>) src(%dma_wait3A_218 : memref<632x128xf32, #tpu.memory_space<vmem_shared>>) dst(%dma_wait3A_216 : memref<632x128xf32, #tpu.memory_space<hbm>>)
          tpu.yield
        }) : () -> ()
      } else {
      }
      %eq3A_202 = arith.constant 15 : i32
      %eq3A_203 = arith.cmpi eq, %arg1, %eq3A_202 : i32
      %convert_element_type3A_204 = arith.extui %eq3A_203 : i1 to i32
      %cond3A_205 = arith.constant 0 : i32
      %cond3A_206 = arith.cmpi ne, %convert_element_type3A_204, %cond3A_205 : i32
      scf.if %cond3A_206 {
        "tpu.region"() ({
          %run_scoped3A = tpu.sem_alloc : memref<!tpu.dma_semaphore, #tpu.memory_space<semaphore_mem>>
          %dma_start3A_207 = arith.constant 9480 : i32
          %dma_start3A_208 = arith.constant 0 : i32
          %dma_start3A_209 = tpu.memref_slice %arg7[%dma_start3A_207, %dma_start3A_208] : memref<10000x128xf32, #tpu.memory_space<hbm>> -> memref<520x128xf32, #tpu.memory_space<hbm>>
          %dma_start3A_210 = arith.constant 9480 : i32
          %dma_start3A_211 = arith.constant 0 : i32
          %dma_start3A_212 = tpu.memref_slice %arg17[%dma_start3A_210, %dma_start3A_211] : memref<10112x128xf32, #tpu.memory_space<vmem_shared>> -> memref<520x128xf32, #tpu.memory_space<vmem_shared>>
          tpu.enqueue_dma source(%dma_start3A_212 : memref<520x128xf32, #tpu.memory_space<vmem_shared>>) target(%dma_start3A_209 : memref<520x128xf32, #tpu.memory_space<hbm>>) target_semaphore(%run_scoped3A : memref<!tpu.dma_semaphore, #tpu.memory_space<semaphore_mem>>)
          %dma_wait3A_213 = arith.constant 9480 : i32
          %dma_wait3A_214 = arith.constant 0 : i32
          %dma_wait3A_215 = tpu.memref_slice %arg7[%dma_wait3A_213, %dma_wait3A_214] : memref<10000x128xf32, #tpu.memory_space<hbm>> -> memref<520x128xf32, #tpu.memory_space<hbm>>
          %dma_wait3A_216 = arith.constant 9480 : i32
          %dma_wait3A_217 = arith.constant 0 : i32
          %dma_wait3A_218 = tpu.memref_slice %arg17[%dma_wait3A_216, %dma_wait3A_217] : memref<10112x128xf32, #tpu.memory_space<vmem_shared>> -> memref<520x128xf32, #tpu.memory_space<vmem_shared>>
          tpu.wait_dma2 semaphore(%run_scoped3A : memref<!tpu.dma_semaphore, #tpu.memory_space<semaphore_mem>>) src(%dma_wait3A_218 : memref<520x128xf32, #tpu.memory_space<vmem_shared>>) dst(%dma_wait3A_215 : memref<520x128xf32, #tpu.memory_space<hbm>>)
          tpu.yield
        }) : () -> ()
      } else {
      }
    } else {
    }
    %eq3A_2 = arith.constant 1 : i32
    %eq3A_3 = arith.cmpi eq, %arg0, %eq3A_2 : i32
    %convert_element_type3A_4 = arith.extui %eq3A_3 : i1 to i32
    %cond3A_5 = arith.constant 0 : i32
    %cond3A_6 = arith.cmpi ne, %convert_element_type3A_4, %cond3A_5 : i32
    scf.if %cond3A_6 {
      %mul3A = arith.constant 20000 : i32
      %mul3A_7 = arith.muli %arg1, %mul3A : i32
      %add3A = arith.constant 0 : i32
      %add3A_8 = arith.addi %mul3A_7, %add3A : i32
      %add3A_9 = arith.constant 320000 : i32
      %add3A_10 = arith.addi %add3A_9, %add3A_8 : i32
      %dma_start3A = tpu.memref_slice %arg5[%add3A_10] : memref<640000xi32, #tpu.memory_space<hbm>> -> memref<128xi32, #tpu.memory_space<hbm>>
      %dma_start3A_11 = tpu.memref_slice %arg5[%add3A_10] : memref<640000xi32, #tpu.memory_space<hbm>> -> memref<128xi32, #tpu.memory_space<hbm>>
      tpu.enqueue_dma source(%dma_start3A_11 : memref<128xi32, #tpu.memory_space<hbm>>) target(%arg9 : memref<128xi32, #tpu.memory_space<vmem>>) target_semaphore(%arg18 : memref<!tpu.dma_semaphore, #tpu.memory_space<semaphore_mem>>)
      %dma_start3A_12 = tpu.memref_slice %arg5[%add3A_8] : memref<640000xi32, #tpu.memory_space<hbm>> -> memref<128xi32, #tpu.memory_space<hbm>>
      %dma_start3A_13 = tpu.memref_slice %arg5[%add3A_8] : memref<640000xi32, #tpu.memory_space<hbm>> -> memref<128xi32, #tpu.memory_space<hbm>>
      tpu.enqueue_dma source(%dma_start3A_13 : memref<128xi32, #tpu.memory_space<hbm>>) target(%arg12 : memref<128xi32, #tpu.memory_space<vmem>>) target_semaphore(%arg21 : memref<!tpu.dma_semaphore, #tpu.memory_space<semaphore_mem>>)
      %add3A_14 = arith.constant 128 : i32
      %add3A_15 = arith.addi %mul3A_7, %add3A_14 : i32
      %add3A_16 = arith.constant 320000 : i32
      %add3A_17 = arith.addi %add3A_16, %add3A_15 : i32
      %dma_start3A_18 = tpu.memref_slice %arg5[%add3A_17] : memref<640000xi32, #tpu.memory_space<hbm>> -> memref<128xi32, #tpu.memory_space<hbm>>
      %dma_start3A_19 = tpu.memref_slice %arg5[%add3A_17] : memref<640000xi32, #tpu.memory_space<hbm>> -> memref<128xi32, #tpu.memory_space<hbm>>
      tpu.enqueue_dma source(%dma_start3A_19 : memref<128xi32, #tpu.memory_space<hbm>>) target(%arg10 : memref<128xi32, #tpu.memory_space<vmem>>) target_semaphore(%arg19 : memref<!tpu.dma_semaphore, #tpu.memory_space<semaphore_mem>>)
      %dma_start3A_20 = tpu.memref_slice %arg5[%add3A_15] : memref<640000xi32, #tpu.memory_space<hbm>> -> memref<128xi32, #tpu.memory_space<hbm>>
      %dma_start3A_21 = tpu.memref_slice %arg5[%add3A_15] : memref<640000xi32, #tpu.memory_space<hbm>> -> memref<128xi32, #tpu.memory_space<hbm>>
      tpu.enqueue_dma source(%dma_start3A_21 : memref<128xi32, #tpu.memory_space<hbm>>) target(%arg13 : memref<128xi32, #tpu.memory_space<vmem>>) target_semaphore(%arg22 : memref<!tpu.dma_semaphore, #tpu.memory_space<semaphore_mem>>)
      %lt3A = arith.constant 15 : i32
      %lt3A_22 = arith.cmpi slt, %arg1, %lt3A : i32
      %convert_element_type3A_23 = arith.extui %lt3A_22 : i1 to i32
      %cond3A_24 = arith.constant 0 : i32
      %cond3A_25 = arith.cmpi ne, %convert_element_type3A_23, %cond3A_24 : i32
      scf.if %cond3A_25 {
        %mul3A_207 = arith.constant 632 : i32
        %mul3A_208 = arith.muli %arg1, %mul3A_207 : i32
        "tpu.region"() ({
          %run_scoped3A = tpu.sem_alloc : memref<!tpu.dma_semaphore, #tpu.memory_space<semaphore_mem>>
          %dma_start3A_209 = arith.constant 0 : i32
          %dma_start3A_210 = tpu.memref_slice %arg17[%mul3A_208, %dma_start3A_209] : memref<10112x128xf32, #tpu.memory_space<vmem_shared>> -> memref<632x128xf32, #tpu.memory_space<vmem_shared>>
          %dma_start3A_211 = arith.constant 0 : i32
          %dma_start3A_212 = arith.constant 0 : i32
          %dma_start3A_213 = tpu.memref_slice %arg6[%dma_start3A_211, %dma_start3A_212] : memref<632x128xf32, #tpu.memory_space<hbm>> -> memref<632x128xf32, #tpu.memory_space<hbm>>
          tpu.enqueue_dma source(%dma_start3A_213 : memref<632x128xf32, #tpu.memory_space<hbm>>) target(%dma_start3A_210 : memref<632x128xf32, #tpu.memory_space<vmem_shared>>) target_semaphore(%run_scoped3A : memref<!tpu.dma_semaphore, #tpu.memory_space<semaphore_mem>>)
          %dma_wait3A_214 = arith.constant 0 : i32
          %dma_wait3A_215 = tpu.memref_slice %arg17[%mul3A_208, %dma_wait3A_214] : memref<10112x128xf32, #tpu.memory_space<vmem_shared>> -> memref<632x128xf32, #tpu.memory_space<vmem_shared>>
          %dma_wait3A_216 = arith.constant 0 : i32
          %dma_wait3A_217 = arith.constant 0 : i32
          %dma_wait3A_218 = tpu.memref_slice %arg6[%dma_wait3A_216, %dma_wait3A_217] : memref<632x128xf32, #tpu.memory_space<hbm>> -> memref<632x128xf32, #tpu.memory_space<hbm>>
          tpu.wait_dma2 semaphore(%run_scoped3A : memref<!tpu.dma_semaphore, #tpu.memory_space<semaphore_mem>>) src(%dma_wait3A_218 : memref<632x128xf32, #tpu.memory_space<hbm>>) dst(%dma_wait3A_215 : memref<632x128xf32, #tpu.memory_space<vmem_shared>>)
          tpu.yield
        }) : () -> ()
      } else {
      }
      %eq3A_26 = arith.constant 15 : i32
      %eq3A_27 = arith.cmpi eq, %arg1, %eq3A_26 : i32
      %convert_element_type3A_28 = arith.extui %eq3A_27 : i1 to i32
      %cond3A_29 = arith.constant 0 : i32
      %cond3A_30 = arith.cmpi ne, %convert_element_type3A_28, %cond3A_29 : i32
      scf.if %cond3A_30 {
        "tpu.region"() ({
          %run_scoped3A = tpu.sem_alloc : memref<!tpu.dma_semaphore, #tpu.memory_space<semaphore_mem>>
          %dma_start3A_207 = arith.constant 9480 : i32
          %dma_start3A_208 = arith.constant 0 : i32
          %dma_start3A_209 = tpu.memref_slice %arg17[%dma_start3A_207, %dma_start3A_208] : memref<10112x128xf32, #tpu.memory_space<vmem_shared>> -> memref<520x128xf32, #tpu.memory_space<vmem_shared>>
          %dma_start3A_210 = arith.constant 0 : i32
          %dma_start3A_211 = arith.constant 0 : i32
          %dma_start3A_212 = tpu.memref_slice %arg6[%dma_start3A_210, %dma_start3A_211] : memref<632x128xf32, #tpu.memory_space<hbm>> -> memref<520x128xf32, #tpu.memory_space<hbm>>
          tpu.enqueue_dma source(%dma_start3A_212 : memref<520x128xf32, #tpu.memory_space<hbm>>) target(%dma_start3A_209 : memref<520x128xf32, #tpu.memory_space<vmem_shared>>) target_semaphore(%run_scoped3A : memref<!tpu.dma_semaphore, #tpu.memory_space<semaphore_mem>>)
          %dma_wait3A_213 = arith.constant 9480 : i32
          %dma_wait3A_214 = arith.constant 0 : i32
          %dma_wait3A_215 = tpu.memref_slice %arg17[%dma_wait3A_213, %dma_wait3A_214] : memref<10112x128xf32, #tpu.memory_space<vmem_shared>> -> memref<520x128xf32, #tpu.memory_space<vmem_shared>>
          %dma_wait3A_216 = arith.constant 0 : i32
          %dma_wait3A_217 = arith.constant 0 : i32
          %dma_wait3A_218 = tpu.memref_slice %arg6[%dma_wait3A_216, %dma_wait3A_217] : memref<632x128xf32, #tpu.memory_space<hbm>> -> memref<520x128xf32, #tpu.memory_space<hbm>>
          tpu.wait_dma2 semaphore(%run_scoped3A : memref<!tpu.dma_semaphore, #tpu.memory_space<semaphore_mem>>) src(%dma_wait3A_218 : memref<520x128xf32, #tpu.memory_space<hbm>>) dst(%dma_wait3A_215 : memref<520x128xf32, #tpu.memory_space<vmem_shared>>)
          tpu.yield
        }) : () -> ()
      } else {
      }
      %add3A_31 = arith.constant 0 : i32
      %add3A_32 = arith.addi %mul3A_7, %add3A_31 : i32
      %add3A_33 = arith.constant 320000 : i32
      %add3A_34 = arith.addi %add3A_33, %add3A_32 : i32
      %dma_wait3A = tpu.memref_slice %arg5[%add3A_34] : memref<640000xi32, #tpu.memory_space<hbm>> -> memref<128xi32, #tpu.memory_space<hbm>>
      %dma_wait3A_35 = tpu.memref_slice %arg5[%add3A_34] : memref<640000xi32, #tpu.memory_space<hbm>> -> memref<128xi32, #tpu.memory_space<hbm>>
      tpu.wait_dma2 semaphore(%arg18 : memref<!tpu.dma_semaphore, #tpu.memory_space<semaphore_mem>>) src(%dma_wait3A_35 : memref<128xi32, #tpu.memory_space<hbm>>) dst(%arg9 : memref<128xi32, #tpu.memory_space<vmem>>)
      %dma_wait3A_36 = tpu.memref_slice %arg5[%add3A_32] : memref<640000xi32, #tpu.memory_space<hbm>> -> memref<128xi32, #tpu.memory_space<hbm>>
      %dma_wait3A_37 = tpu.memref_slice %arg5[%add3A_32] : memref<640000xi32, #tpu.memory_space<hbm>> -> memref<128xi32, #tpu.memory_space<hbm>>
      tpu.wait_dma2 semaphore(%arg21 : memref<!tpu.dma_semaphore, #tpu.memory_space<semaphore_mem>>) src(%dma_wait3A_37 : memref<128xi32, #tpu.memory_space<hbm>>) dst(%arg12 : memref<128xi32, #tpu.memory_space<vmem>>)
      %dma_start3A_38 = arith.constant 0 : i32
      %dma_start3A_39 = arith.constant 0 : i32
      %dma_start3A_40 = tpu.memref_slice %arg4[%dma_start3A_38, %dma_start3A_39] : memref<10000x128xf32, #tpu.memory_space<hbm>> -> memref<10000x128xf32, #tpu.memory_space<hbm>>
      tpu.enqueue_indirect_dma source(%dma_start3A_40 : memref<10000x128xf32, #tpu.memory_space<hbm>>) target(%arg15 : memref<128x128xf32, #tpu.memory_space<vmem>>) offsets(%arg9 : memref<128xi32, #tpu.memory_space<vmem>>) semaphore(%arg24 : memref<!tpu.dma_semaphore, #tpu.memory_space<semaphore_mem>>)
      %barrier3A = arith.constant 0 : index
      tpu.barrier barrier_id(%barrier3A)
      %scan3A = arith.constant 0 : i32
      %scan3A_41 = arith.constant 25 : i32
      %scan3A_42 = arith.addi %scan3A, %scan3A_41 : i32
      %scan3A_43 = arith.constant 1 : i32
      scf.for %scan3A_207 = %scan3A to %scan3A_42 step %scan3A_43  : i32 {
        %mul3A_208 = arith.constant 6 : i32
        %mul3A_209 = arith.muli %mul3A_208, %scan3A_207 : i32
        %add3A_210 = arith.constant 0 : i32
        %add3A_211 = arith.addi %mul3A_209, %add3A_210 : i32
        %add3A_212 = arith.constant 2 : i32
        %add3A_213 = arith.addi %add3A_211, %add3A_212 : i32
        %mul3A_214 = arith.constant 128 : i32
        %mul3A_215 = arith.muli %add3A_213, %mul3A_214 : i32
        %add3A_216 = arith.addi %mul3A_7, %mul3A_215 : i32
        %add3A_217 = arith.constant 320000 : i32
        %add3A_218 = arith.addi %add3A_217, %add3A_216 : i32
        %dma_start3A_219 = tpu.memref_slice %arg5[%add3A_218] : memref<640000xi32, #tpu.memory_space<hbm>> -> memref<128xi32, #tpu.memory_space<hbm>>
        %dma_start3A_220 = tpu.memref_slice %arg5[%add3A_218] : memref<640000xi32, #tpu.memory_space<hbm>> -> memref<128xi32, #tpu.memory_space<hbm>>
        tpu.enqueue_dma source(%dma_start3A_220 : memref<128xi32, #tpu.memory_space<hbm>>) target(%arg11 : memref<128xi32, #tpu.memory_space<vmem>>) target_semaphore(%arg20 : memref<!tpu.dma_semaphore, #tpu.memory_space<semaphore_mem>>)
        %dma_start3A_221 = tpu.memref_slice %arg5[%add3A_216] : memref<640000xi32, #tpu.memory_space<hbm>> -> memref<128xi32, #tpu.memory_space<hbm>>
        %dma_start3A_222 = tpu.memref_slice %arg5[%add3A_216] : memref<640000xi32, #tpu.memory_space<hbm>> -> memref<128xi32, #tpu.memory_space<hbm>>
        tpu.enqueue_dma source(%dma_start3A_222 : memref<128xi32, #tpu.memory_space<hbm>>) target(%arg14 : memref<128xi32, #tpu.memory_space<vmem>>) target_semaphore(%arg23 : memref<!tpu.dma_semaphore, #tpu.memory_space<semaphore_mem>>)
        %add3A_223 = arith.constant 1 : i32
        %add3A_224 = arith.addi %add3A_211, %add3A_223 : i32
        %mul3A_225 = arith.constant 128 : i32
        %mul3A_226 = arith.muli %add3A_224, %mul3A_225 : i32
        %add3A_227 = arith.addi %mul3A_7, %mul3A_226 : i32
        %add3A_228 = arith.constant 320000 : i32
        %add3A_229 = arith.addi %add3A_228, %add3A_227 : i32
        %dma_wait3A_230 = tpu.memref_slice %arg5[%add3A_229] : memref<640000xi32, #tpu.memory_space<hbm>> -> memref<128xi32, #tpu.memory_space<hbm>>
        %dma_wait3A_231 = tpu.memref_slice %arg5[%add3A_229] : memref<640000xi32, #tpu.memory_space<hbm>> -> memref<128xi32, #tpu.memory_space<hbm>>
        tpu.wait_dma2 semaphore(%arg19 : memref<!tpu.dma_semaphore, #tpu.memory_space<semaphore_mem>>) src(%dma_wait3A_231 : memref<128xi32, #tpu.memory_space<hbm>>) dst(%arg10 : memref<128xi32, #tpu.memory_space<vmem>>)
        %dma_wait3A_232 = tpu.memref_slice %arg5[%add3A_227] : memref<640000xi32, #tpu.memory_space<hbm>> -> memref<128xi32, #tpu.memory_space<hbm>>
        %dma_wait3A_233 = tpu.memref_slice %arg5[%add3A_227] : memref<640000xi32, #tpu.memory_space<hbm>> -> memref<128xi32, #tpu.memory_space<hbm>>
        tpu.wait_dma2 semaphore(%arg22 : memref<!tpu.dma_semaphore, #tpu.memory_space<semaphore_mem>>) src(%dma_wait3A_233 : memref<128xi32, #tpu.memory_space<hbm>>) dst(%arg13 : memref<128xi32, #tpu.memory_space<vmem>>)
        %dma_start3A_234 = arith.constant 0 : i32
        %dma_start3A_235 = arith.constant 0 : i32
        %dma_start3A_236 = tpu.memref_slice %arg4[%dma_start3A_234, %dma_start3A_235] : memref<10000x128xf32, #tpu.memory_space<hbm>> -> memref<10000x128xf32, #tpu.memory_space<hbm>>
        tpu.enqueue_indirect_dma source(%dma_start3A_236 : memref<10000x128xf32, #tpu.memory_space<hbm>>) target(%arg16 : memref<128x128xf32, #tpu.memory_space<vmem>>) offsets(%arg10 : memref<128xi32, #tpu.memory_space<vmem>>) semaphore(%arg25 : memref<!tpu.dma_semaphore, #tpu.memory_space<semaphore_mem>>)
        %dma_wait3A_237 = arith.constant 0 : i32
        %dma_wait3A_238 = arith.constant 0 : i32
        %dma_wait3A_239 = tpu.memref_slice %arg4[%dma_wait3A_237, %dma_wait3A_238] : memref<10000x128xf32, #tpu.memory_space<hbm>> -> memref<10000x128xf32, #tpu.memory_space<hbm>>
        tpu.wait_indirect_dma semaphore(%arg24 : memref<!tpu.dma_semaphore, #tpu.memory_space<semaphore_mem>>) src(%dma_wait3A_239 : memref<10000x128xf32, #tpu.memory_space<hbm>>) dst(%arg15 : memref<128x128xf32, #tpu.memory_space<vmem>>)
        "tpu.region"() ({
          %run_scoped3A = tpu.sem_alloc : memref<!tpu.dma_semaphore, #tpu.memory_space<semaphore_mem>>
          %dma_start3A_400 = arith.constant 0 : i32
          %dma_start3A_401 = arith.constant 0 : i32
          %dma_start3A_402 = tpu.memref_slice %arg17[%dma_start3A_400, %dma_start3A_401] : memref<10112x128xf32, #tpu.memory_space<vmem_shared>> -> memref<10112x128xf32, #tpu.memory_space<vmem_shared>>
          tpu.enqueue_indirect_dma source(%arg15 : memref<128x128xf32, #tpu.memory_space<vmem>>) target(%dma_start3A_402 : memref<10112x128xf32, #tpu.memory_space<vmem_shared>>) offsets(%arg12 : memref<128xi32, #tpu.memory_space<vmem>>) semaphore(%run_scoped3A : memref<!tpu.dma_semaphore, #tpu.memory_space<semaphore_mem>>) {add = true}
          %dma_wait3A_403 = arith.constant 0 : i32
          %dma_wait3A_404 = arith.constant 0 : i32
          %dma_wait3A_405 = tpu.memref_slice %arg17[%dma_wait3A_403, %dma_wait3A_404] : memref<10112x128xf32, #tpu.memory_space<vmem_shared>> -> memref<10112x128xf32, #tpu.memory_space<vmem_shared>>
          tpu.wait_indirect_dma semaphore(%run_scoped3A : memref<!tpu.dma_semaphore, #tpu.memory_space<semaphore_mem>>) src(%arg15 : memref<128x128xf32, #tpu.memory_space<vmem>>) dst(%dma_wait3A_405 : memref<10112x128xf32, #tpu.memory_space<vmem_shared>>)
          tpu.yield
        }) : () -> ()
        %mul3A_240 = arith.constant 6 : i32
        %mul3A_241 = arith.muli %mul3A_240, %scan3A_207 : i32
        %add3A_242 = arith.constant 1 : i32
        %add3A_243 = arith.addi %mul3A_241, %add3A_242 : i32
        %add3A_244 = arith.constant 2 : i32
        %add3A_245 = arith.addi %add3A_243, %add3A_244 : i32
        %mul3A_246 = arith.constant 128 : i32
        %mul3A_247 = arith.muli %add3A_245, %mul3A_246 : i32
        %add3A_248 = arith.addi %mul3A_7, %mul3A_247 : i32
        %add3A_249 = arith.constant 320000 : i32
        %add3A_250 = arith.addi %add3A_249, %add3A_248 : i32
        %dma_start3A_251 = tpu.memref_slice %arg5[%add3A_250] : memref<640000xi32, #tpu.memory_space<hbm>> -> memref<128xi32, #tpu.memory_space<hbm>>
        %dma_start3A_252 = tpu.memref_slice %arg5[%add3A_250] : memref<640000xi32, #tpu.memory_space<hbm>> -> memref<128xi32, #tpu.memory_space<hbm>>
        tpu.enqueue_dma source(%dma_start3A_252 : memref<128xi32, #tpu.memory_space<hbm>>) target(%arg9 : memref<128xi32, #tpu.memory_space<vmem>>) target_semaphore(%arg18 : memref<!tpu.dma_semaphore, #tpu.memory_space<semaphore_mem>>)
        %dma_start3A_253 = tpu.memref_slice %arg5[%add3A_248] : memref<640000xi32, #tpu.memory_space<hbm>> -> memref<128xi32, #tpu.memory_space<hbm>>
        %dma_start3A_254 = tpu.memref_slice %arg5[%add3A_248] : memref<640000xi32, #tpu.memory_space<hbm>> -> memref<128xi32, #tpu.memory_space<hbm>>
        tpu.enqueue_dma source(%dma_start3A_254 : memref<128xi32, #tpu.memory_space<hbm>>) target(%arg12 : memref<128xi32, #tpu.memory_space<vmem>>) target_semaphore(%arg21 : memref<!tpu.dma_semaphore, #tpu.memory_space<semaphore_mem>>)
        %add3A_255 = arith.constant 1 : i32
        %add3A_256 = arith.addi %add3A_243, %add3A_255 : i32
        %mul3A_257 = arith.constant 128 : i32
        %mul3A_258 = arith.muli %add3A_256, %mul3A_257 : i32
        %add3A_259 = arith.addi %mul3A_7, %mul3A_258 : i32
        %add3A_260 = arith.constant 320000 : i32
        %add3A_261 = arith.addi %add3A_260, %add3A_259 : i32
        %dma_wait3A_262 = tpu.memref_slice %arg5[%add3A_261] : memref<640000xi32, #tpu.memory_space<hbm>> -> memref<128xi32, #tpu.memory_space<hbm>>
        %dma_wait3A_263 = tpu.memref_slice %arg5[%add3A_261] : memref<640000xi32, #tpu.memory_space<hbm>> -> memref<128xi32, #tpu.memory_space<hbm>>
        tpu.wait_dma2 semaphore(%arg20 : memref<!tpu.dma_semaphore, #tpu.memory_space<semaphore_mem>>) src(%dma_wait3A_263 : memref<128xi32, #tpu.memory_space<hbm>>) dst(%arg11 : memref<128xi32, #tpu.memory_space<vmem>>)
        %dma_wait3A_264 = tpu.memref_slice %arg5[%add3A_259] : memref<640000xi32, #tpu.memory_space<hbm>> -> memref<128xi32, #tpu.memory_space<hbm>>
        %dma_wait3A_265 = tpu.memref_slice %arg5[%add3A_259] : memref<640000xi32, #tpu.memory_space<hbm>> -> memref<128xi32, #tpu.memory_space<hbm>>
        tpu.wait_dma2 semaphore(%arg23 : memref<!tpu.dma_semaphore, #tpu.memory_space<semaphore_mem>>) src(%dma_wait3A_265 : memref<128xi32, #tpu.memory_space<hbm>>) dst(%arg14 : memref<128xi32, #tpu.memory_space<vmem>>)
        %dma_start3A_266 = arith.constant 0 : i32
        %dma_start3A_267 = arith.constant 0 : i32
        %dma_start3A_268 = tpu.memref_slice %arg4[%dma_start3A_266, %dma_start3A_267] : memref<10000x128xf32, #tpu.memory_space<hbm>> -> memref<10000x128xf32, #tpu.memory_space<hbm>>
        tpu.enqueue_indirect_dma source(%dma_start3A_268 : memref<10000x128xf32, #tpu.memory_space<hbm>>) target(%arg15 : memref<128x128xf32, #tpu.memory_space<vmem>>) offsets(%arg11 : memref<128xi32, #tpu.memory_space<vmem>>) semaphore(%arg24 : memref<!tpu.dma_semaphore, #tpu.memory_space<semaphore_mem>>)
        %dma_wait3A_269 = arith.constant 0 : i32
        %dma_wait3A_270 = arith.constant 0 : i32
        %dma_wait3A_271 = tpu.memref_slice %arg4[%dma_wait3A_269, %dma_wait3A_270] : memref<10000x128xf32, #tpu.memory_space<hbm>> -> memref<10000x128xf32, #tpu.memory_space<hbm>>
        tpu.wait_indirect_dma semaphore(%arg25 : memref<!tpu.dma_semaphore, #tpu.memory_space<semaphore_mem>>) src(%dma_wait3A_271 : memref<10000x128xf32, #tpu.memory_space<hbm>>) dst(%arg16 : memref<128x128xf32, #tpu.memory_space<vmem>>)
        "tpu.region"() ({
          %run_scoped3A = tpu.sem_alloc : memref<!tpu.dma_semaphore, #tpu.memory_space<semaphore_mem>>
          %dma_start3A_400 = arith.constant 0 : i32
          %dma_start3A_401 = arith.constant 0 : i32
          %dma_start3A_402 = tpu.memref_slice %arg17[%dma_start3A_400, %dma_start3A_401] : memref<10112x128xf32, #tpu.memory_space<vmem_shared>> -> memref<10112x128xf32, #tpu.memory_space<vmem_shared>>
          tpu.enqueue_indirect_dma source(%arg16 : memref<128x128xf32, #tpu.memory_space<vmem>>) target(%dma_start3A_402 : memref<10112x128xf32, #tpu.memory_space<vmem_shared>>) offsets(%arg13 : memref<128xi32, #tpu.memory_space<vmem>>) semaphore(%run_scoped3A : memref<!tpu.dma_semaphore, #tpu.memory_space<semaphore_mem>>) {add = true}
          %dma_wait3A_403 = arith.constant 0 : i32
          %dma_wait3A_404 = arith.constant 0 : i32
          %dma_wait3A_405 = tpu.memref_slice %arg17[%dma_wait3A_403, %dma_wait3A_404] : memref<10112x128xf32, #tpu.memory_space<vmem_shared>> -> memref<10112x128xf32, #tpu.memory_space<vmem_shared>>
          tpu.wait_indirect_dma semaphore(%run_scoped3A : memref<!tpu.dma_semaphore, #tpu.memory_space<semaphore_mem>>) src(%arg16 : memref<128x128xf32, #tpu.memory_space<vmem>>) dst(%dma_wait3A_405 : memref<10112x128xf32, #tpu.memory_space<vmem_shared>>)
          tpu.yield
        }) : () -> ()
        %mul3A_272 = arith.constant 6 : i32
        %mul3A_273 = arith.muli %mul3A_272, %scan3A_207 : i32
        %add3A_274 = arith.constant 2 : i32
        %add3A_275 = arith.addi %mul3A_273, %add3A_274 : i32
        %add3A_276 = arith.constant 2 : i32
        %add3A_277 = arith.addi %add3A_275, %add3A_276 : i32
        %mul3A_278 = arith.constant 128 : i32
        %mul3A_279 = arith.muli %add3A_277, %mul3A_278 : i32
        %add3A_280 = arith.addi %mul3A_7, %mul3A_279 : i32
        %add3A_281 = arith.constant 320000 : i32
        %add3A_282 = arith.addi %add3A_281, %add3A_280 : i32
        %dma_start3A_283 = tpu.memref_slice %arg5[%add3A_282] : memref<640000xi32, #tpu.memory_space<hbm>> -> memref<128xi32, #tpu.memory_space<hbm>>
        %dma_start3A_284 = tpu.memref_slice %arg5[%add3A_282] : memref<640000xi32, #tpu.memory_space<hbm>> -> memref<128xi32, #tpu.memory_space<hbm>>
        tpu.enqueue_dma source(%dma_start3A_284 : memref<128xi32, #tpu.memory_space<hbm>>) target(%arg10 : memref<128xi32, #tpu.memory_space<vmem>>) target_semaphore(%arg19 : memref<!tpu.dma_semaphore, #tpu.memory_space<semaphore_mem>>)
        %dma_start3A_285 = tpu.memref_slice %arg5[%add3A_280] : memref<640000xi32, #tpu.memory_space<hbm>> -> memref<128xi32, #tpu.memory_space<hbm>>
        %dma_start3A_286 = tpu.memref_slice %arg5[%add3A_280] : memref<640000xi32, #tpu.memory_space<hbm>> -> memref<128xi32, #tpu.memory_space<hbm>>
        tpu.enqueue_dma source(%dma_start3A_286 : memref<128xi32, #tpu.memory_space<hbm>>) target(%arg13 : memref<128xi32, #tpu.memory_space<vmem>>) target_semaphore(%arg22 : memref<!tpu.dma_semaphore, #tpu.memory_space<semaphore_mem>>)
        %add3A_287 = arith.constant 1 : i32
        %add3A_288 = arith.addi %add3A_275, %add3A_287 : i32
        %mul3A_289 = arith.constant 128 : i32
        %mul3A_290 = arith.muli %add3A_288, %mul3A_289 : i32
        %add3A_291 = arith.addi %mul3A_7, %mul3A_290 : i32
        %add3A_292 = arith.constant 320000 : i32
        %add3A_293 = arith.addi %add3A_292, %add3A_291 : i32
        %dma_wait3A_294 = tpu.memref_slice %arg5[%add3A_293] : memref<640000xi32, #tpu.memory_space<hbm>> -> memref<128xi32, #tpu.memory_space<hbm>>
        %dma_wait3A_295 = tpu.memref_slice %arg5[%add3A_293] : memref<640000xi32, #tpu.memory_space<hbm>> -> memref<128xi32, #tpu.memory_space<hbm>>
        tpu.wait_dma2 semaphore(%arg18 : memref<!tpu.dma_semaphore, #tpu.memory_space<semaphore_mem>>) src(%dma_wait3A_295 : memref<128xi32, #tpu.memory_space<hbm>>) dst(%arg9 : memref<128xi32, #tpu.memory_space<vmem>>)
        %dma_wait3A_296 = tpu.memref_slice %arg5[%add3A_291] : memref<640000xi32, #tpu.memory_space<hbm>> -> memref<128xi32, #tpu.memory_space<hbm>>
        %dma_wait3A_297 = tpu.memref_slice %arg5[%add3A_291] : memref<640000xi32, #tpu.memory_space<hbm>> -> memref<128xi32, #tpu.memory_space<hbm>>
        tpu.wait_dma2 semaphore(%arg21 : memref<!tpu.dma_semaphore, #tpu.memory_space<semaphore_mem>>) src(%dma_wait3A_297 : memref<128xi32, #tpu.memory_space<hbm>>) dst(%arg12 : memref<128xi32, #tpu.memory_space<vmem>>)
        %dma_start3A_298 = arith.constant 0 : i32
        %dma_start3A_299 = arith.constant 0 : i32
        %dma_start3A_300 = tpu.memref_slice %arg4[%dma_start3A_298, %dma_start3A_299] : memref<10000x128xf32, #tpu.memory_space<hbm>> -> memref<10000x128xf32, #tpu.memory_space<hbm>>
        tpu.enqueue_indirect_dma source(%dma_start3A_300 : memref<10000x128xf32, #tpu.memory_space<hbm>>) target(%arg16 : memref<128x128xf32, #tpu.memory_space<vmem>>) offsets(%arg9 : memref<128xi32, #tpu.memory_space<vmem>>) semaphore(%arg25 : memref<!tpu.dma_semaphore, #tpu.memory_space<semaphore_mem>>)
        %dma_wait3A_301 = arith.constant 0 : i32
        %dma_wait3A_302 = arith.constant 0 : i32
        %dma_wait3A_303 = tpu.memref_slice %arg4[%dma_wait3A_301, %dma_wait3A_302] : memref<10000x128xf32, #tpu.memory_space<hbm>> -> memref<10000x128xf32, #tpu.memory_space<hbm>>
        tpu.wait_indirect_dma semaphore(%arg24 : memref<!tpu.dma_semaphore, #tpu.memory_space<semaphore_mem>>) src(%dma_wait3A_303 : memref<10000x128xf32, #tpu.memory_space<hbm>>) dst(%arg15 : memref<128x128xf32, #tpu.memory_space<vmem>>)
        "tpu.region"() ({
          %run_scoped3A = tpu.sem_alloc : memref<!tpu.dma_semaphore, #tpu.memory_space<semaphore_mem>>
          %dma_start3A_400 = arith.constant 0 : i32
          %dma_start3A_401 = arith.constant 0 : i32
          %dma_start3A_402 = tpu.memref_slice %arg17[%dma_start3A_400, %dma_start3A_401] : memref<10112x128xf32, #tpu.memory_space<vmem_shared>> -> memref<10112x128xf32, #tpu.memory_space<vmem_shared>>
          tpu.enqueue_indirect_dma source(%arg15 : memref<128x128xf32, #tpu.memory_space<vmem>>) target(%dma_start3A_402 : memref<10112x128xf32, #tpu.memory_space<vmem_shared>>) offsets(%arg14 : memref<128xi32, #tpu.memory_space<vmem>>) semaphore(%run_scoped3A : memref<!tpu.dma_semaphore, #tpu.memory_space<semaphore_mem>>) {add = true}
          %dma_wait3A_403 = arith.constant 0 : i32
          %dma_wait3A_404 = arith.constant 0 : i32
          %dma_wait3A_405 = tpu.memref_slice %arg17[%dma_wait3A_403, %dma_wait3A_404] : memref<10112x128xf32, #tpu.memory_space<vmem_shared>> -> memref<10112x128xf32, #tpu.memory_space<vmem_shared>>
          tpu.wait_indirect_dma semaphore(%run_scoped3A : memref<!tpu.dma_semaphore, #tpu.memory_space<semaphore_mem>>) src(%arg15 : memref<128x128xf32, #tpu.memory_space<vmem>>) dst(%dma_wait3A_405 : memref<10112x128xf32, #tpu.memory_space<vmem_shared>>)
          tpu.yield
        }) : () -> ()
        %mul3A_304 = arith.constant 6 : i32
        %mul3A_305 = arith.muli %mul3A_304, %scan3A_207 : i32
        %add3A_306 = arith.constant 3 : i32
        %add3A_307 = arith.addi %mul3A_305, %add3A_306 : i32
        %add3A_308 = arith.constant 2 : i32
        %add3A_309 = arith.addi %add3A_307, %add3A_308 : i32
        %mul3A_310 = arith.constant 128 : i32
        %mul3A_311 = arith.muli %add3A_309, %mul3A_310 : i32
        %add3A_312 = arith.addi %mul3A_7, %mul3A_311 : i32
        %add3A_313 = arith.constant 320000 : i32
        %add3A_314 = arith.addi %add3A_313, %add3A_312 : i32
        %dma_start3A_315 = tpu.memref_slice %arg5[%add3A_314] : memref<640000xi32, #tpu.memory_space<hbm>> -> memref<128xi32, #tpu.memory_space<hbm>>
        %dma_start3A_316 = tpu.memref_slice %arg5[%add3A_314] : memref<640000xi32, #tpu.memory_space<hbm>> -> memref<128xi32, #tpu.memory_space<hbm>>
        tpu.enqueue_dma source(%dma_start3A_316 : memref<128xi32, #tpu.memory_space<hbm>>) target(%arg11 : memref<128xi32, #tpu.memory_space<vmem>>) target_semaphore(%arg20 : memref<!tpu.dma_semaphore, #tpu.memory_space<semaphore_mem>>)
        %dma_start3A_317 = tpu.memref_slice %arg5[%add3A_312] : memref<640000xi32, #tpu.memory_space<hbm>> -> memref<128xi32, #tpu.memory_space<hbm>>
        %dma_start3A_318 = tpu.memref_slice %arg5[%add3A_312] : memref<640000xi32, #tpu.memory_space<hbm>> -> memref<128xi32, #tpu.memory_space<hbm>>
        tpu.enqueue_dma source(%dma_start3A_318 : memref<128xi32, #tpu.memory_space<hbm>>) target(%arg14 : memref<128xi32, #tpu.memory_space<vmem>>) target_semaphore(%arg23 : memref<!tpu.dma_semaphore, #tpu.memory_space<semaphore_mem>>)
        %add3A_319 = arith.constant 1 : i32
        %add3A_320 = arith.addi %add3A_307, %add3A_319 : i32
        %mul3A_321 = arith.constant 128 : i32
        %mul3A_322 = arith.muli %add3A_320, %mul3A_321 : i32
        %add3A_323 = arith.addi %mul3A_7, %mul3A_322 : i32
        %add3A_324 = arith.constant 320000 : i32
        %add3A_325 = arith.addi %add3A_324, %add3A_323 : i32
        %dma_wait3A_326 = tpu.memref_slice %arg5[%add3A_325] : memref<640000xi32, #tpu.memory_space<hbm>> -> memref<128xi32, #tpu.memory_space<hbm>>
        %dma_wait3A_327 = tpu.memref_slice %arg5[%add3A_325] : memref<640000xi32, #tpu.memory_space<hbm>> -> memref<128xi32, #tpu.memory_space<hbm>>
        tpu.wait_dma2 semaphore(%arg19 : memref<!tpu.dma_semaphore, #tpu.memory_space<semaphore_mem>>) src(%dma_wait3A_327 : memref<128xi32, #tpu.memory_space<hbm>>) dst(%arg10 : memref<128xi32, #tpu.memory_space<vmem>>)
        %dma_wait3A_328 = tpu.memref_slice %arg5[%add3A_323] : memref<640000xi32, #tpu.memory_space<hbm>> -> memref<128xi32, #tpu.memory_space<hbm>>
        %dma_wait3A_329 = tpu.memref_slice %arg5[%add3A_323] : memref<640000xi32, #tpu.memory_space<hbm>> -> memref<128xi32, #tpu.memory_space<hbm>>
        tpu.wait_dma2 semaphore(%arg22 : memref<!tpu.dma_semaphore, #tpu.memory_space<semaphore_mem>>) src(%dma_wait3A_329 : memref<128xi32, #tpu.memory_space<hbm>>) dst(%arg13 : memref<128xi32, #tpu.memory_space<vmem>>)
        %dma_start3A_330 = arith.constant 0 : i32
        %dma_start3A_331 = arith.constant 0 : i32
        %dma_start3A_332 = tpu.memref_slice %arg4[%dma_start3A_330, %dma_start3A_331] : memref<10000x128xf32, #tpu.memory_space<hbm>> -> memref<10000x128xf32, #tpu.memory_space<hbm>>
        tpu.enqueue_indirect_dma source(%dma_start3A_332 : memref<10000x128xf32, #tpu.memory_space<hbm>>) target(%arg15 : memref<128x128xf32, #tpu.memory_space<vmem>>) offsets(%arg10 : memref<128xi32, #tpu.memory_space<vmem>>) semaphore(%arg24 : memref<!tpu.dma_semaphore, #tpu.memory_space<semaphore_mem>>)
        %dma_wait3A_333 = arith.constant 0 : i32
        %dma_wait3A_334 = arith.constant 0 : i32
        %dma_wait3A_335 = tpu.memref_slice %arg4[%dma_wait3A_333, %dma_wait3A_334] : memref<10000x128xf32, #tpu.memory_space<hbm>> -> memref<10000x128xf32, #tpu.memory_space<hbm>>
        tpu.wait_indirect_dma semaphore(%arg25 : memref<!tpu.dma_semaphore, #tpu.memory_space<semaphore_mem>>) src(%dma_wait3A_335 : memref<10000x128xf32, #tpu.memory_space<hbm>>) dst(%arg16 : memref<128x128xf32, #tpu.memory_space<vmem>>)
        "tpu.region"() ({
          %run_scoped3A = tpu.sem_alloc : memref<!tpu.dma_semaphore, #tpu.memory_space<semaphore_mem>>
          %dma_start3A_400 = arith.constant 0 : i32
          %dma_start3A_401 = arith.constant 0 : i32
          %dma_start3A_402 = tpu.memref_slice %arg17[%dma_start3A_400, %dma_start3A_401] : memref<10112x128xf32, #tpu.memory_space<vmem_shared>> -> memref<10112x128xf32, #tpu.memory_space<vmem_shared>>
          tpu.enqueue_indirect_dma source(%arg16 : memref<128x128xf32, #tpu.memory_space<vmem>>) target(%dma_start3A_402 : memref<10112x128xf32, #tpu.memory_space<vmem_shared>>) offsets(%arg12 : memref<128xi32, #tpu.memory_space<vmem>>) semaphore(%run_scoped3A : memref<!tpu.dma_semaphore, #tpu.memory_space<semaphore_mem>>) {add = true}
          %dma_wait3A_403 = arith.constant 0 : i32
          %dma_wait3A_404 = arith.constant 0 : i32
          %dma_wait3A_405 = tpu.memref_slice %arg17[%dma_wait3A_403, %dma_wait3A_404] : memref<10112x128xf32, #tpu.memory_space<vmem_shared>> -> memref<10112x128xf32, #tpu.memory_space<vmem_shared>>
          tpu.wait_indirect_dma semaphore(%run_scoped3A : memref<!tpu.dma_semaphore, #tpu.memory_space<semaphore_mem>>) src(%arg16 : memref<128x128xf32, #tpu.memory_space<vmem>>) dst(%dma_wait3A_405 : memref<10112x128xf32, #tpu.memory_space<vmem_shared>>)
          tpu.yield
        }) : () -> ()
        %mul3A_336 = arith.constant 6 : i32
        %mul3A_337 = arith.muli %mul3A_336, %scan3A_207 : i32
        %add3A_338 = arith.constant 4 : i32
        %add3A_339 = arith.addi %mul3A_337, %add3A_338 : i32
        %add3A_340 = arith.constant 2 : i32
        %add3A_341 = arith.addi %add3A_339, %add3A_340 : i32
        %mul3A_342 = arith.constant 128 : i32
        %mul3A_343 = arith.muli %add3A_341, %mul3A_342 : i32
        %add3A_344 = arith.addi %mul3A_7, %mul3A_343 : i32
        %add3A_345 = arith.constant 320000 : i32
        %add3A_346 = arith.addi %add3A_345, %add3A_344 : i32
        %dma_start3A_347 = tpu.memref_slice %arg5[%add3A_346] : memref<640000xi32, #tpu.memory_space<hbm>> -> memref<128xi32, #tpu.memory_space<hbm>>
        %dma_start3A_348 = tpu.memref_slice %arg5[%add3A_346] : memref<640000xi32, #tpu.memory_space<hbm>> -> memref<128xi32, #tpu.memory_space<hbm>>
        tpu.enqueue_dma source(%dma_start3A_348 : memref<128xi32, #tpu.memory_space<hbm>>) target(%arg9 : memref<128xi32, #tpu.memory_space<vmem>>) target_semaphore(%arg18 : memref<!tpu.dma_semaphore, #tpu.memory_space<semaphore_mem>>)
        %dma_start3A_349 = tpu.memref_slice %arg5[%add3A_344] : memref<640000xi32, #tpu.memory_space<hbm>> -> memref<128xi32, #tpu.memory_space<hbm>>
        %dma_start3A_350 = tpu.memref_slice %arg5[%add3A_344] : memref<640000xi32, #tpu.memory_space<hbm>> -> memref<128xi32, #tpu.memory_space<hbm>>
        tpu.enqueue_dma source(%dma_start3A_350 : memref<128xi32, #tpu.memory_space<hbm>>) target(%arg12 : memref<128xi32, #tpu.memory_space<vmem>>) target_semaphore(%arg21 : memref<!tpu.dma_semaphore, #tpu.memory_space<semaphore_mem>>)
        %add3A_351 = arith.constant 1 : i32
        %add3A_352 = arith.addi %add3A_339, %add3A_351 : i32
        %mul3A_353 = arith.constant 128 : i32
        %mul3A_354 = arith.muli %add3A_352, %mul3A_353 : i32
        %add3A_355 = arith.addi %mul3A_7, %mul3A_354 : i32
        %add3A_356 = arith.constant 320000 : i32
        %add3A_357 = arith.addi %add3A_356, %add3A_355 : i32
        %dma_wait3A_358 = tpu.memref_slice %arg5[%add3A_357] : memref<640000xi32, #tpu.memory_space<hbm>> -> memref<128xi32, #tpu.memory_space<hbm>>
        %dma_wait3A_359 = tpu.memref_slice %arg5[%add3A_357] : memref<640000xi32, #tpu.memory_space<hbm>> -> memref<128xi32, #tpu.memory_space<hbm>>
        tpu.wait_dma2 semaphore(%arg20 : memref<!tpu.dma_semaphore, #tpu.memory_space<semaphore_mem>>) src(%dma_wait3A_359 : memref<128xi32, #tpu.memory_space<hbm>>) dst(%arg11 : memref<128xi32, #tpu.memory_space<vmem>>)
        %dma_wait3A_360 = tpu.memref_slice %arg5[%add3A_355] : memref<640000xi32, #tpu.memory_space<hbm>> -> memref<128xi32, #tpu.memory_space<hbm>>
        %dma_wait3A_361 = tpu.memref_slice %arg5[%add3A_355] : memref<640000xi32, #tpu.memory_space<hbm>> -> memref<128xi32, #tpu.memory_space<hbm>>
        tpu.wait_dma2 semaphore(%arg23 : memref<!tpu.dma_semaphore, #tpu.memory_space<semaphore_mem>>) src(%dma_wait3A_361 : memref<128xi32, #tpu.memory_space<hbm>>) dst(%arg14 : memref<128xi32, #tpu.memory_space<vmem>>)
        %dma_start3A_362 = arith.constant 0 : i32
        %dma_start3A_363 = arith.constant 0 : i32
        %dma_start3A_364 = tpu.memref_slice %arg4[%dma_start3A_362, %dma_start3A_363] : memref<10000x128xf32, #tpu.memory_space<hbm>> -> memref<10000x128xf32, #tpu.memory_space<hbm>>
        tpu.enqueue_indirect_dma source(%dma_start3A_364 : memref<10000x128xf32, #tpu.memory_space<hbm>>) target(%arg16 : memref<128x128xf32, #tpu.memory_space<vmem>>) offsets(%arg11 : memref<128xi32, #tpu.memory_space<vmem>>) semaphore(%arg25 : memref<!tpu.dma_semaphore, #tpu.memory_space<semaphore_mem>>)
        %dma_wait3A_365 = arith.constant 0 : i32
        %dma_wait3A_366 = arith.constant 0 : i32
        %dma_wait3A_367 = tpu.memref_slice %arg4[%dma_wait3A_365, %dma_wait3A_366] : memref<10000x128xf32, #tpu.memory_space<hbm>> -> memref<10000x128xf32, #tpu.memory_space<hbm>>
        tpu.wait_indirect_dma semaphore(%arg24 : memref<!tpu.dma_semaphore, #tpu.memory_space<semaphore_mem>>) src(%dma_wait3A_367 : memref<10000x128xf32, #tpu.memory_space<hbm>>) dst(%arg15 : memref<128x128xf32, #tpu.memory_space<vmem>>)
        "tpu.region"() ({
          %run_scoped3A = tpu.sem_alloc : memref<!tpu.dma_semaphore, #tpu.memory_space<semaphore_mem>>
          %dma_start3A_400 = arith.constant 0 : i32
          %dma_start3A_401 = arith.constant 0 : i32
          %dma_start3A_402 = tpu.memref_slice %arg17[%dma_start3A_400, %dma_start3A_401] : memref<10112x128xf32, #tpu.memory_space<vmem_shared>> -> memref<10112x128xf32, #tpu.memory_space<vmem_shared>>
          tpu.enqueue_indirect_dma source(%arg15 : memref<128x128xf32, #tpu.memory_space<vmem>>) target(%dma_start3A_402 : memref<10112x128xf32, #tpu.memory_space<vmem_shared>>) offsets(%arg13 : memref<128xi32, #tpu.memory_space<vmem>>) semaphore(%run_scoped3A : memref<!tpu.dma_semaphore, #tpu.memory_space<semaphore_mem>>) {add = true}
          %dma_wait3A_403 = arith.constant 0 : i32
          %dma_wait3A_404 = arith.constant 0 : i32
          %dma_wait3A_405 = tpu.memref_slice %arg17[%dma_wait3A_403, %dma_wait3A_404] : memref<10112x128xf32, #tpu.memory_space<vmem_shared>> -> memref<10112x128xf32, #tpu.memory_space<vmem_shared>>
          tpu.wait_indirect_dma semaphore(%run_scoped3A : memref<!tpu.dma_semaphore, #tpu.memory_space<semaphore_mem>>) src(%arg15 : memref<128x128xf32, #tpu.memory_space<vmem>>) dst(%dma_wait3A_405 : memref<10112x128xf32, #tpu.memory_space<vmem_shared>>)
          tpu.yield
        }) : () -> ()
        %mul3A_368 = arith.constant 6 : i32
        %mul3A_369 = arith.muli %mul3A_368, %scan3A_207 : i32
        %add3A_370 = arith.constant 5 : i32
        %add3A_371 = arith.addi %mul3A_369, %add3A_370 : i32
        %add3A_372 = arith.constant 2 : i32
        %add3A_373 = arith.addi %add3A_371, %add3A_372 : i32
        %mul3A_374 = arith.constant 128 : i32
        %mul3A_375 = arith.muli %add3A_373, %mul3A_374 : i32
        %add3A_376 = arith.addi %mul3A_7, %mul3A_375 : i32
        %add3A_377 = arith.constant 320000 : i32
        %add3A_378 = arith.addi %add3A_377, %add3A_376 : i32
        %dma_start3A_379 = tpu.memref_slice %arg5[%add3A_378] : memref<640000xi32, #tpu.memory_space<hbm>> -> memref<128xi32, #tpu.memory_space<hbm>>
        %dma_start3A_380 = tpu.memref_slice %arg5[%add3A_378] : memref<640000xi32, #tpu.memory_space<hbm>> -> memref<128xi32, #tpu.memory_space<hbm>>
        tpu.enqueue_dma source(%dma_start3A_380 : memref<128xi32, #tpu.memory_space<hbm>>) target(%arg10 : memref<128xi32, #tpu.memory_space<vmem>>) target_semaphore(%arg19 : memref<!tpu.dma_semaphore, #tpu.memory_space<semaphore_mem>>)
        %dma_start3A_381 = tpu.memref_slice %arg5[%add3A_376] : memref<640000xi32, #tpu.memory_space<hbm>> -> memref<128xi32, #tpu.memory_space<hbm>>
        %dma_start3A_382 = tpu.memref_slice %arg5[%add3A_376] : memref<640000xi32, #tpu.memory_space<hbm>> -> memref<128xi32, #tpu.memory_space<hbm>>
        tpu.enqueue_dma source(%dma_start3A_382 : memref<128xi32, #tpu.memory_space<hbm>>) target(%arg13 : memref<128xi32, #tpu.memory_space<vmem>>) target_semaphore(%arg22 : memref<!tpu.dma_semaphore, #tpu.memory_space<semaphore_mem>>)
        %add3A_383 = arith.constant 1 : i32
        %add3A_384 = arith.addi %add3A_371, %add3A_383 : i32
        %mul3A_385 = arith.constant 128 : i32
        %mul3A_386 = arith.muli %add3A_384, %mul3A_385 : i32
        %add3A_387 = arith.addi %mul3A_7, %mul3A_386 : i32
        %add3A_388 = arith.constant 320000 : i32
        %add3A_389 = arith.addi %add3A_388, %add3A_387 : i32
        %dma_wait3A_390 = tpu.memref_slice %arg5[%add3A_389] : memref<640000xi32, #tpu.memory_space<hbm>> -> memref<128xi32, #tpu.memory_space<hbm>>
        %dma_wait3A_391 = tpu.memref_slice %arg5[%add3A_389] : memref<640000xi32, #tpu.memory_space<hbm>> -> memref<128xi32, #tpu.memory_space<hbm>>
        tpu.wait_dma2 semaphore(%arg18 : memref<!tpu.dma_semaphore, #tpu.memory_space<semaphore_mem>>) src(%dma_wait3A_391 : memref<128xi32, #tpu.memory_space<hbm>>) dst(%arg9 : memref<128xi32, #tpu.memory_space<vmem>>)
        %dma_wait3A_392 = tpu.memref_slice %arg5[%add3A_387] : memref<640000xi32, #tpu.memory_space<hbm>> -> memref<128xi32, #tpu.memory_space<hbm>>
        %dma_wait3A_393 = tpu.memref_slice %arg5[%add3A_387] : memref<640000xi32, #tpu.memory_space<hbm>> -> memref<128xi32, #tpu.memory_space<hbm>>
        tpu.wait_dma2 semaphore(%arg21 : memref<!tpu.dma_semaphore, #tpu.memory_space<semaphore_mem>>) src(%dma_wait3A_393 : memref<128xi32, #tpu.memory_space<hbm>>) dst(%arg12 : memref<128xi32, #tpu.memory_space<vmem>>)
        %dma_start3A_394 = arith.constant 0 : i32
        %dma_start3A_395 = arith.constant 0 : i32
        %dma_start3A_396 = tpu.memref_slice %arg4[%dma_start3A_394, %dma_start3A_395] : memref<10000x128xf32, #tpu.memory_space<hbm>> -> memref<10000x128xf32, #tpu.memory_space<hbm>>
        tpu.enqueue_indirect_dma source(%dma_start3A_396 : memref<10000x128xf32, #tpu.memory_space<hbm>>) target(%arg15 : memref<128x128xf32, #tpu.memory_space<vmem>>) offsets(%arg9 : memref<128xi32, #tpu.memory_space<vmem>>) semaphore(%arg24 : memref<!tpu.dma_semaphore, #tpu.memory_space<semaphore_mem>>)
        %dma_wait3A_397 = arith.constant 0 : i32
        %dma_wait3A_398 = arith.constant 0 : i32
        %dma_wait3A_399 = tpu.memref_slice %arg4[%dma_wait3A_397, %dma_wait3A_398] : memref<10000x128xf32, #tpu.memory_space<hbm>> -> memref<10000x128xf32, #tpu.memory_space<hbm>>
        tpu.wait_indirect_dma semaphore(%arg25 : memref<!tpu.dma_semaphore, #tpu.memory_space<semaphore_mem>>) src(%dma_wait3A_399 : memref<10000x128xf32, #tpu.memory_space<hbm>>) dst(%arg16 : memref<128x128xf32, #tpu.memory_space<vmem>>)
        "tpu.region"() ({
          %run_scoped3A = tpu.sem_alloc : memref<!tpu.dma_semaphore, #tpu.memory_space<semaphore_mem>>
          %dma_start3A_400 = arith.constant 0 : i32
          %dma_start3A_401 = arith.constant 0 : i32
          %dma_start3A_402 = tpu.memref_slice %arg17[%dma_start3A_400, %dma_start3A_401] : memref<10112x128xf32, #tpu.memory_space<vmem_shared>> -> memref<10112x128xf32, #tpu.memory_space<vmem_shared>>
          tpu.enqueue_indirect_dma source(%arg16 : memref<128x128xf32, #tpu.memory_space<vmem>>) target(%dma_start3A_402 : memref<10112x128xf32, #tpu.memory_space<vmem_shared>>) offsets(%arg14 : memref<128xi32, #tpu.memory_space<vmem>>) semaphore(%run_scoped3A : memref<!tpu.dma_semaphore, #tpu.memory_space<semaphore_mem>>) {add = true}
          %dma_wait3A_403 = arith.constant 0 : i32
          %dma_wait3A_404 = arith.constant 0 : i32
          %dma_wait3A_405 = tpu.memref_slice %arg17[%dma_wait3A_403, %dma_wait3A_404] : memref<10112x128xf32, #tpu.memory_space<vmem_shared>> -> memref<10112x128xf32, #tpu.memory_space<vmem_shared>>
          tpu.wait_indirect_dma semaphore(%run_scoped3A : memref<!tpu.dma_semaphore, #tpu.memory_space<semaphore_mem>>) src(%arg16 : memref<128x128xf32, #tpu.memory_space<vmem>>) dst(%dma_wait3A_405 : memref<10112x128xf32, #tpu.memory_space<vmem_shared>>)
          tpu.yield
        }) : () -> ()
      }
      %scan3A_44 = arith.constant 25 : i32
      %add3A_45 = arith.constant 19456 : i32
      %add3A_46 = arith.addi %mul3A_7, %add3A_45 : i32
      %add3A_47 = arith.constant 320000 : i32
      %add3A_48 = arith.addi %add3A_47, %add3A_46 : i32
      %dma_start3A_49 = tpu.memref_slice %arg5[%add3A_48] : memref<640000xi32, #tpu.memory_space<hbm>> -> memref<128xi32, #tpu.memory_space<hbm>>
      %dma_start3A_50 = tpu.memref_slice %arg5[%add3A_48] : memref<640000xi32, #tpu.memory_space<hbm>> -> memref<128xi32, #tpu.memory_space<hbm>>
      tpu.enqueue_dma source(%dma_start3A_50 : memref<128xi32, #tpu.memory_space<hbm>>) target(%arg11 : memref<128xi32, #tpu.memory_space<vmem>>) target_semaphore(%arg20 : memref<!tpu.dma_semaphore, #tpu.memory_space<semaphore_mem>>)
      %dma_start3A_51 = tpu.memref_slice %arg5[%add3A_46] : memref<640000xi32, #tpu.memory_space<hbm>> -> memref<128xi32, #tpu.memory_space<hbm>>
      %dma_start3A_52 = tpu.memref_slice %arg5[%add3A_46] : memref<640000xi32, #tpu.memory_space<hbm>> -> memref<128xi32, #tpu.memory_space<hbm>>
      tpu.enqueue_dma source(%dma_start3A_52 : memref<128xi32, #tpu.memory_space<hbm>>) target(%arg14 : memref<128xi32, #tpu.memory_space<vmem>>) target_semaphore(%arg23 : memref<!tpu.dma_semaphore, #tpu.memory_space<semaphore_mem>>)
      %add3A_53 = arith.constant 19328 : i32
      %add3A_54 = arith.addi %mul3A_7, %add3A_53 : i32
      %add3A_55 = arith.constant 320000 : i32
      %add3A_56 = arith.addi %add3A_55, %add3A_54 : i32
      %dma_wait3A_57 = tpu.memref_slice %arg5[%add3A_56] : memref<640000xi32, #tpu.memory_space<hbm>> -> memref<128xi32, #tpu.memory_space<hbm>>
      %dma_wait3A_58 = tpu.memref_slice %arg5[%add3A_56] : memref<640000xi32, #tpu.memory_space<hbm>> -> memref<128xi32, #tpu.memory_space<hbm>>
      tpu.wait_dma2 semaphore(%arg19 : memref<!tpu.dma_semaphore, #tpu.memory_space<semaphore_mem>>) src(%dma_wait3A_58 : memref<128xi32, #tpu.memory_space<hbm>>) dst(%arg10 : memref<128xi32, #tpu.memory_space<vmem>>)
      %dma_wait3A_59 = tpu.memref_slice %arg5[%add3A_54] : memref<640000xi32, #tpu.memory_space<hbm>> -> memref<128xi32, #tpu.memory_space<hbm>>
      %dma_wait3A_60 = tpu.memref_slice %arg5[%add3A_54] : memref<640000xi32, #tpu.memory_space<hbm>> -> memref<128xi32, #tpu.memory_space<hbm>>
      tpu.wait_dma2 semaphore(%arg22 : memref<!tpu.dma_semaphore, #tpu.memory_space<semaphore_mem>>) src(%dma_wait3A_60 : memref<128xi32, #tpu.memory_space<hbm>>) dst(%arg13 : memref<128xi32, #tpu.memory_space<vmem>>)
      %dma_start3A_61 = arith.constant 0 : i32
      %dma_start3A_62 = arith.constant 0 : i32
      %dma_start3A_63 = tpu.memref_slice %arg4[%dma_start3A_61, %dma_start3A_62] : memref<10000x128xf32, #tpu.memory_space<hbm>> -> memref<10000x128xf32, #tpu.memory_space<hbm>>
      tpu.enqueue_indirect_dma source(%dma_start3A_63 : memref<10000x128xf32, #tpu.memory_space<hbm>>) target(%arg16 : memref<128x128xf32, #tpu.memory_space<vmem>>) offsets(%arg10 : memref<128xi32, #tpu.memory_space<vmem>>) semaphore(%arg25 : memref<!tpu.dma_semaphore, #tpu.memory_space<semaphore_mem>>)
      %dma_wait3A_64 = arith.constant 0 : i32
      %dma_wait3A_65 = arith.constant 0 : i32
      %dma_wait3A_66 = tpu.memref_slice %arg4[%dma_wait3A_64, %dma_wait3A_65] : memref<10000x128xf32, #tpu.memory_space<hbm>> -> memref<10000x128xf32, #tpu.memory_space<hbm>>
      tpu.wait_indirect_dma semaphore(%arg24 : memref<!tpu.dma_semaphore, #tpu.memory_space<semaphore_mem>>) src(%dma_wait3A_66 : memref<10000x128xf32, #tpu.memory_space<hbm>>) dst(%arg15 : memref<128x128xf32, #tpu.memory_space<vmem>>)
      "tpu.region"() ({
        %run_scoped3A = tpu.sem_alloc : memref<!tpu.dma_semaphore, #tpu.memory_space<semaphore_mem>>
        %dma_start3A_207 = arith.constant 0 : i32
        %dma_start3A_208 = arith.constant 0 : i32
        %dma_start3A_209 = tpu.memref_slice %arg17[%dma_start3A_207, %dma_start3A_208] : memref<10112x128xf32, #tpu.memory_space<vmem_shared>> -> memref<10112x128xf32, #tpu.memory_space<vmem_shared>>
        tpu.enqueue_indirect_dma source(%arg15 : memref<128x128xf32, #tpu.memory_space<vmem>>) target(%dma_start3A_209 : memref<10112x128xf32, #tpu.memory_space<vmem_shared>>) offsets(%arg12 : memref<128xi32, #tpu.memory_space<vmem>>) semaphore(%run_scoped3A : memref<!tpu.dma_semaphore, #tpu.memory_space<semaphore_mem>>) {add = true}
        %dma_wait3A_210 = arith.constant 0 : i32
        %dma_wait3A_211 = arith.constant 0 : i32
        %dma_wait3A_212 = tpu.memref_slice %arg17[%dma_wait3A_210, %dma_wait3A_211] : memref<10112x128xf32, #tpu.memory_space<vmem_shared>> -> memref<10112x128xf32, #tpu.memory_space<vmem_shared>>
        tpu.wait_indirect_dma semaphore(%run_scoped3A : memref<!tpu.dma_semaphore, #tpu.memory_space<semaphore_mem>>) src(%arg15 : memref<128x128xf32, #tpu.memory_space<vmem>>) dst(%dma_wait3A_212 : memref<10112x128xf32, #tpu.memory_space<vmem_shared>>)
        tpu.yield
      }) : () -> ()
      %add3A_67 = arith.constant 19584 : i32
      %add3A_68 = arith.addi %mul3A_7, %add3A_67 : i32
      %add3A_69 = arith.constant 320000 : i32
      %add3A_70 = arith.addi %add3A_69, %add3A_68 : i32
      %dma_start3A_71 = tpu.memref_slice %arg5[%add3A_70] : memref<640000xi32, #tpu.memory_space<hbm>> -> memref<128xi32, #tpu.memory_space<hbm>>
      %dma_start3A_72 = tpu.memref_slice %arg5[%add3A_70] : memref<640000xi32, #tpu.memory_space<hbm>> -> memref<128xi32, #tpu.memory_space<hbm>>
      tpu.enqueue_dma source(%dma_start3A_72 : memref<128xi32, #tpu.memory_space<hbm>>) target(%arg9 : memref<128xi32, #tpu.memory_space<vmem>>) target_semaphore(%arg18 : memref<!tpu.dma_semaphore, #tpu.memory_space<semaphore_mem>>)
      %dma_start3A_73 = tpu.memref_slice %arg5[%add3A_68] : memref<640000xi32, #tpu.memory_space<hbm>> -> memref<128xi32, #tpu.memory_space<hbm>>
      %dma_start3A_74 = tpu.memref_slice %arg5[%add3A_68] : memref<640000xi32, #tpu.memory_space<hbm>> -> memref<128xi32, #tpu.memory_space<hbm>>
      tpu.enqueue_dma source(%dma_start3A_74 : memref<128xi32, #tpu.memory_space<hbm>>) target(%arg12 : memref<128xi32, #tpu.memory_space<vmem>>) target_semaphore(%arg21 : memref<!tpu.dma_semaphore, #tpu.memory_space<semaphore_mem>>)
      %add3A_75 = arith.constant 19456 : i32
      %add3A_76 = arith.addi %mul3A_7, %add3A_75 : i32
      %add3A_77 = arith.constant 320000 : i32
      %add3A_78 = arith.addi %add3A_77, %add3A_76 : i32
      %dma_wait3A_79 = tpu.memref_slice %arg5[%add3A_78] : memref<640000xi32, #tpu.memory_space<hbm>> -> memref<128xi32, #tpu.memory_space<hbm>>
      %dma_wait3A_80 = tpu.memref_slice %arg5[%add3A_78] : memref<640000xi32, #tpu.memory_space<hbm>> -> memref<128xi32, #tpu.memory_space<hbm>>
      tpu.wait_dma2 semaphore(%arg20 : memref<!tpu.dma_semaphore, #tpu.memory_space<semaphore_mem>>) src(%dma_wait3A_80 : memref<128xi32, #tpu.memory_space<hbm>>) dst(%arg11 : memref<128xi32, #tpu.memory_space<vmem>>)
      %dma_wait3A_81 = tpu.memref_slice %arg5[%add3A_76] : memref<640000xi32, #tpu.memory_space<hbm>> -> memref<128xi32, #tpu.memory_space<hbm>>
      %dma_wait3A_82 = tpu.memref_slice %arg5[%add3A_76] : memref<640000xi32, #tpu.memory_space<hbm>> -> memref<128xi32, #tpu.memory_space<hbm>>
      tpu.wait_dma2 semaphore(%arg23 : memref<!tpu.dma_semaphore, #tpu.memory_space<semaphore_mem>>) src(%dma_wait3A_82 : memref<128xi32, #tpu.memory_space<hbm>>) dst(%arg14 : memref<128xi32, #tpu.memory_space<vmem>>)
      %dma_start3A_83 = arith.constant 0 : i32
      %dma_start3A_84 = arith.constant 0 : i32
      %dma_start3A_85 = tpu.memref_slice %arg4[%dma_start3A_83, %dma_start3A_84] : memref<10000x128xf32, #tpu.memory_space<hbm>> -> memref<10000x128xf32, #tpu.memory_space<hbm>>
      tpu.enqueue_indirect_dma source(%dma_start3A_85 : memref<10000x128xf32, #tpu.memory_space<hbm>>) target(%arg15 : memref<128x128xf32, #tpu.memory_space<vmem>>) offsets(%arg11 : memref<128xi32, #tpu.memory_space<vmem>>) semaphore(%arg24 : memref<!tpu.dma_semaphore, #tpu.memory_space<semaphore_mem>>)
      %dma_wait3A_86 = arith.constant 0 : i32
      %dma_wait3A_87 = arith.constant 0 : i32
      %dma_wait3A_88 = tpu.memref_slice %arg4[%dma_wait3A_86, %dma_wait3A_87] : memref<10000x128xf32, #tpu.memory_space<hbm>> -> memref<10000x128xf32, #tpu.memory_space<hbm>>
      tpu.wait_indirect_dma semaphore(%arg25 : memref<!tpu.dma_semaphore, #tpu.memory_space<semaphore_mem>>) src(%dma_wait3A_88 : memref<10000x128xf32, #tpu.memory_space<hbm>>) dst(%arg16 : memref<128x128xf32, #tpu.memory_space<vmem>>)
      "tpu.region"() ({
        %run_scoped3A = tpu.sem_alloc : memref<!tpu.dma_semaphore, #tpu.memory_space<semaphore_mem>>
        %dma_start3A_207 = arith.constant 0 : i32
        %dma_start3A_208 = arith.constant 0 : i32
        %dma_start3A_209 = tpu.memref_slice %arg17[%dma_start3A_207, %dma_start3A_208] : memref<10112x128xf32, #tpu.memory_space<vmem_shared>> -> memref<10112x128xf32, #tpu.memory_space<vmem_shared>>
        tpu.enqueue_indirect_dma source(%arg16 : memref<128x128xf32, #tpu.memory_space<vmem>>) target(%dma_start3A_209 : memref<10112x128xf32, #tpu.memory_space<vmem_shared>>) offsets(%arg13 : memref<128xi32, #tpu.memory_space<vmem>>) semaphore(%run_scoped3A : memref<!tpu.dma_semaphore, #tpu.memory_space<semaphore_mem>>) {add = true}
        %dma_wait3A_210 = arith.constant 0 : i32
        %dma_wait3A_211 = arith.constant 0 : i32
        %dma_wait3A_212 = tpu.memref_slice %arg17[%dma_wait3A_210, %dma_wait3A_211] : memref<10112x128xf32, #tpu.memory_space<vmem_shared>> -> memref<10112x128xf32, #tpu.memory_space<vmem_shared>>
        tpu.wait_indirect_dma semaphore(%run_scoped3A : memref<!tpu.dma_semaphore, #tpu.memory_space<semaphore_mem>>) src(%arg16 : memref<128x128xf32, #tpu.memory_space<vmem>>) dst(%dma_wait3A_212 : memref<10112x128xf32, #tpu.memory_space<vmem_shared>>)
        tpu.yield
      }) : () -> ()
      %add3A_89 = arith.constant 19712 : i32
      %add3A_90 = arith.addi %mul3A_7, %add3A_89 : i32
      %add3A_91 = arith.constant 320000 : i32
      %add3A_92 = arith.addi %add3A_91, %add3A_90 : i32
      %dma_start3A_93 = tpu.memref_slice %arg5[%add3A_92] : memref<640000xi32, #tpu.memory_space<hbm>> -> memref<128xi32, #tpu.memory_space<hbm>>
      %dma_start3A_94 = tpu.memref_slice %arg5[%add3A_92] : memref<640000xi32, #tpu.memory_space<hbm>> -> memref<128xi32, #tpu.memory_space<hbm>>
      tpu.enqueue_dma source(%dma_start3A_94 : memref<128xi32, #tpu.memory_space<hbm>>) target(%arg10 : memref<128xi32, #tpu.memory_space<vmem>>) target_semaphore(%arg19 : memref<!tpu.dma_semaphore, #tpu.memory_space<semaphore_mem>>)
      %dma_start3A_95 = tpu.memref_slice %arg5[%add3A_90] : memref<640000xi32, #tpu.memory_space<hbm>> -> memref<128xi32, #tpu.memory_space<hbm>>
      %dma_start3A_96 = tpu.memref_slice %arg5[%add3A_90] : memref<640000xi32, #tpu.memory_space<hbm>> -> memref<128xi32, #tpu.memory_space<hbm>>
      tpu.enqueue_dma source(%dma_start3A_96 : memref<128xi32, #tpu.memory_space<hbm>>) target(%arg13 : memref<128xi32, #tpu.memory_space<vmem>>) target_semaphore(%arg22 : memref<!tpu.dma_semaphore, #tpu.memory_space<semaphore_mem>>)
      %add3A_97 = arith.constant 19584 : i32
      %add3A_98 = arith.addi %mul3A_7, %add3A_97 : i32
      %add3A_99 = arith.constant 320000 : i32
      %add3A_100 = arith.addi %add3A_99, %add3A_98 : i32
      %dma_wait3A_101 = tpu.memref_slice %arg5[%add3A_100] : memref<640000xi32, #tpu.memory_space<hbm>> -> memref<128xi32, #tpu.memory_space<hbm>>
      %dma_wait3A_102 = tpu.memref_slice %arg5[%add3A_100] : memref<640000xi32, #tpu.memory_space<hbm>> -> memref<128xi32, #tpu.memory_space<hbm>>
      tpu.wait_dma2 semaphore(%arg18 : memref<!tpu.dma_semaphore, #tpu.memory_space<semaphore_mem>>) src(%dma_wait3A_102 : memref<128xi32, #tpu.memory_space<hbm>>) dst(%arg9 : memref<128xi32, #tpu.memory_space<vmem>>)
      %dma_wait3A_103 = tpu.memref_slice %arg5[%add3A_98] : memref<640000xi32, #tpu.memory_space<hbm>> -> memref<128xi32, #tpu.memory_space<hbm>>
      %dma_wait3A_104 = tpu.memref_slice %arg5[%add3A_98] : memref<640000xi32, #tpu.memory_space<hbm>> -> memref<128xi32, #tpu.memory_space<hbm>>
      tpu.wait_dma2 semaphore(%arg21 : memref<!tpu.dma_semaphore, #tpu.memory_space<semaphore_mem>>) src(%dma_wait3A_104 : memref<128xi32, #tpu.memory_space<hbm>>) dst(%arg12 : memref<128xi32, #tpu.memory_space<vmem>>)
      %dma_start3A_105 = arith.constant 0 : i32
      %dma_start3A_106 = arith.constant 0 : i32
      %dma_start3A_107 = tpu.memref_slice %arg4[%dma_start3A_105, %dma_start3A_106] : memref<10000x128xf32, #tpu.memory_space<hbm>> -> memref<10000x128xf32, #tpu.memory_space<hbm>>
      tpu.enqueue_indirect_dma source(%dma_start3A_107 : memref<10000x128xf32, #tpu.memory_space<hbm>>) target(%arg16 : memref<128x128xf32, #tpu.memory_space<vmem>>) offsets(%arg9 : memref<128xi32, #tpu.memory_space<vmem>>) semaphore(%arg25 : memref<!tpu.dma_semaphore, #tpu.memory_space<semaphore_mem>>)
      %dma_wait3A_108 = arith.constant 0 : i32
      %dma_wait3A_109 = arith.constant 0 : i32
      %dma_wait3A_110 = tpu.memref_slice %arg4[%dma_wait3A_108, %dma_wait3A_109] : memref<10000x128xf32, #tpu.memory_space<hbm>> -> memref<10000x128xf32, #tpu.memory_space<hbm>>
      tpu.wait_indirect_dma semaphore(%arg24 : memref<!tpu.dma_semaphore, #tpu.memory_space<semaphore_mem>>) src(%dma_wait3A_110 : memref<10000x128xf32, #tpu.memory_space<hbm>>) dst(%arg15 : memref<128x128xf32, #tpu.memory_space<vmem>>)
      "tpu.region"() ({
        %run_scoped3A = tpu.sem_alloc : memref<!tpu.dma_semaphore, #tpu.memory_space<semaphore_mem>>
        %dma_start3A_207 = arith.constant 0 : i32
        %dma_start3A_208 = arith.constant 0 : i32
        %dma_start3A_209 = tpu.memref_slice %arg17[%dma_start3A_207, %dma_start3A_208] : memref<10112x128xf32, #tpu.memory_space<vmem_shared>> -> memref<10112x128xf32, #tpu.memory_space<vmem_shared>>
        tpu.enqueue_indirect_dma source(%arg15 : memref<128x128xf32, #tpu.memory_space<vmem>>) target(%dma_start3A_209 : memref<10112x128xf32, #tpu.memory_space<vmem_shared>>) offsets(%arg14 : memref<128xi32, #tpu.memory_space<vmem>>) semaphore(%run_scoped3A : memref<!tpu.dma_semaphore, #tpu.memory_space<semaphore_mem>>) {add = true}
        %dma_wait3A_210 = arith.constant 0 : i32
        %dma_wait3A_211 = arith.constant 0 : i32
        %dma_wait3A_212 = tpu.memref_slice %arg17[%dma_wait3A_210, %dma_wait3A_211] : memref<10112x128xf32, #tpu.memory_space<vmem_shared>> -> memref<10112x128xf32, #tpu.memory_space<vmem_shared>>
        tpu.wait_indirect_dma semaphore(%run_scoped3A : memref<!tpu.dma_semaphore, #tpu.memory_space<semaphore_mem>>) src(%arg15 : memref<128x128xf32, #tpu.memory_space<vmem>>) dst(%dma_wait3A_212 : memref<10112x128xf32, #tpu.memory_space<vmem_shared>>)
        tpu.yield
      }) : () -> ()
      %add3A_111 = arith.constant 19840 : i32
      %add3A_112 = arith.addi %mul3A_7, %add3A_111 : i32
      %add3A_113 = arith.constant 320000 : i32
      %add3A_114 = arith.addi %add3A_113, %add3A_112 : i32
      %dma_start3A_115 = tpu.memref_slice %arg5[%add3A_114] : memref<640000xi32, #tpu.memory_space<hbm>> -> memref<128xi32, #tpu.memory_space<hbm>>
      %dma_start3A_116 = tpu.memref_slice %arg5[%add3A_114] : memref<640000xi32, #tpu.memory_space<hbm>> -> memref<128xi32, #tpu.memory_space<hbm>>
      tpu.enqueue_dma source(%dma_start3A_116 : memref<128xi32, #tpu.memory_space<hbm>>) target(%arg11 : memref<128xi32, #tpu.memory_space<vmem>>) target_semaphore(%arg20 : memref<!tpu.dma_semaphore, #tpu.memory_space<semaphore_mem>>)
      %dma_start3A_117 = tpu.memref_slice %arg5[%add3A_112] : memref<640000xi32, #tpu.memory_space<hbm>> -> memref<128xi32, #tpu.memory_space<hbm>>
      %dma_start3A_118 = tpu.memref_slice %arg5[%add3A_112] : memref<640000xi32, #tpu.memory_space<hbm>> -> memref<128xi32, #tpu.memory_space<hbm>>
      tpu.enqueue_dma source(%dma_start3A_118 : memref<128xi32, #tpu.memory_space<hbm>>) target(%arg14 : memref<128xi32, #tpu.memory_space<vmem>>) target_semaphore(%arg23 : memref<!tpu.dma_semaphore, #tpu.memory_space<semaphore_mem>>)
      %add3A_119 = arith.constant 19712 : i32
      %add3A_120 = arith.addi %mul3A_7, %add3A_119 : i32
      %add3A_121 = arith.constant 320000 : i32
      %add3A_122 = arith.addi %add3A_121, %add3A_120 : i32
      %dma_wait3A_123 = tpu.memref_slice %arg5[%add3A_122] : memref<640000xi32, #tpu.memory_space<hbm>> -> memref<128xi32, #tpu.memory_space<hbm>>
      %dma_wait3A_124 = tpu.memref_slice %arg5[%add3A_122] : memref<640000xi32, #tpu.memory_space<hbm>> -> memref<128xi32, #tpu.memory_space<hbm>>
      tpu.wait_dma2 semaphore(%arg19 : memref<!tpu.dma_semaphore, #tpu.memory_space<semaphore_mem>>) src(%dma_wait3A_124 : memref<128xi32, #tpu.memory_space<hbm>>) dst(%arg10 : memref<128xi32, #tpu.memory_space<vmem>>)
      %dma_wait3A_125 = tpu.memref_slice %arg5[%add3A_120] : memref<640000xi32, #tpu.memory_space<hbm>> -> memref<128xi32, #tpu.memory_space<hbm>>
      %dma_wait3A_126 = tpu.memref_slice %arg5[%add3A_120] : memref<640000xi32, #tpu.memory_space<hbm>> -> memref<128xi32, #tpu.memory_space<hbm>>
      tpu.wait_dma2 semaphore(%arg22 : memref<!tpu.dma_semaphore, #tpu.memory_space<semaphore_mem>>) src(%dma_wait3A_126 : memref<128xi32, #tpu.memory_space<hbm>>) dst(%arg13 : memref<128xi32, #tpu.memory_space<vmem>>)
      %dma_start3A_127 = arith.constant 0 : i32
      %dma_start3A_128 = arith.constant 0 : i32
      %dma_start3A_129 = tpu.memref_slice %arg4[%dma_start3A_127, %dma_start3A_128] : memref<10000x128xf32, #tpu.memory_space<hbm>> -> memref<10000x128xf32, #tpu.memory_space<hbm>>
      tpu.enqueue_indirect_dma source(%dma_start3A_129 : memref<10000x128xf32, #tpu.memory_space<hbm>>) target(%arg15 : memref<128x128xf32, #tpu.memory_space<vmem>>) offsets(%arg10 : memref<128xi32, #tpu.memory_space<vmem>>) semaphore(%arg24 : memref<!tpu.dma_semaphore, #tpu.memory_space<semaphore_mem>>)
      %dma_wait3A_130 = arith.constant 0 : i32
      %dma_wait3A_131 = arith.constant 0 : i32
      %dma_wait3A_132 = tpu.memref_slice %arg4[%dma_wait3A_130, %dma_wait3A_131] : memref<10000x128xf32, #tpu.memory_space<hbm>> -> memref<10000x128xf32, #tpu.memory_space<hbm>>
      tpu.wait_indirect_dma semaphore(%arg25 : memref<!tpu.dma_semaphore, #tpu.memory_space<semaphore_mem>>) src(%dma_wait3A_132 : memref<10000x128xf32, #tpu.memory_space<hbm>>) dst(%arg16 : memref<128x128xf32, #tpu.memory_space<vmem>>)
      "tpu.region"() ({
        %run_scoped3A = tpu.sem_alloc : memref<!tpu.dma_semaphore, #tpu.memory_space<semaphore_mem>>
        %dma_start3A_207 = arith.constant 0 : i32
        %dma_start3A_208 = arith.constant 0 : i32
        %dma_start3A_209 = tpu.memref_slice %arg17[%dma_start3A_207, %dma_start3A_208] : memref<10112x128xf32, #tpu.memory_space<vmem_shared>> -> memref<10112x128xf32, #tpu.memory_space<vmem_shared>>
        tpu.enqueue_indirect_dma source(%arg16 : memref<128x128xf32, #tpu.memory_space<vmem>>) target(%dma_start3A_209 : memref<10112x128xf32, #tpu.memory_space<vmem_shared>>) offsets(%arg12 : memref<128xi32, #tpu.memory_space<vmem>>) semaphore(%run_scoped3A : memref<!tpu.dma_semaphore, #tpu.memory_space<semaphore_mem>>) {add = true}
        %dma_wait3A_210 = arith.constant 0 : i32
        %dma_wait3A_211 = arith.constant 0 : i32
        %dma_wait3A_212 = tpu.memref_slice %arg17[%dma_wait3A_210, %dma_wait3A_211] : memref<10112x128xf32, #tpu.memory_space<vmem_shared>> -> memref<10112x128xf32, #tpu.memory_space<vmem_shared>>
        tpu.wait_indirect_dma semaphore(%run_scoped3A : memref<!tpu.dma_semaphore, #tpu.memory_space<semaphore_mem>>) src(%arg16 : memref<128x128xf32, #tpu.memory_space<vmem>>) dst(%dma_wait3A_212 : memref<10112x128xf32, #tpu.memory_space<vmem_shared>>)
        tpu.yield
      }) : () -> ()
      %add3A_133 = arith.constant 19840 : i32
      %add3A_134 = arith.addi %mul3A_7, %add3A_133 : i32
      %add3A_135 = arith.constant 320000 : i32
      %add3A_136 = arith.addi %add3A_135, %add3A_134 : i32
      %dma_wait3A_137 = tpu.memref_slice %arg5[%add3A_136] : memref<640000xi32, #tpu.memory_space<hbm>> -> memref<128xi32, #tpu.memory_space<hbm>>
      %dma_wait3A_138 = tpu.memref_slice %arg5[%add3A_136] : memref<640000xi32, #tpu.memory_space<hbm>> -> memref<128xi32, #tpu.memory_space<hbm>>
      tpu.wait_dma2 semaphore(%arg20 : memref<!tpu.dma_semaphore, #tpu.memory_space<semaphore_mem>>) src(%dma_wait3A_138 : memref<128xi32, #tpu.memory_space<hbm>>) dst(%arg11 : memref<128xi32, #tpu.memory_space<vmem>>)
      %dma_wait3A_139 = tpu.memref_slice %arg5[%add3A_134] : memref<640000xi32, #tpu.memory_space<hbm>> -> memref<128xi32, #tpu.memory_space<hbm>>
      %dma_wait3A_140 = tpu.memref_slice %arg5[%add3A_134] : memref<640000xi32, #tpu.memory_space<hbm>> -> memref<128xi32, #tpu.memory_space<hbm>>
      tpu.wait_dma2 semaphore(%arg23 : memref<!tpu.dma_semaphore, #tpu.memory_space<semaphore_mem>>) src(%dma_wait3A_140 : memref<128xi32, #tpu.memory_space<hbm>>) dst(%arg14 : memref<128xi32, #tpu.memory_space<vmem>>)
      %dma_start3A_141 = arith.constant 0 : i32
      %dma_start3A_142 = arith.constant 0 : i32
      %dma_start3A_143 = tpu.memref_slice %arg4[%dma_start3A_141, %dma_start3A_142] : memref<10000x128xf32, #tpu.memory_space<hbm>> -> memref<10000x128xf32, #tpu.memory_space<hbm>>
      tpu.enqueue_indirect_dma source(%dma_start3A_143 : memref<10000x128xf32, #tpu.memory_space<hbm>>) target(%arg16 : memref<128x128xf32, #tpu.memory_space<vmem>>) offsets(%arg11 : memref<128xi32, #tpu.memory_space<vmem>>) semaphore(%arg25 : memref<!tpu.dma_semaphore, #tpu.memory_space<semaphore_mem>>)
      %dma_wait3A_144 = arith.constant 0 : i32
      %dma_wait3A_145 = arith.constant 0 : i32
      %dma_wait3A_146 = tpu.memref_slice %arg4[%dma_wait3A_144, %dma_wait3A_145] : memref<10000x128xf32, #tpu.memory_space<hbm>> -> memref<10000x128xf32, #tpu.memory_space<hbm>>
      tpu.wait_indirect_dma semaphore(%arg24 : memref<!tpu.dma_semaphore, #tpu.memory_space<semaphore_mem>>) src(%dma_wait3A_146 : memref<10000x128xf32, #tpu.memory_space<hbm>>) dst(%arg15 : memref<128x128xf32, #tpu.memory_space<vmem>>)
      "tpu.region"() ({
        %run_scoped3A = tpu.sem_alloc : memref<!tpu.dma_semaphore, #tpu.memory_space<semaphore_mem>>
        %dma_start3A_207 = arith.constant 0 : i32
        %dma_start3A_208 = arith.constant 0 : i32
        %dma_start3A_209 = tpu.memref_slice %arg17[%dma_start3A_207, %dma_start3A_208] : memref<10112x128xf32, #tpu.memory_space<vmem_shared>> -> memref<10112x128xf32, #tpu.memory_space<vmem_shared>>
        tpu.enqueue_indirect_dma source(%arg15 : memref<128x128xf32, #tpu.memory_space<vmem>>) target(%dma_start3A_209 : memref<10112x128xf32, #tpu.memory_space<vmem_shared>>) offsets(%arg13 : memref<128xi32, #tpu.memory_space<vmem>>) semaphore(%run_scoped3A : memref<!tpu.dma_semaphore, #tpu.memory_space<semaphore_mem>>) {add = true}
        %dma_wait3A_210 = arith.constant 0 : i32
        %dma_wait3A_211 = arith.constant 0 : i32
        %dma_wait3A_212 = tpu.memref_slice %arg17[%dma_wait3A_210, %dma_wait3A_211] : memref<10112x128xf32, #tpu.memory_space<vmem_shared>> -> memref<10112x128xf32, #tpu.memory_space<vmem_shared>>
        tpu.wait_indirect_dma semaphore(%run_scoped3A : memref<!tpu.dma_semaphore, #tpu.memory_space<semaphore_mem>>) src(%arg15 : memref<128x128xf32, #tpu.memory_space<vmem>>) dst(%dma_wait3A_212 : memref<10112x128xf32, #tpu.memory_space<vmem_shared>>)
        tpu.yield
      }) : () -> ()
      %dma_wait3A_147 = arith.constant 0 : i32
      %dma_wait3A_148 = arith.constant 0 : i32
      %dma_wait3A_149 = tpu.memref_slice %arg4[%dma_wait3A_147, %dma_wait3A_148] : memref<10000x128xf32, #tpu.memory_space<hbm>> -> memref<10000x128xf32, #tpu.memory_space<hbm>>
      tpu.wait_indirect_dma semaphore(%arg25 : memref<!tpu.dma_semaphore, #tpu.memory_space<semaphore_mem>>) src(%dma_wait3A_149 : memref<10000x128xf32, #tpu.memory_space<hbm>>) dst(%arg16 : memref<128x128xf32, #tpu.memory_space<vmem>>)
      "tpu.region"() ({
        %run_scoped3A = tpu.sem_alloc : memref<!tpu.dma_semaphore, #tpu.memory_space<semaphore_mem>>
        %dma_start3A_207 = arith.constant 0 : i32
        %dma_start3A_208 = arith.constant 0 : i32
        %dma_start3A_209 = tpu.memref_slice %arg17[%dma_start3A_207, %dma_start3A_208] : memref<10112x128xf32, #tpu.memory_space<vmem_shared>> -> memref<10112x128xf32, #tpu.memory_space<vmem_shared>>
        tpu.enqueue_indirect_dma source(%arg16 : memref<128x128xf32, #tpu.memory_space<vmem>>) target(%dma_start3A_209 : memref<10112x128xf32, #tpu.memory_space<vmem_shared>>) offsets(%arg14 : memref<128xi32, #tpu.memory_space<vmem>>) semaphore(%run_scoped3A : memref<!tpu.dma_semaphore, #tpu.memory_space<semaphore_mem>>) {add = true}
        %dma_wait3A_210 = arith.constant 0 : i32
        %dma_wait3A_211 = arith.constant 0 : i32
        %dma_wait3A_212 = tpu.memref_slice %arg17[%dma_wait3A_210, %dma_wait3A_211] : memref<10112x128xf32, #tpu.memory_space<vmem_shared>> -> memref<10112x128xf32, #tpu.memory_space<vmem_shared>>
        tpu.wait_indirect_dma semaphore(%run_scoped3A : memref<!tpu.dma_semaphore, #tpu.memory_space<semaphore_mem>>) src(%arg16 : memref<128x128xf32, #tpu.memory_space<vmem>>) dst(%dma_wait3A_212 : memref<10112x128xf32, #tpu.memory_space<vmem_shared>>)
        tpu.yield
      }) : () -> ()
      %add3A_150 = arith.constant 19968 : i32
      %add3A_151 = arith.addi %mul3A_7, %add3A_150 : i32
      %add3A_152 = arith.constant 320000 : i32
      %add3A_153 = arith.addi %add3A_152, %add3A_151 : i32
      %dma_start3A_154 = arith.constant 0 : i32
      %dma_start3A_155 = tpu.memref_slice %arg9[%dma_start3A_154] : memref<128xi32, #tpu.memory_space<vmem>> -> memref<32xi32, #tpu.memory_space<vmem>>
      %dma_start3A_156 = tpu.memref_slice %arg5[%add3A_153] : memref<640000xi32, #tpu.memory_space<hbm>> -> memref<32xi32, #tpu.memory_space<hbm>>
      %dma_start3A_157 = arith.constant 0 : i32
      %dma_start3A_158 = tpu.memref_slice %arg9[%dma_start3A_157] : memref<128xi32, #tpu.memory_space<vmem>> -> memref<32xi32, #tpu.memory_space<vmem>>
      %dma_start3A_159 = tpu.memref_slice %arg5[%add3A_153] : memref<640000xi32, #tpu.memory_space<hbm>> -> memref<32xi32, #tpu.memory_space<hbm>>
      tpu.enqueue_dma source(%dma_start3A_159 : memref<32xi32, #tpu.memory_space<hbm>>) target(%dma_start3A_158 : memref<32xi32, #tpu.memory_space<vmem>>) target_semaphore(%arg18 : memref<!tpu.dma_semaphore, #tpu.memory_space<semaphore_mem>>)
      %dma_start3A_160 = arith.constant 0 : i32
      %dma_start3A_161 = tpu.memref_slice %arg12[%dma_start3A_160] : memref<128xi32, #tpu.memory_space<vmem>> -> memref<32xi32, #tpu.memory_space<vmem>>
      %dma_start3A_162 = tpu.memref_slice %arg5[%add3A_151] : memref<640000xi32, #tpu.memory_space<hbm>> -> memref<32xi32, #tpu.memory_space<hbm>>
      %dma_start3A_163 = arith.constant 0 : i32
      %dma_start3A_164 = tpu.memref_slice %arg12[%dma_start3A_163] : memref<128xi32, #tpu.memory_space<vmem>> -> memref<32xi32, #tpu.memory_space<vmem>>
      %dma_start3A_165 = tpu.memref_slice %arg5[%add3A_151] : memref<640000xi32, #tpu.memory_space<hbm>> -> memref<32xi32, #tpu.memory_space<hbm>>
      tpu.enqueue_dma source(%dma_start3A_165 : memref<32xi32, #tpu.memory_space<hbm>>) target(%dma_start3A_164 : memref<32xi32, #tpu.memory_space<vmem>>) target_semaphore(%arg21 : memref<!tpu.dma_semaphore, #tpu.memory_space<semaphore_mem>>)
      %add3A_166 = arith.constant 320000 : i32
      %add3A_167 = arith.addi %add3A_166, %add3A_151 : i32
      %dma_wait3A_168 = arith.constant 0 : i32
      %dma_wait3A_169 = tpu.memref_slice %arg9[%dma_wait3A_168] : memref<128xi32, #tpu.memory_space<vmem>> -> memref<32xi32, #tpu.memory_space<vmem>>
      %dma_wait3A_170 = tpu.memref_slice %arg5[%add3A_167] : memref<640000xi32, #tpu.memory_space<hbm>> -> memref<32xi32, #tpu.memory_space<hbm>>
      %dma_wait3A_171 = arith.constant 0 : i32
      %dma_wait3A_172 = tpu.memref_slice %arg9[%dma_wait3A_171] : memref<128xi32, #tpu.memory_space<vmem>> -> memref<32xi32, #tpu.memory_space<vmem>>
      %dma_wait3A_173 = tpu.memref_slice %arg5[%add3A_167] : memref<640000xi32, #tpu.memory_space<hbm>> -> memref<32xi32, #tpu.memory_space<hbm>>
      tpu.wait_dma2 semaphore(%arg18 : memref<!tpu.dma_semaphore, #tpu.memory_space<semaphore_mem>>) src(%dma_wait3A_173 : memref<32xi32, #tpu.memory_space<hbm>>) dst(%dma_wait3A_172 : memref<32xi32, #tpu.memory_space<vmem>>)
      %dma_wait3A_174 = arith.constant 0 : i32
      %dma_wait3A_175 = tpu.memref_slice %arg12[%dma_wait3A_174] : memref<128xi32, #tpu.memory_space<vmem>> -> memref<32xi32, #tpu.memory_space<vmem>>
      %dma_wait3A_176 = tpu.memref_slice %arg5[%add3A_151] : memref<640000xi32, #tpu.memory_space<hbm>> -> memref<32xi32, #tpu.memory_space<hbm>>
      %dma_wait3A_177 = arith.constant 0 : i32
      %dma_wait3A_178 = tpu.memref_slice %arg12[%dma_wait3A_177] : memref<128xi32, #tpu.memory_space<vmem>> -> memref<32xi32, #tpu.memory_space<vmem>>
      %dma_wait3A_179 = tpu.memref_slice %arg5[%add3A_151] : memref<640000xi32, #tpu.memory_space<hbm>> -> memref<32xi32, #tpu.memory_space<hbm>>
      tpu.wait_dma2 semaphore(%arg21 : memref<!tpu.dma_semaphore, #tpu.memory_space<semaphore_mem>>) src(%dma_wait3A_179 : memref<32xi32, #tpu.memory_space<hbm>>) dst(%dma_wait3A_178 : memref<32xi32, #tpu.memory_space<vmem>>)
      %dma_start3A_180 = arith.constant 0 : i32
      %dma_start3A_181 = arith.constant 0 : i32
      %dma_start3A_182 = tpu.memref_slice %arg15[%dma_start3A_180, %dma_start3A_181] : memref<128x128xf32, #tpu.memory_space<vmem>> -> memref<32x128xf32, #tpu.memory_space<vmem>>
      %dma_start3A_183 = arith.constant 0 : i32
      %dma_start3A_184 = tpu.memref_slice %arg9[%dma_start3A_183] : memref<128xi32, #tpu.memory_space<vmem>> -> memref<32xi32, #tpu.memory_space<vmem>>
      %dma_start3A_185 = arith.constant 0 : i32
      %dma_start3A_186 = arith.constant 0 : i32
      %dma_start3A_187 = tpu.memref_slice %arg4[%dma_start3A_185, %dma_start3A_186] : memref<10000x128xf32, #tpu.memory_space<hbm>> -> memref<10000x128xf32, #tpu.memory_space<hbm>>
      tpu.enqueue_indirect_dma source(%dma_start3A_187 : memref<10000x128xf32, #tpu.memory_space<hbm>>) target(%dma_start3A_182 : memref<32x128xf32, #tpu.memory_space<vmem>>) offsets(%dma_start3A_184 : memref<32xi32, #tpu.memory_space<vmem>>) semaphore(%arg24 : memref<!tpu.dma_semaphore, #tpu.memory_space<semaphore_mem>>)
      %dma_wait3A_188 = arith.constant 0 : i32
      %dma_wait3A_189 = arith.constant 0 : i32
      %dma_wait3A_190 = tpu.memref_slice %arg15[%dma_wait3A_188, %dma_wait3A_189] : memref<128x128xf32, #tpu.memory_space<vmem>> -> memref<32x128xf32, #tpu.memory_space<vmem>>
      %dma_wait3A_191 = arith.constant 0 : i32
      %dma_wait3A_192 = tpu.memref_slice %arg9[%dma_wait3A_191] : memref<128xi32, #tpu.memory_space<vmem>> -> memref<32xi32, #tpu.memory_space<vmem>>
      %dma_wait3A_193 = arith.constant 0 : i32
      %dma_wait3A_194 = arith.constant 0 : i32
      %dma_wait3A_195 = tpu.memref_slice %arg4[%dma_wait3A_193, %dma_wait3A_194] : memref<10000x128xf32, #tpu.memory_space<hbm>> -> memref<10000x128xf32, #tpu.memory_space<hbm>>
      tpu.wait_indirect_dma semaphore(%arg24 : memref<!tpu.dma_semaphore, #tpu.memory_space<semaphore_mem>>) src(%dma_wait3A_195 : memref<10000x128xf32, #tpu.memory_space<hbm>>) dst(%dma_wait3A_190 : memref<32x128xf32, #tpu.memory_space<vmem>>)
      "tpu.region"() ({
        %run_scoped3A = tpu.sem_alloc : memref<!tpu.dma_semaphore, #tpu.memory_space<semaphore_mem>>
        %dma_start3A_207 = arith.constant 0 : i32
        %dma_start3A_208 = arith.constant 0 : i32
        %dma_start3A_209 = tpu.memref_slice %arg15[%dma_start3A_207, %dma_start3A_208] : memref<128x128xf32, #tpu.memory_space<vmem>> -> memref<32x128xf32, #tpu.memory_space<vmem>>
        %dma_start3A_210 = arith.constant 0 : i32
        %dma_start3A_211 = tpu.memref_slice %arg12[%dma_start3A_210] : memref<128xi32, #tpu.memory_space<vmem>> -> memref<32xi32, #tpu.memory_space<vmem>>
        %dma_start3A_212 = arith.constant 0 : i32
        %dma_start3A_213 = arith.constant 0 : i32
        %dma_start3A_214 = tpu.memref_slice %arg17[%dma_start3A_212, %dma_start3A_213] : memref<10112x128xf32, #tpu.memory_space<vmem_shared>> -> memref<10112x128xf32, #tpu.memory_space<vmem_shared>>
        tpu.enqueue_indirect_dma source(%dma_start3A_209 : memref<32x128xf32, #tpu.memory_space<vmem>>) target(%dma_start3A_214 : memref<10112x128xf32, #tpu.memory_space<vmem_shared>>) offsets(%dma_start3A_211 : memref<32xi32, #tpu.memory_space<vmem>>) semaphore(%run_scoped3A : memref<!tpu.dma_semaphore, #tpu.memory_space<semaphore_mem>>) {add = true}
        %dma_wait3A_215 = arith.constant 0 : i32
        %dma_wait3A_216 = arith.constant 0 : i32
        %dma_wait3A_217 = tpu.memref_slice %arg15[%dma_wait3A_215, %dma_wait3A_216] : memref<128x128xf32, #tpu.memory_space<vmem>> -> memref<32x128xf32, #tpu.memory_space<vmem>>
        %dma_wait3A_218 = arith.constant 0 : i32
        %dma_wait3A_219 = tpu.memref_slice %arg12[%dma_wait3A_218] : memref<128xi32, #tpu.memory_space<vmem>> -> memref<32xi32, #tpu.memory_space<vmem>>
        %dma_wait3A_220 = arith.constant 0 : i32
        %dma_wait3A_221 = arith.constant 0 : i32
        %dma_wait3A_222 = tpu.memref_slice %arg17[%dma_wait3A_220, %dma_wait3A_221] : memref<10112x128xf32, #tpu.memory_space<vmem_shared>> -> memref<10112x128xf32, #tpu.memory_space<vmem_shared>>
        tpu.wait_indirect_dma semaphore(%run_scoped3A : memref<!tpu.dma_semaphore, #tpu.memory_space<semaphore_mem>>) src(%dma_wait3A_217 : memref<32x128xf32, #tpu.memory_space<vmem>>) dst(%dma_wait3A_222 : memref<10112x128xf32, #tpu.memory_space<vmem_shared>>)
        tpu.yield
      }) : () -> ()
      %barrier3A_196 = arith.constant 0 : index
      tpu.barrier barrier_id(%barrier3A_196)
      %lt3A_197 = arith.constant 15 : i32
      %lt3A_198 = arith.cmpi slt, %arg1, %lt3A_197 : i32
      %convert_element_type3A_199 = arith.extui %lt3A_198 : i1 to i32
      %cond3A_200 = arith.constant 0 : i32
      %cond3A_201 = arith.cmpi ne, %convert_element_type3A_199, %cond3A_200 : i32
      scf.if %cond3A_201 {
        %mul3A_207 = arith.constant 632 : i32
        %mul3A_208 = arith.muli %arg1, %mul3A_207 : i32
        %mul3A_209 = arith.constant 632 : i32
        %mul3A_210 = arith.muli %arg1, %mul3A_209 : i32
        "tpu.region"() ({
          %run_scoped3A = tpu.sem_alloc : memref<!tpu.dma_semaphore, #tpu.memory_space<semaphore_mem>>
          %dma_start3A_211 = arith.constant 0 : i32
          %dma_start3A_212 = tpu.memref_slice %arg8[%mul3A_210, %dma_start3A_211] : memref<10000x128xf32, #tpu.memory_space<hbm>> -> memref<632x128xf32, #tpu.memory_space<hbm>>
          %dma_start3A_213 = arith.constant 0 : i32
          %dma_start3A_214 = tpu.memref_slice %arg17[%mul3A_208, %dma_start3A_213] : memref<10112x128xf32, #tpu.memory_space<vmem_shared>> -> memref<632x128xf32, #tpu.memory_space<vmem_shared>>
          tpu.enqueue_dma source(%dma_start3A_214 : memref<632x128xf32, #tpu.memory_space<vmem_shared>>) target(%dma_start3A_212 : memref<632x128xf32, #tpu.memory_space<hbm>>) target_semaphore(%run_scoped3A : memref<!tpu.dma_semaphore, #tpu.memory_space<semaphore_mem>>)
          %dma_wait3A_215 = arith.constant 0 : i32
          %dma_wait3A_216 = tpu.memref_slice %arg8[%mul3A_210, %dma_wait3A_215] : memref<10000x128xf32, #tpu.memory_space<hbm>> -> memref<632x128xf32, #tpu.memory_space<hbm>>
          %dma_wait3A_217 = arith.constant 0 : i32
          %dma_wait3A_218 = tpu.memref_slice %arg17[%mul3A_208, %dma_wait3A_217] : memref<10112x128xf32, #tpu.memory_space<vmem_shared>> -> memref<632x128xf32, #tpu.memory_space<vmem_shared>>
          tpu.wait_dma2 semaphore(%run_scoped3A : memref<!tpu.dma_semaphore, #tpu.memory_space<semaphore_mem>>) src(%dma_wait3A_218 : memref<632x128xf32, #tpu.memory_space<vmem_shared>>) dst(%dma_wait3A_216 : memref<632x128xf32, #tpu.memory_space<hbm>>)
          tpu.yield
        }) : () -> ()
      } else {
      }
      %eq3A_202 = arith.constant 15 : i32
      %eq3A_203 = arith.cmpi eq, %arg1, %eq3A_202 : i32
      %convert_element_type3A_204 = arith.extui %eq3A_203 : i1 to i32
      %cond3A_205 = arith.constant 0 : i32
      %cond3A_206 = arith.cmpi ne, %convert_element_type3A_204, %cond3A_205 : i32
      scf.if %cond3A_206 {
        "tpu.region"() ({
          %run_scoped3A = tpu.sem_alloc : memref<!tpu.dma_semaphore, #tpu.memory_space<semaphore_mem>>
          %dma_start3A_207 = arith.constant 9480 : i32
          %dma_start3A_208 = arith.constant 0 : i32
          %dma_start3A_209 = tpu.memref_slice %arg8[%dma_start3A_207, %dma_start3A_208] : memref<10000x128xf32, #tpu.memory_space<hbm>> -> memref<520x128xf32, #tpu.memory_space<hbm>>
          %dma_start3A_210 = arith.constant 9480 : i32
          %dma_start3A_211 = arith.constant 0 : i32
          %dma_start3A_212 = tpu.memref_slice %arg17[%dma_start3A_210, %dma_start3A_211] : memref<10112x128xf32, #tpu.memory_space<vmem_shared>> -> memref<520x128xf32, #tpu.memory_space<vmem_shared>>
          tpu.enqueue_dma source(%dma_start3A_212 : memref<520x128xf32, #tpu.memory_space<vmem_shared>>) target(%dma_start3A_209 : memref<520x128xf32, #tpu.memory_space<hbm>>) target_semaphore(%run_scoped3A : memref<!tpu.dma_semaphore, #tpu.memory_space<semaphore_mem>>)
          %dma_wait3A_213 = arith.constant 9480 : i32
          %dma_wait3A_214 = arith.constant 0 : i32
          %dma_wait3A_215 = tpu.memref_slice %arg8[%dma_wait3A_213, %dma_wait3A_214] : memref<10000x128xf32, #tpu.memory_space<hbm>> -> memref<520x128xf32, #tpu.memory_space<hbm>>
          %dma_wait3A_216 = arith.constant 9480 : i32
          %dma_wait3A_217 = arith.constant 0 : i32
          %dma_wait3A_218 = tpu.memref_slice %arg17[%dma_wait3A_216, %dma_wait3A_217] : memref<10112x128xf32, #tpu.memory_space<vmem_shared>> -> memref<520x128xf32, #tpu.memory_space<vmem_shared>>
          tpu.wait_dma2 semaphore(%run_scoped3A : memref<!tpu.dma_semaphore, #tpu.memory_space<semaphore_mem>>) src(%dma_wait3A_218 : memref<520x128xf32, #tpu.memory_space<vmem_shared>>) dst(%dma_wait3A_215 : memref<520x128xf32, #tpu.memory_space<hbm>>)
          tpu.yield
        }) : () -> ()
      } else {
      }
    } else {
    }
    return
  }
}

module attributes {stable_mosaic.version = 14 : i64} {
  func.func @_pair1_body(%arg0: i32, %arg1: memref<2000x128xf32, #tpu.memory_space<vmem>>, %arg2: memref<128x128xf32, #tpu.memory_space<vmem>>, %arg3: memref<1x128xf32, #tpu.memory_space<vmem>>, %arg4: memref<128x128xf32, #tpu.memory_space<vmem>>, %arg5: memref<1x128xf32, #tpu.memory_space<vmem>>, %arg6: memref<2000x128xf32, #tpu.memory_space<vmem>>, %arg7: memref<2000x128xf32, #tpu.memory_space<vmem>>) attributes {dimension_semantics = [#tpu.dimension_semantics<arbitrary>], iteration_bounds = array<i64: 5>, scalar_prefetch = 0 : i64, scratch_operands = 0 : i64, tpu.core_type = #tpu.core_type<tc>, window_params = [{transform_indices = @transform_0, window_bounds = array<i64: 2000, 128>}, {pipeline_mode = #tpu.pipeline_mode<synchronous>, transform_indices = @transform_1, window_bounds = array<i64: 128, 128>}, {pipeline_mode = #tpu.pipeline_mode<synchronous>, transform_indices = @transform_2, window_bounds = array<i64: 1, 128>}, {pipeline_mode = #tpu.pipeline_mode<synchronous>, transform_indices = @transform_3, window_bounds = array<i64: 128, 128>}, {pipeline_mode = #tpu.pipeline_mode<synchronous>, transform_indices = @transform_4, window_bounds = array<i64: 1, 128>}, {transform_indices = @transform_5, window_bounds = array<i64: 2000, 128>}, {transform_indices = @transform_6, window_bounds = array<i64: 2000, 128>}]} {
    %get3A = arith.constant 0 : index
    %get3A_0 = arith.constant 0 : index
    %get3A_1 = vector.load %arg1[%get3A, %get3A_0] : memref<2000x128xf32, #tpu.memory_space<vmem>>, vector<2000x128xf32>
    %get3A_2 = arith.constant 0 : index
    %get3A_3 = arith.constant 0 : index
    %get3A_4 = vector.load %arg2[%get3A_2, %get3A_3] : memref<128x128xf32, #tpu.memory_space<vmem>>, vector<128x128xf32>
    %dot_general3A = arith.constant dense<0.000000e+00> : vector<2000x128xf32>
    %dot_general3A_5 = tpu.matmul %get3A_1, %get3A_4, %dot_general3A {dimension_numbers = #tpu.dot_dimension_numbers<[1], [0], [0], [1], [0, 0, 1, 1], [], []>, transpose_lhs_hint = false} : vector<2000x128xf32>, vector<128x128xf32>, vector<2000x128xf32> -> vector<2000x128xf32>
    %get3A_6 = arith.constant 0 : index
    %get3A_7 = arith.constant 0 : index
    %get3A_8 = vector.load %arg3[%get3A_6, %get3A_7] : memref<1x128xf32, #tpu.memory_space<vmem>>, vector<1x128xf32>
    %add3A = vector.broadcast %get3A_8 : vector<1x128xf32> to vector<2000x128xf32>
    %add3A_9 = arith.addf %dot_general3A_5, %add3A : vector<2000x128xf32>
    %max3A = arith.constant 0.000000e+00 : f32
    %max3A_10 = vector.broadcast %max3A : f32 to vector<2000x128xf32>
    %max3A_11 = arith.maximumf %add3A_9, %max3A_10 : vector<2000x128xf32>
    %swap3A = arith.constant 0 : index
    %swap3A_12 = arith.constant 0 : index
    %swap3A_13 = vector.load %arg6[%swap3A, %swap3A_12] : memref<2000x128xf32, #tpu.memory_space<vmem>>, vector<2000x128xf32>
    tpu.vector_store %arg6[%swap3A, %swap3A_12], %max3A_11 {strides = array<i32>} : memref<2000x128xf32, #tpu.memory_space<vmem>>, vector<2000x128xf32>,
    %get3A_14 = arith.constant 0 : index
    %get3A_15 = arith.constant 0 : index
    %get3A_16 = vector.load %arg4[%get3A_14, %get3A_15] : memref<128x128xf32, #tpu.memory_space<vmem>>, vector<128x128xf32>
    %dot_general3A_17 = arith.constant dense<0.000000e+00> : vector<2000x128xf32>
    %dot_general3A_18 = tpu.matmul %get3A_1, %get3A_16, %dot_general3A_17 {dimension_numbers = #tpu.dot_dimension_numbers<[1], [0], [0], [1], [0, 0, 1, 1], [], []>, transpose_lhs_hint = false} : vector<2000x128xf32>, vector<128x128xf32>, vector<2000x128xf32> -> vector<2000x128xf32>
    %get3A_19 = arith.constant 0 : index
    %get3A_20 = arith.constant 0 : index
    %get3A_21 = vector.load %arg5[%get3A_19, %get3A_20] : memref<1x128xf32, #tpu.memory_space<vmem>>, vector<1x128xf32>
    %add3A_22 = vector.broadcast %get3A_21 : vector<1x128xf32> to vector<2000x128xf32>
    %add3A_23 = arith.addf %dot_general3A_18, %add3A_22 : vector<2000x128xf32>
    %max3A_24 = arith.constant 0.000000e+00 : f32
    %max3A_25 = vector.broadcast %max3A_24 : f32 to vector<2000x128xf32>
    %max3A_26 = arith.maximumf %add3A_23, %max3A_25 : vector<2000x128xf32>
    %swap3A_27 = arith.constant 0 : index
    %swap3A_28 = arith.constant 0 : index
    %swap3A_29 = vector.load %arg7[%swap3A_27, %swap3A_28] : memref<2000x128xf32, #tpu.memory_space<vmem>>, vector<2000x128xf32>
    tpu.vector_store %arg7[%swap3A_27, %swap3A_28], %max3A_26 {strides = array<i32>} : memref<2000x128xf32, #tpu.memory_space<vmem>>, vector<2000x128xf32>,
    return
  }
  func.func @transform_0(%arg0: i32) -> (i32, i32) {
    %c0_i32 = arith.constant 0 : i32
    %c0_i32_0 = arith.constant 0 : i32
    return %arg0, %c0_i32 : i32, i32
  }
  func.func @transform_1(%arg0: i32) -> (i32, i32) {
    %c0_i32 = arith.constant 0 : i32
    %c0_i32_0 = arith.constant 0 : i32
    %c0_i32_1 = arith.constant 0 : i32
    return %c0_i32, %c0_i32_0 : i32, i32
  }
  func.func @transform_2(%arg0: i32) -> (i32, i32) {
    %c0_i32 = arith.constant 0 : i32
    %c0_i32_0 = arith.constant 0 : i32
    %c0_i32_1 = arith.constant 0 : i32
    return %c0_i32, %c0_i32_0 : i32, i32
  }
  func.func @transform_3(%arg0: i32) -> (i32, i32) {
    %c0_i32 = arith.constant 0 : i32
    %c0_i32_0 = arith.constant 0 : i32
    %c0_i32_1 = arith.constant 0 : i32
    return %c0_i32, %c0_i32_0 : i32, i32
  }
  func.func @transform_4(%arg0: i32) -> (i32, i32) {
    %c0_i32 = arith.constant 0 : i32
    %c0_i32_0 = arith.constant 0 : i32
    %c0_i32_1 = arith.constant 0 : i32
    return %c0_i32, %c0_i32_0 : i32, i32
  }
  func.func @transform_5(%arg0: i32) -> (i32, i32) {
    %c0_i32 = arith.constant 0 : i32
    %c0_i32_0 = arith.constant 0 : i32
    return %arg0, %c0_i32 : i32, i32
  }
  func.func @transform_6(%arg0: i32) -> (i32, i32) {
    %c0_i32 = arith.constant 0 : i32
    %c0_i32_0 = arith.constant 0 : i32
    return %arg0, %c0_i32 : i32, i32
  }
}

module attributes {stable_mosaic.version = 14 : i64} {
  func.func @_pair_body(%arg0: i32, %arg1: memref<2000x128xf32, #tpu.memory_space<vmem>>, %arg2: memref<128x128xf32, #tpu.memory_space<vmem>>, %arg3: memref<1x128xf32, #tpu.memory_space<vmem>>, %arg4: memref<2000x128xf32, #tpu.memory_space<vmem>>, %arg5: memref<128x128xf32, #tpu.memory_space<vmem>>, %arg6: memref<1x128xf32, #tpu.memory_space<vmem>>, %arg7: memref<2000x128xf32, #tpu.memory_space<vmem>>, %arg8: memref<2000x128xf32, #tpu.memory_space<vmem>>) attributes {dimension_semantics = [#tpu.dimension_semantics<arbitrary>], iteration_bounds = array<i64: 5>, scalar_prefetch = 0 : i64, scratch_operands = 0 : i64, tpu.core_type = #tpu.core_type<tc>, window_params = [{transform_indices = @transform_0, window_bounds = array<i64: 2000, 128>}, {pipeline_mode = #tpu.pipeline_mode<synchronous>, transform_indices = @transform_1, window_bounds = array<i64: 128, 128>}, {pipeline_mode = #tpu.pipeline_mode<synchronous>, transform_indices = @transform_2, window_bounds = array<i64: 1, 128>}, {transform_indices = @transform_3, window_bounds = array<i64: 2000, 128>}, {pipeline_mode = #tpu.pipeline_mode<synchronous>, transform_indices = @transform_4, window_bounds = array<i64: 128, 128>}, {pipeline_mode = #tpu.pipeline_mode<synchronous>, transform_indices = @transform_5, window_bounds = array<i64: 1, 128>}, {transform_indices = @transform_6, window_bounds = array<i64: 2000, 128>}, {transform_indices = @transform_7, window_bounds = array<i64: 2000, 128>}]} {
    %get3A = arith.constant 0 : index
    %get3A_0 = arith.constant 0 : index
    %get3A_1 = vector.load %arg1[%get3A, %get3A_0] : memref<2000x128xf32, #tpu.memory_space<vmem>>, vector<2000x128xf32>
    %get3A_2 = arith.constant 0 : index
    %get3A_3 = arith.constant 0 : index
    %get3A_4 = vector.load %arg2[%get3A_2, %get3A_3] : memref<128x128xf32, #tpu.memory_space<vmem>>, vector<128x128xf32>
    %dot_general3A = arith.constant dense<0.000000e+00> : vector<2000x128xf32>
    %dot_general3A_5 = tpu.matmul %get3A_1, %get3A_4, %dot_general3A {dimension_numbers = #tpu.dot_dimension_numbers<[1], [0], [0], [1], [0, 0, 1, 1], [], []>, transpose_lhs_hint = false} : vector<2000x128xf32>, vector<128x128xf32>, vector<2000x128xf32> -> vector<2000x128xf32>
    %get3A_6 = arith.constant 0 : index
    %get3A_7 = arith.constant 0 : index
    %get3A_8 = vector.load %arg3[%get3A_6, %get3A_7] : memref<1x128xf32, #tpu.memory_space<vmem>>, vector<1x128xf32>
    %add3A = vector.broadcast %get3A_8 : vector<1x128xf32> to vector<2000x128xf32>
    %add3A_9 = arith.addf %dot_general3A_5, %add3A : vector<2000x128xf32>
    %max3A = arith.constant 0.000000e+00 : f32
    %max3A_10 = vector.broadcast %max3A : f32 to vector<2000x128xf32>
    %max3A_11 = arith.maximumf %add3A_9, %max3A_10 : vector<2000x128xf32>
    %swap3A = arith.constant 0 : index
    %swap3A_12 = arith.constant 0 : index
    %swap3A_13 = vector.load %arg7[%swap3A, %swap3A_12] : memref<2000x128xf32, #tpu.memory_space<vmem>>, vector<2000x128xf32>
    tpu.vector_store %arg7[%swap3A, %swap3A_12], %max3A_11 {strides = array<i32>} : memref<2000x128xf32, #tpu.memory_space<vmem>>, vector<2000x128xf32>,
    %get3A_14 = arith.constant 0 : index
    %get3A_15 = arith.constant 0 : index
    %get3A_16 = vector.load %arg4[%get3A_14, %get3A_15] : memref<2000x128xf32, #tpu.memory_space<vmem>>, vector<2000x128xf32>
    %get3A_17 = arith.constant 0 : index
    %get3A_18 = arith.constant 0 : index
    %get3A_19 = vector.load %arg5[%get3A_17, %get3A_18] : memref<128x128xf32, #tpu.memory_space<vmem>>, vector<128x128xf32>
    %dot_general3A_20 = arith.constant dense<0.000000e+00> : vector<2000x128xf32>
    %dot_general3A_21 = tpu.matmul %get3A_16, %get3A_19, %dot_general3A_20 {dimension_numbers = #tpu.dot_dimension_numbers<[1], [0], [0], [1], [0, 0, 1, 1], [], []>, transpose_lhs_hint = false} : vector<2000x128xf32>, vector<128x128xf32>, vector<2000x128xf32> -> vector<2000x128xf32>
    %get3A_22 = arith.constant 0 : index
    %get3A_23 = arith.constant 0 : index
    %get3A_24 = vector.load %arg6[%get3A_22, %get3A_23] : memref<1x128xf32, #tpu.memory_space<vmem>>, vector<1x128xf32>
    %add3A_25 = vector.broadcast %get3A_24 : vector<1x128xf32> to vector<2000x128xf32>
    %add3A_26 = arith.addf %dot_general3A_21, %add3A_25 : vector<2000x128xf32>
    %max3A_27 = arith.constant 0.000000e+00 : f32
    %max3A_28 = vector.broadcast %max3A_27 : f32 to vector<2000x128xf32>
    %max3A_29 = arith.maximumf %add3A_26, %max3A_28 : vector<2000x128xf32>
    %swap3A_30 = arith.constant 0 : index
    %swap3A_31 = arith.constant 0 : index
    %swap3A_32 = vector.load %arg8[%swap3A_30, %swap3A_31] : memref<2000x128xf32, #tpu.memory_space<vmem>>, vector<2000x128xf32>
    tpu.vector_store %arg8[%swap3A_30, %swap3A_31], %max3A_29 {strides = array<i32>} : memref<2000x128xf32, #tpu.memory_space<vmem>>, vector<2000x128xf32>,
    return
  }
  func.func @transform_0(%arg0: i32) -> (i32, i32) {
    %c0_i32 = arith.constant 0 : i32
    %c0_i32_0 = arith.constant 0 : i32
    return %arg0, %c0_i32 : i32, i32
  }
  func.func @transform_1(%arg0: i32) -> (i32, i32) {
    %c0_i32 = arith.constant 0 : i32
    %c0_i32_0 = arith.constant 0 : i32
    %c0_i32_1 = arith.constant 0 : i32
    return %c0_i32, %c0_i32_0 : i32, i32
  }
  func.func @transform_2(%arg0: i32) -> (i32, i32) {
    %c0_i32 = arith.constant 0 : i32
    %c0_i32_0 = arith.constant 0 : i32
    %c0_i32_1 = arith.constant 0 : i32
    return %c0_i32, %c0_i32_0 : i32, i32
  }
  func.func @transform_3(%arg0: i32) -> (i32, i32) {
    %c0_i32 = arith.constant 0 : i32
    %c0_i32_0 = arith.constant 0 : i32
    return %arg0, %c0_i32 : i32, i32
  }
  func.func @transform_4(%arg0: i32) -> (i32, i32) {
    %c0_i32 = arith.constant 0 : i32
    %c0_i32_0 = arith.constant 0 : i32
    %c0_i32_1 = arith.constant 0 : i32
    return %c0_i32, %c0_i32_0 : i32, i32
  }
  func.func @transform_5(%arg0: i32) -> (i32, i32) {
    %c0_i32 = arith.constant 0 : i32
    %c0_i32_0 = arith.constant 0 : i32
    %c0_i32_1 = arith.constant 0 : i32
    return %c0_i32, %c0_i32_0 : i32, i32
  }
  func.func @transform_6(%arg0: i32) -> (i32, i32) {
    %c0_i32 = arith.constant 0 : i32
    %c0_i32_0 = arith.constant 0 : i32
    return %arg0, %c0_i32 : i32, i32
  }
  func.func @transform_7(%arg0: i32) -> (i32, i32) {
    %c0_i32 = arith.constant 0 : i32
    %c0_i32_0 = arith.constant 0 : i32
    return %arg0, %c0_i32 : i32, i32
  }
}

module attributes {stable_mosaic.version = 14 : i64} {
  func.func @_final_body(%arg0: i32, %arg1: memref<2000x128xf32, #tpu.memory_space<vmem>>, %arg2: memref<2000x128xf32, #tpu.memory_space<vmem>>, %arg3: memref<2000x128xf32, #tpu.memory_space<vmem>>, %arg4: memref<2000x128xf32, #tpu.memory_space<vmem>>, %arg5: memref<128x128xf32, #tpu.memory_space<vmem>>, %arg6: memref<128x128xf32, #tpu.memory_space<vmem>>, %arg7: memref<128x128xf32, #tpu.memory_space<vmem>>, %arg8: memref<1x128xf32, #tpu.memory_space<vmem>>, %arg9: memref<128x128xf32, #tpu.memory_space<vmem>>, %arg10: memref<128x128xf32, #tpu.memory_space<vmem>>, %arg11: memref<1x128xf32, #tpu.memory_space<vmem>>, %arg12: memref<2000x128xf32, #tpu.memory_space<vmem>>) attributes {dimension_semantics = [#tpu.dimension_semantics<arbitrary>], iteration_bounds = array<i64: 5>, scalar_prefetch = 0 : i64, scratch_operands = 0 : i64, tpu.core_type = #tpu.core_type<tc>, window_params = [{transform_indices = @transform_0, window_bounds = array<i64: 2000, 128>}, {transform_indices = @transform_1, window_bounds = array<i64: 2000, 128>}, {transform_indices = @transform_2, window_bounds = array<i64: 2000, 128>}, {transform_indices = @transform_3, window_bounds = array<i64: 2000, 128>}, {pipeline_mode = #tpu.pipeline_mode<synchronous>, transform_indices = @transform_4, window_bounds = array<i64: 128, 128>}, {pipeline_mode = #tpu.pipeline_mode<synchronous>, transform_indices = @transform_5, window_bounds = array<i64: 128, 128>}, {pipeline_mode = #tpu.pipeline_mode<synchronous>, transform_indices = @transform_6, window_bounds = array<i64: 128, 128>}, {pipeline_mode = #tpu.pipeline_mode<synchronous>, transform_indices = @transform_7, window_bounds = array<i64: 1, 128>}, {pipeline_mode = #tpu.pipeline_mode<synchronous>, transform_indices = @transform_8, window_bounds = array<i64: 128, 128>}, {pipeline_mode = #tpu.pipeline_mode<synchronous>, transform_indices = @transform_9, window_bounds = array<i64: 128, 128>}, {pipeline_mode = #tpu.pipeline_mode<synchronous>, transform_indices = @transform_10, window_bounds = array<i64: 1, 128>}, {transform_indices = @transform_11, window_bounds = array<i64: 2000, 128>}]} {
    %get3A = arith.constant 0 : index
    %get3A_0 = arith.constant 0 : index
    %get3A_1 = vector.load %arg2[%get3A, %get3A_0] : memref<2000x128xf32, #tpu.memory_space<vmem>>, vector<2000x128xf32>
    %get3A_2 = arith.constant 0 : index
    %get3A_3 = arith.constant 0 : index
    %get3A_4 = vector.load %arg5[%get3A_2, %get3A_3] : memref<128x128xf32, #tpu.memory_space<vmem>>, vector<128x128xf32>
    %dot_general3A = arith.constant dense<0.000000e+00> : vector<2000x128xf32>
    %dot_general3A_5 = tpu.matmul %get3A_1, %get3A_4, %dot_general3A {dimension_numbers = #tpu.dot_dimension_numbers<[1], [0], [0], [1], [0, 0, 1, 1], [], []>, transpose_lhs_hint = false} : vector<2000x128xf32>, vector<128x128xf32>, vector<2000x128xf32> -> vector<2000x128xf32>
    %get3A_6 = arith.constant 0 : index
    %get3A_7 = arith.constant 0 : index
    %get3A_8 = vector.load %arg3[%get3A_6, %get3A_7] : memref<2000x128xf32, #tpu.memory_space<vmem>>, vector<2000x128xf32>
    %get3A_9 = arith.constant 0 : index
    %get3A_10 = arith.constant 0 : index
    %get3A_11 = vector.load %arg6[%get3A_9, %get3A_10] : memref<128x128xf32, #tpu.memory_space<vmem>>, vector<128x128xf32>
    %dot_general3A_12 = arith.constant dense<0.000000e+00> : vector<2000x128xf32>
    %dot_general3A_13 = tpu.matmul %get3A_8, %get3A_11, %dot_general3A_12 {dimension_numbers = #tpu.dot_dimension_numbers<[1], [0], [0], [1], [0, 0, 1, 1], [], []>, transpose_lhs_hint = false} : vector<2000x128xf32>, vector<128x128xf32>, vector<2000x128xf32> -> vector<2000x128xf32>
    %add3A = arith.addf %dot_general3A_5, %dot_general3A_13 : vector<2000x128xf32>
    %get3A_14 = arith.constant 0 : index
    %get3A_15 = arith.constant 0 : index
    %get3A_16 = vector.load %arg4[%get3A_14, %get3A_15] : memref<2000x128xf32, #tpu.memory_space<vmem>>, vector<2000x128xf32>
    %get3A_17 = arith.constant 0 : index
    %get3A_18 = arith.constant 0 : index
    %get3A_19 = vector.load %arg7[%get3A_17, %get3A_18] : memref<128x128xf32, #tpu.memory_space<vmem>>, vector<128x128xf32>
    %dot_general3A_20 = arith.constant dense<0.000000e+00> : vector<2000x128xf32>
    %dot_general3A_21 = tpu.matmul %get3A_16, %get3A_19, %dot_general3A_20 {dimension_numbers = #tpu.dot_dimension_numbers<[1], [0], [0], [1], [0, 0, 1, 1], [], []>, transpose_lhs_hint = false} : vector<2000x128xf32>, vector<128x128xf32>, vector<2000x128xf32> -> vector<2000x128xf32>
    %add3A_22 = arith.addf %add3A, %dot_general3A_21 : vector<2000x128xf32>
    %get3A_23 = arith.constant 0 : index
    %get3A_24 = arith.constant 0 : index
    %get3A_25 = vector.load %arg8[%get3A_23, %get3A_24] : memref<1x128xf32, #tpu.memory_space<vmem>>, vector<1x128xf32>
    %add3A_26 = vector.broadcast %get3A_25 : vector<1x128xf32> to vector<2000x128xf32>
    %add3A_27 = arith.addf %add3A_22, %add3A_26 : vector<2000x128xf32>
    %max3A = arith.constant 0.000000e+00 : f32
    %max3A_28 = vector.broadcast %max3A : f32 to vector<2000x128xf32>
    %max3A_29 = arith.maximumf %add3A_27, %max3A_28 : vector<2000x128xf32>
    %get3A_30 = arith.constant 0 : index
    %get3A_31 = arith.constant 0 : index
    %get3A_32 = vector.load %arg1[%get3A_30, %get3A_31] : memref<2000x128xf32, #tpu.memory_space<vmem>>, vector<2000x128xf32>
    %get3A_33 = arith.constant 0 : index
    %get3A_34 = arith.constant 0 : index
    %get3A_35 = vector.load %arg9[%get3A_33, %get3A_34] : memref<128x128xf32, #tpu.memory_space<vmem>>, vector<128x128xf32>
    %dot_general3A_36 = arith.constant dense<0.000000e+00> : vector<2000x128xf32>
    %dot_general3A_37 = tpu.matmul %get3A_32, %get3A_35, %dot_general3A_36 {dimension_numbers = #tpu.dot_dimension_numbers<[1], [0], [0], [1], [0, 0, 1, 1], [], []>, transpose_lhs_hint = false} : vector<2000x128xf32>, vector<128x128xf32>, vector<2000x128xf32> -> vector<2000x128xf32>
    %get3A_38 = arith.constant 0 : index
    %get3A_39 = arith.constant 0 : index
    %get3A_40 = vector.load %arg10[%get3A_38, %get3A_39] : memref<128x128xf32, #tpu.memory_space<vmem>>, vector<128x128xf32>
    %dot_general3A_41 = arith.constant dense<0.000000e+00> : vector<2000x128xf32>
    %dot_general3A_42 = tpu.matmul %max3A_29, %get3A_40, %dot_general3A_41 {dimension_numbers = #tpu.dot_dimension_numbers<[1], [0], [0], [1], [0, 0, 1, 1], [], []>, transpose_lhs_hint = false} : vector<2000x128xf32>, vector<128x128xf32>, vector<2000x128xf32> -> vector<2000x128xf32>
    %add3A_43 = arith.addf %dot_general3A_37, %dot_general3A_42 : vector<2000x128xf32>
    %get3A_44 = arith.constant 0 : index
    %get3A_45 = arith.constant 0 : index
    %get3A_46 = vector.load %arg11[%get3A_44, %get3A_45] : memref<1x128xf32, #tpu.memory_space<vmem>>, vector<1x128xf32>
    %add3A_47 = vector.broadcast %get3A_46 : vector<1x128xf32> to vector<2000x128xf32>
    %add3A_48 = arith.addf %add3A_43, %add3A_47 : vector<2000x128xf32>
    %swap3A = arith.constant 0 : index
    %swap3A_49 = arith.constant 0 : index
    %swap3A_50 = vector.load %arg12[%swap3A, %swap3A_49] : memref<2000x128xf32, #tpu.memory_space<vmem>>, vector<2000x128xf32>
    tpu.vector_store %arg12[%swap3A, %swap3A_49], %add3A_48 {strides = array<i32>} : memref<2000x128xf32, #tpu.memory_space<vmem>>, vector<2000x128xf32>,
    return
  }
  func.func @transform_0(%arg0: i32) -> (i32, i32) {
    %c0_i32 = arith.constant 0 : i32
    %c0_i32_0 = arith.constant 0 : i32
    return %arg0, %c0_i32 : i32, i32
  }
  func.func @transform_1(%arg0: i32) -> (i32, i32) {
    %c0_i32 = arith.constant 0 : i32
    %c0_i32_0 = arith.constant 0 : i32
    return %arg0, %c0_i32 : i32, i32
  }
  func.func @transform_2(%arg0: i32) -> (i32, i32) {
    %c0_i32 = arith.constant 0 : i32
    %c0_i32_0 = arith.constant 0 : i32
    return %arg0, %c0_i32 : i32, i32
  }
  func.func @transform_3(%arg0: i32) -> (i32, i32) {
    %c0_i32 = arith.constant 0 : i32
    %c0_i32_0 = arith.constant 0 : i32
    return %arg0, %c0_i32 : i32, i32
  }
  func.func @transform_4(%arg0: i32) -> (i32, i32) {
    %c0_i32 = arith.constant 0 : i32
    %c0_i32_0 = arith.constant 0 : i32
    %c0_i32_1 = arith.constant 0 : i32
    return %c0_i32, %c0_i32_0 : i32, i32
  }
  func.func @transform_5(%arg0: i32) -> (i32, i32) {
    %c0_i32 = arith.constant 0 : i32
    %c0_i32_0 = arith.constant 0 : i32
    %c0_i32_1 = arith.constant 0 : i32
    return %c0_i32, %c0_i32_0 : i32, i32
  }
  func.func @transform_6(%arg0: i32) -> (i32, i32) {
    %c0_i32 = arith.constant 0 : i32
    %c0_i32_0 = arith.constant 0 : i32
    %c0_i32_1 = arith.constant 0 : i32
    return %c0_i32, %c0_i32_0 : i32, i32
  }
  func.func @transform_7(%arg0: i32) -> (i32, i32) {
    %c0_i32 = arith.constant 0 : i32
    %c0_i32_0 = arith.constant 0 : i32
    %c0_i32_1 = arith.constant 0 : i32
    return %c0_i32, %c0_i32_0 : i32, i32
  }
  func.func @transform_8(%arg0: i32) -> (i32, i32) {
    %c0_i32 = arith.constant 0 : i32
    %c0_i32_0 = arith.constant 0 : i32
    %c0_i32_1 = arith.constant 0 : i32
    return %c0_i32, %c0_i32_0 : i32, i32
  }
  func.func @transform_9(%arg0: i32) -> (i32, i32) {
    %c0_i32 = arith.constant 0 : i32
    %c0_i32_0 = arith.constant 0 : i32
    %c0_i32_1 = arith.constant 0 : i32
    return %c0_i32, %c0_i32_0 : i32, i32
  }
  func.func @transform_10(%arg0: i32) -> (i32, i32) {
    %c0_i32 = arith.constant 0 : i32
    %c0_i32_0 = arith.constant 0 : i32
    %c0_i32_1 = arith.constant 0 : i32
    return %c0_i32, %c0_i32_0 : i32, i32
  }
  func.func @transform_11(%arg0: i32) -> (i32, i32) {
    %c0_i32 = arith.constant 0 : i32
    %c0_i32_0 = arith.constant 0 : i32
    return %arg0, %c0_i32 : i32, i32
  }
}

</mosaic_0001>

<sc_bundles>
// kernel: kernel.10.cloned.1.call-start
scs
__scs_entry_jumppad:
0x0: {  	(pc) =	sbr.rel $0x88, $3  }
0x1: {  	(tag) =	ssettag $0x0;
	lr =	simm.s32 $0x1  }
0x2: {  	[smem:$0x3F92] =	sst lr;
	_ =	strace $0xD0000000  }
0x3: {  	_ = 	snop  }
0x4: {  	_ = 	snop  }
0x5: {  	_ = 	snop  }
0x6: {  	_ = 	snop  }
0x7: {  	_ = 	snop  }
__scs_overlays_trampoline_lowered:
0x8: {  	[smem:$0x3FA1] =	sst s0  }
0x9: {  	[smem:$0x3FA2] =	sst s1  }
0xa: {  	[smem:$0x3FA3] =	sst s2  }
0xb: {  	[smem:$0x3FA4] =	sst s3  }
0xc: {  	[smem:$0x3FA5] =	sst s4  }
0xd: {  	[smem:$0x3FA6] =	sst s5  }
0xe: {  	[smem:$0x3FA7] =	sst s6  }
0xf: {  	[smem:$0x3FA8] =	sst s7  }
0x10: {  	[smem:$0x3FA9] =	sst s8  }
0x11: {  	[smem:$0x3FAA] =	sst s9;
	s0 =	simm.s32 @!p0 $0x0  }
0x12: {  	s1 =	sld [smem:$0x3F90];
	s0 =	simm.s32 @p0 $0x1  }
0x13: {  	[smem:$0x3FAB] =	sst s0;
	s0 =	simm.s32 @!p1 $0x0  }
0x14: {  	s2 =	sld [smem:$0x3F8F];
	s0 =	simm.s32 @p1 $0x1  }
0x15: {  	[smem:$0x3FAC] =	sst s0;
	s0 =	simm.s32 @!p2 $0x0  }
0x16: {  	s3 =	sld [smem:$0x3FDB];
	s0 =	simm.s32 @p2 $0x1  }
0x17: {  	s4 =	simm.s32 $0x1BF5;
	[smem:$0x3FAE] =	sst s0  }
0x18: {  	s0 =	sld [smem:$0x3F91];
	_ =	swait.ge [sflag:s4], $0x0  }
0x19: {  	s7 =	sld [smem:$0x3F92]  }
0x1a: {  	s8 =	sadd.s32 $0xFFFFE003, lr  }
0x1b: {  	s9 =	sadd.s32 $0xFFFFFEF7, lr;
	s5 =	simm.s32 $0xFFFFFFFF;
	p2 =	slt.u32 s8, $0xFFFFF086  }
0x1c: {  	p1 =	slt.u32 s9, $0xF7A;
	s5 =	simm.s32 @!p2 $0x0  }
0x1d: {  	s5 =	simm.s32 @p1 $0x1;
	p0 =	seq.s32 s7, s2  }
0x1e: {  	s7 =	smul.u32 @!p0 $0xF7A, s2;
	p2 =	seq.s32 @!p0 s5, $0x0  }
0x1f: {  	s9 =	smul.u32 $0xF7A, s1;
	s8 =	simm.s32 @!p0 $0x1BF5;
	p2 =	por !p2, p0  }
0x20: {  	[sflag:s8] =	ssyncset.s32 @!p0 $0xFFFFF086;
	s6 =	sadd.s32 @!p0 s3, s7;
	s7 =	simm.s32 @!p0 $0x108  }
0x21: {  	s3 =	sadd.s32 s3, s9;
	s6 =	sadd.s32 @!p0 $0x88, s6;
	s7 =	simm.s32 @p2 $0x1082  }
0x22: {  	[simem:s7], [sflag:s8] =	dma.local @!p0 [hbm:s6], $0xF7A  }
0x23: {  	s9 =	sor.u32 $0xD0000000, s2;
	s6 =	simm.s32 $0x108;
	_ =	swait.ge @!p0 [sflag:s8], $0x0  }
0x24: {  	s3 =	sadd.s32 $0x88, s3;
	s6 =	simm.s32 @!p1 $0x1082;
	[sflag:s4] =	ssyncset.s32 $0xFFFFF086  }
0x25: {  	[simem:s6], [sflag:s4] =	dma.local [hbm:s3], $0xF7A  }
0x26: {  	[smem:$0x3F92] =	sst s1;
	(tag) =	ssettag s2;
	_ =	strace s9  }
0x27: {  	s1 =	sld [smem:$0x3FA2]  }
0x28: {  	s2 =	sld [smem:$0x3FA3]  }
0x29: {  	s4 =	sld [smem:$0x3FA5]  }
0x2a: {  	p0 =	seq.s32 s5, $0x0;
	s5 =	sld [smem:$0x3FA6]  }
0x2b: {  	s6 =	sld [smem:$0x3FA7]  }
0x2c: {  	s7 =	sld [smem:$0x3FA8]  }
0x2d: {  	s3 =	simm.s32 $0x108;
	s8 =	sld [smem:$0x3FA9]  }
0x2e: {  	s3 =	simm.s32 @!p0 $0x1082;
	s9 =	sld [smem:$0x3FAA]  }
0x2f: {  	lr =	sadd.s32 s0, s3;
	s0 =	sld [smem:$0x3FA1]  }
0x30: {  	s3 =	sld [smem:$0x3FA4]  }
0x31: {  	[smem:$0x3FAD] =	sst s10  }
0x32: {  	s10 =	sld [smem:$0x3FAB];
	_ =	sdelay $0x3  }
0x33: {  	p0 =	seq.s32 s10, $0x1;
	s10 =	sld [smem:$0x3FAD];
	_ =	sdelay $0x3  }
0x34: {  	[smem:$0x3FAD] =	sst s10  }
0x35: {  	s10 =	sld [smem:$0x3FAC];
	_ =	sdelay $0x3  }
0x36: {  	p1 =	seq.s32 s10, $0x1;
	s10 =	sld [smem:$0x3FAD];
	_ =	sdelay $0x3  }
0x37: {  	[smem:$0x3FAD] =	sst s10  }
0x38: {  	s10 =	sld [smem:$0x3FAE]  }
0x39: {  	_ = 	snop;
	(pc) =	sbr.ind lr, $3  }
0x3a: {  	_ = 	snop  }
0x3b: {  	_ = 	snop  }
0x3c: {  	p2 =	seq.s32 s10, $0x1;
	s10 =	sld [smem:$0x3FAD]  }
0x3d: {  	_ =	shalt  }
0x3e: {  	_ =	shalt  }
0x3f: {  	_ =	shalt  }
0x40: {  	_ =	shalt  }
0x41: {  	_ =	shalt  }
0x42: {  	_ =	shalt  }
0x43: {  	_ =	shalt  }
0x44: {  	_ =	shalt  }
0x45: {  	_ =	shalt  }
0x46: {  	_ =	shalt  }
0x47: {  	_ =	shalt  }
0x48: {  	_ =	shalt  }
0x49: {  	_ =	shalt  }
0x4a: {  	_ =	shalt  }
0x4b: {  	_ =	shalt  }
0x4c: {  	_ =	shalt  }
0x4d: {  	_ =	shalt  }
0x4e: {  	_ =	shalt  }
0x4f: {  	_ =	shalt  }
0x50: {  	_ =	shalt  }
0x51: {  	_ =	shalt  }
0x52: {  	_ =	shalt  }
0x53: {  	_ =	shalt  }
0x54: {  	_ =	shalt  }
0x55: {  	_ =	shalt  }
0x56: {  	_ =	shalt  }
0x57: {  	_ =	shalt  }
0x58: {  	_ =	shalt  }
0x59: {  	_ =	shalt  }
0x5a: {  	_ =	shalt  }
0x5b: {  	_ =	shalt  }
0x5c: {  	_ =	shalt  }
0x5d: {  	_ =	shalt  }
0x5e: {  	_ =	shalt  }
0x5f: {  	_ =	shalt  }
0x60: {  	_ =	shalt  }
0x61: {  	_ =	shalt  }
0x62: {  	_ =	shalt  }
0x63: {  	_ =	shalt  }
0x64: {  	_ =	shalt  }
0x65: {  	_ =	shalt  }
0x66: {  	_ =	shalt  }
0x67: {  	_ =	shalt  }
0x68: {  	_ =	shalt  }
0x69: {  	_ =	shalt  }
0x6a: {  	_ =	shalt  }
0x6b: {  	_ =	shalt  }
0x6c: {  	_ =	shalt  }
0x6d: {  	_ =	shalt  }
0x6e: {  	_ =	shalt  }
0x6f: {  	_ =	shalt  }
0x70: {  	_ =	shalt  }
0x71: {  	_ =	shalt  }
0x72: {  	_ =	shalt  }
0x73: {  	_ =	shalt  }
0x74: {  	_ =	shalt  }
0x75: {  	_ =	shalt  }
0x76: {  	_ =	shalt  }
0x77: {  	_ =	shalt  }
0x78: {  	_ =	shalt  }
0x79: {  	_ =	shalt  }
0x7a: {  	_ =	shalt  }
0x7b: {  	_ =	shalt  }
0x7c: {  	_ =	shalt  }
0x7d: {  	_ =	shalt  }
0x7e: {  	_ =	shalt  }
0x7f: {  	_ =	shalt  }
0x80: {  	_ =	shalt  }
0x81: {  	_ =	shalt  }
0x82: {  	_ =	shalt  }
0x83: {  	_ =	shalt  }
0x84: {  	_ =	shalt  }
0x85: {  	_ =	shalt  }
0x86: {  	_ =	shalt  }
0x87: {  	_ =	shalt  }
.Lfunc_end0:
.L_simem_size_0:
called_computation.1_lowered:
.L_overlay_start_0:
0x88: {  	s2 =	sld [smem:$0x3FD9]  }
0x89: {  	s3 =	sld [smem:$0x3FFE];
	_ =	sdelay $0x1  }
0x8a: {  	s1 =	srdreg.scid  }
0x8b: {  	s0 =	sand.u32 $0x1, s1  }
0x8c: {  	s17 =	sshll.u32 s0, $0xA;
	s2 =	sadd.s32 s3, s2  }
0x8d: {  	s2 =	sadd.s32 s2, s17  }
0x8e: {  	[smem:$0x3FB9] =	sst s2  }
0x8f: {  	_ = 	snop  }
0x90: {  	s2 =	sld [smem:$0x3FD0];
	(tm) =	ssettm $0x1  }
0x91: {  	s18 =	sld [smem:$0x3FFB];
	_ =	sdelay $0x3  }
0x92: {  	_ =	strace s18  }
0x93: {  	s3 =	sld [smem:$0x3FFC];
	_ =	sdelay $0x3  }
0x94: {  	_ =	strace s3  }
0x95: {  	s3 =	sld [smem:$0x3FFD];
	_ =	sdelay $0x3  }
0x96: {  	_ =	strace s3  }
0x97: {  	_ =	strace $0x8FFFFFFF  }
0x98: {  	s19 =	sld [smem:$0x3FDB];
	_ =	sdelay $0x1  }
0x99: {  	s4 =	simm.s32 $_scs_section_size  }
0x9a: {  	s5 =	simm.s32 $_size__tile_overlayer_lowered;
	s6 =	simm.s32 $_tile_overlayer_lowered  }
0x9b: {  	s22 =	simm.s32 $0x1BFF;
	s21 =	sshll.u32 s6, $0x1;
	s3 =	sadd.s32 s4, s19  }
0x9c: {  	s7 =	simm.s32 $0x0;
	s20 =	sshll.u32 s5, $0x1;
	s5 =	sadd.s32 s21, s3  }
0x9d: {  	[timem:s7], [sflag:s22] =	dma.local [hbm:s5], s20  }
0x9e: {  	_ =	swait.ge [sflag:s22], s20  }
0x9f: {  	s4 =	ssub.s32 $0x0, s20;
	[sflag:s22] =	ssyncset.done $0x0  }
0xa0: {  	[sflag:s22] =	ssyncadd.s32 s4;
	_ =	sdelay $0x1  }
0xa1: {  	s23 =	simm.s32 $0x1B8B  }
0xa2: {  	_ =	swait.ge [sflag:s23], $0x1  }
0xa3: {  	[sflag:s23] =	ssyncset.done $0x0  }
0xa4: {  	s25 =	simm.s32 $0x1B8E;
	s24 =	sld [smem:$0x3FFE];
	[sflag:s23] =	ssyncadd.s32 $0xFFFFFFFF  }
0xa5: {  	s26 =	simm.s32 $execute0_lowered;
	[smem:$0x3FD2] =	sst s25  }
0xa6: {  	s5 =	sshll.u32 s26, $0x1;
	_ =	strace $0x80000049;
	[dreg:$0x1] =	wrdreg $0xFFFFFFFF  }
0xa7: {  	s28 =	simm.s32 $_size_execute0_lowered;
	s3 =	sadd.s32 s3, s5;
	[dreg:$0x0] =	wrdreg $0x0  }
0xa8: {  	s5 =	sshll.u32 s28, $0x1;
	[dreg:$0x2] =	wrdreg s3  }
0xa9: {  	[dreg:$0x3] =	wrdreg s5  }
0xaa: {  	[dreg:$0x4] =	wrdreg $0xC0  }
0xab: {  	_ =	task [dreg:s7], $0x5FFFF  }
0xac: {  	[dreg:$0x1] =	wrdreg $0xFFFFFFFF  }
0xad: {  	[dreg:$0x0] =	wrdreg $0x60  }
0xae: {  	[dreg:$0x2] =	wrdreg s2  }
0xaf: {  	[dreg:$0x3] =	wrdreg s24  }
0xb0: {  	[dreg:$0x4] =	wrdreg $0x83000  }
0xb1: {  	[dreg:$0x5] =	wrdreg $0x9  }
0xb2: {  	_ =	task.clear_ibuf [dreg:s7], $0x6FFFF;
	_ =	strace $0x90000049  }
0xb3: {  	s29 =	simm.s32 $0x9;
	_ =	strace $0x8000004B  }
0xb4: {  	_ =	swait.ge [sflag:s29], $0x1  }
0xb5: {  	[sflag:s29] =	ssyncadd.s32 $0xFFFFFFFF  }
0xb6: {  	_ =	strace $0x9000004B  }
0xb7: {  	_ =	sfence  }
0xb8: {  	s30 =	sld [smem:$0x0];
	_ =	sdelay $0x2  }
0xb9: {  	s31 =	sshll.u32 s1, $0xD;
	s1 =	sshrl.u32 s1, $0x2  }
0xba: {  	s3 =	sand.u32 $0x4000, s31;
	s1 =	sadd.s32 s1, s30  }
0xbb: {  	s0 =	sor.u32 s3, s0;
	s1 =	sshll.u32 s1, $0x11  }
0xbc: {  	s0 =	sor.u32 s1, s0  }
0xbd: {  	s0 =	sadd.s32 $0x8F2B, s0  }
0xbe: {  	[sflag:s0] =	ssyncadd.remote.s32 $0x1  }
0xbf: {  	_ =	sfence.sel $0xFFFF  }
0xc0: {  	[dreg:$0x0] =	wrdreg $0xFFFFFFFF;
	(pc) =	sbr.abs _section_cstart, $3  }
0xc1: {  	[dreg:$0x1] =	wrdreg $0xFFFFFFFF  }
0xc2: {  	_ =	task.clear_ibuf [dreg:s7], $0x2FFFF;
	_ =	strace $0x9FFFFFFF  }
0xc3: {  	(tm) =	ssettm $0x7FFFFFFF  }
tec
execute0_lowered:
.L_overlay_start_1:
0x0: {  	(tag) =	ssettag $0x1  }
0x1: {  	s1 =	rddreg [dreg:$0x0]  }
0x2: {  	s0 =	rddreg [dreg:$0x1]  }
0x3: {  	s3 =	rddreg [dreg:$0x2]  }
0x4: {  	s4 =	simm.s32 $0x0;
	s21 =	stileid.u32;
	s2 =	srdreg.scid  }
0x5: {  	s28 =	simm.s32 $0x9;
	s29 =	simm.s32 $0x3;
	s5 =	smul.u32 $0x4E20, s21  }
0x6: {  	[smem:$0x7FF] =	sst s4;
	s2 =	sand.u32 $0x1, s2;
	s12 =	smul.u32 $0x9C4, s21  }
0x7: {  	s7 =	sadd.s32 $0x4C00, s0;
	_ =	strace $0x8000004A;
	s6 =	ssub.s32 $0x2, s2  }
0x8: {  	p0 =	seq.s32 s2, $0x1;
	s5 =	sshrl.u32 s5, $0x3;
	s15 =	sadd.s32 s12, s7  }
0x9: {  	s2 =	sadd.s32 $0x9C40, s5;
	s10 =	sadd.s32 s7, s5;
	[dreg:$0x4] =	wrdreg s15  }
0xa: {  	s26 =	sadd.s32 $0x9C50, s5;
	s25 =	sadd.s32 s7, s2;
	[dreg:$0x7] =	wrdreg s10  }
0xb: {  	s9 =	sadd.s32 $0x10, s5;
	s17 =	sadd.s32 s7, s26;
	[dreg:$0x6] =	wrdreg s25  }
0xc: {  	s11 =	sadd.s32 $0x980, s5;
	s18 =	sadd.s32 s7, s9;
	[dreg:$0x8] =	wrdreg s17  }
0xd: {  	s15 =	sadd.s32 $0xA5E0, s5;
	s19 =	sadd.s32 s7, s11;
	[dreg:$0x9] =	wrdreg s18  }
0xe: {  	s24 =	sadd.s32 $0x18600, s0;
	s20 =	sadd.s32 s7, s15;
	[dreg:$0xb] =	wrdreg s19  }
0xf: {  	s30 =	simm.s32 $0x6;
	s2 =	sadd.s32 s24, s2;
	[dreg:$0xe] =	wrdreg s20  }
0x10: {  	s10 =	sadd.s32 $0xA5C0, s5;
	s26 =	sadd.s32 s24, s26;
	[dreg:$0x14] =	wrdreg s2  }
0x11: {  	s31 =	simm.s32 $0x8;
	s13 =	sadd.s32 s7, s10;
	[dreg:$0x16] =	wrdreg s26  }
0x12: {  	s8 =	sshrl.u32 s6, $0x1;
	s25 =	sadd.s32 s24, s5;
	[dreg:$0xa] =	wrdreg s13  }
0x13: {  	s8 =	ssub.s32 s6, s8;
	s6 =	sadd.s32 s24, s10;
	[dreg:$0x15] =	wrdreg s25  }
0x14: {  	s17 =	sadd.s32 $0xA5F0, s5;
	s26 =	sadd.s32 $0xA1C80, s0;
	[dreg:$0x18] =	wrdreg s6  }
0x15: {  	s13 =	sadd.s32 $0xA5D0, s5;
	s22 =	sadd.s32 s7, s17;
	[smem:$0x7FC] =	sst s26  }
0x16: {  	s23 =	sadd.s32 $0xA600, s5;
	s14 =	sadd.s32 s7, s13;
	[dreg:$0x10] =	wrdreg s22  }
0x17: {  	p1 =	seq.s32 s21, $0xF;
	s22 =	sadd.s32 s7, s23;
	[dreg:$0xc] =	wrdreg s14  }
0x18: {  	s20 =	sadd.s32 $0x9C0, s5;
	s10 =	sadd.s32 s24, s13;
	[dreg:$0x12] =	wrdreg s22  }
0x19: {  	s26 =	simm.s32 $0x7;
	s13 =	sadd.s32 s24, s15;
	[dreg:$0x1a] =	wrdreg s10  }
0x1a: {  	s15 =	sadd.s32 s24, s17;
	s14 =	sadd.s32 $0x990, s5;
	[dreg:$0x1c] =	wrdreg s13  }
0x1b: {  	[dreg:$0x1e] =	wrdreg s15;
	s22 =	sadd.s32 s24, s20;
	s16 =	sadd.s32 s7, s14  }
0x1c: {  	s10 =	sadd.s32 $0x53200, s0;
	[dreg:$0xd] =	wrdreg s16;
	s16 =	sadd.s32 $0x9A0, s5  }
0x1d: {  	s13 =	smax.u32 s8, $0x1;
	[smem:$0x7F8] =	sst s22;
	s18 =	sadd.s32 s7, s16  }
0x1e: {  	[dreg:$0xf] =	wrdreg s18;
	s18 =	sadd.s32 $0x9B0, s5;
	s5 =	sadd.s32 s24, s9  }
0x1f: {  	s15 =	simm.s32 $0x180;
	s9 =	sadd.s32 s24, s11;
	[dreg:$0x17] =	wrdreg s5  }
0x20: {  	s22 =	simm.s32 $0x280;
	s11 =	sadd.s32 s24, s14;
	[dreg:$0x19] =	wrdreg s9  }
0x21: {  	s14 =	sadd.s32 s24, s16;
	s16 =	smul.u32 $0x4F000, s21;
	[dreg:$0x1b] =	wrdreg s11  }
0x22: {  	s19 =	sadd.s32 s7, s18;
	s7 =	sadd.s32 s7, s20;
	[dreg:$0x1d] =	wrdreg s14  }
0x23: {  	s17 =	sadd.s32 s24, s18;
	s18 =	sadd.s32 s24, s23;
	[dreg:$0x11] =	wrdreg s19  }
0x24: {  	s23 =	sadd.s32 s12, s24;
	s9 =	sadd.s32 $0x55A00, s0;
	[dreg:$0x13] =	wrdreg s7  }
0x25: {  	s14 =	sadd.s32 $0x128400, s3;
	s20 =	simm.s32 $0x300;
	[dreg:$0x1f] =	wrdreg s17  }
0x26: {  	[smem:$0x7F7] =	sst s18;
	s19 =	smul.u32 $0x2780, s21;
	s2 =	sshrl.u32 s16, $0x2  }
0x27: {  	[dreg:$0x5] =	wrdreg s23;
	s16 =	simm.s32 $0x80;
	s17 =	simm.s32 $0x200  }
0x28: {  	s18 =	simm.s32 $0x1;
	s21 =	simm.s32 $0x100;
	s23 =	simm.s32 $0x2  }
.Ltmp0:
0x29: {  	s2 =	sadd.s32 s2, s3;
	s5 =	sadd.s32 s19, s0;
	(pc) =	sbr.rel .LBB2_1-.Ltmp0, $4  }
0x2a: {  	[smem:$0x7F9] =	sst s2;
	s0 =	sadd.s32 $0xC8E80, s0;
	s19 =	simm.s32 $0x4  }
0x2b: {  	s24 =	sadd.s32 $0x7CC00, s5;
	s25 =	sadd.s32 $0xA3E00, s5;
	[smem:$0x7FD] =	sst s0  }
0x2c: {  	s0 =	simm.s32 $0x20;
	s5 =	simm.s32 $0x0;
	[smem:$0x7FA] =	sst s24  }
0x2d: {  	[smem:$0x7FB] =	sst s25;
	s24 =	simm.s32 $0x5;
	s25 =	simm.s32 $0x4300  }
.LBB2_7:
0x2e: {  	[sflag:s28] =	ssyncset.done $0x0  }
0x2f: {  	s2 =	rddreg [dreg:$0x18];
	[sflag:s28] =	ssyncadd.s32 $0xFFFFC000  }
0x30: {  	[tilespmem:s21], [sflag:$0x3] =	stream.linear.gather [hbm4b:s2+s4], $0x80, $0x38;
	[tilespmem:$0x1BF00] =	vst v63  }
0x31: {  	s12 =	rddreg [dreg:$0x19]  }
0x32: {  	[tilespmem:s22], [sflag:$0x6] =	stream.linear.gather [hbm4b:s12+s4], $0x80, $0x38;
	[tilespmem:$0x1BF00] =	vst v63  }
0x33: {  	_ =	swait.ge [sflag:s23], $0x80  }
0x34: {  	[sflag:s23] =	ssyncset.done $0x0  }
0x35: {  	[sflag:s23] =	ssyncadd.s32 $0xFFFFFF80  }
0x36: {  	_ =	swait.ge [sflag:s24], $0x80  }
0x37: {  	[sflag:s24] =	ssyncset.done $0x0  }
0x38: {  	[sflag:s24] =	ssyncadd.s32 $0xFFFFFF80  }
0x39: {  	[tilespmem:s25], [sflag:$0x8] =	stream.indirect.gather [hbm4b:s9+s16], $0x80, s16, s16, $0xb8;
	[tilespmem:$0x1BF00] =	vst v63  }
0x3a: {  	_ =	swait.ge [sflag:s26], $0x4000  }
0x3b: {  	[sflag:s26] =	ssyncset.done $0x0  }
0x3c: {  	[sflag:s26] =	ssyncadd.s32 $0xFFFFC000  }
0x3d: {  	[spmem:s3] =	stream.indirect.scatter.add.f32 [tilespmem:s20], [sflag:$0x9], $0x80, s15, s16, $0xb8;
	[tilespmem:$0x1BF00] =	vst v63  }
0x3e: {  	_ =	swait.ge [sflag:s28], $0x4000  }
0x3f: {  	[sflag:s28] =	ssyncset.done $0x0  }
0x40: {  	s6 =	rddreg [dreg:$0x1a];
	[sflag:s28] =	ssyncadd.s32 $0xFFFFC000  }
0x41: {  	[tilespmem:s4], [sflag:$0x1] =	stream.linear.gather [hbm4b:s6+s4], $0x80, $0x38;
	[tilespmem:$0x1BF00] =	vst v63  }
0x42: {  	s12 =	rddreg [dreg:$0x1b]  }
0x43: {  	[tilespmem:s15], [sflag:$0x4] =	stream.linear.gather [hbm4b:s12+s4], $0x80, $0x38;
	[tilespmem:$0x1BF00] =	vst v63  }
0x44: {  	_ =	swait.ge [sflag:s29], $0x80  }
0x45: {  	[sflag:s29] =	ssyncset.done $0x0  }
0x46: {  	[sflag:s29] =	ssyncadd.s32 $0xFFFFFF80  }
0x47: {  	_ =	swait.ge [sflag:s30], $0x80  }
0x48: {  	[sflag:s30] =	ssyncset.done $0x0  }
0x49: {  	[sflag:s30] =	ssyncadd.s32 $0xFFFFFF80  }
0x4a: {  	[tilespmem:s20], [sflag:$0x7] =	stream.indirect.gather [hbm4b:s9+s16], $0x80, s21, s16, $0xb8;
	[tilespmem:$0x1BF00] =	vst v63  }
0x4b: {  	_ =	swait.ge [sflag:s31], $0x4000  }
0x4c: {  	[sflag:s31] =	ssyncset.done $0x0  }
0x4d: {  	[sflag:s31] =	ssyncadd.s32 $0xFFFFC000  }
0x4e: {  	[spmem:s3] =	stream.indirect.scatter.add.f32 [tilespmem:s25], [sflag:$0x9], $0x80, s17, s16, $0xb8;
	[tilespmem:$0x1BF00] =	vst v63  }
0x4f: {  	_ =	swait.ge [sflag:s28], $0x4000  }
0x50: {  	[sflag:s28] =	ssyncset.done $0x0  }
0x51: {  	s6 =	rddreg [dreg:$0x1c];
	[sflag:s28] =	ssyncadd.s32 $0xFFFFC000  }
0x52: {  	[tilespmem:s16], [sflag:$0x2] =	stream.linear.gather [hbm4b:s6+s4], $0x80, $0x38;
	[tilespmem:$0x1BF00] =	vst v63  }
0x53: {  	s12 =	rddreg [dreg:$0x1d]  }
0x54: {  	[tilespmem:s17], [sflag:$0x5] =	stream.linear.gather [hbm4b:s12+s4], $0x80, $0x38;
	[tilespmem:$0x1BF00] =	vst v63  }
0x55: {  	_ =	swait.ge [sflag:s18], $0x80  }
0x56: {  	[sflag:s18] =	ssyncset.done $0x0  }
0x57: {  	[sflag:s18] =	ssyncadd.s32 $0xFFFFFF80  }
0x58: {  	_ =	swait.ge [sflag:s19], $0x80  }
0x59: {  	[sflag:s19] =	ssyncset.done $0x0  }
0x5a: {  	[sflag:s19] =	ssyncadd.s32 $0xFFFFFF80  }
0x5b: {  	[tilespmem:s25], [sflag:$0x8] =	stream.indirect.gather [hbm4b:s9+s16], $0x80, s4, s16, $0xb8;
	[tilespmem:$0x1BF00] =	vst v63  }
0x5c: {  	_ =	swait.ge [sflag:s26], $0x4000  }
0x5d: {  	[sflag:s26] =	ssyncset.done $0x0  }
0x5e: {  	[sflag:s26] =	ssyncadd.s32 $0xFFFFC000  }
0x5f: {  	[spmem:s3] =	stream.indirect.scatter.add.f32 [tilespmem:s20], [sflag:$0x9], $0x80, s22, s16, $0xb8;
	[tilespmem:$0x1BF00] =	vst v63  }
0x60: {  	_ =	swait.ge [sflag:s28], $0x4000  }
0x61: {  	[sflag:s28] =	ssyncset.done $0x0  }
0x62: {  	s6 =	rddreg [dreg:$0x1e];
	[sflag:s28] =	ssyncadd.s32 $0xFFFFC000  }
0x63: {  	[tilespmem:s21], [sflag:$0x3] =	stream.linear.gather [hbm4b:s6+s4], $0x80, $0x38;
	[tilespmem:$0x1BF00] =	vst v63  }
0x64: {  	s12 =	rddreg [dreg:$0x1f]  }
0x65: {  	[tilespmem:s22], [sflag:$0x6] =	stream.linear.gather [hbm4b:s12+s4], $0x80, $0x38;
	[tilespmem:$0x1BF00] =	vst v63  }
0x66: {  	_ =	swait.ge [sflag:s23], $0x80  }
0x67: {  	[sflag:s23] =	ssyncset.done $0x0  }
0x68: {  	[sflag:s23] =	ssyncadd.s32 $0xFFFFFF80  }
0x69: {  	_ =	swait.ge [sflag:s24], $0x80  }
0x6a: {  	[sflag:s24] =	ssyncset.done $0x0  }
0x6b: {  	[sflag:s24] =	ssyncadd.s32 $0xFFFFFF80  }
0x6c: {  	[tilespmem:s20], [sflag:$0x7] =	stream.indirect.gather [hbm4b:s9+s16], $0x80, s16, s16, $0xb8;
	[tilespmem:$0x1BF00] =	vst v63  }
0x6d: {  	_ =	swait.ge [sflag:s31], $0x4000  }
0x6e: {  	[sflag:s31] =	ssyncset.done $0x0  }
0x6f: {  	[sflag:s31] =	ssyncadd.s32 $0xFFFFC000  }
0x70: {  	[spmem:s3] =	stream.indirect.scatter.add.f32 [tilespmem:s25], [sflag:$0x9], $0x80, s15, s16, $0xb8;
	[tilespmem:$0x1BF00] =	vst v63  }
0x71: {  	_ =	swait.ge [sflag:s28], $0x4000  }
0x72: {  	[sflag:s28] =	ssyncset.done $0x0  }
0x73: {  	[sflag:s28] =	ssyncadd.s32 $0xFFFFC000  }
0x74: {  	_ =	swait.ge [sflag:s29], $0x80  }
0x75: {  	[sflag:s29] =	ssyncset.done $0x0  }
0x76: {  	[sflag:s29] =	ssyncadd.s32 $0xFFFFFF80  }
0x77: {  	_ =	swait.ge [sflag:s30], $0x80  }
0x78: {  	[sflag:s30] =	ssyncset.done $0x0  }
0x79: {  	[sflag:s30] =	ssyncadd.s32 $0xFFFFFF80  }
0x7a: {  	[tilespmem:s25], [sflag:$0x8] =	stream.indirect.gather [hbm4b:s9+s16], $0x80, s21, s16, $0xb8;
	[tilespmem:$0x1BF00] =	vst v63  }
0x7b: {  	_ =	swait.ge [sflag:s26], $0x4000  }
0x7c: {  	[sflag:s26] =	ssyncset.done $0x0  }
0x7d: {  	[sflag:s26] =	ssyncadd.s32 $0xFFFFC000  }
0x7e: {  	[spmem:s3] =	stream.indirect.scatter.add.f32 [tilespmem:s20], [sflag:$0x9], $0x80, s17, s16, $0xb8;
	[tilespmem:$0x1BF00] =	vst v63  }
0x7f: {  	_ =	swait.ge [sflag:s28], $0x4000  }
0x80: {  	[sflag:s28] =	ssyncset.done $0x0  }
0x81: {  	[sflag:s28] =	ssyncadd.s32 $0xFFFFC000  }
0x82: {  	_ =	swait.ge [sflag:s31], $0x4000  }
0x83: {  	[sflag:s31] =	ssyncset.done $0x0  }
0x84: {  	[sflag:s31] =	ssyncadd.s32 $0xFFFFC000  }
0x85: {  	[spmem:s3] =	stream.indirect.scatter.add.f32 [tilespmem:s25], [sflag:$0x9], $0x80, s22, s16, $0xb8;
	[tilespmem:$0x1BF00] =	vst v63  }
0x86: {  	_ =	swait.ge [sflag:s28], $0x4000  }
0x87: {  	s6 =	sld [smem:$0x7F7]  }
0x88: {  	[sflag:s28] =	ssyncset.done $0x0  }
0x89: {  	s12 =	sld [smem:$0x7F8];
	[sflag:s28] =	ssyncadd.s32 $0xFFFFC000  }
0x8a: {  	[tilespmem:s4], [sflag:$0x1] =	stream.linear.gather [hbm4b:s6+s4], $0x20, $0x38;
	[tilespmem:$0x1BF00] =	vst v63  }
0x8b: {  	_ = 	snop  }
0x8c: {  	[tilespmem:s15], [sflag:$0x4] =	stream.linear.gather [hbm4b:s12+s4], $0x20, $0x38;
	[tilespmem:$0x1BF00] =	vst v63  }
0x8d: {  	_ =	swait.ge [sflag:s18], $0x20  }
0x8e: {  	[sflag:s18] =	ssyncset.done $0x0  }
0x8f: {  	[sflag:s18] =	ssyncadd.s32 $0xFFFFFFE0  }
0x90: {  	_ =	swait.ge [sflag:s19], $0x20  }
0x91: {  	[sflag:s19] =	ssyncset.done $0x0  }
0x92: {  	[sflag:s19] =	ssyncadd.s32 $0xFFFFFFE0  }
0x93: {  	[tilespmem:s20], [sflag:$0x7] =	stream.indirect.gather [hbm4b:s9+s0], $0x80, s4, s0, $0xb8;
	[tilespmem:$0x1BF00] =	vst v63  }
0x94: {  	_ =	swait.ge [sflag:s26], $0x1000  }
0x95: {  	[sflag:s26] =	ssyncset.done $0x0  }
0x96: {  	[sflag:s26] =	ssyncadd.s32 $0xFFFFF000  }
0x97: {  	[spmem:s3] =	stream.indirect.scatter.add.f32 [tilespmem:s20], [sflag:$0x9], $0x80, s15, s0, $0xb8;
	[tilespmem:$0x1BF00] =	vst v63  }
0x98: {  	_ =	swait.ge [sflag:s28], $0x1000  }
0x99: {  	[sflag:s28] =	ssyncset.done $0x0  }
0x9a: {  	[sflag:s28] =	ssyncadd.s32 $0xFFFFF000  }
0x9b: {  	[bflag:$0x0] =	sbarrier.arrive $0xFFFF  }
0x9c: {  	s6 =	sld [smem:$0x7FD];
	_ =	sdelay $0x1  }
0x9d: {  	s2 =	simm.s32 @p1 $0x1FC9  }
0x9e: {  	[hbm:s6], [sflag:s2] =	dma.local @p1 [spmem:s11], $0x2080  }
0x9f: {  	s2 =	simm.s32 @p1 $0x9  }
0xa0: {  	_ =	swait.ge @p1 [sflag:s2], $0x2080  }
0xa1: {  	[sflag:s2] =	ssyncset.done @p1 $0x0  }
0xa2: {  	[sflag:s2] =	ssyncadd.s32 @p1 $0xFFFFDF80;
	s2 =	sld [smem:$0x7FB];
	_ =	sdelay $0x2  }
0xa3: {  	[hbm:s2], [sflag:s8] =	dma.local @!p1 [spmem:s7], $0x2780  }
0xa4: {  	s2 =	simm.s32 @!p1 $0x9  }
0xa5: {  	_ =	swait.ge @!p1 [sflag:s2], $0x2780  }
0xa6: {  	[sflag:s2] =	ssyncset.done @!p1 $0x0  }
0xa7: {  	[sflag:s2] =	ssyncadd.s32 @!p1 $0xFFFFD880  }
.LBB2_8:
0xa8: {  	s5 =	sadd.s32 $0x1, s5  }
0xa9: {  	p2 =	sne.s32 s5, s13  }
.Ltmp1:
0xaa: {  	_ = 	snop;
	(pc) =	sbr.rel @!p2 .LBB2_9-.Ltmp1, $1  }
0xab: {  	_ =	sdelay $0x3  }
.LBB2_1:
.Ltmp2:
0xac: {  	(pc) =	sbr.rel @!p0 .LBB2_2-.Ltmp2, $4  }
0xad: {  	s6 =	sld [smem:$0x7F9]  }
0xae: {  	s2 =	stileid.u32  }
0xaf: {  	s2 =	sshll.u32 @!p1 s2, $0x6  }
0xb0: {  	s11 =	sshrl.u32 @p1 s14, $0x3;
	s8 =	sor.u32 @!p1 $0x1C09, s2;
	s7 =	sshrl.u32 @!p1 s6, $0x3  }
0xb1: {  	s2 =	rddreg [dreg:$0x14]  }
0xb2: {  	[tilespmem:s4], [sflag:$0x1] =	stream.linear.gather [hbm4b:s2+s4], $0x80, $0x38;
	[tilespmem:$0x1BF00] =	vst v63  }
0xb3: {  	s6 =	rddreg [dreg:$0x15]  }
0xb4: {  	[tilespmem:s15], [sflag:$0x4] =	stream.linear.gather [hbm4b:s6+s4], $0x80, $0x38;
	[tilespmem:$0x1BF00] =	vst v63  }
0xb5: {  	s12 =	rddreg [dreg:$0x16]  }
0xb6: {  	[tilespmem:s16], [sflag:$0x2] =	stream.linear.gather [hbm4b:s12+s4], $0x80, $0x38;
	[tilespmem:$0x1BF00] =	vst v63  }
0xb7: {  	s2 =	simm.s32 @p1 $0x1FC9;
	s6 =	rddreg [dreg:$0x17]  }
0xb8: {  	[tilespmem:s17], [sflag:$0x5] =	stream.linear.gather [hbm4b:s6+s4], $0x80, $0x38;
	[tilespmem:$0x1BF00] =	vst v63  }
0xb9: {  	[spmem:s11], [sflag:s2] =	dma.local @p1 [hbm:s10], $0x2080  }
0xba: {  	s2 =	simm.s32 @p1 $0x9  }
0xbb: {  	_ =	swait.ge @p1 [sflag:s2], $0x2080  }
0xbc: {  	[sflag:s2] =	ssyncset.done @p1 $0x0  }
0xbd: {  	[sflag:s2] =	ssyncadd.s32 @p1 $0xFFFFDF80;
	s2 =	simm.s32 @!p1 $0x9  }
0xbe: {  	[spmem:s7], [sflag:s8] =	dma.local @!p1 [hbm:s10], $0x2780  }
0xbf: {  	_ =	swait.ge @!p1 [sflag:s2], $0x2780  }
0xc0: {  	[sflag:s2] =	ssyncset.done @!p1 $0x0  }
0xc1: {  	[sflag:s2] =	ssyncadd.s32 @!p1 $0xFFFFD880  }
0xc2: {  	_ =	swait.ge [sflag:s18], $0x80  }
0xc3: {  	[sflag:s18] =	ssyncset.done $0x0  }
0xc4: {  	[sflag:s18] =	ssyncadd.s32 $0xFFFFFF80  }
0xc5: {  	_ =	swait.ge [sflag:s19], $0x80  }
0xc6: {  	[sflag:s19] =	ssyncset.done $0x0  }
0xc7: {  	s12 =	simm.s32 $0x0;
	[sflag:s19] =	ssyncadd.s32 $0xFFFFFF80  }
0xc8: {  	[tilespmem:s20], [sflag:$0x7] =	stream.indirect.gather [hbm4b:s9+s16], $0x80, s12, s16, $0xb8;
	[tilespmem:$0x1BF00] =	vst v63  }
0xc9: {  	[bflag:$0x0] =	sbarrier.arrive $0xFFFF  }
0xca: {  	s6 =	rddreg [dreg:$0x5]  }
0xcb: {  	s2 =	sadd.s32 $0x0, s6  }
0xcc: {  	s6 =	sadd.s32 $0x9C60, s2  }
0xcd: {  	[tilespmem:s21], [sflag:$0x3] =	stream.linear.gather [hbm4b:s6+s4], $0x80, $0x38;
	[tilespmem:$0x1BF00] =	vst v63  }
0xce: {  	s12 =	sadd.s32 $0x20, s2  }
0xcf: {  	[tilespmem:s22], [sflag:$0x6] =	stream.linear.gather [hbm4b:s12+s4], $0x80, $0x38;
	[tilespmem:$0x1BF00] =	vst v63  }
0xd0: {  	_ =	swait.ge [sflag:s23], $0x80  }
0xd1: {  	[sflag:s23] =	ssyncset.done $0x0  }
0xd2: {  	[sflag:s23] =	ssyncadd.s32 $0xFFFFFF80  }
0xd3: {  	_ =	swait.ge [sflag:s24], $0x80  }
0xd4: {  	[sflag:s24] =	ssyncset.done $0x0  }
0xd5: {  	[sflag:s24] =	ssyncadd.s32 $0xFFFFFF80  }
0xd6: {  	[tilespmem:s25], [sflag:$0x8] =	stream.indirect.gather [hbm4b:s9+s16], $0x80, s16, s16, $0xb8;
	[tilespmem:$0x1BF00] =	vst v63  }
0xd7: {  	_ =	swait.ge [sflag:s26], $0x4000  }
0xd8: {  	[sflag:s26] =	ssyncset.done $0x0  }
0xd9: {  	[sflag:s26] =	ssyncadd.s32 $0xFFFFC000  }
0xda: {  	[spmem:s3] =	stream.indirect.scatter.add.f32 [tilespmem:s20], [sflag:$0x9], $0x80, s15, s16, $0xb8;
	[tilespmem:$0x1BF00] =	vst v63  }
0xdb: {  	_ =	swait.ge [sflag:s28], $0x4000  }
0xdc: {  	[sflag:s28] =	ssyncset.done $0x0  }
0xdd: {  	s12 =	sadd.s32 $0x9C70, s2;
	[sflag:s28] =	ssyncadd.s32 $0xFFFFC000  }
0xde: {  	[tilespmem:s4], [sflag:$0x1] =	stream.linear.gather [hbm4b:s12+s4], $0x80, $0x38;
	[tilespmem:$0x1BF00] =	vst v63  }
0xdf: {  	s12 =	sadd.s32 $0x30, s2  }
0xe0: {  	[tilespmem:s15], [sflag:$0x4] =	stream.linear.gather [hbm4b:s12+s4], $0x80, $0x38;
	[tilespmem:$0x1BF00] =	vst v63  }
0xe1: {  	_ =	swait.ge [sflag:s29], $0x80  }
0xe2: {  	[sflag:s29] =	ssyncset.done $0x0  }
0xe3: {  	[sflag:s29] =	ssyncadd.s32 $0xFFFFFF80  }
0xe4: {  	_ =	swait.ge [sflag:s30], $0x80  }
0xe5: {  	[sflag:s30] =	ssyncset.done $0x0  }
0xe6: {  	[sflag:s30] =	ssyncadd.s32 $0xFFFFFF80  }
0xe7: {  	[tilespmem:s20], [sflag:$0x7] =	stream.indirect.gather [hbm4b:s9+s16], $0x80, s21, s16, $0xb8;
	[tilespmem:$0x1BF00] =	vst v63  }
0xe8: {  	_ =	swait.ge [sflag:s31], $0x4000  }
0xe9: {  	[sflag:s31] =	ssyncset.done $0x0  }
0xea: {  	[sflag:s31] =	ssyncadd.s32 $0xFFFFC000  }
0xeb: {  	[spmem:s3] =	stream.indirect.scatter.add.f32 [tilespmem:s25], [sflag:$0x9], $0x80, s17, s16, $0xb8;
	[tilespmem:$0x1BF00] =	vst v63  }
0xec: {  	_ =	swait.ge [sflag:s28], $0x4000  }
0xed: {  	[sflag:s28] =	ssyncset.done $0x0  }
0xee: {  	s12 =	sadd.s32 $0x9C80, s2;
	[sflag:s28] =	ssyncadd.s32 $0xFFFFC000  }
0xef: {  	[tilespmem:s16], [sflag:$0x2] =	stream.linear.gather [hbm4b:s12+s4], $0x80, $0x38;
	[tilespmem:$0x1BF00] =	vst v63  }
0xf0: {  	s12 =	sadd.s32 $0x40, s2  }
0xf1: {  	[tilespmem:s17], [sflag:$0x5] =	stream.linear.gather [hbm4b:s12+s4], $0x80, $0x38;
	[tilespmem:$0x1BF00] =	vst v63  }
0xf2: {  	_ =	swait.ge [sflag:s18], $0x80  }
0xf3: {  	[sflag:s18] =	ssyncset.done $0x0  }
0xf4: {  	[sflag:s18] =	ssyncadd.s32 $0xFFFFFF80  }
0xf5: {  	_ =	swait.ge [sflag:s19], $0x80  }
0xf6: {  	[sflag:s19] =	ssyncset.done $0x0  }
0xf7: {  	[sflag:s19] =	ssyncadd.s32 $0xFFFFFF80  }
0xf8: {  	[tilespmem:s25], [sflag:$0x8] =	stream.indirect.gather [hbm4b:s9+s16], $0x80, s4, s16, $0xb8;
	[tilespmem:$0x1BF00] =	vst v63  }
0xf9: {  	_ =	swait.ge [sflag:s26], $0x4000  }
0xfa: {  	[sflag:s26] =	ssyncset.done $0x0  }
0xfb: {  	[sflag:s26] =	ssyncadd.s32 $0xFFFFC000  }
0xfc: {  	[spmem:s3] =	stream.indirect.scatter.add.f32 [tilespmem:s20], [sflag:$0x9], $0x80, s22, s16, $0xb8;
	[tilespmem:$0x1BF00] =	vst v63  }
0xfd: {  	_ =	swait.ge [sflag:s28], $0x4000  }
0xfe: {  	[sflag:s28] =	ssyncset.done $0x0  }
0xff: {  	s12 =	sadd.s32 $0x9C90, s2;
	[sflag:s28] =	ssyncadd.s32 $0xFFFFC000  }
0x100: {  	[tilespmem:s21], [sflag:$0x3] =	stream.linear.gather [hbm4b:s12+s4], $0x80, $0x38;
	[tilespmem:$0x1BF00] =	vst v63  }
0x101: {  	s12 =	sadd.s32 $0x50, s2  }
0x102: {  	[tilespmem:s22], [sflag:$0x6] =	stream.linear.gather [hbm4b:s12+s4], $0x80, $0x38;
	[tilespmem:$0x1BF00] =	vst v63  }
0x103: {  	_ =	swait.ge [sflag:s23], $0x80  }
0x104: {  	[sflag:s23] =	ssyncset.done $0x0  }
0x105: {  	[sflag:s23] =	ssyncadd.s32 $0xFFFFFF80  }
0x106: {  	_ =	swait.ge [sflag:s24], $0x80  }
0x107: {  	[sflag:s24] =	ssyncset.done $0x0  }
0x108: {  	[sflag:s24] =	ssyncadd.s32 $0xFFFFFF80  }
0x109: {  	[tilespmem:s20], [sflag:$0x7] =	stream.indirect.gather [hbm4b:s9+s16], $0x80, s16, s16, $0xb8;
	[tilespmem:$0x1BF00] =	vst v63  }
0x10a: {  	_ =	swait.ge [sflag:s31], $0x4000  }
0x10b: {  	[sflag:s31] =	ssyncset.done $0x0  }
0x10c: {  	[sflag:s31] =	ssyncadd.s32 $0xFFFFC000  }
0x10d: {  	[spmem:s3] =	stream.indirect.scatter.add.f32 [tilespmem:s25], [sflag:$0x9], $0x80, s15, s16, $0xb8;
	[tilespmem:$0x1BF00] =	vst v63  }
0x10e: {  	_ =	swait.ge [sflag:s28], $0x4000  }
0x10f: {  	[sflag:s28] =	ssyncset.done $0x0  }
0x110: {  	s12 =	sadd.s32 $0x9CA0, s2;
	[sflag:s28] =	ssyncadd.s32 $0xFFFFC000  }
0x111: {  	[tilespmem:s4], [sflag:$0x1] =	stream.linear.gather [hbm4b:s12+s4], $0x80, $0x38;
	[tilespmem:$0x1BF00] =	vst v63  }
0x112: {  	s12 =	sadd.s32 $0x60, s2  }
0x113: {  	[tilespmem:s15], [sflag:$0x4] =	stream.linear.gather [hbm4b:s12+s4], $0x80, $0x38;
	[tilespmem:$0x1BF00] =	vst v63  }
0x114: {  	_ =	swait.ge [sflag:s29], $0x80  }
0x115: {  	[sflag:s29] =	ssyncset.done $0x0  }
0x116: {  	[sflag:s29] =	ssyncadd.s32 $0xFFFFFF80  }
0x117: {  	_ =	swait.ge [sflag:s30], $0x80  }
0x118: {  	[sflag:s30] =	ssyncset.done $0x0  }
0x119: {  	[sflag:s30] =	ssyncadd.s32 $0xFFFFFF80  }
0x11a: {  	[tilespmem:s25], [sflag:$0x8] =	stream.indirect.gather [hbm4b:s9+s16], $0x80, s21, s16, $0xb8;
	[tilespmem:$0x1BF00] =	vst v63  }
0x11b: {  	_ =	swait.ge [sflag:s26], $0x4000  }
0x11c: {  	[sflag:s26] =	ssyncset.done $0x0  }
0x11d: {  	[sflag:s26] =	ssyncadd.s32 $0xFFFFC000  }
0x11e: {  	[spmem:s3] =	stream.indirect.scatter.add.f32 [tilespmem:s20], [sflag:$0x9], $0x80, s17, s16, $0xb8;
	[tilespmem:$0x1BF00] =	vst v63  }
0x11f: {  	_ =	swait.ge [sflag:s28], $0x4000  }
0x120: {  	[sflag:s28] =	ssyncset.done $0x0  }
0x121: {  	s12 =	sadd.s32 $0x9CB0, s2;
	[sflag:s28] =	ssyncadd.s32 $0xFFFFC000  }
0x122: {  	[tilespmem:s16], [sflag:$0x2] =	stream.linear.gather [hbm4b:s12+s4], $0x80, $0x38;
	[tilespmem:$0x1BF00] =	vst v63  }
0x123: {  	s2 =	sadd.s32 $0x70, s2  }
0x124: {  	[tilespmem:s17], [sflag:$0x5] =	stream.linear.gather [hbm4b:s2+s4], $0x80, $0x38;
	[tilespmem:$0x1BF00] =	vst v63  }
0x125: {  	_ =	swait.ge [sflag:s18], $0x80  }
0x126: {  	[sflag:s18] =	ssyncset.done $0x0  }
0x127: {  	[sflag:s18] =	ssyncadd.s32 $0xFFFFFF80  }
0x128: {  	_ =	swait.ge [sflag:s19], $0x80  }
0x129: {  	[sflag:s19] =	ssyncset.done $0x0  }
0x12a: {  	[sflag:s19] =	ssyncadd.s32 $0xFFFFFF80  }
0x12b: {  	[tilespmem:s20], [sflag:$0x7] =	stream.indirect.gather [hbm4b:s9+s16], $0x80, s4, s16, $0xb8;
	[tilespmem:$0x1BF00] =	vst v63  }
0x12c: {  	_ =	swait.ge [sflag:s31], $0x4000  }
0x12d: {  	[sflag:s31] =	ssyncset.done $0x0  }
0x12e: {  	[sflag:s31] =	ssyncadd.s32 $0xFFFFC000  }
0x12f: {  	[spmem:s3] =	stream.indirect.scatter.add.f32 [tilespmem:s25], [sflag:$0x9], $0x80, s22, s16, $0xb8;
	[tilespmem:$0x1BF00] =	vst v63  }
0x130: {  	s12 =	simm.s32 $0x60;
	_ =	swait.ge [sflag:s28], $0x4000  }
.LBB2_6:
0x131: {  	s2 =	rddreg [dreg:$0x5];
	s6 =	smov.u32 s12  }
0x132: {  	[sflag:s28] =	ssyncset.done $0x0;
	s2 =	sadd.s32 s6, s2  }
0x133: {  	[sflag:s28] =	ssyncadd.s32 $0xFFFFC000;
	s6 =	sadd.s32 $0x9C60, s2  }
0x134: {  	[tilespmem:s21], [sflag:$0x3] =	stream.linear.gather [hbm4b:s6+s4], $0x80, $0x38;
	[tilespmem:$0x1BF00] =	vst v63  }
0x135: {  	s6 =	sadd.s32 $0x20, s2  }
0x136: {  	[tilespmem:s22], [sflag:$0x6] =	stream.linear.gather [hbm4b:s6+s4], $0x80, $0x38;
	[tilespmem:$0x1BF00] =	vst v63  }
0x137: {  	_ =	swait.ge [sflag:s23], $0x80  }
0x138: {  	[sflag:s23] =	ssyncset.done $0x0  }
0x139: {  	[sflag:s23] =	ssyncadd.s32 $0xFFFFFF80  }
0x13a: {  	_ =	swait.ge [sflag:s24], $0x80  }
0x13b: {  	[sflag:s24] =	ssyncset.done $0x0  }
0x13c: {  	[sflag:s24] =	ssyncadd.s32 $0xFFFFFF80  }
0x13d: {  	[tilespmem:s25], [sflag:$0x8] =	stream.indirect.gather [hbm4b:s9+s16], $0x80, s16, s16, $0xb8;
	[tilespmem:$0x1BF00] =	vst v63  }
0x13e: {  	_ =	swait.ge [sflag:s26], $0x4000  }
0x13f: {  	[sflag:s26] =	ssyncset.done $0x0  }
0x140: {  	[sflag:s26] =	ssyncadd.s32 $0xFFFFC000  }
0x141: {  	[spmem:s3] =	stream.indirect.scatter.add.f32 [tilespmem:s20], [sflag:$0x9], $0x80, s15, s16, $0xb8;
	[tilespmem:$0x1BF00] =	vst v63  }
0x142: {  	_ =	swait.ge [sflag:s28], $0x4000  }
0x143: {  	[sflag:s28] =	ssyncset.done $0x0  }
0x144: {  	s6 =	sadd.s32 $0x9C70, s2;
	[sflag:s28] =	ssyncadd.s32 $0xFFFFC000  }
0x145: {  	[tilespmem:s4], [sflag:$0x1] =	stream.linear.gather [hbm4b:s6+s4], $0x80, $0x38;
	[tilespmem:$0x1BF00] =	vst v63  }
0x146: {  	s6 =	sadd.s32 $0x30, s2  }
0x147: {  	[tilespmem:s15], [sflag:$0x4] =	stream.linear.gather [hbm4b:s6+s4], $0x80, $0x38;
	[tilespmem:$0x1BF00] =	vst v63  }
0x148: {  	_ =	swait.ge [sflag:s29], $0x80  }
0x149: {  	[sflag:s29] =	ssyncset.done $0x0  }
0x14a: {  	[sflag:s29] =	ssyncadd.s32 $0xFFFFFF80  }
0x14b: {  	_ =	swait.ge [sflag:s30], $0x80  }
0x14c: {  	[sflag:s30] =	ssyncset.done $0x0  }
0x14d: {  	[sflag:s30] =	ssyncadd.s32 $0xFFFFFF80  }
0x14e: {  	[tilespmem:s20], [sflag:$0x7] =	stream.indirect.gather [hbm4b:s9+s16], $0x80, s21, s16, $0xb8;
	[tilespmem:$0x1BF00] =	vst v63  }
0x14f: {  	_ =	swait.ge [sflag:s31], $0x4000  }
0x150: {  	[sflag:s31] =	ssyncset.done $0x0  }
0x151: {  	[sflag:s31] =	ssyncadd.s32 $0xFFFFC000  }
0x152: {  	[spmem:s3] =	stream.indirect.scatter.add.f32 [tilespmem:s25], [sflag:$0x9], $0x80, s17, s16, $0xb8;
	[tilespmem:$0x1BF00] =	vst v63  }
0x153: {  	_ =	swait.ge [sflag:s28], $0x4000  }
0x154: {  	[sflag:s28] =	ssyncset.done $0x0  }
0x155: {  	s6 =	sadd.s32 $0x9C80, s2;
	[sflag:s28] =	ssyncadd.s32 $0xFFFFC000  }
0x156: {  	[tilespmem:s16], [sflag:$0x2] =	stream.linear.gather [hbm4b:s6+s4], $0x80, $0x38;
	[tilespmem:$0x1BF00] =	vst v63  }
0x157: {  	s6 =	sadd.s32 $0x40, s2  }
0x158: {  	[tilespmem:s17], [sflag:$0x5] =	stream.linear.gather [hbm4b:s6+s4], $0x80, $0x38;
	[tilespmem:$0x1BF00] =	vst v63  }
0x159: {  	_ =	swait.ge [sflag:s18], $0x80  }
0x15a: {  	[sflag:s18] =	ssyncset.done $0x0  }
0x15b: {  	[sflag:s18] =	ssyncadd.s32 $0xFFFFFF80  }
0x15c: {  	_ =	swait.ge [sflag:s19], $0x80  }
0x15d: {  	[sflag:s19] =	ssyncset.done $0x0  }
0x15e: {  	[sflag:s19] =	ssyncadd.s32 $0xFFFFFF80  }
0x15f: {  	[tilespmem:s25], [sflag:$0x8] =	stream.indirect.gather [hbm4b:s9+s16], $0x80, s4, s16, $0xb8;
	[tilespmem:$0x1BF00] =	vst v63  }
0x160: {  	_ =	swait.ge [sflag:s26], $0x4000  }
0x161: {  	[sflag:s26] =	ssyncset.done $0x0  }
0x162: {  	[sflag:s26] =	ssyncadd.s32 $0xFFFFC000  }
0x163: {  	[spmem:s3] =	stream.indirect.scatter.add.f32 [tilespmem:s20], [sflag:$0x9], $0x80, s22, s16, $0xb8;
	[tilespmem:$0x1BF00] =	vst v63  }
0x164: {  	_ =	swait.ge [sflag:s28], $0x4000  }
0x165: {  	[sflag:s28] =	ssyncset.done $0x0  }
0x166: {  	s6 =	sadd.s32 $0x9C90, s2;
	[sflag:s28] =	ssyncadd.s32 $0xFFFFC000  }
0x167: {  	[tilespmem:s21], [sflag:$0x3] =	stream.linear.gather [hbm4b:s6+s4], $0x80, $0x38;
	[tilespmem:$0x1BF00] =	vst v63  }
0x168: {  	s6 =	sadd.s32 $0x50, s2  }
0x169: {  	[tilespmem:s22], [sflag:$0x6] =	stream.linear.gather [hbm4b:s6+s4], $0x80, $0x38;
	[tilespmem:$0x1BF00] =	vst v63  }
0x16a: {  	_ =	swait.ge [sflag:s23], $0x80  }
0x16b: {  	[sflag:s23] =	ssyncset.done $0x0  }
0x16c: {  	[sflag:s23] =	ssyncadd.s32 $0xFFFFFF80  }
0x16d: {  	_ =	swait.ge [sflag:s24], $0x80  }
0x16e: {  	[sflag:s24] =	ssyncset.done $0x0  }
0x16f: {  	[sflag:s24] =	ssyncadd.s32 $0xFFFFFF80  }
0x170: {  	[tilespmem:s20], [sflag:$0x7] =	stream.indirect.gather [hbm4b:s9+s16], $0x80, s16, s16, $0xb8;
	[tilespmem:$0x1BF00] =	vst v63  }
0x171: {  	_ =	swait.ge [sflag:s31], $0x4000  }
0x172: {  	[sflag:s31] =	ssyncset.done $0x0  }
0x173: {  	[sflag:s31] =	ssyncadd.s32 $0xFFFFC000  }
0x174: {  	[spmem:s3] =	stream.indirect.scatter.add.f32 [tilespmem:s25], [sflag:$0x9], $0x80, s15, s16, $0xb8;
	[tilespmem:$0x1BF00] =	vst v63  }
0x175: {  	_ =	swait.ge [sflag:s28], $0x4000  }
0x176: {  	[sflag:s28] =	ssyncset.done $0x0  }
0x177: {  	s6 =	sadd.s32 $0x9CA0, s2;
	[sflag:s28] =	ssyncadd.s32 $0xFFFFC000  }
0x178: {  	[tilespmem:s4], [sflag:$0x1] =	stream.linear.gather [hbm4b:s6+s4], $0x80, $0x38;
	[tilespmem:$0x1BF00] =	vst v63  }
0x179: {  	s6 =	sadd.s32 $0x60, s2  }
0x17a: {  	[tilespmem:s15], [sflag:$0x4] =	stream.linear.gather [hbm4b:s6+s4], $0x80, $0x38;
	[tilespmem:$0x1BF00] =	vst v63  }
0x17b: {  	_ =	swait.ge [sflag:s29], $0x80  }
0x17c: {  	[sflag:s29] =	ssyncset.done $0x0  }
0x17d: {  	[sflag:s29] =	ssyncadd.s32 $0xFFFFFF80  }
0x17e: {  	_ =	swait.ge [sflag:s30], $0x80  }
0x17f: {  	[sflag:s30] =	ssyncset.done $0x0  }
0x180: {  	[sflag:s30] =	ssyncadd.s32 $0xFFFFFF80  }
0x181: {  	[tilespmem:s25], [sflag:$0x8] =	stream.indirect.gather [hbm4b:s9+s16], $0x80, s21, s16, $0xb8;
	[tilespmem:$0x1BF00] =	vst v63  }
0x182: {  	_ =	swait.ge [sflag:s26], $0x4000  }
0x183: {  	[sflag:s26] =	ssyncset.done $0x0  }
0x184: {  	[sflag:s26] =	ssyncadd.s32 $0xFFFFC000  }
0x185: {  	[spmem:s3] =	stream.indirect.scatter.add.f32 [tilespmem:s20], [sflag:$0x9], $0x80, s17, s16, $0xb8;
	[tilespmem:$0x1BF00] =	vst v63  }
0x186: {  	_ =	swait.ge [sflag:s28], $0x4000  }
0x187: {  	[sflag:s28] =	ssyncset.done $0x0  }
0x188: {  	s6 =	sadd.s32 $0x9CB0, s2;
	[sflag:s28] =	ssyncadd.s32 $0xFFFFC000  }
0x189: {  	[tilespmem:s16], [sflag:$0x2] =	stream.linear.gather [hbm4b:s6+s4], $0x80, $0x38;
	[tilespmem:$0x1BF00] =	vst v63  }
0x18a: {  	s2 =	sadd.s32 $0x70, s2  }
0x18b: {  	[tilespmem:s17], [sflag:$0x5] =	stream.linear.gather [hbm4b:s2+s4], $0x80, $0x38;
	[tilespmem:$0x1BF00] =	vst v63  }
0x18c: {  	_ =	swait.ge [sflag:s18], $0x80  }
0x18d: {  	[sflag:s18] =	ssyncset.done $0x0  }
0x18e: {  	[sflag:s18] =	ssyncadd.s32 $0xFFFFFF80  }
0x18f: {  	_ =	swait.ge [sflag:s19], $0x80  }
0x190: {  	[sflag:s19] =	ssyncset.done $0x0  }
0x191: {  	p2 =	sne.s32 s12, $0x900;
	[sflag:s19] =	ssyncadd.s32 $0xFFFFFF80  }
0x192: {  	[tilespmem:s20], [sflag:$0x7] =	stream.indirect.gather [hbm4b:s9+s16], $0x80, s4, s16, $0xb8;
	[tilespmem:$0x1BF00] =	vst v63  }
.Ltmp3:
0x193: {  	_ =	swait.ge [sflag:s31], $0x4000;
	(pc) =	sbr.rel @p2 .LBB2_6-.Ltmp3, $4  }
0x194: {  	[sflag:s31] =	ssyncset.done $0x0  }
0x195: {  	[sflag:s31] =	ssyncadd.s32 $0xFFFFC000  }
0x196: {  	[spmem:s3] =	stream.indirect.scatter.add.f32 [tilespmem:s25], [sflag:$0x9], $0x80, s22, s16, $0xb8;
	[tilespmem:$0x1BF00] =	vst v63  }
0x197: {  	s12 =	sadd.s32 $0x60, s12;
	_ =	swait.ge [sflag:s28], $0x4000  }
.Ltmp4:
0x198: {  	_ = 	snop;
	(pc) =	sbr.rel .LBB2_7-.Ltmp4, $1  }
0x199: {  	_ =	sdelay $0x3  }
.LBB2_2:
0x19a: {  	s2 =	rddreg [dreg:$0x6]  }
0x19b: {  	[tilespmem:s4], [sflag:$0x1] =	stream.linear.gather [hbm4b:s2+s4], $0x80, $0x38;
	[tilespmem:$0x1BF00] =	vst v63  }
0x19c: {  	s12 =	rddreg [dreg:$0x7]  }
0x19d: {  	[tilespmem:s15], [sflag:$0x4] =	stream.linear.gather [hbm4b:s12+s4], $0x80, $0x38;
	[tilespmem:$0x1BF00] =	vst v63  }
0x19e: {  	s6 =	rddreg [dreg:$0x8]  }
0x19f: {  	[tilespmem:s16], [sflag:$0x2] =	stream.linear.gather [hbm4b:s6+s4], $0x80, $0x38;
	[tilespmem:$0x1BF00] =	vst v63  }
0x1a0: {  	s2 =	simm.s32 @p1 $0x1FC9;
	s12 =	rddreg [dreg:$0x9]  }
0x1a1: {  	[tilespmem:s17], [sflag:$0x5] =	stream.linear.gather [hbm4b:s12+s4], $0x80, $0x38;
	[tilespmem:$0x1BF00] =	vst v63  }
0x1a2: {  	[spmem:s11], [sflag:s2] =	dma.local @p1 [hbm:s10], $0x2080  }
0x1a3: {  	s2 =	simm.s32 @p1 $0x9  }
0x1a4: {  	_ =	swait.ge @p1 [sflag:s2], $0x2080  }
0x1a5: {  	[sflag:s2] =	ssyncset.done @p1 $0x0  }
0x1a6: {  	[sflag:s2] =	ssyncadd.s32 @p1 $0xFFFFDF80;
	s2 =	simm.s32 @!p1 $0x9  }
0x1a7: {  	[spmem:s7], [sflag:s8] =	dma.local @!p1 [hbm:s10], $0x2780  }
0x1a8: {  	_ =	swait.ge @!p1 [sflag:s2], $0x2780  }
0x1a9: {  	[sflag:s2] =	ssyncset.done @!p1 $0x0  }
0x1aa: {  	[sflag:s2] =	ssyncadd.s32 @!p1 $0xFFFFD880  }
0x1ab: {  	_ =	swait.ge [sflag:s18], $0x80  }
0x1ac: {  	[sflag:s18] =	ssyncset.done $0x0  }
0x1ad: {  	[sflag:s18] =	ssyncadd.s32 $0xFFFFFF80  }
0x1ae: {  	_ =	swait.ge [sflag:s19], $0x80  }
0x1af: {  	[sflag:s19] =	ssyncset.done $0x0  }
0x1b0: {  	s6 =	simm.s32 $0x0;
	[sflag:s19] =	ssyncadd.s32 $0xFFFFFF80  }
0x1b1: {  	[tilespmem:s20], [sflag:$0x7] =	stream.indirect.gather [hbm4b:s1+s16], $0x80, s6, s16, $0xb8;
	[tilespmem:$0x1BF00] =	vst v63  }
0x1b2: {  	[bflag:$0x0] =	sbarrier.arrive $0xFFFF  }
0x1b3: {  	s12 =	rddreg [dreg:$0x4]  }
0x1b4: {  	s2 =	sadd.s32 $0x0, s12  }
0x1b5: {  	s12 =	sadd.s32 $0x9C60, s2  }
0x1b6: {  	[tilespmem:s21], [sflag:$0x3] =	stream.linear.gather [hbm4b:s12+s4], $0x80, $0x38;
	[tilespmem:$0x1BF00] =	vst v63  }
0x1b7: {  	s6 =	sadd.s32 $0x20, s2  }
0x1b8: {  	[tilespmem:s22], [sflag:$0x6] =	stream.linear.gather [hbm4b:s6+s4], $0x80, $0x38;
	[tilespmem:$0x1BF00] =	vst v63  }
0x1b9: {  	_ =	swait.ge [sflag:s23], $0x80  }
0x1ba: {  	[sflag:s23] =	ssyncset.done $0x0  }
0x1bb: {  	[sflag:s23] =	ssyncadd.s32 $0xFFFFFF80  }
0x1bc: {  	_ =	swait.ge [sflag:s24], $0x80  }
0x1bd: {  	[sflag:s24] =	ssyncset.done $0x0  }
0x1be: {  	[sflag:s24] =	ssyncadd.s32 $0xFFFFFF80  }
0x1bf: {  	[tilespmem:s25], [sflag:$0x8] =	stream.indirect.gather [hbm4b:s1+s16], $0x80, s16, s16, $0xb8;
	[tilespmem:$0x1BF00] =	vst v63  }
0x1c0: {  	_ =	swait.ge [sflag:s26], $0x4000  }
0x1c1: {  	[sflag:s26] =	ssyncset.done $0x0  }
0x1c2: {  	[sflag:s26] =	ssyncadd.s32 $0xFFFFC000  }
0x1c3: {  	[spmem:s3] =	stream.indirect.scatter.add.f32 [tilespmem:s20], [sflag:$0x9], $0x80, s15, s16, $0xb8;
	[tilespmem:$0x1BF00] =	vst v63  }
0x1c4: {  	_ =	swait.ge [sflag:s28], $0x4000  }
0x1c5: {  	[sflag:s28] =	ssyncset.done $0x0  }
0x1c6: {  	s6 =	sadd.s32 $0x9C70, s2;
	[sflag:s28] =	ssyncadd.s32 $0xFFFFC000  }
0x1c7: {  	[tilespmem:s4], [sflag:$0x1] =	stream.linear.gather [hbm4b:s6+s4], $0x80, $0x38;
	[tilespmem:$0x1BF00] =	vst v63  }
0x1c8: {  	s6 =	sadd.s32 $0x30, s2  }
0x1c9: {  	[tilespmem:s15], [sflag:$0x4] =	stream.linear.gather [hbm4b:s6+s4], $0x80, $0x38;
	[tilespmem:$0x1BF00] =	vst v63  }
0x1ca: {  	_ =	swait.ge [sflag:s29], $0x80  }
0x1cb: {  	[sflag:s29] =	ssyncset.done $0x0  }
0x1cc: {  	[sflag:s29] =	ssyncadd.s32 $0xFFFFFF80  }
0x1cd: {  	_ =	swait.ge [sflag:s30], $0x80  }
0x1ce: {  	[sflag:s30] =	ssyncset.done $0x0  }
0x1cf: {  	[sflag:s30] =	ssyncadd.s32 $0xFFFFFF80  }
0x1d0: {  	[tilespmem:s20], [sflag:$0x7] =	stream.indirect.gather [hbm4b:s1+s16], $0x80, s21, s16, $0xb8;
	[tilespmem:$0x1BF00] =	vst v63  }
0x1d1: {  	_ =	swait.ge [sflag:s31], $0x4000  }
0x1d2: {  	[sflag:s31] =	ssyncset.done $0x0  }
0x1d3: {  	[sflag:s31] =	ssyncadd.s32 $0xFFFFC000  }
0x1d4: {  	[spmem:s3] =	stream.indirect.scatter.add.f32 [tilespmem:s25], [sflag:$0x9], $0x80, s17, s16, $0xb8;
	[tilespmem:$0x1BF00] =	vst v63  }
0x1d5: {  	_ =	swait.ge [sflag:s28], $0x4000  }
0x1d6: {  	[sflag:s28] =	ssyncset.done $0x0  }
0x1d7: {  	s6 =	sadd.s32 $0x9C80, s2;
	[sflag:s28] =	ssyncadd.s32 $0xFFFFC000  }
0x1d8: {  	[tilespmem:s16], [sflag:$0x2] =	stream.linear.gather [hbm4b:s6+s4], $0x80, $0x38;
	[tilespmem:$0x1BF00] =	vst v63  }
0x1d9: {  	s6 =	sadd.s32 $0x40, s2  }
0x1da: {  	[tilespmem:s17], [sflag:$0x5] =	stream.linear.gather [hbm4b:s6+s4], $0x80, $0x38;
	[tilespmem:$0x1BF00] =	vst v63  }
0x1db: {  	_ =	swait.ge [sflag:s18], $0x80  }
0x1dc: {  	[sflag:s18] =	ssyncset.done $0x0  }
0x1dd: {  	[sflag:s18] =	ssyncadd.s32 $0xFFFFFF80  }
0x1de: {  	_ =	swait.ge [sflag:s19], $0x80  }
0x1df: {  	[sflag:s19] =	ssyncset.done $0x0  }
0x1e0: {  	[sflag:s19] =	ssyncadd.s32 $0xFFFFFF80  }
0x1e1: {  	[tilespmem:s25], [sflag:$0x8] =	stream.indirect.gather [hbm4b:s1+s16], $0x80, s4, s16, $0xb8;
	[tilespmem:$0x1BF00] =	vst v63  }
0x1e2: {  	_ =	swait.ge [sflag:s26], $0x4000  }
0x1e3: {  	[sflag:s26] =	ssyncset.done $0x0  }
0x1e4: {  	[sflag:s26] =	ssyncadd.s32 $0xFFFFC000  }
0x1e5: {  	[spmem:s3] =	stream.indirect.scatter.add.f32 [tilespmem:s20], [sflag:$0x9], $0x80, s22, s16, $0xb8;
	[tilespmem:$0x1BF00] =	vst v63  }
0x1e6: {  	_ =	swait.ge [sflag:s28], $0x4000  }
0x1e7: {  	[sflag:s28] =	ssyncset.done $0x0  }
0x1e8: {  	s6 =	sadd.s32 $0x9C90, s2;
	[sflag:s28] =	ssyncadd.s32 $0xFFFFC000  }
0x1e9: {  	[tilespmem:s21], [sflag:$0x3] =	stream.linear.gather [hbm4b:s6+s4], $0x80, $0x38;
	[tilespmem:$0x1BF00] =	vst v63  }
0x1ea: {  	s6 =	sadd.s32 $0x50, s2  }
0x1eb: {  	[tilespmem:s22], [sflag:$0x6] =	stream.linear.gather [hbm4b:s6+s4], $0x80, $0x38;
	[tilespmem:$0x1BF00] =	vst v63  }
0x1ec: {  	_ =	swait.ge [sflag:s23], $0x80  }
0x1ed: {  	[sflag:s23] =	ssyncset.done $0x0  }
0x1ee: {  	[sflag:s23] =	ssyncadd.s32 $0xFFFFFF80  }
0x1ef: {  	_ =	swait.ge [sflag:s24], $0x80  }
0x1f0: {  	[sflag:s24] =	ssyncset.done $0x0  }
0x1f1: {  	[sflag:s24] =	ssyncadd.s32 $0xFFFFFF80  }
0x1f2: {  	[tilespmem:s20], [sflag:$0x7] =	stream.indirect.gather [hbm4b:s1+s16], $0x80, s16, s16, $0xb8;
	[tilespmem:$0x1BF00] =	vst v63  }
0x1f3: {  	_ =	swait.ge [sflag:s31], $0x4000  }
0x1f4: {  	[sflag:s31] =	ssyncset.done $0x0  }
0x1f5: {  	[sflag:s31] =	ssyncadd.s32 $0xFFFFC000  }
0x1f6: {  	[spmem:s3] =	stream.indirect.scatter.add.f32 [tilespmem:s25], [sflag:$0x9], $0x80, s15, s16, $0xb8;
	[tilespmem:$0x1BF00] =	vst v63  }
0x1f7: {  	_ =	swait.ge [sflag:s28], $0x4000  }
0x1f8: {  	[sflag:s28] =	ssyncset.done $0x0  }
0x1f9: {  	s6 =	sadd.s32 $0x9CA0, s2;
	[sflag:s28] =	ssyncadd.s32 $0xFFFFC000  }
0x1fa: {  	[tilespmem:s4], [sflag:$0x1] =	stream.linear.gather [hbm4b:s6+s4], $0x80, $0x38;
	[tilespmem:$0x1BF00] =	vst v63  }
0x1fb: {  	s6 =	sadd.s32 $0x60, s2  }
0x1fc: {  	[tilespmem:s15], [sflag:$0x4] =	stream.linear.gather [hbm4b:s6+s4], $0x80, $0x38;
	[tilespmem:$0x1BF00] =	vst v63  }
0x1fd: {  	_ =	swait.ge [sflag:s29], $0x80  }
0x1fe: {  	[sflag:s29] =	ssyncset.done $0x0  }
0x1ff: {  	[sflag:s29] =	ssyncadd.s32 $0xFFFFFF80  }
0x200: {  	_ =	swait.ge [sflag:s30], $0x80  }
0x201: {  	[sflag:s30] =	ssyncset.done $0x0  }
0x202: {  	[sflag:s30] =	ssyncadd.s32 $0xFFFFFF80  }
0x203: {  	[tilespmem:s25], [sflag:$0x8] =	stream.indirect.gather [hbm4b:s1+s16], $0x80, s21, s16, $0xb8;
	[tilespmem:$0x1BF00] =	vst v63  }
0x204: {  	_ =	swait.ge [sflag:s26], $0x4000  }
0x205: {  	[sflag:s26] =	ssyncset.done $0x0  }
0x206: {  	[sflag:s26] =	ssyncadd.s32 $0xFFFFC000  }
0x207: {  	[spmem:s3] =	stream.indirect.scatter.add.f32 [tilespmem:s20], [sflag:$0x9], $0x80, s17, s16, $0xb8;
	[tilespmem:$0x1BF00] =	vst v63  }
0x208: {  	_ =	swait.ge [sflag:s28], $0x4000  }
0x209: {  	[sflag:s28] =	ssyncset.done $0x0  }
0x20a: {  	s6 =	sadd.s32 $0x9CB0, s2;
	[sflag:s28] =	ssyncadd.s32 $0xFFFFC000  }
0x20b: {  	[tilespmem:s16], [sflag:$0x2] =	stream.linear.gather [hbm4b:s6+s4], $0x80, $0x38;
	[tilespmem:$0x1BF00] =	vst v63  }
0x20c: {  	s2 =	sadd.s32 $0x70, s2  }
0x20d: {  	[tilespmem:s17], [sflag:$0x5] =	stream.linear.gather [hbm4b:s2+s4], $0x80, $0x38;
	[tilespmem:$0x1BF00] =	vst v63  }
0x20e: {  	_ =	swait.ge [sflag:s18], $0x80  }
0x20f: {  	[sflag:s18] =	ssyncset.done $0x0  }
0x210: {  	[sflag:s18] =	ssyncadd.s32 $0xFFFFFF80  }
0x211: {  	_ =	swait.ge [sflag:s19], $0x80  }
0x212: {  	[sflag:s19] =	ssyncset.done $0x0  }
0x213: {  	[sflag:s19] =	ssyncadd.s32 $0xFFFFFF80  }
0x214: {  	[tilespmem:s20], [sflag:$0x7] =	stream.indirect.gather [hbm4b:s1+s16], $0x80, s4, s16, $0xb8;
	[tilespmem:$0x1BF00] =	vst v63  }
0x215: {  	_ =	swait.ge [sflag:s31], $0x4000  }
0x216: {  	[sflag:s31] =	ssyncset.done $0x0  }
0x217: {  	[sflag:s31] =	ssyncadd.s32 $0xFFFFC000  }
0x218: {  	[spmem:s3] =	stream.indirect.scatter.add.f32 [tilespmem:s25], [sflag:$0x9], $0x80, s22, s16, $0xb8;
	[tilespmem:$0x1BF00] =	vst v63  }
0x219: {  	s12 =	simm.s32 $0x60;
	_ =	swait.ge [sflag:s28], $0x4000  }
.LBB2_3:
0x21a: {  	s2 =	rddreg [dreg:$0x4];
	s6 =	smov.u32 s12  }
0x21b: {  	[sflag:s28] =	ssyncset.done $0x0;
	s2 =	sadd.s32 s6, s2  }
0x21c: {  	[sflag:s28] =	ssyncadd.s32 $0xFFFFC000;
	s6 =	sadd.s32 $0x9C60, s2  }
0x21d: {  	[tilespmem:s21], [sflag:$0x3] =	stream.linear.gather [hbm4b:s6+s4], $0x80, $0x38;
	[tilespmem:$0x1BF00] =	vst v63  }
0x21e: {  	s6 =	sadd.s32 $0x20, s2  }
0x21f: {  	[tilespmem:s22], [sflag:$0x6] =	stream.linear.gather [hbm4b:s6+s4], $0x80, $0x38;
	[tilespmem:$0x1BF00] =	vst v63  }
0x220: {  	_ =	swait.ge [sflag:s23], $0x80  }
0x221: {  	[sflag:s23] =	ssyncset.done $0x0  }
0x222: {  	[sflag:s23] =	ssyncadd.s32 $0xFFFFFF80  }
0x223: {  	_ =	swait.ge [sflag:s24], $0x80  }
0x224: {  	[sflag:s24] =	ssyncset.done $0x0  }
0x225: {  	[sflag:s24] =	ssyncadd.s32 $0xFFFFFF80  }
0x226: {  	[tilespmem:s25], [sflag:$0x8] =	stream.indirect.gather [hbm4b:s1+s16], $0x80, s16, s16, $0xb8;
	[tilespmem:$0x1BF00] =	vst v63  }
0x227: {  	_ =	swait.ge [sflag:s26], $0x4000  }
0x228: {  	[sflag:s26] =	ssyncset.done $0x0  }
0x229: {  	[sflag:s26] =	ssyncadd.s32 $0xFFFFC000  }
0x22a: {  	[spmem:s3] =	stream.indirect.scatter.add.f32 [tilespmem:s20], [sflag:$0x9], $0x80, s15, s16, $0xb8;
	[tilespmem:$0x1BF00] =	vst v63  }
0x22b: {  	_ =	swait.ge [sflag:s28], $0x4000  }
0x22c: {  	[sflag:s28] =	ssyncset.done $0x0  }
0x22d: {  	s6 =	sadd.s32 $0x9C70, s2;
	[sflag:s28] =	ssyncadd.s32 $0xFFFFC000  }
0x22e: {  	[tilespmem:s4], [sflag:$0x1] =	stream.linear.gather [hbm4b:s6+s4], $0x80, $0x38;
	[tilespmem:$0x1BF00] =	vst v63  }
0x22f: {  	s6 =	sadd.s32 $0x30, s2  }
0x230: {  	[tilespmem:s15], [sflag:$0x4] =	stream.linear.gather [hbm4b:s6+s4], $0x80, $0x38;
	[tilespmem:$0x1BF00] =	vst v63  }
0x231: {  	_ =	swait.ge [sflag:s29], $0x80  }
0x232: {  	[sflag:s29] =	ssyncset.done $0x0  }
0x233: {  	[sflag:s29] =	ssyncadd.s32 $0xFFFFFF80  }
0x234: {  	_ =	swait.ge [sflag:s30], $0x80  }
0x235: {  	[sflag:s30] =	ssyncset.done $0x0  }
0x236: {  	[sflag:s30] =	ssyncadd.s32 $0xFFFFFF80  }
0x237: {  	[tilespmem:s20], [sflag:$0x7] =	stream.indirect.gather [hbm4b:s1+s16], $0x80, s21, s16, $0xb8;
	[tilespmem:$0x1BF00] =	vst v63  }
0x238: {  	_ =	swait.ge [sflag:s31], $0x4000  }
0x239: {  	[sflag:s31] =	ssyncset.done $0x0  }
0x23a: {  	[sflag:s31] =	ssyncadd.s32 $0xFFFFC000  }
0x23b: {  	[spmem:s3] =	stream.indirect.scatter.add.f32 [tilespmem:s25], [sflag:$0x9], $0x80, s17, s16, $0xb8;
	[tilespmem:$0x1BF00] =	vst v63  }
0x23c: {  	_ =	swait.ge [sflag:s28], $0x4000  }
0x23d: {  	[sflag:s28] =	ssyncset.done $0x0  }
0x23e: {  	s6 =	sadd.s32 $0x9C80, s2;
	[sflag:s28] =	ssyncadd.s32 $0xFFFFC000  }
0x23f: {  	[tilespmem:s16], [sflag:$0x2] =	stream.linear.gather [hbm4b:s6+s4], $0x80, $0x38;
	[tilespmem:$0x1BF00] =	vst v63  }
0x240: {  	s6 =	sadd.s32 $0x40, s2  }
0x241: {  	[tilespmem:s17], [sflag:$0x5] =	stream.linear.gather [hbm4b:s6+s4], $0x80, $0x38;
	[tilespmem:$0x1BF00] =	vst v63  }
0x242: {  	_ =	swait.ge [sflag:s18], $0x80  }
0x243: {  	[sflag:s18] =	ssyncset.done $0x0  }
0x244: {  	[sflag:s18] =	ssyncadd.s32 $0xFFFFFF80  }
0x245: {  	_ =	swait.ge [sflag:s19], $0x80  }
0x246: {  	[sflag:s19] =	ssyncset.done $0x0  }
0x247: {  	[sflag:s19] =	ssyncadd.s32 $0xFFFFFF80  }
0x248: {  	[tilespmem:s25], [sflag:$0x8] =	stream.indirect.gather [hbm4b:s1+s16], $0x80, s4, s16, $0xb8;
	[tilespmem:$0x1BF00] =	vst v63  }
0x249: {  	_ =	swait.ge [sflag:s26], $0x4000  }
0x24a: {  	[sflag:s26] =	ssyncset.done $0x0  }
0x24b: {  	[sflag:s26] =	ssyncadd.s32 $0xFFFFC000  }
0x24c: {  	[spmem:s3] =	stream.indirect.scatter.add.f32 [tilespmem:s20], [sflag:$0x9], $0x80, s22, s16, $0xb8;
	[tilespmem:$0x1BF00] =	vst v63  }
0x24d: {  	_ =	swait.ge [sflag:s28], $0x4000  }
0x24e: {  	[sflag:s28] =	ssyncset.done $0x0  }
0x24f: {  	s6 =	sadd.s32 $0x9C90, s2;
	[sflag:s28] =	ssyncadd.s32 $0xFFFFC000  }
0x250: {  	[tilespmem:s21], [sflag:$0x3] =	stream.linear.gather [hbm4b:s6+s4], $0x80, $0x38;
	[tilespmem:$0x1BF00] =	vst v63  }
0x251: {  	s6 =	sadd.s32 $0x50, s2  }
0x252: {  	[tilespmem:s22], [sflag:$0x6] =	stream.linear.gather [hbm4b:s6+s4], $0x80, $0x38;
	[tilespmem:$0x1BF00] =	vst v63  }
0x253: {  	_ =	swait.ge [sflag:s23], $0x80  }
0x254: {  	[sflag:s23] =	ssyncset.done $0x0  }
0x255: {  	[sflag:s23] =	ssyncadd.s32 $0xFFFFFF80  }
0x256: {  	_ =	swait.ge [sflag:s24], $0x80  }
0x257: {  	[sflag:s24] =	ssyncset.done $0x0  }
0x258: {  	[sflag:s24] =	ssyncadd.s32 $0xFFFFFF80  }
0x259: {  	[tilespmem:s20], [sflag:$0x7] =	stream.indirect.gather [hbm4b:s1+s16], $0x80, s16, s16, $0xb8;
	[tilespmem:$0x1BF00] =	vst v63  }
0x25a: {  	_ =	swait.ge [sflag:s31], $0x4000  }
0x25b: {  	[sflag:s31] =	ssyncset.done $0x0  }
0x25c: {  	[sflag:s31] =	ssyncadd.s32 $0xFFFFC000  }
0x25d: {  	[spmem:s3] =	stream.indirect.scatter.add.f32 [tilespmem:s25], [sflag:$0x9], $0x80, s15, s16, $0xb8;
	[tilespmem:$0x1BF00] =	vst v63  }
0x25e: {  	_ =	swait.ge [sflag:s28], $0x4000  }
0x25f: {  	[sflag:s28] =	ssyncset.done $0x0  }
0x260: {  	s6 =	sadd.s32 $0x9CA0, s2;
	[sflag:s28] =	ssyncadd.s32 $0xFFFFC000  }
0x261: {  	[tilespmem:s4], [sflag:$0x1] =	stream.linear.gather [hbm4b:s6+s4], $0x80, $0x38;
	[tilespmem:$0x1BF00] =	vst v63  }
0x262: {  	s6 =	sadd.s32 $0x60, s2  }
0x263: {  	[tilespmem:s15], [sflag:$0x4] =	stream.linear.gather [hbm4b:s6+s4], $0x80, $0x38;
	[tilespmem:$0x1BF00] =	vst v63  }
0x264: {  	_ =	swait.ge [sflag:s29], $0x80  }
0x265: {  	[sflag:s29] =	ssyncset.done $0x0  }
0x266: {  	[sflag:s29] =	ssyncadd.s32 $0xFFFFFF80  }
0x267: {  	_ =	swait.ge [sflag:s30], $0x80  }
0x268: {  	[sflag:s30] =	ssyncset.done $0x0  }
0x269: {  	[sflag:s30] =	ssyncadd.s32 $0xFFFFFF80  }
0x26a: {  	[tilespmem:s25], [sflag:$0x8] =	stream.indirect.gather [hbm4b:s1+s16], $0x80, s21, s16, $0xb8;
	[tilespmem:$0x1BF00] =	vst v63  }
0x26b: {  	_ =	swait.ge [sflag:s26], $0x4000  }
0x26c: {  	[sflag:s26] =	ssyncset.done $0x0  }
0x26d: {  	[sflag:s26] =	ssyncadd.s32 $0xFFFFC000  }
0x26e: {  	[spmem:s3] =	stream.indirect.scatter.add.f32 [tilespmem:s20], [sflag:$0x9], $0x80, s17, s16, $0xb8;
	[tilespmem:$0x1BF00] =	vst v63  }
0x26f: {  	_ =	swait.ge [sflag:s28], $0x4000  }
0x270: {  	[sflag:s28] =	ssyncset.done $0x0  }
0x271: {  	s6 =	sadd.s32 $0x9CB0, s2;
	[sflag:s28] =	ssyncadd.s32 $0xFFFFC000  }
0x272: {  	[tilespmem:s16], [sflag:$0x2] =	stream.linear.gather [hbm4b:s6+s4], $0x80, $0x38;
	[tilespmem:$0x1BF00] =	vst v63  }
0x273: {  	s2 =	sadd.s32 $0x70, s2  }
0x274: {  	[tilespmem:s17], [sflag:$0x5] =	stream.linear.gather [hbm4b:s2+s4], $0x80, $0x38;
	[tilespmem:$0x1BF00] =	vst v63  }
0x275: {  	_ =	swait.ge [sflag:s18], $0x80  }
0x276: {  	[sflag:s18] =	ssyncset.done $0x0  }
0x277: {  	[sflag:s18] =	ssyncadd.s32 $0xFFFFFF80  }
0x278: {  	_ =	swait.ge [sflag:s19], $0x80  }
0x279: {  	[sflag:s19] =	ssyncset.done $0x0  }
0x27a: {  	p2 =	sne.s32 s12, $0x900;
	[sflag:s19] =	ssyncadd.s32 $0xFFFFFF80  }
0x27b: {  	[tilespmem:s20], [sflag:$0x7] =	stream.indirect.gather [hbm4b:s1+s16], $0x80, s4, s16, $0xb8;
	[tilespmem:$0x1BF00] =	vst v63  }
.Ltmp5:
0x27c: {  	_ =	swait.ge [sflag:s31], $0x4000;
	(pc) =	sbr.rel @p2 .LBB2_3-.Ltmp5, $4  }
0x27d: {  	[sflag:s31] =	ssyncset.done $0x0  }
0x27e: {  	[sflag:s31] =	ssyncadd.s32 $0xFFFFC000  }
0x27f: {  	[spmem:s3] =	stream.indirect.scatter.add.f32 [tilespmem:s25], [sflag:$0x9], $0x80, s22, s16, $0xb8;
	[tilespmem:$0x1BF00] =	vst v63  }
0x280: {  	s12 =	sadd.s32 $0x60, s12;
	_ =	swait.ge [sflag:s28], $0x4000  }
0x281: {  	[sflag:s28] =	ssyncset.done $0x0  }
0x282: {  	s2 =	rddreg [dreg:$0xa];
	[sflag:s28] =	ssyncadd.s32 $0xFFFFC000  }
0x283: {  	[tilespmem:s21], [sflag:$0x3] =	stream.linear.gather [hbm4b:s2+s4], $0x80, $0x38;
	[tilespmem:$0x1BF00] =	vst v63  }
0x284: {  	s12 =	rddreg [dreg:$0xb]  }
0x285: {  	[tilespmem:s22], [sflag:$0x6] =	stream.linear.gather [hbm4b:s12+s4], $0x80, $0x38;
	[tilespmem:$0x1BF00] =	vst v63  }
0x286: {  	_ =	swait.ge [sflag:s23], $0x80  }
0x287: {  	[sflag:s23] =	ssyncset.done $0x0  }
0x288: {  	[sflag:s23] =	ssyncadd.s32 $0xFFFFFF80  }
0x289: {  	_ =	swait.ge [sflag:s24], $0x80  }
0x28a: {  	[sflag:s24] =	ssyncset.done $0x0  }
0x28b: {  	[sflag:s24] =	ssyncadd.s32 $0xFFFFFF80  }
0x28c: {  	[tilespmem:s25], [sflag:$0x8] =	stream.indirect.gather [hbm4b:s1+s16], $0x80, s16, s16, $0xb8;
	[tilespmem:$0x1BF00] =	vst v63  }
0x28d: {  	_ =	swait.ge [sflag:s26], $0x4000  }
0x28e: {  	[sflag:s26] =	ssyncset.done $0x0  }
0x28f: {  	[sflag:s26] =	ssyncadd.s32 $0xFFFFC000  }
0x290: {  	[spmem:s3] =	stream.indirect.scatter.add.f32 [tilespmem:s20], [sflag:$0x9], $0x80, s15, s16, $0xb8;
	[tilespmem:$0x1BF00] =	vst v63  }
0x291: {  	_ =	swait.ge [sflag:s28], $0x4000  }
0x292: {  	[sflag:s28] =	ssyncset.done $0x0  }
0x293: {  	s6 =	rddreg [dreg:$0xc];
	[sflag:s28] =	ssyncadd.s32 $0xFFFFC000  }
0x294: {  	[tilespmem:s4], [sflag:$0x1] =	stream.linear.gather [hbm4b:s6+s4], $0x80, $0x38;
	[tilespmem:$0x1BF00] =	vst v63  }
0x295: {  	s12 =	rddreg [dreg:$0xd]  }
0x296: {  	[tilespmem:s15], [sflag:$0x4] =	stream.linear.gather [hbm4b:s12+s4], $0x80, $0x38;
	[tilespmem:$0x1BF00] =	vst v63  }
0x297: {  	_ =	swait.ge [sflag:s29], $0x80  }
0x298: {  	[sflag:s29] =	ssyncset.done $0x0  }
0x299: {  	[sflag:s29] =	ssyncadd.s32 $0xFFFFFF80  }
0x29a: {  	_ =	swait.ge [sflag:s30], $0x80  }
0x29b: {  	[sflag:s30] =	ssyncset.done $0x0  }
0x29c: {  	[sflag:s30] =	ssyncadd.s32 $0xFFFFFF80  }
0x29d: {  	[tilespmem:s20], [sflag:$0x7] =	stream.indirect.gather [hbm4b:s1+s16], $0x80, s21, s16, $0xb8;
	[tilespmem:$0x1BF00] =	vst v63  }
0x29e: {  	_ =	swait.ge [sflag:s31], $0x4000  }
0x29f: {  	[sflag:s31] =	ssyncset.done $0x0  }
0x2a0: {  	[sflag:s31] =	ssyncadd.s32 $0xFFFFC000  }
0x2a1: {  	[spmem:s3] =	stream.indirect.scatter.add.f32 [tilespmem:s25], [sflag:$0x9], $0x80, s17, s16, $0xb8;
	[tilespmem:$0x1BF00] =	vst v63  }
0x2a2: {  	_ =	swait.ge [sflag:s28], $0x4000  }
0x2a3: {  	[sflag:s28] =	ssyncset.done $0x0  }
0x2a4: {  	s6 =	rddreg [dreg:$0xe];
	[sflag:s28] =	ssyncadd.s32 $0xFFFFC000  }
0x2a5: {  	[tilespmem:s16], [sflag:$0x2] =	stream.linear.gather [hbm4b:s6+s4], $0x80, $0x38;
	[tilespmem:$0x1BF00] =	vst v63  }
0x2a6: {  	s12 =	rddreg [dreg:$0xf]  }
0x2a7: {  	[tilespmem:s17], [sflag:$0x5] =	stream.linear.gather [hbm4b:s12+s4], $0x80, $0x38;
	[tilespmem:$0x1BF00] =	vst v63  }
0x2a8: {  	_ =	swait.ge [sflag:s18], $0x80  }
0x2a9: {  	[sflag:s18] =	ssyncset.done $0x0  }
0x2aa: {  	[sflag:s18] =	ssyncadd.s32 $0xFFFFFF80  }
0x2ab: {  	_ =	swait.ge [sflag:s19], $0x80  }
0x2ac: {  	[sflag:s19] =	ssyncset.done $0x0  }
0x2ad: {  	[sflag:s19] =	ssyncadd.s32 $0xFFFFFF80  }
0x2ae: {  	[tilespmem:s25], [sflag:$0x8] =	stream.indirect.gather [hbm4b:s1+s16], $0x80, s4, s16, $0xb8;
	[tilespmem:$0x1BF00] =	vst v63  }
0x2af: {  	_ =	swait.ge [sflag:s26], $0x4000  }
0x2b0: {  	[sflag:s26] =	ssyncset.done $0x0  }
0x2b1: {  	[sflag:s26] =	ssyncadd.s32 $0xFFFFC000  }
0x2b2: {  	[spmem:s3] =	stream.indirect.scatter.add.f32 [tilespmem:s20], [sflag:$0x9], $0x80, s22, s16, $0xb8;
	[tilespmem:$0x1BF00] =	vst v63  }
0x2b3: {  	_ =	swait.ge [sflag:s28], $0x4000  }
0x2b4: {  	[sflag:s28] =	ssyncset.done $0x0  }
0x2b5: {  	s6 =	rddreg [dreg:$0x10];
	[sflag:s28] =	ssyncadd.s32 $0xFFFFC000  }
0x2b6: {  	[tilespmem:s21], [sflag:$0x3] =	stream.linear.gather [hbm4b:s6+s4], $0x80, $0x38;
	[tilespmem:$0x1BF00] =	vst v63  }
0x2b7: {  	s12 =	rddreg [dreg:$0x11]  }
0x2b8: {  	[tilespmem:s22], [sflag:$0x6] =	stream.linear.gather [hbm4b:s12+s4], $0x80, $0x38;
	[tilespmem:$0x1BF00] =	vst v63  }
0x2b9: {  	_ =	swait.ge [sflag:s23], $0x80  }
0x2ba: {  	[sflag:s23] =	ssyncset.done $0x0  }
0x2bb: {  	[sflag:s23] =	ssyncadd.s32 $0xFFFFFF80  }
0x2bc: {  	_ =	swait.ge [sflag:s24], $0x80  }
0x2bd: {  	[sflag:s24] =	ssyncset.done $0x0  }
0x2be: {  	[sflag:s24] =	ssyncadd.s32 $0xFFFFFF80  }
0x2bf: {  	[tilespmem:s20], [sflag:$0x7] =	stream.indirect.gather [hbm4b:s1+s16], $0x80, s16, s16, $0xb8;
	[tilespmem:$0x1BF00] =	vst v63  }
0x2c0: {  	_ =	swait.ge [sflag:s31], $0x4000  }
0x2c1: {  	[sflag:s31] =	ssyncset.done $0x0  }
0x2c2: {  	[sflag:s31] =	ssyncadd.s32 $0xFFFFC000  }
0x2c3: {  	[spmem:s3] =	stream.indirect.scatter.add.f32 [tilespmem:s25], [sflag:$0x9], $0x80, s15, s16, $0xb8;
	[tilespmem:$0x1BF00] =	vst v63  }
0x2c4: {  	_ =	swait.ge [sflag:s28], $0x4000  }
0x2c5: {  	[sflag:s28] =	ssyncset.done $0x0  }
0x2c6: {  	[sflag:s28] =	ssyncadd.s32 $0xFFFFC000  }
0x2c7: {  	_ =	swait.ge [sflag:s29], $0x80  }
0x2c8: {  	[sflag:s29] =	ssyncset.done $0x0  }
0x2c9: {  	[sflag:s29] =	ssyncadd.s32 $0xFFFFFF80  }
0x2ca: {  	_ =	swait.ge [sflag:s30], $0x80  }
0x2cb: {  	[sflag:s30] =	ssyncset.done $0x0  }
0x2cc: {  	[sflag:s30] =	ssyncadd.s32 $0xFFFFFF80  }
0x2cd: {  	[tilespmem:s25], [sflag:$0x8] =	stream.indirect.gather [hbm4b:s1+s16], $0x80, s21, s16, $0xb8;
	[tilespmem:$0x1BF00] =	vst v63  }
0x2ce: {  	_ =	swait.ge [sflag:s26], $0x4000  }
0x2cf: {  	[sflag:s26] =	ssyncset.done $0x0  }
0x2d0: {  	[sflag:s26] =	ssyncadd.s32 $0xFFFFC000  }
0x2d1: {  	[spmem:s3] =	stream.indirect.scatter.add.f32 [tilespmem:s20], [sflag:$0x9], $0x80, s17, s16, $0xb8;
	[tilespmem:$0x1BF00] =	vst v63  }
0x2d2: {  	_ =	swait.ge [sflag:s28], $0x4000  }
0x2d3: {  	[sflag:s28] =	ssyncset.done $0x0  }
0x2d4: {  	[sflag:s28] =	ssyncadd.s32 $0xFFFFC000  }
0x2d5: {  	_ =	swait.ge [sflag:s31], $0x4000  }
0x2d6: {  	[sflag:s31] =	ssyncset.done $0x0  }
0x2d7: {  	[sflag:s31] =	ssyncadd.s32 $0xFFFFC000  }
0x2d8: {  	[spmem:s3] =	stream.indirect.scatter.add.f32 [tilespmem:s25], [sflag:$0x9], $0x80, s22, s16, $0xb8;
	[tilespmem:$0x1BF00] =	vst v63  }
0x2d9: {  	_ =	swait.ge [sflag:s28], $0x4000  }
0x2da: {  	[sflag:s28] =	ssyncset.done $0x0  }
0x2db: {  	s6 =	rddreg [dreg:$0x12];
	[sflag:s28] =	ssyncadd.s32 $0xFFFFC000  }
0x2dc: {  	[tilespmem:s4], [sflag:$0x1] =	stream.linear.gather [hbm4b:s6+s4], $0x20, $0x38;
	[tilespmem:$0x1BF00] =	vst v63  }
0x2dd: {  	s12 =	rddreg [dreg:$0x13]  }
0x2de: {  	[tilespmem:s15], [sflag:$0x4] =	stream.linear.gather [hbm4b:s12+s4], $0x20, $0x38;
	[tilespmem:$0x1BF00] =	vst v63  }
0x2df: {  	_ =	swait.ge [sflag:s18], $0x20  }
0x2e0: {  	[sflag:s18] =	ssyncset.done $0x0  }
0x2e1: {  	[sflag:s18] =	ssyncadd.s32 $0xFFFFFFE0  }
0x2e2: {  	_ =	swait.ge [sflag:s19], $0x20  }
0x2e3: {  	[sflag:s19] =	ssyncset.done $0x0  }
0x2e4: {  	[sflag:s19] =	ssyncadd.s32 $0xFFFFFFE0  }
0x2e5: {  	[tilespmem:s20], [sflag:$0x7] =	stream.indirect.gather [hbm4b:s1+s0], $0x80, s4, s0, $0xb8;
	[tilespmem:$0x1BF00] =	vst v63  }
0x2e6: {  	_ =	swait.ge [sflag:s26], $0x1000  }
0x2e7: {  	[sflag:s26] =	ssyncset.done $0x0  }
0x2e8: {  	[sflag:s26] =	ssyncadd.s32 $0xFFFFF000  }
0x2e9: {  	[spmem:s3] =	stream.indirect.scatter.add.f32 [tilespmem:s20], [sflag:$0x9], $0x80, s15, s0, $0xb8;
	[tilespmem:$0x1BF00] =	vst v63  }
0x2ea: {  	_ =	swait.ge [sflag:s28], $0x1000  }
0x2eb: {  	[sflag:s28] =	ssyncset.done $0x0  }
0x2ec: {  	[sflag:s28] =	ssyncadd.s32 $0xFFFFF000  }
0x2ed: {  	[bflag:$0x0] =	sbarrier.arrive $0xFFFF  }
0x2ee: {  	s6 =	sld [smem:$0x7FC];
	_ =	sdelay $0x1  }
0x2ef: {  	s2 =	simm.s32 @p1 $0x1FC9  }
0x2f0: {  	[hbm:s6], [sflag:s2] =	dma.local @p1 [spmem:s11], $0x2080  }
0x2f1: {  	s2 =	simm.s32 @p1 $0x9  }
0x2f2: {  	_ =	swait.ge @p1 [sflag:s2], $0x2080  }
0x2f3: {  	[sflag:s2] =	ssyncset.done @p1 $0x0  }
0x2f4: {  	[sflag:s2] =	ssyncadd.s32 @p1 $0xFFFFDF80;
	s2 =	sld [smem:$0x7FA];
	_ =	sdelay $0x2  }
0x2f5: {  	[hbm:s2], [sflag:s8] =	dma.local @!p1 [spmem:s7], $0x2780  }
.Ltmp6:
0x2f6: {  	_ = 	snop;
	(pc) =	sbr.rel .LBB2_8-.Ltmp6, $4  }
0x2f7: {  	s2 =	simm.s32 @!p1 $0x9  }
0x2f8: {  	_ =	swait.ge @!p1 [sflag:s2], $0x2780  }
0x2f9: {  	[sflag:s2] =	ssyncset.done @!p1 $0x0  }
0x2fa: {  	[sflag:s2] =	ssyncadd.s32 @!p1 $0xFFFFD880  }
.LBB2_9:
0x2fb: {  	_ =	sfence.sel $0x180000  }
0x2fc: {  	[bflag:$0x0] =	sbarrier.arrive $0xFFFF  }
0x2fd: {  	_ =	strace $0x9000004A  }
0x2fe: {  	s0 =	stileid.u32;
	[bflag:$0x2] =	sbarrier.arrive $0xFFFF  }
0x2ff: {  	p0 =	sne.s32 s0, $0x0;
	s0 =	rddreg [dreg:$0x3]  }
0x300: {  	s0 =	sadd.s32 @!p0 $0x100000, s0  }
0x301: {  	[sflag:s0] =	ssyncadd.tile.s32 @!p0 $0x1;
	_ =	shalt  }
.Lfunc_end2:
_tile_overlayer_lowered:
.L_overlay_start_2:
0x302: {  	(tag) =	ssettag $0x2  }
0x303: {  	s0 =	rddreg [dreg:$0x0];
	s2 =	stileid.u32  }
0x304: {  	s1 =	rddreg [dreg:$0x1];
	p0 =	sne.s32 s2, $0x0  }
0x305: {  	s3 =	rddreg [dreg:$0x2];
	[bflag:$0x3] =	sbarrier.arrive $0xFFFF;
	s2 =	simm.s32 @!p0 $0x1C09  }
0x306: {  	[timem:s3], [sflag:s2] =	dma.local @!p0 [hbm:s0], s1  }
0x307: {  	s0 =	simm.s32 @!p0 $0x9  }
0x308: {  	_ =	swait.ge @!p0 [sflag:s0], s1  }
0x309: {  	s1 =	ssub.s32 @!p0 $0x0, s1;
	[sflag:s0] =	ssyncset.done @!p0 $0x0  }
0x30a: {  	[sflag:s0] =	ssyncadd.s32 @!p0 s1  }
0x30b: {  	[bflag:$0x3] =	sbarrier.arrive $0xFFFF  }
0x30c: {  	_ =	shalt  }

// kernel: kernel.7.cloned.1.call-start
scs
__scs_entry_jumppad:
0x0: {  	(pc) =	sbr.rel $0x88, $3  }
0x1: {  	(tag) =	ssettag $0x0;
	lr =	simm.s32 $0x1  }
0x2: {  	[smem:$0x3F92] =	sst lr;
	_ =	strace $0xD0000000  }
0x3: {  	_ = 	snop  }
0x4: {  	_ = 	snop  }
0x5: {  	_ = 	snop  }
0x6: {  	_ = 	snop  }
0x7: {  	_ = 	snop  }
__scs_overlays_trampoline_lowered:
0x8: {  	[smem:$0x3FA1] =	sst s0  }
0x9: {  	[smem:$0x3FA2] =	sst s1  }
0xa: {  	[smem:$0x3FA3] =	sst s2  }
0xb: {  	[smem:$0x3FA4] =	sst s3  }
0xc: {  	[smem:$0x3FA5] =	sst s4  }
0xd: {  	[smem:$0x3FA6] =	sst s5  }
0xe: {  	[smem:$0x3FA7] =	sst s6  }
0xf: {  	[smem:$0x3FA8] =	sst s7  }
0x10: {  	[smem:$0x3FA9] =	sst s8  }
0x11: {  	[smem:$0x3FAA] =	sst s9;
	s0 =	simm.s32 @!p0 $0x0  }
0x12: {  	s1 =	sld [smem:$0x3F90];
	s0 =	simm.s32 @p0 $0x1  }
0x13: {  	[smem:$0x3FAB] =	sst s0;
	s0 =	simm.s32 @!p1 $0x0  }
0x14: {  	s2 =	sld [smem:$0x3F8F];
	s0 =	simm.s32 @p1 $0x1  }
0x15: {  	[smem:$0x3FAC] =	sst s0;
	s0 =	simm.s32 @!p2 $0x0  }
0x16: {  	s3 =	sld [smem:$0x3FDB];
	s0 =	simm.s32 @p2 $0x1  }
0x17: {  	s4 =	simm.s32 $0x1BF5;
	[smem:$0x3FAE] =	sst s0  }
0x18: {  	s0 =	sld [smem:$0x3F91];
	_ =	swait.ge [sflag:s4], $0x0  }
0x19: {  	s7 =	sld [smem:$0x3F92]  }
0x1a: {  	s8 =	sadd.s32 $0xFFFFE003, lr  }
0x1b: {  	s9 =	sadd.s32 $0xFFFFFEF7, lr;
	s5 =	simm.s32 $0xFFFFFFFF;
	p2 =	slt.u32 s8, $0xFFFFF086  }
0x1c: {  	p1 =	slt.u32 s9, $0xF7A;
	s5 =	simm.s32 @!p2 $0x0  }
0x1d: {  	s5 =	simm.s32 @p1 $0x1;
	p0 =	seq.s32 s7, s2  }
0x1e: {  	s7 =	smul.u32 @!p0 $0xF7A, s2;
	p2 =	seq.s32 @!p0 s5, $0x0  }
0x1f: {  	s9 =	smul.u32 $0xF7A, s1;
	s8 =	simm.s32 @!p0 $0x1BF5;
	p2 =	por !p2, p0  }
0x20: {  	[sflag:s8] =	ssyncset.s32 @!p0 $0xFFFFF086;
	s6 =	sadd.s32 @!p0 s3, s7;
	s7 =	simm.s32 @!p0 $0x108  }
0x21: {  	s3 =	sadd.s32 s3, s9;
	s6 =	sadd.s32 @!p0 $0x88, s6;
	s7 =	simm.s32 @p2 $0x1082  }
0x22: {  	[simem:s7], [sflag:s8] =	dma.local @!p0 [hbm:s6], $0xF7A  }
0x23: {  	s9 =	sor.u32 $0xD0000000, s2;
	s6 =	simm.s32 $0x108;
	_ =	swait.ge @!p0 [sflag:s8], $0x0  }
0x24: {  	s3 =	sadd.s32 $0x88, s3;
	s6 =	simm.s32 @!p1 $0x1082;
	[sflag:s4] =	ssyncset.s32 $0xFFFFF086  }
0x25: {  	[simem:s6], [sflag:s4] =	dma.local [hbm:s3], $0xF7A  }
0x26: {  	[smem:$0x3F92] =	sst s1;
	(tag) =	ssettag s2;
	_ =	strace s9  }
0x27: {  	s1 =	sld [smem:$0x3FA2]  }
0x28: {  	s2 =	sld [smem:$0x3FA3]  }
0x29: {  	s4 =	sld [smem:$0x3FA5]  }
0x2a: {  	p0 =	seq.s32 s5, $0x0;
	s5 =	sld [smem:$0x3FA6]  }
0x2b: {  	s6 =	sld [smem:$0x3FA7]  }
0x2c: {  	s7 =	sld [smem:$0x3FA8]  }
0x2d: {  	s3 =	simm.s32 $0x108;
	s8 =	sld [smem:$0x3FA9]  }
0x2e: {  	s3 =	simm.s32 @!p0 $0x1082;
	s9 =	sld [smem:$0x3FAA]  }
0x2f: {  	lr =	sadd.s32 s0, s3;
	s0 =	sld [smem:$0x3FA1]  }
0x30: {  	s3 =	sld [smem:$0x3FA4]  }
0x31: {  	[smem:$0x3FAD] =	sst s10  }
0x32: {  	s10 =	sld [smem:$0x3FAB];
	_ =	sdelay $0x3  }
0x33: {  	p0 =	seq.s32 s10, $0x1;
	s10 =	sld [smem:$0x3FAD];
	_ =	sdelay $0x3  }
0x34: {  	[smem:$0x3FAD] =	sst s10  }
0x35: {  	s10 =	sld [smem:$0x3FAC];
	_ =	sdelay $0x3  }
0x36: {  	p1 =	seq.s32 s10, $0x1;
	s10 =	sld [smem:$0x3FAD];
	_ =	sdelay $0x3  }
0x37: {  	[smem:$0x3FAD] =	sst s10  }
0x38: {  	s10 =	sld [smem:$0x3FAE]  }
0x39: {  	_ = 	snop;
	(pc) =	sbr.ind lr, $3  }
0x3a: {  	_ = 	snop  }
0x3b: {  	_ = 	snop  }
0x3c: {  	p2 =	seq.s32 s10, $0x1;
	s10 =	sld [smem:$0x3FAD]  }
0x3d: {  	_ =	shalt  }
0x3e: {  	_ =	shalt  }
0x3f: {  	_ =	shalt  }
0x40: {  	_ =	shalt  }
0x41: {  	_ =	shalt  }
0x42: {  	_ =	shalt  }
0x43: {  	_ =	shalt  }
0x44: {  	_ =	shalt  }
0x45: {  	_ =	shalt  }
0x46: {  	_ =	shalt  }
0x47: {  	_ =	shalt  }
0x48: {  	_ =	shalt  }
0x49: {  	_ =	shalt  }
0x4a: {  	_ =	shalt  }
0x4b: {  	_ =	shalt  }
0x4c: {  	_ =	shalt  }
0x4d: {  	_ =	shalt  }
0x4e: {  	_ =	shalt  }
0x4f: {  	_ =	shalt  }
0x50: {  	_ =	shalt  }
0x51: {  	_ =	shalt  }
0x52: {  	_ =	shalt  }
0x53: {  	_ =	shalt  }
0x54: {  	_ =	shalt  }
0x55: {  	_ =	shalt  }
0x56: {  	_ =	shalt  }
0x57: {  	_ =	shalt  }
0x58: {  	_ =	shalt  }
0x59: {  	_ =	shalt  }
0x5a: {  	_ =	shalt  }
0x5b: {  	_ =	shalt  }
0x5c: {  	_ =	shalt  }
0x5d: {  	_ =	shalt  }
0x5e: {  	_ =	shalt  }
0x5f: {  	_ =	shalt  }
0x60: {  	_ =	shalt  }
0x61: {  	_ =	shalt  }
0x62: {  	_ =	shalt  }
0x63: {  	_ =	shalt  }
0x64: {  	_ =	shalt  }
0x65: {  	_ =	shalt  }
0x66: {  	_ =	shalt  }
0x67: {  	_ =	shalt  }
0x68: {  	_ =	shalt  }
0x69: {  	_ =	shalt  }
0x6a: {  	_ =	shalt  }
0x6b: {  	_ =	shalt  }
0x6c: {  	_ =	shalt  }
0x6d: {  	_ =	shalt  }
0x6e: {  	_ =	shalt  }
0x6f: {  	_ =	shalt  }
0x70: {  	_ =	shalt  }
0x71: {  	_ =	shalt  }
0x72: {  	_ =	shalt  }
0x73: {  	_ =	shalt  }
0x74: {  	_ =	shalt  }
0x75: {  	_ =	shalt  }
0x76: {  	_ =	shalt  }
0x77: {  	_ =	shalt  }
0x78: {  	_ =	shalt  }
0x79: {  	_ =	shalt  }
0x7a: {  	_ =	shalt  }
0x7b: {  	_ =	shalt  }
0x7c: {  	_ =	shalt  }
0x7d: {  	_ =	shalt  }
0x7e: {  	_ =	shalt  }
0x7f: {  	_ =	shalt  }
0x80: {  	_ =	shalt  }
0x81: {  	_ =	shalt  }
0x82: {  	_ =	shalt  }
0x83: {  	_ =	shalt  }
0x84: {  	_ =	shalt  }
0x85: {  	_ =	shalt  }
0x86: {  	_ =	shalt  }
0x87: {  	_ =	shalt  }
.Lfunc_end0:
.L_simem_size_0:
called_computation_lowered:
.L_overlay_start_0:
0x88: {  	s2 =	sld [smem:$0x3FD9]  }
0x89: {  	s3 =	sld [smem:$0x3FFE];
	_ =	sdelay $0x1  }
0x8a: {  	s1 =	srdreg.scid  }
0x8b: {  	s0 =	sand.u32 $0x1, s1  }
0x8c: {  	s17 =	sshll.u32 s0, $0xA;
	s2 =	sadd.s32 s3, s2  }
0x8d: {  	s2 =	sadd.s32 s2, s17  }
0x8e: {  	[smem:$0x3FB9] =	sst s2  }
0x8f: {  	_ = 	snop  }
0x90: {  	s2 =	sld [smem:$0x3FD0];
	(tm) =	ssettm $0x1  }
0x91: {  	s18 =	sld [smem:$0x3FFB];
	_ =	sdelay $0x3  }
0x92: {  	_ =	strace s18  }
0x93: {  	s3 =	sld [smem:$0x3FFC];
	_ =	sdelay $0x3  }
0x94: {  	_ =	strace s3  }
0x95: {  	s3 =	sld [smem:$0x3FFD];
	_ =	sdelay $0x3  }
0x96: {  	_ =	strace s3  }
0x97: {  	_ =	strace $0x8FFFFFFF  }
0x98: {  	s19 =	sld [smem:$0x3FDB];
	_ =	sdelay $0x1  }
0x99: {  	s4 =	simm.s32 $_scs_section_size  }
0x9a: {  	s5 =	simm.s32 $_size__tile_overlayer_lowered;
	s6 =	simm.s32 $_tile_overlayer_lowered  }
0x9b: {  	s22 =	simm.s32 $0x1BFF;
	s21 =	sshll.u32 s6, $0x1;
	s3 =	sadd.s32 s4, s19  }
0x9c: {  	s7 =	simm.s32 $0x0;
	s20 =	sshll.u32 s5, $0x1;
	s5 =	sadd.s32 s21, s3  }
0x9d: {  	[timem:s7], [sflag:s22] =	dma.local [hbm:s5], s20  }
0x9e: {  	_ =	swait.ge [sflag:s22], s20  }
0x9f: {  	s4 =	ssub.s32 $0x0, s20;
	[sflag:s22] =	ssyncset.done $0x0  }
0xa0: {  	[sflag:s22] =	ssyncadd.s32 s4;
	_ =	sdelay $0x1  }
0xa1: {  	s23 =	simm.s32 $0x1B8B  }
0xa2: {  	_ =	swait.ge [sflag:s23], $0x1  }
0xa3: {  	[sflag:s23] =	ssyncset.done $0x0  }
0xa4: {  	s25 =	simm.s32 $0x1B8E;
	s24 =	sld [smem:$0x3FFE];
	[sflag:s23] =	ssyncadd.s32 $0xFFFFFFFF  }
0xa5: {  	s26 =	simm.s32 $execute0_lowered;
	[smem:$0x3FD2] =	sst s25  }
0xa6: {  	s5 =	sshll.u32 s26, $0x1;
	_ =	strace $0x80000046;
	[dreg:$0x1] =	wrdreg $0xFFFFFFFF  }
0xa7: {  	s28 =	simm.s32 $_size_execute0_lowered;
	s3 =	sadd.s32 s3, s5;
	[dreg:$0x0] =	wrdreg $0x0  }
0xa8: {  	s5 =	sshll.u32 s28, $0x1;
	[dreg:$0x2] =	wrdreg s3  }
0xa9: {  	[dreg:$0x3] =	wrdreg s5  }
0xaa: {  	[dreg:$0x4] =	wrdreg $0xC0  }
0xab: {  	_ =	task [dreg:s7], $0x5FFFF  }
0xac: {  	[dreg:$0x1] =	wrdreg $0xFFFFFFFF  }
0xad: {  	[dreg:$0x0] =	wrdreg $0x60  }
0xae: {  	[dreg:$0x2] =	wrdreg s2  }
0xaf: {  	[dreg:$0x3] =	wrdreg s24  }
0xb0: {  	[dreg:$0x4] =	wrdreg $0x83000  }
0xb1: {  	[dreg:$0x5] =	wrdreg $0x9  }
0xb2: {  	_ =	task.clear_ibuf [dreg:s7], $0x6FFFF;
	_ =	strace $0x90000046  }
0xb3: {  	s29 =	simm.s32 $0x9;
	_ =	strace $0x80000048  }
0xb4: {  	_ =	swait.ge [sflag:s29], $0x1  }
0xb5: {  	[sflag:s29] =	ssyncadd.s32 $0xFFFFFFFF  }
0xb6: {  	_ =	strace $0x90000048  }
0xb7: {  	_ =	sfence  }
0xb8: {  	s30 =	sld [smem:$0x0];
	_ =	sdelay $0x2  }
0xb9: {  	s31 =	sshll.u32 s1, $0xD;
	s1 =	sshrl.u32 s1, $0x2  }
0xba: {  	s3 =	sand.u32 $0x4000, s31;
	s1 =	sadd.s32 s1, s30  }
0xbb: {  	s0 =	sor.u32 s3, s0;
	s1 =	sshll.u32 s1, $0x11  }
0xbc: {  	s0 =	sor.u32 s1, s0  }
0xbd: {  	s0 =	sadd.s32 $0x8F2B, s0  }
0xbe: {  	[sflag:s0] =	ssyncadd.remote.s32 $0x1  }
0xbf: {  	_ =	sfence.sel $0xFFFF  }
0xc0: {  	[dreg:$0x0] =	wrdreg $0xFFFFFFFF;
	(pc) =	sbr.abs _section_cstart, $3  }
0xc1: {  	[dreg:$0x1] =	wrdreg $0xFFFFFFFF  }
0xc2: {  	_ =	task.clear_ibuf [dreg:s7], $0x2FFFF;
	_ =	strace $0x9FFFFFFF  }
0xc3: {  	(tm) =	ssettm $0x7FFFFFFF  }
tec
execute0_lowered:
.L_overlay_start_1:
0x0: {  	(tag) =	ssettag $0x1  }
0x1: {  	s1 =	rddreg [dreg:$0x0]  }
0x2: {  	s0 =	rddreg [dreg:$0x1]  }
0x3: {  	s3 =	rddreg [dreg:$0x2]  }
0x4: {  	s4 =	simm.s32 $0x0;
	s21 =	stileid.u32;
	s2 =	srdreg.scid  }
0x5: {  	s28 =	simm.s32 $0x9;
	s29 =	simm.s32 $0x3;
	s5 =	smul.u32 $0x4E20, s21  }
0x6: {  	[smem:$0x7FF] =	sst s4;
	s2 =	sand.u32 $0x1, s2;
	s12 =	smul.u32 $0x9C4, s21  }
0x7: {  	s7 =	sadd.s32 $0x4C00, s0;
	_ =	strace $0x80000047;
	s6 =	ssub.s32 $0x2, s2  }
0x8: {  	p0 =	seq.s32 s2, $0x1;
	s5 =	sshrl.u32 s5, $0x3;
	s15 =	sadd.s32 s12, s7  }
0x9: {  	s2 =	sadd.s32 $0x9C40, s5;
	s10 =	sadd.s32 s7, s5;
	[dreg:$0x4] =	wrdreg s15  }
0xa: {  	s26 =	sadd.s32 $0x9C50, s5;
	s25 =	sadd.s32 s7, s2;
	[dreg:$0x7] =	wrdreg s10  }
0xb: {  	s9 =	sadd.s32 $0x10, s5;
	s17 =	sadd.s32 s7, s26;
	[dreg:$0x6] =	wrdreg s25  }
0xc: {  	s11 =	sadd.s32 $0x980, s5;
	s18 =	sadd.s32 s7, s9;
	[dreg:$0x8] =	wrdreg s17  }
0xd: {  	s15 =	sadd.s32 $0xA5E0, s5;
	s19 =	sadd.s32 s7, s11;
	[dreg:$0x9] =	wrdreg s18  }
0xe: {  	s24 =	sadd.s32 $0x18600, s0;
	s20 =	sadd.s32 s7, s15;
	[dreg:$0xb] =	wrdreg s19  }
0xf: {  	s30 =	simm.s32 $0x6;
	s2 =	sadd.s32 s24, s2;
	[dreg:$0xe] =	wrdreg s20  }
0x10: {  	s10 =	sadd.s32 $0xA5C0, s5;
	s26 =	sadd.s32 s24, s26;
	[dreg:$0x14] =	wrdreg s2  }
0x11: {  	s31 =	simm.s32 $0x8;
	s13 =	sadd.s32 s7, s10;
	[dreg:$0x16] =	wrdreg s26  }
0x12: {  	s8 =	sshrl.u32 s6, $0x1;
	s25 =	sadd.s32 s24, s5;
	[dreg:$0xa] =	wrdreg s13  }
0x13: {  	s8 =	ssub.s32 s6, s8;
	s6 =	sadd.s32 s24, s10;
	[dreg:$0x15] =	wrdreg s25  }
0x14: {  	s17 =	sadd.s32 $0xA5F0, s5;
	s26 =	sadd.s32 $0x7AA80, s0;
	[dreg:$0x18] =	wrdreg s6  }
0x15: {  	s13 =	sadd.s32 $0xA5D0, s5;
	s22 =	sadd.s32 s7, s17;
	[smem:$0x7FC] =	sst s26  }
0x16: {  	s23 =	sadd.s32 $0xA600, s5;
	s14 =	sadd.s32 s7, s13;
	[dreg:$0x10] =	wrdreg s22  }
0x17: {  	p1 =	seq.s32 s21, $0xF;
	s22 =	sadd.s32 s7, s23;
	[dreg:$0xc] =	wrdreg s14  }
0x18: {  	s20 =	sadd.s32 $0x9C0, s5;
	s10 =	sadd.s32 s24, s13;
	[dreg:$0x12] =	wrdreg s22  }
0x19: {  	s26 =	simm.s32 $0x7;
	s13 =	sadd.s32 s24, s15;
	[dreg:$0x1a] =	wrdreg s10  }
0x1a: {  	s15 =	sadd.s32 s24, s17;
	s14 =	sadd.s32 $0x990, s5;
	[dreg:$0x1c] =	wrdreg s13  }
0x1b: {  	[dreg:$0x1e] =	wrdreg s15;
	s22 =	sadd.s32 s24, s20;
	s16 =	sadd.s32 s7, s14  }
0x1c: {  	s10 =	sadd.s32 $0x53200, s0;
	[dreg:$0xd] =	wrdreg s16;
	s16 =	sadd.s32 $0x9A0, s5  }
0x1d: {  	s13 =	smax.u32 s8, $0x1;
	[smem:$0x7F8] =	sst s22;
	s18 =	sadd.s32 s7, s16  }
0x1e: {  	[dreg:$0xf] =	wrdreg s18;
	s18 =	sadd.s32 $0x9B0, s5;
	s5 =	sadd.s32 s24, s9  }
0x1f: {  	s15 =	simm.s32 $0x180;
	s9 =	sadd.s32 s24, s11;
	[dreg:$0x17] =	wrdreg s5  }
0x20: {  	s22 =	simm.s32 $0x280;
	s11 =	sadd.s32 s24, s14;
	[dreg:$0x19] =	wrdreg s9  }
0x21: {  	s14 =	sadd.s32 s24, s16;
	s16 =	smul.u32 $0x4F000, s21;
	[dreg:$0x1b] =	wrdreg s11  }
0x22: {  	s19 =	sadd.s32 s7, s18;
	s7 =	sadd.s32 s7, s20;
	[dreg:$0x1d] =	wrdreg s14  }
0x23: {  	s17 =	sadd.s32 s24, s18;
	s18 =	sadd.s32 s24, s23;
	[dreg:$0x11] =	wrdreg s19  }
0x24: {  	s23 =	sadd.s32 s12, s24;
	s9 =	sadd.s32 $0x2C000, s0;
	[dreg:$0x13] =	wrdreg s7  }
0x25: {  	s14 =	sadd.s32 $0x128400, s3;
	s20 =	simm.s32 $0x300;
	[dreg:$0x1f] =	wrdreg s17  }
0x26: {  	[smem:$0x7F7] =	sst s18;
	s19 =	smul.u32 $0x2780, s21;
	s2 =	sshrl.u32 s16, $0x2  }
0x27: {  	[dreg:$0x5] =	wrdreg s23;
	s16 =	simm.s32 $0x80;
	s17 =	simm.s32 $0x200  }
0x28: {  	s18 =	simm.s32 $0x1;
	s21 =	simm.s32 $0x100;
	s23 =	simm.s32 $0x2  }
.Ltmp0:
0x29: {  	s2 =	sadd.s32 s2, s3;
	s5 =	sadd.s32 s19, s0;
	(pc) =	sbr.rel .LBB2_1-.Ltmp0, $4  }
0x2a: {  	[smem:$0x7F9] =	sst s2;
	s0 =	sadd.s32 $0xA1C80, s0;
	s19 =	simm.s32 $0x4  }
0x2b: {  	s24 =	sadd.s32 $0x55A00, s5;
	s25 =	sadd.s32 $0x7CC00, s5;
	[smem:$0x7FD] =	sst s0  }
0x2c: {  	s0 =	simm.s32 $0x20;
	s5 =	simm.s32 $0x0;
	[smem:$0x7FA] =	sst s24  }
0x2d: {  	[smem:$0x7FB] =	sst s25;
	s24 =	simm.s32 $0x5;
	s25 =	simm.s32 $0x4300  }
.LBB2_7:
0x2e: {  	[sflag:s28] =	ssyncset.done $0x0  }
0x2f: {  	s2 =	rddreg [dreg:$0x18];
	[sflag:s28] =	ssyncadd.s32 $0xFFFFC000  }
0x30: {  	[tilespmem:s21], [sflag:$0x3] =	stream.linear.gather [hbm4b:s2+s4], $0x80, $0x38;
	[tilespmem:$0x1BF00] =	vst v63  }
0x31: {  	s12 =	rddreg [dreg:$0x19]  }
0x32: {  	[tilespmem:s22], [sflag:$0x6] =	stream.linear.gather [hbm4b:s12+s4], $0x80, $0x38;
	[tilespmem:$0x1BF00] =	vst v63  }
0x33: {  	_ =	swait.ge [sflag:s23], $0x80  }
0x34: {  	[sflag:s23] =	ssyncset.done $0x0  }
0x35: {  	[sflag:s23] =	ssyncadd.s32 $0xFFFFFF80  }
0x36: {  	_ =	swait.ge [sflag:s24], $0x80  }
0x37: {  	[sflag:s24] =	ssyncset.done $0x0  }
0x38: {  	[sflag:s24] =	ssyncadd.s32 $0xFFFFFF80  }
0x39: {  	[tilespmem:s25], [sflag:$0x8] =	stream.indirect.gather [hbm4b:s9+s16], $0x80, s16, s16, $0xb8;
	[tilespmem:$0x1BF00] =	vst v63  }
0x3a: {  	_ =	swait.ge [sflag:s26], $0x4000  }
0x3b: {  	[sflag:s26] =	ssyncset.done $0x0  }
0x3c: {  	[sflag:s26] =	ssyncadd.s32 $0xFFFFC000  }
0x3d: {  	[spmem:s3] =	stream.indirect.scatter.add.f32 [tilespmem:s20], [sflag:$0x9], $0x80, s15, s16, $0xb8;
	[tilespmem:$0x1BF00] =	vst v63  }
0x3e: {  	_ =	swait.ge [sflag:s28], $0x4000  }
0x3f: {  	[sflag:s28] =	ssyncset.done $0x0  }
0x40: {  	s6 =	rddreg [dreg:$0x1a];
	[sflag:s28] =	ssyncadd.s32 $0xFFFFC000  }
0x41: {  	[tilespmem:s4], [sflag:$0x1] =	stream.linear.gather [hbm4b:s6+s4], $0x80, $0x38;
	[tilespmem:$0x1BF00] =	vst v63  }
0x42: {  	s12 =	rddreg [dreg:$0x1b]  }
0x43: {  	[tilespmem:s15], [sflag:$0x4] =	stream.linear.gather [hbm4b:s12+s4], $0x80, $0x38;
	[tilespmem:$0x1BF00] =	vst v63  }
0x44: {  	_ =	swait.ge [sflag:s29], $0x80  }
0x45: {  	[sflag:s29] =	ssyncset.done $0x0  }
0x46: {  	[sflag:s29] =	ssyncadd.s32 $0xFFFFFF80  }
0x47: {  	_ =	swait.ge [sflag:s30], $0x80  }
0x48: {  	[sflag:s30] =	ssyncset.done $0x0  }
0x49: {  	[sflag:s30] =	ssyncadd.s32 $0xFFFFFF80  }
0x4a: {  	[tilespmem:s20], [sflag:$0x7] =	stream.indirect.gather [hbm4b:s9+s16], $0x80, s21, s16, $0xb8;
	[tilespmem:$0x1BF00] =	vst v63  }
0x4b: {  	_ =	swait.ge [sflag:s31], $0x4000  }
0x4c: {  	[sflag:s31] =	ssyncset.done $0x0  }
0x4d: {  	[sflag:s31] =	ssyncadd.s32 $0xFFFFC000  }
0x4e: {  	[spmem:s3] =	stream.indirect.scatter.add.f32 [tilespmem:s25], [sflag:$0x9], $0x80, s17, s16, $0xb8;
	[tilespmem:$0x1BF00] =	vst v63  }
0x4f: {  	_ =	swait.ge [sflag:s28], $0x4000  }
0x50: {  	[sflag:s28] =	ssyncset.done $0x0  }
0x51: {  	s6 =	rddreg [dreg:$0x1c];
	[sflag:s28] =	ssyncadd.s32 $0xFFFFC000  }
0x52: {  	[tilespmem:s16], [sflag:$0x2] =	stream.linear.gather [hbm4b:s6+s4], $0x80, $0x38;
	[tilespmem:$0x1BF00] =	vst v63  }
0x53: {  	s12 =	rddreg [dreg:$0x1d]  }
0x54: {  	[tilespmem:s17], [sflag:$0x5] =	stream.linear.gather [hbm4b:s12+s4], $0x80, $0x38;
	[tilespmem:$0x1BF00] =	vst v63  }
0x55: {  	_ =	swait.ge [sflag:s18], $0x80  }
0x56: {  	[sflag:s18] =	ssyncset.done $0x0  }
0x57: {  	[sflag:s18] =	ssyncadd.s32 $0xFFFFFF80  }
0x58: {  	_ =	swait.ge [sflag:s19], $0x80  }
0x59: {  	[sflag:s19] =	ssyncset.done $0x0  }
0x5a: {  	[sflag:s19] =	ssyncadd.s32 $0xFFFFFF80  }
0x5b: {  	[tilespmem:s25], [sflag:$0x8] =	stream.indirect.gather [hbm4b:s9+s16], $0x80, s4, s16, $0xb8;
	[tilespmem:$0x1BF00] =	vst v63  }
0x5c: {  	_ =	swait.ge [sflag:s26], $0x4000  }
0x5d: {  	[sflag:s26] =	ssyncset.done $0x0  }
0x5e: {  	[sflag:s26] =	ssyncadd.s32 $0xFFFFC000  }
0x5f: {  	[spmem:s3] =	stream.indirect.scatter.add.f32 [tilespmem:s20], [sflag:$0x9], $0x80, s22, s16, $0xb8;
	[tilespmem:$0x1BF00] =	vst v63  }
0x60: {  	_ =	swait.ge [sflag:s28], $0x4000  }
0x61: {  	[sflag:s28] =	ssyncset.done $0x0  }
0x62: {  	s6 =	rddreg [dreg:$0x1e];
	[sflag:s28] =	ssyncadd.s32 $0xFFFFC000  }
0x63: {  	[tilespmem:s21], [sflag:$0x3] =	stream.linear.gather [hbm4b:s6+s4], $0x80, $0x38;
	[tilespmem:$0x1BF00] =	vst v63  }
0x64: {  	s12 =	rddreg [dreg:$0x1f]  }
0x65: {  	[tilespmem:s22], [sflag:$0x6] =	stream.linear.gather [hbm4b:s12+s4], $0x80, $0x38;
	[tilespmem:$0x1BF00] =	vst v63  }
0x66: {  	_ =	swait.ge [sflag:s23], $0x80  }
0x67: {  	[sflag:s23] =	ssyncset.done $0x0  }
0x68: {  	[sflag:s23] =	ssyncadd.s32 $0xFFFFFF80  }
0x69: {  	_ =	swait.ge [sflag:s24], $0x80  }
0x6a: {  	[sflag:s24] =	ssyncset.done $0x0  }
0x6b: {  	[sflag:s24] =	ssyncadd.s32 $0xFFFFFF80  }
0x6c: {  	[tilespmem:s20], [sflag:$0x7] =	stream.indirect.gather [hbm4b:s9+s16], $0x80, s16, s16, $0xb8;
	[tilespmem:$0x1BF00] =	vst v63  }
0x6d: {  	_ =	swait.ge [sflag:s31], $0x4000  }
0x6e: {  	[sflag:s31] =	ssyncset.done $0x0  }
0x6f: {  	[sflag:s31] =	ssyncadd.s32 $0xFFFFC000  }
0x70: {  	[spmem:s3] =	stream.indirect.scatter.add.f32 [tilespmem:s25], [sflag:$0x9], $0x80, s15, s16, $0xb8;
	[tilespmem:$0x1BF00] =	vst v63  }
0x71: {  	_ =	swait.ge [sflag:s28], $0x4000  }
0x72: {  	[sflag:s28] =	ssyncset.done $0x0  }
0x73: {  	[sflag:s28] =	ssyncadd.s32 $0xFFFFC000  }
0x74: {  	_ =	swait.ge [sflag:s29], $0x80  }
0x75: {  	[sflag:s29] =	ssyncset.done $0x0  }
0x76: {  	[sflag:s29] =	ssyncadd.s32 $0xFFFFFF80  }
0x77: {  	_ =	swait.ge [sflag:s30], $0x80  }
0x78: {  	[sflag:s30] =	ssyncset.done $0x0  }
0x79: {  	[sflag:s30] =	ssyncadd.s32 $0xFFFFFF80  }
0x7a: {  	[tilespmem:s25], [sflag:$0x8] =	stream.indirect.gather [hbm4b:s9+s16], $0x80, s21, s16, $0xb8;
	[tilespmem:$0x1BF00] =	vst v63  }
0x7b: {  	_ =	swait.ge [sflag:s26], $0x4000  }
0x7c: {  	[sflag:s26] =	ssyncset.done $0x0  }
0x7d: {  	[sflag:s26] =	ssyncadd.s32 $0xFFFFC000  }
0x7e: {  	[spmem:s3] =	stream.indirect.scatter.add.f32 [tilespmem:s20], [sflag:$0x9], $0x80, s17, s16, $0xb8;
	[tilespmem:$0x1BF00] =	vst v63  }
0x7f: {  	_ =	swait.ge [sflag:s28], $0x4000  }
0x80: {  	[sflag:s28] =	ssyncset.done $0x0  }
0x81: {  	[sflag:s28] =	ssyncadd.s32 $0xFFFFC000  }
0x82: {  	_ =	swait.ge [sflag:s31], $0x4000  }
0x83: {  	[sflag:s31] =	ssyncset.done $0x0  }
0x84: {  	[sflag:s31] =	ssyncadd.s32 $0xFFFFC000  }
0x85: {  	[spmem:s3] =	stream.indirect.scatter.add.f32 [tilespmem:s25], [sflag:$0x9], $0x80, s22, s16, $0xb8;
	[tilespmem:$0x1BF00] =	vst v63  }
0x86: {  	_ =	swait.ge [sflag:s28], $0x4000  }
0x87: {  	s6 =	sld [smem:$0x7F7]  }
0x88: {  	[sflag:s28] =	ssyncset.done $0x0  }
0x89: {  	s12 =	sld [smem:$0x7F8];
	[sflag:s28] =	ssyncadd.s32 $0xFFFFC000  }
0x8a: {  	[tilespmem:s4], [sflag:$0x1] =	stream.linear.gather [hbm4b:s6+s4], $0x20, $0x38;
	[tilespmem:$0x1BF00] =	vst v63  }
0x8b: {  	_ = 	snop  }
0x8c: {  	[tilespmem:s15], [sflag:$0x4] =	stream.linear.gather [hbm4b:s12+s4], $0x20, $0x38;
	[tilespmem:$0x1BF00] =	vst v63  }
0x8d: {  	_ =	swait.ge [sflag:s18], $0x20  }
0x8e: {  	[sflag:s18] =	ssyncset.done $0x0  }
0x8f: {  	[sflag:s18] =	ssyncadd.s32 $0xFFFFFFE0  }
0x90: {  	_ =	swait.ge [sflag:s19], $0x20  }
0x91: {  	[sflag:s19] =	ssyncset.done $0x0  }
0x92: {  	[sflag:s19] =	ssyncadd.s32 $0xFFFFFFE0  }
0x93: {  	[tilespmem:s20], [sflag:$0x7] =	stream.indirect.gather [hbm4b:s9+s0], $0x80, s4, s0, $0xb8;
	[tilespmem:$0x1BF00] =	vst v63  }
0x94: {  	_ =	swait.ge [sflag:s26], $0x1000  }
0x95: {  	[sflag:s26] =	ssyncset.done $0x0  }
0x96: {  	[sflag:s26] =	ssyncadd.s32 $0xFFFFF000  }
0x97: {  	[spmem:s3] =	stream.indirect.scatter.add.f32 [tilespmem:s20], [sflag:$0x9], $0x80, s15, s0, $0xb8;
	[tilespmem:$0x1BF00] =	vst v63  }
0x98: {  	_ =	swait.ge [sflag:s28], $0x1000  }
0x99: {  	[sflag:s28] =	ssyncset.done $0x0  }
0x9a: {  	[sflag:s28] =	ssyncadd.s32 $0xFFFFF000  }
0x9b: {  	[bflag:$0x0] =	sbarrier.arrive $0xFFFF  }
0x9c: {  	s6 =	sld [smem:$0x7FD];
	_ =	sdelay $0x1  }
0x9d: {  	s2 =	simm.s32 @p1 $0x1FC9  }
0x9e: {  	[hbm:s6], [sflag:s2] =	dma.local @p1 [spmem:s11], $0x2080  }
0x9f: {  	s2 =	simm.s32 @p1 $0x9  }
0xa0: {  	_ =	swait.ge @p1 [sflag:s2], $0x2080  }
0xa1: {  	[sflag:s2] =	ssyncset.done @p1 $0x0  }
0xa2: {  	[sflag:s2] =	ssyncadd.s32 @p1 $0xFFFFDF80;
	s2 =	sld [smem:$0x7FB];
	_ =	sdelay $0x2  }
0xa3: {  	[hbm:s2], [sflag:s8] =	dma.local @!p1 [spmem:s7], $0x2780  }
0xa4: {  	s2 =	simm.s32 @!p1 $0x9  }
0xa5: {  	_ =	swait.ge @!p1 [sflag:s2], $0x2780  }
0xa6: {  	[sflag:s2] =	ssyncset.done @!p1 $0x0  }
0xa7: {  	[sflag:s2] =	ssyncadd.s32 @!p1 $0xFFFFD880  }
.LBB2_8:
0xa8: {  	s5 =	sadd.s32 $0x1, s5  }
0xa9: {  	p2 =	sne.s32 s5, s13  }
.Ltmp1:
0xaa: {  	_ = 	snop;
	(pc) =	sbr.rel @!p2 .LBB2_9-.Ltmp1, $1  }
0xab: {  	_ =	sdelay $0x3  }
.LBB2_1:
.Ltmp2:
0xac: {  	(pc) =	sbr.rel @!p0 .LBB2_2-.Ltmp2, $4  }
0xad: {  	s6 =	sld [smem:$0x7F9]  }
0xae: {  	s2 =	stileid.u32  }
0xaf: {  	s2 =	sshll.u32 @!p1 s2, $0x6  }
0xb0: {  	s11 =	sshrl.u32 @p1 s14, $0x3;
	s8 =	sor.u32 @!p1 $0x1C09, s2;
	s7 =	sshrl.u32 @!p1 s6, $0x3  }
0xb1: {  	s2 =	rddreg [dreg:$0x14]  }
0xb2: {  	[tilespmem:s4], [sflag:$0x1] =	stream.linear.gather [hbm4b:s2+s4], $0x80, $0x38;
	[tilespmem:$0x1BF00] =	vst v63  }
0xb3: {  	s6 =	rddreg [dreg:$0x15]  }
0xb4: {  	[tilespmem:s15], [sflag:$0x4] =	stream.linear.gather [hbm4b:s6+s4], $0x80, $0x38;
	[tilespmem:$0x1BF00] =	vst v63  }
0xb5: {  	s12 =	rddreg [dreg:$0x16]  }
0xb6: {  	[tilespmem:s16], [sflag:$0x2] =	stream.linear.gather [hbm4b:s12+s4], $0x80, $0x38;
	[tilespmem:$0x1BF00] =	vst v63  }
0xb7: {  	s2 =	simm.s32 @p1 $0x1FC9;
	s6 =	rddreg [dreg:$0x17]  }
0xb8: {  	[tilespmem:s17], [sflag:$0x5] =	stream.linear.gather [hbm4b:s6+s4], $0x80, $0x38;
	[tilespmem:$0x1BF00] =	vst v63  }
0xb9: {  	[spmem:s11], [sflag:s2] =	dma.local @p1 [hbm:s10], $0x2080  }
0xba: {  	s2 =	simm.s32 @p1 $0x9  }
0xbb: {  	_ =	swait.ge @p1 [sflag:s2], $0x2080  }
0xbc: {  	[sflag:s2] =	ssyncset.done @p1 $0x0  }
0xbd: {  	[sflag:s2] =	ssyncadd.s32 @p1 $0xFFFFDF80;
	s2 =	simm.s32 @!p1 $0x9  }
0xbe: {  	[spmem:s7], [sflag:s8] =	dma.local @!p1 [hbm:s10], $0x2780  }
0xbf: {  	_ =	swait.ge @!p1 [sflag:s2], $0x2780  }
0xc0: {  	[sflag:s2] =	ssyncset.done @!p1 $0x0  }
0xc1: {  	[sflag:s2] =	ssyncadd.s32 @!p1 $0xFFFFD880  }
0xc2: {  	_ =	swait.ge [sflag:s18], $0x80  }
0xc3: {  	[sflag:s18] =	ssyncset.done $0x0  }
0xc4: {  	[sflag:s18] =	ssyncadd.s32 $0xFFFFFF80  }
0xc5: {  	_ =	swait.ge [sflag:s19], $0x80  }
0xc6: {  	[sflag:s19] =	ssyncset.done $0x0  }
0xc7: {  	s12 =	simm.s32 $0x0;
	[sflag:s19] =	ssyncadd.s32 $0xFFFFFF80  }
0xc8: {  	[tilespmem:s20], [sflag:$0x7] =	stream.indirect.gather [hbm4b:s9+s16], $0x80, s12, s16, $0xb8;
	[tilespmem:$0x1BF00] =	vst v63  }
0xc9: {  	[bflag:$0x0] =	sbarrier.arrive $0xFFFF  }
0xca: {  	s6 =	rddreg [dreg:$0x5]  }
0xcb: {  	s2 =	sadd.s32 $0x0, s6  }
0xcc: {  	s6 =	sadd.s32 $0x9C60, s2  }
0xcd: {  	[tilespmem:s21], [sflag:$0x3] =	stream.linear.gather [hbm4b:s6+s4], $0x80, $0x38;
	[tilespmem:$0x1BF00] =	vst v63  }
0xce: {  	s12 =	sadd.s32 $0x20, s2  }
0xcf: {  	[tilespmem:s22], [sflag:$0x6] =	stream.linear.gather [hbm4b:s12+s4], $0x80, $0x38;
	[tilespmem:$0x1BF00] =	vst v63  }
0xd0: {  	_ =	swait.ge [sflag:s23], $0x80  }
0xd1: {  	[sflag:s23] =	ssyncset.done $0x0  }
0xd2: {  	[sflag:s23] =	ssyncadd.s32 $0xFFFFFF80  }
0xd3: {  	_ =	swait.ge [sflag:s24], $0x80  }
0xd4: {  	[sflag:s24] =	ssyncset.done $0x0  }
0xd5: {  	[sflag:s24] =	ssyncadd.s32 $0xFFFFFF80  }
0xd6: {  	[tilespmem:s25], [sflag:$0x8] =	stream.indirect.gather [hbm4b:s9+s16], $0x80, s16, s16, $0xb8;
	[tilespmem:$0x1BF00] =	vst v63  }
0xd7: {  	_ =	swait.ge [sflag:s26], $0x4000  }
0xd8: {  	[sflag:s26] =	ssyncset.done $0x0  }
0xd9: {  	[sflag:s26] =	ssyncadd.s32 $0xFFFFC000  }
0xda: {  	[spmem:s3] =	stream.indirect.scatter.add.f32 [tilespmem:s20], [sflag:$0x9], $0x80, s15, s16, $0xb8;
	[tilespmem:$0x1BF00] =	vst v63  }
0xdb: {  	_ =	swait.ge [sflag:s28], $0x4000  }
0xdc: {  	[sflag:s28] =	ssyncset.done $0x0  }
0xdd: {  	s12 =	sadd.s32 $0x9C70, s2;
	[sflag:s28] =	ssyncadd.s32 $0xFFFFC000  }
0xde: {  	[tilespmem:s4], [sflag:$0x1] =	stream.linear.gather [hbm4b:s12+s4], $0x80, $0x38;
	[tilespmem:$0x1BF00] =	vst v63  }
0xdf: {  	s12 =	sadd.s32 $0x30, s2  }
0xe0: {  	[tilespmem:s15], [sflag:$0x4] =	stream.linear.gather [hbm4b:s12+s4], $0x80, $0x38;
	[tilespmem:$0x1BF00] =	vst v63  }
0xe1: {  	_ =	swait.ge [sflag:s29], $0x80  }
0xe2: {  	[sflag:s29] =	ssyncset.done $0x0  }
0xe3: {  	[sflag:s29] =	ssyncadd.s32 $0xFFFFFF80  }
0xe4: {  	_ =	swait.ge [sflag:s30], $0x80  }
0xe5: {  	[sflag:s30] =	ssyncset.done $0x0  }
0xe6: {  	[sflag:s30] =	ssyncadd.s32 $0xFFFFFF80  }
0xe7: {  	[tilespmem:s20], [sflag:$0x7] =	stream.indirect.gather [hbm4b:s9+s16], $0x80, s21, s16, $0xb8;
	[tilespmem:$0x1BF00] =	vst v63  }
0xe8: {  	_ =	swait.ge [sflag:s31], $0x4000  }
0xe9: {  	[sflag:s31] =	ssyncset.done $0x0  }
0xea: {  	[sflag:s31] =	ssyncadd.s32 $0xFFFFC000  }
0xeb: {  	[spmem:s3] =	stream.indirect.scatter.add.f32 [tilespmem:s25], [sflag:$0x9], $0x80, s17, s16, $0xb8;
	[tilespmem:$0x1BF00] =	vst v63  }
0xec: {  	_ =	swait.ge [sflag:s28], $0x4000  }
0xed: {  	[sflag:s28] =	ssyncset.done $0x0  }
0xee: {  	s12 =	sadd.s32 $0x9C80, s2;
	[sflag:s28] =	ssyncadd.s32 $0xFFFFC000  }
0xef: {  	[tilespmem:s16], [sflag:$0x2] =	stream.linear.gather [hbm4b:s12+s4], $0x80, $0x38;
	[tilespmem:$0x1BF00] =	vst v63  }
0xf0: {  	s12 =	sadd.s32 $0x40, s2  }
0xf1: {  	[tilespmem:s17], [sflag:$0x5] =	stream.linear.gather [hbm4b:s12+s4], $0x80, $0x38;
	[tilespmem:$0x1BF00] =	vst v63  }
0xf2: {  	_ =	swait.ge [sflag:s18], $0x80  }
0xf3: {  	[sflag:s18] =	ssyncset.done $0x0  }
0xf4: {  	[sflag:s18] =	ssyncadd.s32 $0xFFFFFF80  }
0xf5: {  	_ =	swait.ge [sflag:s19], $0x80  }
0xf6: {  	[sflag:s19] =	ssyncset.done $0x0  }
0xf7: {  	[sflag:s19] =	ssyncadd.s32 $0xFFFFFF80  }
0xf8: {  	[tilespmem:s25], [sflag:$0x8] =	stream.indirect.gather [hbm4b:s9+s16], $0x80, s4, s16, $0xb8;
	[tilespmem:$0x1BF00] =	vst v63  }
0xf9: {  	_ =	swait.ge [sflag:s26], $0x4000  }
0xfa: {  	[sflag:s26] =	ssyncset.done $0x0  }
0xfb: {  	[sflag:s26] =	ssyncadd.s32 $0xFFFFC000  }
0xfc: {  	[spmem:s3] =	stream.indirect.scatter.add.f32 [tilespmem:s20], [sflag:$0x9], $0x80, s22, s16, $0xb8;
	[tilespmem:$0x1BF00] =	vst v63  }
0xfd: {  	_ =	swait.ge [sflag:s28], $0x4000  }
0xfe: {  	[sflag:s28] =	ssyncset.done $0x0  }
0xff: {  	s12 =	sadd.s32 $0x9C90, s2;
	[sflag:s28] =	ssyncadd.s32 $0xFFFFC000  }
0x100: {  	[tilespmem:s21], [sflag:$0x3] =	stream.linear.gather [hbm4b:s12+s4], $0x80, $0x38;
	[tilespmem:$0x1BF00] =	vst v63  }
0x101: {  	s12 =	sadd.s32 $0x50, s2  }
0x102: {  	[tilespmem:s22], [sflag:$0x6] =	stream.linear.gather [hbm4b:s12+s4], $0x80, $0x38;
	[tilespmem:$0x1BF00] =	vst v63  }
0x103: {  	_ =	swait.ge [sflag:s23], $0x80  }
0x104: {  	[sflag:s23] =	ssyncset.done $0x0  }
0x105: {  	[sflag:s23] =	ssyncadd.s32 $0xFFFFFF80  }
0x106: {  	_ =	swait.ge [sflag:s24], $0x80  }
0x107: {  	[sflag:s24] =	ssyncset.done $0x0  }
0x108: {  	[sflag:s24] =	ssyncadd.s32 $0xFFFFFF80  }
0x109: {  	[tilespmem:s20], [sflag:$0x7] =	stream.indirect.gather [hbm4b:s9+s16], $0x80, s16, s16, $0xb8;
	[tilespmem:$0x1BF00] =	vst v63  }
0x10a: {  	_ =	swait.ge [sflag:s31], $0x4000  }
0x10b: {  	[sflag:s31] =	ssyncset.done $0x0  }
0x10c: {  	[sflag:s31] =	ssyncadd.s32 $0xFFFFC000  }
0x10d: {  	[spmem:s3] =	stream.indirect.scatter.add.f32 [tilespmem:s25], [sflag:$0x9], $0x80, s15, s16, $0xb8;
	[tilespmem:$0x1BF00] =	vst v63  }
0x10e: {  	_ =	swait.ge [sflag:s28], $0x4000  }
0x10f: {  	[sflag:s28] =	ssyncset.done $0x0  }
0x110: {  	s12 =	sadd.s32 $0x9CA0, s2;
	[sflag:s28] =	ssyncadd.s32 $0xFFFFC000  }
0x111: {  	[tilespmem:s4], [sflag:$0x1] =	stream.linear.gather [hbm4b:s12+s4], $0x80, $0x38;
	[tilespmem:$0x1BF00] =	vst v63  }
0x112: {  	s12 =	sadd.s32 $0x60, s2  }
0x113: {  	[tilespmem:s15], [sflag:$0x4] =	stream.linear.gather [hbm4b:s12+s4], $0x80, $0x38;
	[tilespmem:$0x1BF00] =	vst v63  }
0x114: {  	_ =	swait.ge [sflag:s29], $0x80  }
0x115: {  	[sflag:s29] =	ssyncset.done $0x0  }
0x116: {  	[sflag:s29] =	ssyncadd.s32 $0xFFFFFF80  }
0x117: {  	_ =	swait.ge [sflag:s30], $0x80  }
0x118: {  	[sflag:s30] =	ssyncset.done $0x0  }
0x119: {  	[sflag:s30] =	ssyncadd.s32 $0xFFFFFF80  }
0x11a: {  	[tilespmem:s25], [sflag:$0x8] =	stream.indirect.gather [hbm4b:s9+s16], $0x80, s21, s16, $0xb8;
	[tilespmem:$0x1BF00] =	vst v63  }
0x11b: {  	_ =	swait.ge [sflag:s26], $0x4000  }
0x11c: {  	[sflag:s26] =	ssyncset.done $0x0  }
0x11d: {  	[sflag:s26] =	ssyncadd.s32 $0xFFFFC000  }
0x11e: {  	[spmem:s3] =	stream.indirect.scatter.add.f32 [tilespmem:s20], [sflag:$0x9], $0x80, s17, s16, $0xb8;
	[tilespmem:$0x1BF00] =	vst v63  }
0x11f: {  	_ =	swait.ge [sflag:s28], $0x4000  }
0x120: {  	[sflag:s28] =	ssyncset.done $0x0  }
0x121: {  	s12 =	sadd.s32 $0x9CB0, s2;
	[sflag:s28] =	ssyncadd.s32 $0xFFFFC000  }
0x122: {  	[tilespmem:s16], [sflag:$0x2] =	stream.linear.gather [hbm4b:s12+s4], $0x80, $0x38;
	[tilespmem:$0x1BF00] =	vst v63  }
0x123: {  	s2 =	sadd.s32 $0x70, s2  }
0x124: {  	[tilespmem:s17], [sflag:$0x5] =	stream.linear.gather [hbm4b:s2+s4], $0x80, $0x38;
	[tilespmem:$0x1BF00] =	vst v63  }
0x125: {  	_ =	swait.ge [sflag:s18], $0x80  }
0x126: {  	[sflag:s18] =	ssyncset.done $0x0  }
0x127: {  	[sflag:s18] =	ssyncadd.s32 $0xFFFFFF80  }
0x128: {  	_ =	swait.ge [sflag:s19], $0x80  }
0x129: {  	[sflag:s19] =	ssyncset.done $0x0  }
0x12a: {  	[sflag:s19] =	ssyncadd.s32 $0xFFFFFF80  }
0x12b: {  	[tilespmem:s20], [sflag:$0x7] =	stream.indirect.gather [hbm4b:s9+s16], $0x80, s4, s16, $0xb8;
	[tilespmem:$0x1BF00] =	vst v63  }
0x12c: {  	_ =	swait.ge [sflag:s31], $0x4000  }
0x12d: {  	[sflag:s31] =	ssyncset.done $0x0  }
0x12e: {  	[sflag:s31] =	ssyncadd.s32 $0xFFFFC000  }
0x12f: {  	[spmem:s3] =	stream.indirect.scatter.add.f32 [tilespmem:s25], [sflag:$0x9], $0x80, s22, s16, $0xb8;
	[tilespmem:$0x1BF00] =	vst v63  }
0x130: {  	s12 =	simm.s32 $0x60;
	_ =	swait.ge [sflag:s28], $0x4000  }
.LBB2_6:
0x131: {  	s2 =	rddreg [dreg:$0x5];
	s6 =	smov.u32 s12  }
0x132: {  	[sflag:s28] =	ssyncset.done $0x0;
	s2 =	sadd.s32 s6, s2  }
0x133: {  	[sflag:s28] =	ssyncadd.s32 $0xFFFFC000;
	s6 =	sadd.s32 $0x9C60, s2  }
0x134: {  	[tilespmem:s21], [sflag:$0x3] =	stream.linear.gather [hbm4b:s6+s4], $0x80, $0x38;
	[tilespmem:$0x1BF00] =	vst v63  }
0x135: {  	s6 =	sadd.s32 $0x20, s2  }
0x136: {  	[tilespmem:s22], [sflag:$0x6] =	stream.linear.gather [hbm4b:s6+s4], $0x80, $0x38;
	[tilespmem:$0x1BF00] =	vst v63  }
0x137: {  	_ =	swait.ge [sflag:s23], $0x80  }
0x138: {  	[sflag:s23] =	ssyncset.done $0x0  }
0x139: {  	[sflag:s23] =	ssyncadd.s32 $0xFFFFFF80  }
0x13a: {  	_ =	swait.ge [sflag:s24], $0x80  }
0x13b: {  	[sflag:s24] =	ssyncset.done $0x0  }
0x13c: {  	[sflag:s24] =	ssyncadd.s32 $0xFFFFFF80  }
0x13d: {  	[tilespmem:s25], [sflag:$0x8] =	stream.indirect.gather [hbm4b:s9+s16], $0x80, s16, s16, $0xb8;
	[tilespmem:$0x1BF00] =	vst v63  }
0x13e: {  	_ =	swait.ge [sflag:s26], $0x4000  }
0x13f: {  	[sflag:s26] =	ssyncset.done $0x0  }
0x140: {  	[sflag:s26] =	ssyncadd.s32 $0xFFFFC000  }
0x141: {  	[spmem:s3] =	stream.indirect.scatter.add.f32 [tilespmem:s20], [sflag:$0x9], $0x80, s15, s16, $0xb8;
	[tilespmem:$0x1BF00] =	vst v63  }
0x142: {  	_ =	swait.ge [sflag:s28], $0x4000  }
0x143: {  	[sflag:s28] =	ssyncset.done $0x0  }
0x144: {  	s6 =	sadd.s32 $0x9C70, s2;
	[sflag:s28] =	ssyncadd.s32 $0xFFFFC000  }
0x145: {  	[tilespmem:s4], [sflag:$0x1] =	stream.linear.gather [hbm4b:s6+s4], $0x80, $0x38;
	[tilespmem:$0x1BF00] =	vst v63  }
0x146: {  	s6 =	sadd.s32 $0x30, s2  }
0x147: {  	[tilespmem:s15], [sflag:$0x4] =	stream.linear.gather [hbm4b:s6+s4], $0x80, $0x38;
	[tilespmem:$0x1BF00] =	vst v63  }
0x148: {  	_ =	swait.ge [sflag:s29], $0x80  }
0x149: {  	[sflag:s29] =	ssyncset.done $0x0  }
0x14a: {  	[sflag:s29] =	ssyncadd.s32 $0xFFFFFF80  }
0x14b: {  	_ =	swait.ge [sflag:s30], $0x80  }
0x14c: {  	[sflag:s30] =	ssyncset.done $0x0  }
0x14d: {  	[sflag:s30] =	ssyncadd.s32 $0xFFFFFF80  }
0x14e: {  	[tilespmem:s20], [sflag:$0x7] =	stream.indirect.gather [hbm4b:s9+s16], $0x80, s21, s16, $0xb8;
	[tilespmem:$0x1BF00] =	vst v63  }
0x14f: {  	_ =	swait.ge [sflag:s31], $0x4000  }
0x150: {  	[sflag:s31] =	ssyncset.done $0x0  }
0x151: {  	[sflag:s31] =	ssyncadd.s32 $0xFFFFC000  }
0x152: {  	[spmem:s3] =	stream.indirect.scatter.add.f32 [tilespmem:s25], [sflag:$0x9], $0x80, s17, s16, $0xb8;
	[tilespmem:$0x1BF00] =	vst v63  }
0x153: {  	_ =	swait.ge [sflag:s28], $0x4000  }
0x154: {  	[sflag:s28] =	ssyncset.done $0x0  }
0x155: {  	s6 =	sadd.s32 $0x9C80, s2;
	[sflag:s28] =	ssyncadd.s32 $0xFFFFC000  }
0x156: {  	[tilespmem:s16], [sflag:$0x2] =	stream.linear.gather [hbm4b:s6+s4], $0x80, $0x38;
	[tilespmem:$0x1BF00] =	vst v63  }
0x157: {  	s6 =	sadd.s32 $0x40, s2  }
0x158: {  	[tilespmem:s17], [sflag:$0x5] =	stream.linear.gather [hbm4b:s6+s4], $0x80, $0x38;
	[tilespmem:$0x1BF00] =	vst v63  }
0x159: {  	_ =	swait.ge [sflag:s18], $0x80  }
0x15a: {  	[sflag:s18] =	ssyncset.done $0x0  }
0x15b: {  	[sflag:s18] =	ssyncadd.s32 $0xFFFFFF80  }
0x15c: {  	_ =	swait.ge [sflag:s19], $0x80  }
0x15d: {  	[sflag:s19] =	ssyncset.done $0x0  }
0x15e: {  	[sflag:s19] =	ssyncadd.s32 $0xFFFFFF80  }
0x15f: {  	[tilespmem:s25], [sflag:$0x8] =	stream.indirect.gather [hbm4b:s9+s16], $0x80, s4, s16, $0xb8;
	[tilespmem:$0x1BF00] =	vst v63  }
0x160: {  	_ =	swait.ge [sflag:s26], $0x4000  }
0x161: {  	[sflag:s26] =	ssyncset.done $0x0  }
0x162: {  	[sflag:s26] =	ssyncadd.s32 $0xFFFFC000  }
0x163: {  	[spmem:s3] =	stream.indirect.scatter.add.f32 [tilespmem:s20], [sflag:$0x9], $0x80, s22, s16, $0xb8;
	[tilespmem:$0x1BF00] =	vst v63  }
0x164: {  	_ =	swait.ge [sflag:s28], $0x4000  }
0x165: {  	[sflag:s28] =	ssyncset.done $0x0  }
0x166: {  	s6 =	sadd.s32 $0x9C90, s2;
	[sflag:s28] =	ssyncadd.s32 $0xFFFFC000  }
0x167: {  	[tilespmem:s21], [sflag:$0x3] =	stream.linear.gather [hbm4b:s6+s4], $0x80, $0x38;
	[tilespmem:$0x1BF00] =	vst v63  }
0x168: {  	s6 =	sadd.s32 $0x50, s2  }
0x169: {  	[tilespmem:s22], [sflag:$0x6] =	stream.linear.gather [hbm4b:s6+s4], $0x80, $0x38;
	[tilespmem:$0x1BF00] =	vst v63  }
0x16a: {  	_ =	swait.ge [sflag:s23], $0x80  }
0x16b: {  	[sflag:s23] =	ssyncset.done $0x0  }
0x16c: {  	[sflag:s23] =	ssyncadd.s32 $0xFFFFFF80  }
0x16d: {  	_ =	swait.ge [sflag:s24], $0x80  }
0x16e: {  	[sflag:s24] =	ssyncset.done $0x0  }
0x16f: {  	[sflag:s24] =	ssyncadd.s32 $0xFFFFFF80  }
0x170: {  	[tilespmem:s20], [sflag:$0x7] =	stream.indirect.gather [hbm4b:s9+s16], $0x80, s16, s16, $0xb8;
	[tilespmem:$0x1BF00] =	vst v63  }
0x171: {  	_ =	swait.ge [sflag:s31], $0x4000  }
0x172: {  	[sflag:s31] =	ssyncset.done $0x0  }
0x173: {  	[sflag:s31] =	ssyncadd.s32 $0xFFFFC000  }
0x174: {  	[spmem:s3] =	stream.indirect.scatter.add.f32 [tilespmem:s25], [sflag:$0x9], $0x80, s15, s16, $0xb8;
	[tilespmem:$0x1BF00] =	vst v63  }
0x175: {  	_ =	swait.ge [sflag:s28], $0x4000  }
0x176: {  	[sflag:s28] =	ssyncset.done $0x0  }
0x177: {  	s6 =	sadd.s32 $0x9CA0, s2;
	[sflag:s28] =	ssyncadd.s32 $0xFFFFC000  }
0x178: {  	[tilespmem:s4], [sflag:$0x1] =	stream.linear.gather [hbm4b:s6+s4], $0x80, $0x38;
	[tilespmem:$0x1BF00] =	vst v63  }
0x179: {  	s6 =	sadd.s32 $0x60, s2  }
0x17a: {  	[tilespmem:s15], [sflag:$0x4] =	stream.linear.gather [hbm4b:s6+s4], $0x80, $0x38;
	[tilespmem:$0x1BF00] =	vst v63  }
0x17b: {  	_ =	swait.ge [sflag:s29], $0x80  }
0x17c: {  	[sflag:s29] =	ssyncset.done $0x0  }
0x17d: {  	[sflag:s29] =	ssyncadd.s32 $0xFFFFFF80  }
0x17e: {  	_ =	swait.ge [sflag:s30], $0x80  }
0x17f: {  	[sflag:s30] =	ssyncset.done $0x0  }
0x180: {  	[sflag:s30] =	ssyncadd.s32 $0xFFFFFF80  }
0x181: {  	[tilespmem:s25], [sflag:$0x8] =	stream.indirect.gather [hbm4b:s9+s16], $0x80, s21, s16, $0xb8;
	[tilespmem:$0x1BF00] =	vst v63  }
0x182: {  	_ =	swait.ge [sflag:s26], $0x4000  }
0x183: {  	[sflag:s26] =	ssyncset.done $0x0  }
0x184: {  	[sflag:s26] =	ssyncadd.s32 $0xFFFFC000  }
0x185: {  	[spmem:s3] =	stream.indirect.scatter.add.f32 [tilespmem:s20], [sflag:$0x9], $0x80, s17, s16, $0xb8;
	[tilespmem:$0x1BF00] =	vst v63  }
0x186: {  	_ =	swait.ge [sflag:s28], $0x4000  }
0x187: {  	[sflag:s28] =	ssyncset.done $0x0  }
0x188: {  	s6 =	sadd.s32 $0x9CB0, s2;
	[sflag:s28] =	ssyncadd.s32 $0xFFFFC000  }
0x189: {  	[tilespmem:s16], [sflag:$0x2] =	stream.linear.gather [hbm4b:s6+s4], $0x80, $0x38;
	[tilespmem:$0x1BF00] =	vst v63  }
0x18a: {  	s2 =	sadd.s32 $0x70, s2  }
0x18b: {  	[tilespmem:s17], [sflag:$0x5] =	stream.linear.gather [hbm4b:s2+s4], $0x80, $0x38;
	[tilespmem:$0x1BF00] =	vst v63  }
0x18c: {  	_ =	swait.ge [sflag:s18], $0x80  }
0x18d: {  	[sflag:s18] =	ssyncset.done $0x0  }
0x18e: {  	[sflag:s18] =	ssyncadd.s32 $0xFFFFFF80  }
0x18f: {  	_ =	swait.ge [sflag:s19], $0x80  }
0x190: {  	[sflag:s19] =	ssyncset.done $0x0  }
0x191: {  	p2 =	sne.s32 s12, $0x900;
	[sflag:s19] =	ssyncadd.s32 $0xFFFFFF80  }
0x192: {  	[tilespmem:s20], [sflag:$0x7] =	stream.indirect.gather [hbm4b:s9+s16], $0x80, s4, s16, $0xb8;
	[tilespmem:$0x1BF00] =	vst v63  }
.Ltmp3:
0x193: {  	_ =	swait.ge [sflag:s31], $0x4000;
	(pc) =	sbr.rel @p2 .LBB2_6-.Ltmp3, $4  }
0x194: {  	[sflag:s31] =	ssyncset.done $0x0  }
0x195: {  	[sflag:s31] =	ssyncadd.s32 $0xFFFFC000  }
0x196: {  	[spmem:s3] =	stream.indirect.scatter.add.f32 [tilespmem:s25], [sflag:$0x9], $0x80, s22, s16, $0xb8;
	[tilespmem:$0x1BF00] =	vst v63  }
0x197: {  	s12 =	sadd.s32 $0x60, s12;
	_ =	swait.ge [sflag:s28], $0x4000  }
.Ltmp4:
0x198: {  	_ = 	snop;
	(pc) =	sbr.rel .LBB2_7-.Ltmp4, $1  }
0x199: {  	_ =	sdelay $0x3  }
.LBB2_2:
0x19a: {  	s2 =	rddreg [dreg:$0x6]  }
0x19b: {  	[tilespmem:s4], [sflag:$0x1] =	stream.linear.gather [hbm4b:s2+s4], $0x80, $0x38;
	[tilespmem:$0x1BF00] =	vst v63  }
0x19c: {  	s12 =	rddreg [dreg:$0x7]  }
0x19d: {  	[tilespmem:s15], [sflag:$0x4] =	stream.linear.gather [hbm4b:s12+s4], $0x80, $0x38;
	[tilespmem:$0x1BF00] =	vst v63  }
0x19e: {  	s6 =	rddreg [dreg:$0x8]  }
0x19f: {  	[tilespmem:s16], [sflag:$0x2] =	stream.linear.gather [hbm4b:s6+s4], $0x80, $0x38;
	[tilespmem:$0x1BF00] =	vst v63  }
0x1a0: {  	s2 =	simm.s32 @p1 $0x1FC9;
	s12 =	rddreg [dreg:$0x9]  }
0x1a1: {  	[tilespmem:s17], [sflag:$0x5] =	stream.linear.gather [hbm4b:s12+s4], $0x80, $0x38;
	[tilespmem:$0x1BF00] =	vst v63  }
0x1a2: {  	[spmem:s11], [sflag:s2] =	dma.local @p1 [hbm:s10], $0x2080  }
0x1a3: {  	s2 =	simm.s32 @p1 $0x9  }
0x1a4: {  	_ =	swait.ge @p1 [sflag:s2], $0x2080  }
0x1a5: {  	[sflag:s2] =	ssyncset.done @p1 $0x0  }
0x1a6: {  	[sflag:s2] =	ssyncadd.s32 @p1 $0xFFFFDF80;
	s2 =	simm.s32 @!p1 $0x9  }
0x1a7: {  	[spmem:s7], [sflag:s8] =	dma.local @!p1 [hbm:s10], $0x2780  }
0x1a8: {  	_ =	swait.ge @!p1 [sflag:s2], $0x2780  }
0x1a9: {  	[sflag:s2] =	ssyncset.done @!p1 $0x0  }
0x1aa: {  	[sflag:s2] =	ssyncadd.s32 @!p1 $0xFFFFD880  }
0x1ab: {  	_ =	swait.ge [sflag:s18], $0x80  }
0x1ac: {  	[sflag:s18] =	ssyncset.done $0x0  }
0x1ad: {  	[sflag:s18] =	ssyncadd.s32 $0xFFFFFF80  }
0x1ae: {  	_ =	swait.ge [sflag:s19], $0x80  }
0x1af: {  	[sflag:s19] =	ssyncset.done $0x0  }
0x1b0: {  	s6 =	simm.s32 $0x0;
	[sflag:s19] =	ssyncadd.s32 $0xFFFFFF80  }
0x1b1: {  	[tilespmem:s20], [sflag:$0x7] =	stream.indirect.gather [hbm4b:s1+s16], $0x80, s6, s16, $0xb8;
	[tilespmem:$0x1BF00] =	vst v63  }
0x1b2: {  	[bflag:$0x0] =	sbarrier.arrive $0xFFFF  }
0x1b3: {  	s12 =	rddreg [dreg:$0x4]  }
0x1b4: {  	s2 =	sadd.s32 $0x0, s12  }
0x1b5: {  	s12 =	sadd.s32 $0x9C60, s2  }
0x1b6: {  	[tilespmem:s21], [sflag:$0x3] =	stream.linear.gather [hbm4b:s12+s4], $0x80, $0x38;
	[tilespmem:$0x1BF00] =	vst v63  }
0x1b7: {  	s6 =	sadd.s32 $0x20, s2  }
0x1b8: {  	[tilespmem:s22], [sflag:$0x6] =	stream.linear.gather [hbm4b:s6+s4], $0x80, $0x38;
	[tilespmem:$0x1BF00] =	vst v63  }
0x1b9: {  	_ =	swait.ge [sflag:s23], $0x80  }
0x1ba: {  	[sflag:s23] =	ssyncset.done $0x0  }
0x1bb: {  	[sflag:s23] =	ssyncadd.s32 $0xFFFFFF80  }
0x1bc: {  	_ =	swait.ge [sflag:s24], $0x80  }
0x1bd: {  	[sflag:s24] =	ssyncset.done $0x0  }
0x1be: {  	[sflag:s24] =	ssyncadd.s32 $0xFFFFFF80  }
0x1bf: {  	[tilespmem:s25], [sflag:$0x8] =	stream.indirect.gather [hbm4b:s1+s16], $0x80, s16, s16, $0xb8;
	[tilespmem:$0x1BF00] =	vst v63  }
0x1c0: {  	_ =	swait.ge [sflag:s26], $0x4000  }
0x1c1: {  	[sflag:s26] =	ssyncset.done $0x0  }
0x1c2: {  	[sflag:s26] =	ssyncadd.s32 $0xFFFFC000  }
0x1c3: {  	[spmem:s3] =	stream.indirect.scatter.add.f32 [tilespmem:s20], [sflag:$0x9], $0x80, s15, s16, $0xb8;
	[tilespmem:$0x1BF00] =	vst v63  }
0x1c4: {  	_ =	swait.ge [sflag:s28], $0x4000  }
0x1c5: {  	[sflag:s28] =	ssyncset.done $0x0  }
0x1c6: {  	s6 =	sadd.s32 $0x9C70, s2;
	[sflag:s28] =	ssyncadd.s32 $0xFFFFC000  }
0x1c7: {  	[tilespmem:s4], [sflag:$0x1] =	stream.linear.gather [hbm4b:s6+s4], $0x80, $0x38;
	[tilespmem:$0x1BF00] =	vst v63  }
0x1c8: {  	s6 =	sadd.s32 $0x30, s2  }
0x1c9: {  	[tilespmem:s15], [sflag:$0x4] =	stream.linear.gather [hbm4b:s6+s4], $0x80, $0x38;
	[tilespmem:$0x1BF00] =	vst v63  }
0x1ca: {  	_ =	swait.ge [sflag:s29], $0x80  }
0x1cb: {  	[sflag:s29] =	ssyncset.done $0x0  }
0x1cc: {  	[sflag:s29] =	ssyncadd.s32 $0xFFFFFF80  }
0x1cd: {  	_ =	swait.ge [sflag:s30], $0x80  }
0x1ce: {  	[sflag:s30] =	ssyncset.done $0x0  }
0x1cf: {  	[sflag:s30] =	ssyncadd.s32 $0xFFFFFF80  }
0x1d0: {  	[tilespmem:s20], [sflag:$0x7] =	stream.indirect.gather [hbm4b:s1+s16], $0x80, s21, s16, $0xb8;
	[tilespmem:$0x1BF00] =	vst v63  }
0x1d1: {  	_ =	swait.ge [sflag:s31], $0x4000  }
0x1d2: {  	[sflag:s31] =	ssyncset.done $0x0  }
0x1d3: {  	[sflag:s31] =	ssyncadd.s32 $0xFFFFC000  }
0x1d4: {  	[spmem:s3] =	stream.indirect.scatter.add.f32 [tilespmem:s25], [sflag:$0x9], $0x80, s17, s16, $0xb8;
	[tilespmem:$0x1BF00] =	vst v63  }
0x1d5: {  	_ =	swait.ge [sflag:s28], $0x4000  }
0x1d6: {  	[sflag:s28] =	ssyncset.done $0x0  }
0x1d7: {  	s6 =	sadd.s32 $0x9C80, s2;
	[sflag:s28] =	ssyncadd.s32 $0xFFFFC000  }
0x1d8: {  	[tilespmem:s16], [sflag:$0x2] =	stream.linear.gather [hbm4b:s6+s4], $0x80, $0x38;
	[tilespmem:$0x1BF00] =	vst v63  }
0x1d9: {  	s6 =	sadd.s32 $0x40, s2  }
0x1da: {  	[tilespmem:s17], [sflag:$0x5] =	stream.linear.gather [hbm4b:s6+s4], $0x80, $0x38;
	[tilespmem:$0x1BF00] =	vst v63  }
0x1db: {  	_ =	swait.ge [sflag:s18], $0x80  }
0x1dc: {  	[sflag:s18] =	ssyncset.done $0x0  }
0x1dd: {  	[sflag:s18] =	ssyncadd.s32 $0xFFFFFF80  }
0x1de: {  	_ =	swait.ge [sflag:s19], $0x80  }
0x1df: {  	[sflag:s19] =	ssyncset.done $0x0  }
0x1e0: {  	[sflag:s19] =	ssyncadd.s32 $0xFFFFFF80  }
0x1e1: {  	[tilespmem:s25], [sflag:$0x8] =	stream.indirect.gather [hbm4b:s1+s16], $0x80, s4, s16, $0xb8;
	[tilespmem:$0x1BF00] =	vst v63  }
0x1e2: {  	_ =	swait.ge [sflag:s26], $0x4000  }
0x1e3: {  	[sflag:s26] =	ssyncset.done $0x0  }
0x1e4: {  	[sflag:s26] =	ssyncadd.s32 $0xFFFFC000  }
0x1e5: {  	[spmem:s3] =	stream.indirect.scatter.add.f32 [tilespmem:s20], [sflag:$0x9], $0x80, s22, s16, $0xb8;
	[tilespmem:$0x1BF00] =	vst v63  }
0x1e6: {  	_ =	swait.ge [sflag:s28], $0x4000  }
0x1e7: {  	[sflag:s28] =	ssyncset.done $0x0  }
0x1e8: {  	s6 =	sadd.s32 $0x9C90, s2;
	[sflag:s28] =	ssyncadd.s32 $0xFFFFC000  }
0x1e9: {  	[tilespmem:s21], [sflag:$0x3] =	stream.linear.gather [hbm4b:s6+s4], $0x80, $0x38;
	[tilespmem:$0x1BF00] =	vst v63  }
0x1ea: {  	s6 =	sadd.s32 $0x50, s2  }
0x1eb: {  	[tilespmem:s22], [sflag:$0x6] =	stream.linear.gather [hbm4b:s6+s4], $0x80, $0x38;
	[tilespmem:$0x1BF00] =	vst v63  }
0x1ec: {  	_ =	swait.ge [sflag:s23], $0x80  }
0x1ed: {  	[sflag:s23] =	ssyncset.done $0x0  }
0x1ee: {  	[sflag:s23] =	ssyncadd.s32 $0xFFFFFF80  }
0x1ef: {  	_ =	swait.ge [sflag:s24], $0x80  }
0x1f0: {  	[sflag:s24] =	ssyncset.done $0x0  }
0x1f1: {  	[sflag:s24] =	ssyncadd.s32 $0xFFFFFF80  }
0x1f2: {  	[tilespmem:s20], [sflag:$0x7] =	stream.indirect.gather [hbm4b:s1+s16], $0x80, s16, s16, $0xb8;
	[tilespmem:$0x1BF00] =	vst v63  }
0x1f3: {  	_ =	swait.ge [sflag:s31], $0x4000  }
0x1f4: {  	[sflag:s31] =	ssyncset.done $0x0  }
0x1f5: {  	[sflag:s31] =	ssyncadd.s32 $0xFFFFC000  }
0x1f6: {  	[spmem:s3] =	stream.indirect.scatter.add.f32 [tilespmem:s25], [sflag:$0x9], $0x80, s15, s16, $0xb8;
	[tilespmem:$0x1BF00] =	vst v63  }
0x1f7: {  	_ =	swait.ge [sflag:s28], $0x4000  }
0x1f8: {  	[sflag:s28] =	ssyncset.done $0x0  }
0x1f9: {  	s6 =	sadd.s32 $0x9CA0, s2;
	[sflag:s28] =	ssyncadd.s32 $0xFFFFC000  }
0x1fa: {  	[tilespmem:s4], [sflag:$0x1] =	stream.linear.gather [hbm4b:s6+s4], $0x80, $0x38;
	[tilespmem:$0x1BF00] =	vst v63  }
0x1fb: {  	s6 =	sadd.s32 $0x60, s2  }
0x1fc: {  	[tilespmem:s15], [sflag:$0x4] =	stream.linear.gather [hbm4b:s6+s4], $0x80, $0x38;
	[tilespmem:$0x1BF00] =	vst v63  }
0x1fd: {  	_ =	swait.ge [sflag:s29], $0x80  }
0x1fe: {  	[sflag:s29] =	ssyncset.done $0x0  }
0x1ff: {  	[sflag:s29] =	ssyncadd.s32 $0xFFFFFF80  }
0x200: {  	_ =	swait.ge [sflag:s30], $0x80  }
0x201: {  	[sflag:s30] =	ssyncset.done $0x0  }
0x202: {  	[sflag:s30] =	ssyncadd.s32 $0xFFFFFF80  }
0x203: {  	[tilespmem:s25], [sflag:$0x8] =	stream.indirect.gather [hbm4b:s1+s16], $0x80, s21, s16, $0xb8;
	[tilespmem:$0x1BF00] =	vst v63  }
0x204: {  	_ =	swait.ge [sflag:s26], $0x4000  }
0x205: {  	[sflag:s26] =	ssyncset.done $0x0  }
0x206: {  	[sflag:s26] =	ssyncadd.s32 $0xFFFFC000  }
0x207: {  	[spmem:s3] =	stream.indirect.scatter.add.f32 [tilespmem:s20], [sflag:$0x9], $0x80, s17, s16, $0xb8;
	[tilespmem:$0x1BF00] =	vst v63  }
0x208: {  	_ =	swait.ge [sflag:s28], $0x4000  }
0x209: {  	[sflag:s28] =	ssyncset.done $0x0  }
0x20a: {  	s6 =	sadd.s32 $0x9CB0, s2;
	[sflag:s28] =	ssyncadd.s32 $0xFFFFC000  }
0x20b: {  	[tilespmem:s16], [sflag:$0x2] =	stream.linear.gather [hbm4b:s6+s4], $0x80, $0x38;
	[tilespmem:$0x1BF00] =	vst v63  }
0x20c: {  	s2 =	sadd.s32 $0x70, s2  }
0x20d: {  	[tilespmem:s17], [sflag:$0x5] =	stream.linear.gather [hbm4b:s2+s4], $0x80, $0x38;
	[tilespmem:$0x1BF00] =	vst v63  }
0x20e: {  	_ =	swait.ge [sflag:s18], $0x80  }
0x20f: {  	[sflag:s18] =	ssyncset.done $0x0  }
0x210: {  	[sflag:s18] =	ssyncadd.s32 $0xFFFFFF80  }
0x211: {  	_ =	swait.ge [sflag:s19], $0x80  }
0x212: {  	[sflag:s19] =	ssyncset.done $0x0  }
0x213: {  	[sflag:s19] =	ssyncadd.s32 $0xFFFFFF80  }
0x214: {  	[tilespmem:s20], [sflag:$0x7] =	stream.indirect.gather [hbm4b:s1+s16], $0x80, s4, s16, $0xb8;
	[tilespmem:$0x1BF00] =	vst v63  }
0x215: {  	_ =	swait.ge [sflag:s31], $0x4000  }
0x216: {  	[sflag:s31] =	ssyncset.done $0x0  }
0x217: {  	[sflag:s31] =	ssyncadd.s32 $0xFFFFC000  }
0x218: {  	[spmem:s3] =	stream.indirect.scatter.add.f32 [tilespmem:s25], [sflag:$0x9], $0x80, s22, s16, $0xb8;
	[tilespmem:$0x1BF00] =	vst v63  }
0x219: {  	s12 =	simm.s32 $0x60;
	_ =	swait.ge [sflag:s28], $0x4000  }
.LBB2_3:
0x21a: {  	s2 =	rddreg [dreg:$0x4];
	s6 =	smov.u32 s12  }
0x21b: {  	[sflag:s28] =	ssyncset.done $0x0;
	s2 =	sadd.s32 s6, s2  }
0x21c: {  	[sflag:s28] =	ssyncadd.s32 $0xFFFFC000;
	s6 =	sadd.s32 $0x9C60, s2  }
0x21d: {  	[tilespmem:s21], [sflag:$0x3] =	stream.linear.gather [hbm4b:s6+s4], $0x80, $0x38;
	[tilespmem:$0x1BF00] =	vst v63  }
0x21e: {  	s6 =	sadd.s32 $0x20, s2  }
0x21f: {  	[tilespmem:s22], [sflag:$0x6] =	stream.linear.gather [hbm4b:s6+s4], $0x80, $0x38;
	[tilespmem:$0x1BF00] =	vst v63  }
0x220: {  	_ =	swait.ge [sflag:s23], $0x80  }
0x221: {  	[sflag:s23] =	ssyncset.done $0x0  }
0x222: {  	[sflag:s23] =	ssyncadd.s32 $0xFFFFFF80  }
0x223: {  	_ =	swait.ge [sflag:s24], $0x80  }
0x224: {  	[sflag:s24] =	ssyncset.done $0x0  }
0x225: {  	[sflag:s24] =	ssyncadd.s32 $0xFFFFFF80  }
0x226: {  	[tilespmem:s25], [sflag:$0x8] =	stream.indirect.gather [hbm4b:s1+s16], $0x80, s16, s16, $0xb8;
	[tilespmem:$0x1BF00] =	vst v63  }
0x227: {  	_ =	swait.ge [sflag:s26], $0x4000  }
0x228: {  	[sflag:s26] =	ssyncset.done $0x0  }
0x229: {  	[sflag:s26] =	ssyncadd.s32 $0xFFFFC000  }
0x22a: {  	[spmem:s3] =	stream.indirect.scatter.add.f32 [tilespmem:s20], [sflag:$0x9], $0x80, s15, s16, $0xb8;
	[tilespmem:$0x1BF00] =	vst v63  }
0x22b: {  	_ =	swait.ge [sflag:s28], $0x4000  }
0x22c: {  	[sflag:s28] =	ssyncset.done $0x0  }
0x22d: {  	s6 =	sadd.s32 $0x9C70, s2;
	[sflag:s28] =	ssyncadd.s32 $0xFFFFC000  }
0x22e: {  	[tilespmem:s4], [sflag:$0x1] =	stream.linear.gather [hbm4b:s6+s4], $0x80, $0x38;
	[tilespmem:$0x1BF00] =	vst v63  }
0x22f: {  	s6 =	sadd.s32 $0x30, s2  }
0x230: {  	[tilespmem:s15], [sflag:$0x4] =	stream.linear.gather [hbm4b:s6+s4], $0x80, $0x38;
	[tilespmem:$0x1BF00] =	vst v63  }
0x231: {  	_ =	swait.ge [sflag:s29], $0x80  }
0x232: {  	[sflag:s29] =	ssyncset.done $0x0  }
0x233: {  	[sflag:s29] =	ssyncadd.s32 $0xFFFFFF80  }
0x234: {  	_ =	swait.ge [sflag:s30], $0x80  }
0x235: {  	[sflag:s30] =	ssyncset.done $0x0  }
0x236: {  	[sflag:s30] =	ssyncadd.s32 $0xFFFFFF80  }
0x237: {  	[tilespmem:s20], [sflag:$0x7] =	stream.indirect.gather [hbm4b:s1+s16], $0x80, s21, s16, $0xb8;
	[tilespmem:$0x1BF00] =	vst v63  }
0x238: {  	_ =	swait.ge [sflag:s31], $0x4000  }
0x239: {  	[sflag:s31] =	ssyncset.done $0x0  }
0x23a: {  	[sflag:s31] =	ssyncadd.s32 $0xFFFFC000  }
0x23b: {  	[spmem:s3] =	stream.indirect.scatter.add.f32 [tilespmem:s25], [sflag:$0x9], $0x80, s17, s16, $0xb8;
	[tilespmem:$0x1BF00] =	vst v63  }
0x23c: {  	_ =	swait.ge [sflag:s28], $0x4000  }
0x23d: {  	[sflag:s28] =	ssyncset.done $0x0  }
0x23e: {  	s6 =	sadd.s32 $0x9C80, s2;
	[sflag:s28] =	ssyncadd.s32 $0xFFFFC000  }
0x23f: {  	[tilespmem:s16], [sflag:$0x2] =	stream.linear.gather [hbm4b:s6+s4], $0x80, $0x38;
	[tilespmem:$0x1BF00] =	vst v63  }
0x240: {  	s6 =	sadd.s32 $0x40, s2  }
0x241: {  	[tilespmem:s17], [sflag:$0x5] =	stream.linear.gather [hbm4b:s6+s4], $0x80, $0x38;
	[tilespmem:$0x1BF00] =	vst v63  }
0x242: {  	_ =	swait.ge [sflag:s18], $0x80  }
0x243: {  	[sflag:s18] =	ssyncset.done $0x0  }
0x244: {  	[sflag:s18] =	ssyncadd.s32 $0xFFFFFF80  }
0x245: {  	_ =	swait.ge [sflag:s19], $0x80  }
0x246: {  	[sflag:s19] =	ssyncset.done $0x0  }
0x247: {  	[sflag:s19] =	ssyncadd.s32 $0xFFFFFF80  }
0x248: {  	[tilespmem:s25], [sflag:$0x8] =	stream.indirect.gather [hbm4b:s1+s16], $0x80, s4, s16, $0xb8;
	[tilespmem:$0x1BF00] =	vst v63  }
0x249: {  	_ =	swait.ge [sflag:s26], $0x4000  }
0x24a: {  	[sflag:s26] =	ssyncset.done $0x0  }
0x24b: {  	[sflag:s26] =	ssyncadd.s32 $0xFFFFC000  }
0x24c: {  	[spmem:s3] =	stream.indirect.scatter.add.f32 [tilespmem:s20], [sflag:$0x9], $0x80, s22, s16, $0xb8;
	[tilespmem:$0x1BF00] =	vst v63  }
0x24d: {  	_ =	swait.ge [sflag:s28], $0x4000  }
0x24e: {  	[sflag:s28] =	ssyncset.done $0x0  }
0x24f: {  	s6 =	sadd.s32 $0x9C90, s2;
	[sflag:s28] =	ssyncadd.s32 $0xFFFFC000  }
0x250: {  	[tilespmem:s21], [sflag:$0x3] =	stream.linear.gather [hbm4b:s6+s4], $0x80, $0x38;
	[tilespmem:$0x1BF00] =	vst v63  }
0x251: {  	s6 =	sadd.s32 $0x50, s2  }
0x252: {  	[tilespmem:s22], [sflag:$0x6] =	stream.linear.gather [hbm4b:s6+s4], $0x80, $0x38;
	[tilespmem:$0x1BF00] =	vst v63  }
0x253: {  	_ =	swait.ge [sflag:s23], $0x80  }
0x254: {  	[sflag:s23] =	ssyncset.done $0x0  }
0x255: {  	[sflag:s23] =	ssyncadd.s32 $0xFFFFFF80  }
0x256: {  	_ =	swait.ge [sflag:s24], $0x80  }
0x257: {  	[sflag:s24] =	ssyncset.done $0x0  }
0x258: {  	[sflag:s24] =	ssyncadd.s32 $0xFFFFFF80  }
0x259: {  	[tilespmem:s20], [sflag:$0x7] =	stream.indirect.gather [hbm4b:s1+s16], $0x80, s16, s16, $0xb8;
	[tilespmem:$0x1BF00] =	vst v63  }
0x25a: {  	_ =	swait.ge [sflag:s31], $0x4000  }
0x25b: {  	[sflag:s31] =	ssyncset.done $0x0  }
0x25c: {  	[sflag:s31] =	ssyncadd.s32 $0xFFFFC000  }
0x25d: {  	[spmem:s3] =	stream.indirect.scatter.add.f32 [tilespmem:s25], [sflag:$0x9], $0x80, s15, s16, $0xb8;
	[tilespmem:$0x1BF00] =	vst v63  }
0x25e: {  	_ =	swait.ge [sflag:s28], $0x4000  }
0x25f: {  	[sflag:s28] =	ssyncset.done $0x0  }
0x260: {  	s6 =	sadd.s32 $0x9CA0, s2;
	[sflag:s28] =	ssyncadd.s32 $0xFFFFC000  }
0x261: {  	[tilespmem:s4], [sflag:$0x1] =	stream.linear.gather [hbm4b:s6+s4], $0x80, $0x38;
	[tilespmem:$0x1BF00] =	vst v63  }
0x262: {  	s6 =	sadd.s32 $0x60, s2  }
0x263: {  	[tilespmem:s15], [sflag:$0x4] =	stream.linear.gather [hbm4b:s6+s4], $0x80, $0x38;
	[tilespmem:$0x1BF00] =	vst v63  }
0x264: {  	_ =	swait.ge [sflag:s29], $0x80  }
0x265: {  	[sflag:s29] =	ssyncset.done $0x0  }
0x266: {  	[sflag:s29] =	ssyncadd.s32 $0xFFFFFF80  }
0x267: {  	_ =	swait.ge [sflag:s30], $0x80  }
0x268: {  	[sflag:s30] =	ssyncset.done $0x0  }
0x269: {  	[sflag:s30] =	ssyncadd.s32 $0xFFFFFF80  }
0x26a: {  	[tilespmem:s25], [sflag:$0x8] =	stream.indirect.gather [hbm4b:s1+s16], $0x80, s21, s16, $0xb8;
	[tilespmem:$0x1BF00] =	vst v63  }
0x26b: {  	_ =	swait.ge [sflag:s26], $0x4000  }
0x26c: {  	[sflag:s26] =	ssyncset.done $0x0  }
0x26d: {  	[sflag:s26] =	ssyncadd.s32 $0xFFFFC000  }
0x26e: {  	[spmem:s3] =	stream.indirect.scatter.add.f32 [tilespmem:s20], [sflag:$0x9], $0x80, s17, s16, $0xb8;
	[tilespmem:$0x1BF00] =	vst v63  }
0x26f: {  	_ =	swait.ge [sflag:s28], $0x4000  }
0x270: {  	[sflag:s28] =	ssyncset.done $0x0  }
0x271: {  	s6 =	sadd.s32 $0x9CB0, s2;
	[sflag:s28] =	ssyncadd.s32 $0xFFFFC000  }
0x272: {  	[tilespmem:s16], [sflag:$0x2] =	stream.linear.gather [hbm4b:s6+s4], $0x80, $0x38;
	[tilespmem:$0x1BF00] =	vst v63  }
0x273: {  	s2 =	sadd.s32 $0x70, s2  }
0x274: {  	[tilespmem:s17], [sflag:$0x5] =	stream.linear.gather [hbm4b:s2+s4], $0x80, $0x38;
	[tilespmem:$0x1BF00] =	vst v63  }
0x275: {  	_ =	swait.ge [sflag:s18], $0x80  }
0x276: {  	[sflag:s18] =	ssyncset.done $0x0  }
0x277: {  	[sflag:s18] =	ssyncadd.s32 $0xFFFFFF80  }
0x278: {  	_ =	swait.ge [sflag:s19], $0x80  }
0x279: {  	[sflag:s19] =	ssyncset.done $0x0  }
0x27a: {  	p2 =	sne.s32 s12, $0x900;
	[sflag:s19] =	ssyncadd.s32 $0xFFFFFF80  }
0x27b: {  	[tilespmem:s20], [sflag:$0x7] =	stream.indirect.gather [hbm4b:s1+s16], $0x80, s4, s16, $0xb8;
	[tilespmem:$0x1BF00] =	vst v63  }
.Ltmp5:
0x27c: {  	_ =	swait.ge [sflag:s31], $0x4000;
	(pc) =	sbr.rel @p2 .LBB2_3-.Ltmp5, $4  }
0x27d: {  	[sflag:s31] =	ssyncset.done $0x0  }
0x27e: {  	[sflag:s31] =	ssyncadd.s32 $0xFFFFC000  }
0x27f: {  	[spmem:s3] =	stream.indirect.scatter.add.f32 [tilespmem:s25], [sflag:$0x9], $0x80, s22, s16, $0xb8;
	[tilespmem:$0x1BF00] =	vst v63  }
0x280: {  	s12 =	sadd.s32 $0x60, s12;
	_ =	swait.ge [sflag:s28], $0x4000  }
0x281: {  	[sflag:s28] =	ssyncset.done $0x0  }
0x282: {  	s2 =	rddreg [dreg:$0xa];
	[sflag:s28] =	ssyncadd.s32 $0xFFFFC000  }
0x283: {  	[tilespmem:s21], [sflag:$0x3] =	stream.linear.gather [hbm4b:s2+s4], $0x80, $0x38;
	[tilespmem:$0x1BF00] =	vst v63  }
0x284: {  	s12 =	rddreg [dreg:$0xb]  }
0x285: {  	[tilespmem:s22], [sflag:$0x6] =	stream.linear.gather [hbm4b:s12+s4], $0x80, $0x38;
	[tilespmem:$0x1BF00] =	vst v63  }
0x286: {  	_ =	swait.ge [sflag:s23], $0x80  }
0x287: {  	[sflag:s23] =	ssyncset.done $0x0  }
0x288: {  	[sflag:s23] =	ssyncadd.s32 $0xFFFFFF80  }
0x289: {  	_ =	swait.ge [sflag:s24], $0x80  }
0x28a: {  	[sflag:s24] =	ssyncset.done $0x0  }
0x28b: {  	[sflag:s24] =	ssyncadd.s32 $0xFFFFFF80  }
0x28c: {  	[tilespmem:s25], [sflag:$0x8] =	stream.indirect.gather [hbm4b:s1+s16], $0x80, s16, s16, $0xb8;
	[tilespmem:$0x1BF00] =	vst v63  }
0x28d: {  	_ =	swait.ge [sflag:s26], $0x4000  }
0x28e: {  	[sflag:s26] =	ssyncset.done $0x0  }
0x28f: {  	[sflag:s26] =	ssyncadd.s32 $0xFFFFC000  }
0x290: {  	[spmem:s3] =	stream.indirect.scatter.add.f32 [tilespmem:s20], [sflag:$0x9], $0x80, s15, s16, $0xb8;
	[tilespmem:$0x1BF00] =	vst v63  }
0x291: {  	_ =	swait.ge [sflag:s28], $0x4000  }
0x292: {  	[sflag:s28] =	ssyncset.done $0x0  }
0x293: {  	s6 =	rddreg [dreg:$0xc];
	[sflag:s28] =	ssyncadd.s32 $0xFFFFC000  }
0x294: {  	[tilespmem:s4], [sflag:$0x1] =	stream.linear.gather [hbm4b:s6+s4], $0x80, $0x38;
	[tilespmem:$0x1BF00] =	vst v63  }
0x295: {  	s12 =	rddreg [dreg:$0xd]  }
0x296: {  	[tilespmem:s15], [sflag:$0x4] =	stream.linear.gather [hbm4b:s12+s4], $0x80, $0x38;
	[tilespmem:$0x1BF00] =	vst v63  }
0x297: {  	_ =	swait.ge [sflag:s29], $0x80  }
0x298: {  	[sflag:s29] =	ssyncset.done $0x0  }
0x299: {  	[sflag:s29] =	ssyncadd.s32 $0xFFFFFF80  }
0x29a: {  	_ =	swait.ge [sflag:s30], $0x80  }
0x29b: {  	[sflag:s30] =	ssyncset.done $0x0  }
0x29c: {  	[sflag:s30] =	ssyncadd.s32 $0xFFFFFF80  }
0x29d: {  	[tilespmem:s20], [sflag:$0x7] =	stream.indirect.gather [hbm4b:s1+s16], $0x80, s21, s16, $0xb8;
	[tilespmem:$0x1BF00] =	vst v63  }
0x29e: {  	_ =	swait.ge [sflag:s31], $0x4000  }
0x29f: {  	[sflag:s31] =	ssyncset.done $0x0  }
0x2a0: {  	[sflag:s31] =	ssyncadd.s32 $0xFFFFC000  }
0x2a1: {  	[spmem:s3] =	stream.indirect.scatter.add.f32 [tilespmem:s25], [sflag:$0x9], $0x80, s17, s16, $0xb8;
	[tilespmem:$0x1BF00] =	vst v63  }
0x2a2: {  	_ =	swait.ge [sflag:s28], $0x4000  }
0x2a3: {  	[sflag:s28] =	ssyncset.done $0x0  }
0x2a4: {  	s6 =	rddreg [dreg:$0xe];
	[sflag:s28] =	ssyncadd.s32 $0xFFFFC000  }
0x2a5: {  	[tilespmem:s16], [sflag:$0x2] =	stream.linear.gather [hbm4b:s6+s4], $0x80, $0x38;
	[tilespmem:$0x1BF00] =	vst v63  }
0x2a6: {  	s12 =	rddreg [dreg:$0xf]  }
0x2a7: {  	[tilespmem:s17], [sflag:$0x5] =	stream.linear.gather [hbm4b:s12+s4], $0x80, $0x38;
	[tilespmem:$0x1BF00] =	vst v63  }
0x2a8: {  	_ =	swait.ge [sflag:s18], $0x80  }
0x2a9: {  	[sflag:s18] =	ssyncset.done $0x0  }
0x2aa: {  	[sflag:s18] =	ssyncadd.s32 $0xFFFFFF80  }
0x2ab: {  	_ =	swait.ge [sflag:s19], $0x80  }
0x2ac: {  	[sflag:s19] =	ssyncset.done $0x0  }
0x2ad: {  	[sflag:s19] =	ssyncadd.s32 $0xFFFFFF80  }
0x2ae: {  	[tilespmem:s25], [sflag:$0x8] =	stream.indirect.gather [hbm4b:s1+s16], $0x80, s4, s16, $0xb8;
	[tilespmem:$0x1BF00] =	vst v63  }
0x2af: {  	_ =	swait.ge [sflag:s26], $0x4000  }
0x2b0: {  	[sflag:s26] =	ssyncset.done $0x0  }
0x2b1: {  	[sflag:s26] =	ssyncadd.s32 $0xFFFFC000  }
0x2b2: {  	[spmem:s3] =	stream.indirect.scatter.add.f32 [tilespmem:s20], [sflag:$0x9], $0x80, s22, s16, $0xb8;
	[tilespmem:$0x1BF00] =	vst v63  }
0x2b3: {  	_ =	swait.ge [sflag:s28], $0x4000  }
0x2b4: {  	[sflag:s28] =	ssyncset.done $0x0  }
0x2b5: {  	s6 =	rddreg [dreg:$0x10];
	[sflag:s28] =	ssyncadd.s32 $0xFFFFC000  }
0x2b6: {  	[tilespmem:s21], [sflag:$0x3] =	stream.linear.gather [hbm4b:s6+s4], $0x80, $0x38;
	[tilespmem:$0x1BF00] =	vst v63  }
0x2b7: {  	s12 =	rddreg [dreg:$0x11]  }
0x2b8: {  	[tilespmem:s22], [sflag:$0x6] =	stream.linear.gather [hbm4b:s12+s4], $0x80, $0x38;
	[tilespmem:$0x1BF00] =	vst v63  }
0x2b9: {  	_ =	swait.ge [sflag:s23], $0x80  }
0x2ba: {  	[sflag:s23] =	ssyncset.done $0x0  }
0x2bb: {  	[sflag:s23] =	ssyncadd.s32 $0xFFFFFF80  }
0x2bc: {  	_ =	swait.ge [sflag:s24], $0x80  }
0x2bd: {  	[sflag:s24] =	ssyncset.done $0x0  }
0x2be: {  	[sflag:s24] =	ssyncadd.s32 $0xFFFFFF80  }
0x2bf: {  	[tilespmem:s20], [sflag:$0x7] =	stream.indirect.gather [hbm4b:s1+s16], $0x80, s16, s16, $0xb8;
	[tilespmem:$0x1BF00] =	vst v63  }
0x2c0: {  	_ =	swait.ge [sflag:s31], $0x4000  }
0x2c1: {  	[sflag:s31] =	ssyncset.done $0x0  }
0x2c2: {  	[sflag:s31] =	ssyncadd.s32 $0xFFFFC000  }
0x2c3: {  	[spmem:s3] =	stream.indirect.scatter.add.f32 [tilespmem:s25], [sflag:$0x9], $0x80, s15, s16, $0xb8;
	[tilespmem:$0x1BF00] =	vst v63  }
0x2c4: {  	_ =	swait.ge [sflag:s28], $0x4000  }
0x2c5: {  	[sflag:s28] =	ssyncset.done $0x0  }
0x2c6: {  	[sflag:s28] =	ssyncadd.s32 $0xFFFFC000  }
0x2c7: {  	_ =	swait.ge [sflag:s29], $0x80  }
0x2c8: {  	[sflag:s29] =	ssyncset.done $0x0  }
0x2c9: {  	[sflag:s29] =	ssyncadd.s32 $0xFFFFFF80  }
0x2ca: {  	_ =	swait.ge [sflag:s30], $0x80  }
0x2cb: {  	[sflag:s30] =	ssyncset.done $0x0  }
0x2cc: {  	[sflag:s30] =	ssyncadd.s32 $0xFFFFFF80  }
0x2cd: {  	[tilespmem:s25], [sflag:$0x8] =	stream.indirect.gather [hbm4b:s1+s16], $0x80, s21, s16, $0xb8;
	[tilespmem:$0x1BF00] =	vst v63  }
0x2ce: {  	_ =	swait.ge [sflag:s26], $0x4000  }
0x2cf: {  	[sflag:s26] =	ssyncset.done $0x0  }
0x2d0: {  	[sflag:s26] =	ssyncadd.s32 $0xFFFFC000  }
0x2d1: {  	[spmem:s3] =	stream.indirect.scatter.add.f32 [tilespmem:s20], [sflag:$0x9], $0x80, s17, s16, $0xb8;
	[tilespmem:$0x1BF00] =	vst v63  }
0x2d2: {  	_ =	swait.ge [sflag:s28], $0x4000  }
0x2d3: {  	[sflag:s28] =	ssyncset.done $0x0  }
0x2d4: {  	[sflag:s28] =	ssyncadd.s32 $0xFFFFC000  }
0x2d5: {  	_ =	swait.ge [sflag:s31], $0x4000  }
0x2d6: {  	[sflag:s31] =	ssyncset.done $0x0  }
0x2d7: {  	[sflag:s31] =	ssyncadd.s32 $0xFFFFC000  }
0x2d8: {  	[spmem:s3] =	stream.indirect.scatter.add.f32 [tilespmem:s25], [sflag:$0x9], $0x80, s22, s16, $0xb8;
	[tilespmem:$0x1BF00] =	vst v63  }
0x2d9: {  	_ =	swait.ge [sflag:s28], $0x4000  }
0x2da: {  	[sflag:s28] =	ssyncset.done $0x0  }
0x2db: {  	s6 =	rddreg [dreg:$0x12];
	[sflag:s28] =	ssyncadd.s32 $0xFFFFC000  }
0x2dc: {  	[tilespmem:s4], [sflag:$0x1] =	stream.linear.gather [hbm4b:s6+s4], $0x20, $0x38;
	[tilespmem:$0x1BF00] =	vst v63  }
0x2dd: {  	s12 =	rddreg [dreg:$0x13]  }
0x2de: {  	[tilespmem:s15], [sflag:$0x4] =	stream.linear.gather [hbm4b:s12+s4], $0x20, $0x38;
	[tilespmem:$0x1BF00] =	vst v63  }
0x2df: {  	_ =	swait.ge [sflag:s18], $0x20  }
0x2e0: {  	[sflag:s18] =	ssyncset.done $0x0  }
0x2e1: {  	[sflag:s18] =	ssyncadd.s32 $0xFFFFFFE0  }
0x2e2: {  	_ =	swait.ge [sflag:s19], $0x20  }
0x2e3: {  	[sflag:s19] =	ssyncset.done $0x0  }
0x2e4: {  	[sflag:s19] =	ssyncadd.s32 $0xFFFFFFE0  }
0x2e5: {  	[tilespmem:s20], [sflag:$0x7] =	stream.indirect.gather [hbm4b:s1+s0], $0x80, s4, s0, $0xb8;
	[tilespmem:$0x1BF00] =	vst v63  }
0x2e6: {  	_ =	swait.ge [sflag:s26], $0x1000  }
0x2e7: {  	[sflag:s26] =	ssyncset.done $0x0  }
0x2e8: {  	[sflag:s26] =	ssyncadd.s32 $0xFFFFF000  }
0x2e9: {  	[spmem:s3] =	stream.indirect.scatter.add.f32 [tilespmem:s20], [sflag:$0x9], $0x80, s15, s0, $0xb8;
	[tilespmem:$0x1BF00] =	vst v63  }
0x2ea: {  	_ =	swait.ge [sflag:s28], $0x1000  }
0x2eb: {  	[sflag:s28] =	ssyncset.done $0x0  }
0x2ec: {  	[sflag:s28] =	ssyncadd.s32 $0xFFFFF000  }
0x2ed: {  	[bflag:$0x0] =	sbarrier.arrive $0xFFFF  }
0x2ee: {  	s6 =	sld [smem:$0x7FC];
	_ =	sdelay $0x1  }
0x2ef: {  	s2 =	simm.s32 @p1 $0x1FC9  }
0x2f0: {  	[hbm:s6], [sflag:s2] =	dma.local @p1 [spmem:s11], $0x2080  }
0x2f1: {  	s2 =	simm.s32 @p1 $0x9  }
0x2f2: {  	_ =	swait.ge @p1 [sflag:s2], $0x2080  }
0x2f3: {  	[sflag:s2] =	ssyncset.done @p1 $0x0  }
0x2f4: {  	[sflag:s2] =	ssyncadd.s32 @p1 $0xFFFFDF80;
	s2 =	sld [smem:$0x7FA];
	_ =	sdelay $0x2  }
0x2f5: {  	[hbm:s2], [sflag:s8] =	dma.local @!p1 [spmem:s7], $0x2780  }
.Ltmp6:
0x2f6: {  	_ = 	snop;
	(pc) =	sbr.rel .LBB2_8-.Ltmp6, $4  }
0x2f7: {  	s2 =	simm.s32 @!p1 $0x9  }
0x2f8: {  	_ =	swait.ge @!p1 [sflag:s2], $0x2780  }
0x2f9: {  	[sflag:s2] =	ssyncset.done @!p1 $0x0  }
0x2fa: {  	[sflag:s2] =	ssyncadd.s32 @!p1 $0xFFFFD880  }
.LBB2_9:
0x2fb: {  	_ =	sfence.sel $0x180000  }
0x2fc: {  	[bflag:$0x0] =	sbarrier.arrive $0xFFFF  }
0x2fd: {  	_ =	strace $0x90000047  }
0x2fe: {  	s0 =	stileid.u32;
	[bflag:$0x2] =	sbarrier.arrive $0xFFFF  }
0x2ff: {  	p0 =	sne.s32 s0, $0x0;
	s0 =	rddreg [dreg:$0x3]  }
0x300: {  	s0 =	sadd.s32 @!p0 $0x100000, s0  }
0x301: {  	[sflag:s0] =	ssyncadd.tile.s32 @!p0 $0x1;
	_ =	shalt  }
.Lfunc_end2:
_tile_overlayer_lowered:
.L_overlay_start_2:
0x302: {  	(tag) =	ssettag $0x2  }
0x303: {  	s0 =	rddreg [dreg:$0x0];
	s2 =	stileid.u32  }
0x304: {  	s1 =	rddreg [dreg:$0x1];
	p0 =	sne.s32 s2, $0x0  }
0x305: {  	s3 =	rddreg [dreg:$0x2];
	[bflag:$0x3] =	sbarrier.arrive $0xFFFF;
	s2 =	simm.s32 @!p0 $0x1C09  }
0x306: {  	[timem:s3], [sflag:s2] =	dma.local @!p0 [hbm:s0], s1  }
0x307: {  	s0 =	simm.s32 @!p0 $0x9  }
0x308: {  	_ =	swait.ge @!p0 [sflag:s0], s1  }
0x309: {  	s1 =	ssub.s32 @!p0 $0x0, s1;
	[sflag:s0] =	ssyncset.done @!p0 $0x0  }
0x30a: {  	[sflag:s0] =	ssyncadd.s32 @!p0 s1  }
0x30b: {  	[bflag:$0x3] =	sbarrier.arrive $0xFFFF  }
0x30c: {  	_ =	shalt  }

</sc_bundles>
